<compile_context>
chip_gen: v7x
topology: tpu7x:2x2x1
jax: 0.10.2.dev20260603
libtpu: 0.0.44.dev20260713+nightly
codegen_flags: <defaults>
</compile_context>

<pallas_src>
import jax
import jax.numpy as jnp
from jax import lax
from jax.experimental import pallas as pl
from jax.experimental.pallas import tpu as pltpu
from jax.experimental.pallas import tpu_sc as plsc

_D = 64
_B = 4096
_S = 200
_NW = 32
_NBLK = _S
_GBUF = 4
_TBUF = 2
_SCALE = 8.0


_TCH = 244


def _tbody(tabT_hbm, tail_hbm, out_hbm, tin, tout, sems_i, sems_to):
    c = lax.axis_index("c")
    s = lax.axis_index("s")
    w = s * 2 + c
    base = w * (_TCH * 128)

    iota = lax.iota(jnp.int32, 16)
    dvs = [iota + 16 * cc for cc in range(4)]

    def issue_in(k, b):
        pltpu.async_copy(
            tabT_hbm.at[pl.ds(0, _D), pl.ds(base + k * 128, 128)],
            tin.at[b],
            sems_i[b],
        )

    def wait_in(b):
        pltpu.make_async_copy(
            tabT_hbm.at[pl.ds(0, _D), pl.ds(0, 128)], tin.at[b], sems_i[b]
        ).wait()

    def issue_out(k, b):
        off = pl.multiple_of(w * (_TCH * 64) + k * 64, 64)
        pltpu.async_copy(tout.at[b], out_hbm.at[pl.ds(off, 64)], sems_to[b])

    def wait_out(k, b):
        off = pl.multiple_of(w * (_TCH * 64) + k * 64, 64)
        pltpu.make_async_copy(
            tout.at[b], out_hbm.at[pl.ds(off, 64)], sems_to[b]
        ).wait()

    issue_in(0, 0)
    issue_in(1, 1)

    def group(k2, carry):
        for j in range(2):
            k = k2 * 2 + j
            b = j
            wait_in(b)

            @pl.when(k >= 2)
            def _():
                wait_out(k - 2, b)

            diag_transpose(b, 128)
            issue_out(k, b)

            @pl.when(k + 2 < _TCH)
            def _():
                issue_in(k + 2, b)
        return carry

    def diag_transpose(b, nv):
        @plsc.parallel_loop(0, nv, unroll=4)
        def _diag(it):
            v0 = (it // 16) * 16
            r = it % 16
            vrot = v0 + ((iota + r) & 15)
            vhalf = vrot >> 1
            voff = (vrot & 1) << 6
            for cc in range(4):
                x = plsc.load_gather(tin.at[b], [dvs[cc], vrot])
                plsc.store_scatter(tout.at[b], [vhalf, voff + dvs[cc]], x)

    lax.fori_loop(0, _TCH // 2, group, 0)

    wait_out(_TCH - 2, 0)
    wait_out(_TCH - 1, 1)

    for t in range(4):
        v0t = 999424 + t * 128
        pltpu.sync_copy(tabT_hbm.at[pl.ds(0, _D), pl.ds(v0t, 128)], tin.at[0])
        diag_transpose(0, 128)
        pltpu.sync_copy(tout.at[0], out_hbm.at[pl.ds(v0t // 2, 64)])
    pltpu.sync_copy(tail_hbm, tin.at[0, pl.ds(0, 32)])
    pltpu.sync_copy(tin.at[0, pl.ds(0, 32)], out_hbm.at[pl.ds(499968, 32)])


def _body(idx_hbm, tab_hbm, out_hbm, idx_all, rows, tbl, pairb, parb,
          sems_g, sems_o):
    c = lax.axis_index("c")
    s = lax.axis_index("s")
    w = s * 2 + c

    pltpu.sync_copy(idx_hbm.at[pl.ds(0, _S), pl.ds(w * 128, 128)], idx_all)

    iota = lax.iota(jnp.int32, 16)
    zeros16 = jnp.zeros((16,), jnp.int32)
    dvs = [iota + 16 * cc for cc in range(4)]

    def issue_gather(k, g):
        @plsc.parallel_loop(0, 8)
        def _pair(q):
            pairb[g, pl.ds(q * 16, 16)] = idx_all[k, pl.ds(q * 16, 16)] >> 1

        pltpu.async_copy(tab_hbm.at[pairb.at[g]], rows.at[g], sems_g[g])

    def wait_gather(g):
        pltpu.make_async_copy(
            tab_hbm.at[pl.ds(0, 128)], rows.at[g], sems_g[g]
        ).wait()

    def out_slice(k):
        return out_hbm.at[pl.ds(k, 1), pl.ds(0, _D), pl.ds(w * 128, 128)]

    def issue_out(k, p):
        pltpu.async_copy(tbl.at[p], out_slice(k), sems_o[p])

    def wait_out(k, p):
        pltpu.make_async_copy(tbl.at[p], out_slice(k), sems_o[p]).wait()

    issue_gather(0, 0)
    issue_gather(1, 1)

    def group(k4, carry):
        for j in range(_GBUF):
            k = k4 * _GBUF + j
            g = j
            p = j % _TBUF

            @pl.when(k >= _TBUF)
            def _():
                wait_out(k - _TBUF, p)

            @pl.when(k + 2 < _NBLK)
            def _():
                issue_gather(k + 2, (j + 2) % _GBUF)

            wait_gather(g)

            @plsc.parallel_loop(0, 8)
            def _par(q):
                parb[pl.ds(q * 16, 16)] = (
                    idx_all[k, pl.ds(q * 16, 16)] & 1
                ) << 6

            @plsc.parallel_loop(0, 128, unroll=4)
            def _diag(it):
                b0 = (it // 16) * 16
                r = it % 16
                brot = b0 + ((iota + r) & 15)
                par = plsc.load_gather(parb, [brot])
                for cc in range(4):
                    v = plsc.load_gather(rows.at[g], [brot, par + dvs[cc]])
                    plsc.store_scatter(tbl.at[p, 0], [dvs[cc], brot], v * _SCALE)
            issue_out(k, p)
        return carry

    lax.fori_loop(0, _NBLK // _GBUF, group, 0)

    wait_out(_NBLK - 2, (_NBLK - 2) % _TBUF)
    wait_out(_NBLK - 1, (_NBLK - 1) % _TBUF)


def kernel(vocab_to_embed, embedding_table):
    idxT = vocab_to_embed.T.astype(jnp.int32)
    mesh = plsc.VectorSubcoreMesh(core_axis_name="c", subcore_axis_name="s")
    tf = pl.kernel(
        _tbody,
        mesh=mesh,
        compiler_params=pltpu.CompilerParams(
            use_tc_tiling_on_sc=True, needs_layout_passes=False
        ),
        out_type=jax.ShapeDtypeStruct((500000, 128), jnp.float32),
        scratch_types=[
            pltpu.VMEM((2, _D, 128), jnp.float32),
            pltpu.VMEM((2, _D, 128), jnp.float32),
            [pltpu.SemaphoreType.DMA] * 2,
            [pltpu.SemaphoreType.DMA] * 2,
        ],
    )
    tail128 = embedding_table[999936:].reshape(32, 128)
    tab128 = tf(embedding_table.T, tail128)
    f = pl.kernel(
        _body,
        mesh=mesh,
        compiler_params=pltpu.CompilerParams(
            use_tc_tiling_on_sc=True, needs_layout_passes=False
        ),
        out_type=jax.ShapeDtypeStruct((_S, _D, _B), jnp.float32),
        scratch_types=[
            pltpu.VMEM((_S, 128), jnp.int32),
            pltpu.VMEM((_GBUF, 128, 128), jnp.float32),
            pltpu.VMEM((_TBUF, 1, _D, 128), jnp.float32),
            pltpu.VMEM((_GBUF, 128), jnp.int32),
            pltpu.VMEM((128,), jnp.int32),
            [pltpu.SemaphoreType.DMA] * _GBUF,
            [pltpu.SemaphoreType.DMA] * _TBUF,
        ],
    )
    out3 = f(idxT, tab128)
    return out3.transpose(2, 0, 1)

# --- scband reference (transcript-rebuilt; emitter-appended) ---
"""Pipeline reference for scband-embedding-8048768713180 (READ-ONLY COPY).

The authoritative reference and input builder live on the scoring server;
editing this copy changes nothing except your own understanding.
"""

import jax, jax.numpy as jnp
import numpy as np

VOCAB_SIZE = 1000000
MODEL_DIM = 64
BATCH = 4096
SEQ_LEN = 200

def setup_inputs(seed: int = 0) -> dict:
    key = jax.random.key(seed)
    k_idx, k_tab = jax.random.split(key)
    vocab_to_embed = jax.random.randint(k_idx, (BATCH, SEQ_LEN), 0, VOCAB_SIZE, dtype=jnp.int64 if jax.config.jax_enable_x64 else jnp.int32)
    embedding_table = jax.random.normal(k_tab, (VOCAB_SIZE, MODEL_DIM), dtype=jnp.float32)
    return {"vocab_to_embed": vocab_to_embed, "embedding_table": embedding_table}

def reference(vocab_to_embed, embedding_table):
    # Faithful translation: nn.Embedding lookup followed by scale by sqrt(model_dim)
    emb = jnp.take(embedding_table, vocab_to_embed, axis=0)
    return emb * np.sqrt(MODEL_DIM)

if __name__ == "__main__":
    import jax
    _d = setup_inputs()
    print(jax.jit(kernel)(*tuple(_d.values())))

</pallas_src>

<mosaic_0001>
#map = affine_map<(d0, d1) -> (0, 0)>
#map1 = affine_map<(d0, d1) -> (0, 0, 0)>
module attributes {stable_mosaic.version = 14 : i64} {
  func.func @_body(%arg0: i32, %arg1: i32, %arg2: memref<200x4096xi32, #tpu.memory_space<hbm>>, %arg3: memref<500000x128xf32, #tpu.memory_space<hbm>>, %arg4: memref<200x64x4096xf32, #tpu.memory_space<hbm>>, %arg5: memref<200x128xi32, #tpu.memory_space<vmem>>, %arg6: memref<4x128x128xf32, #tpu.memory_space<vmem>>, %arg7: memref<2x1x64x128xf32, #tpu.memory_space<vmem>>, %arg8: memref<4x128xi32, #tpu.memory_space<vmem>>, %arg9: memref<128xi32, #tpu.memory_space<vmem>>, %arg10: memref<!tpu.dma_semaphore, #tpu.memory_space<semaphore_mem>>, %arg11: memref<!tpu.dma_semaphore, #tpu.memory_space<semaphore_mem>>, %arg12: memref<!tpu.dma_semaphore, #tpu.memory_space<semaphore_mem>>, %arg13: memref<!tpu.dma_semaphore, #tpu.memory_space<semaphore_mem>>, %arg14: memref<!tpu.dma_semaphore, #tpu.memory_space<semaphore_mem>>, %arg15: memref<!tpu.dma_semaphore, #tpu.memory_space<semaphore_mem>>) attributes {dimension_semantics = [#tpu.dimension_semantics<core_parallel>, #tpu.dimension_semantics<subcore_parallel>], iteration_bounds = array<i64: 2, 16>, scalar_prefetch = 0 : i64, scratch_operands = 11 : i64, tpu.core_type = #tpu.core_type<sc_vector_subcore>, window_params = [{transform_indices = #map}, {transform_indices = #map}, {transform_indices = #map1}]} {
    %mul3A = arith.constant 2 : i32
    %mul3A_0 = arith.muli %arg1, %mul3A : i32
    %add3A = arith.addi %mul3A_0, %arg0 : i32
    %mul3A_1 = arith.constant 128 : i32
    %mul3A_2 = arith.muli %add3A, %mul3A_1 : i32
    "tpu.region"() ({
      %run_scoped3A = tpu.sem_alloc : memref<!tpu.dma_semaphore, #tpu.memory_space<semaphore_mem>>
      %dma_start3A_86 = arith.constant 0 : i32
      %dma_start3A_87 = tpu.memref_slice %arg2[%dma_start3A_86, %mul3A_2] : memref<200x4096xi32, #tpu.memory_space<hbm>> -> memref<200x128xi32, #tpu.memory_space<hbm>>
      %dma_start3A_88 = arith.constant 0 : i32
      %dma_start3A_89 = tpu.memref_slice %arg2[%dma_start3A_88, %mul3A_2] : memref<200x4096xi32, #tpu.memory_space<hbm>> -> memref<200x128xi32, #tpu.memory_space<hbm>>
      tpu.enqueue_dma source(%dma_start3A_89 : memref<200x128xi32, #tpu.memory_space<hbm>>) target(%arg5 : memref<200x128xi32, #tpu.memory_space<vmem>>) target_semaphore(%run_scoped3A : memref<!tpu.dma_semaphore, #tpu.memory_space<semaphore_mem>>)
      %dma_wait3A_90 = arith.constant 0 : i32
      %dma_wait3A_91 = tpu.memref_slice %arg2[%dma_wait3A_90, %mul3A_2] : memref<200x4096xi32, #tpu.memory_space<hbm>> -> memref<200x128xi32, #tpu.memory_space<hbm>>
      %dma_wait3A_92 = arith.constant 0 : i32
      %dma_wait3A_93 = tpu.memref_slice %arg2[%dma_wait3A_92, %mul3A_2] : memref<200x4096xi32, #tpu.memory_space<hbm>> -> memref<200x128xi32, #tpu.memory_space<hbm>>
      tpu.wait_dma2 semaphore(%run_scoped3A : memref<!tpu.dma_semaphore, #tpu.memory_space<semaphore_mem>>) src(%dma_wait3A_93 : memref<200x128xi32, #tpu.memory_space<hbm>>) dst(%arg5 : memref<200x128xi32, #tpu.memory_space<vmem>>)
      tpu.yield
    }) : () -> ()
    %iota3A = tpu.iota {dimensions = array<i32: 0>} : vector<16xi32>
    %broadcast_in_dim3A = arith.constant 0 : i32
    %broadcast_in_dim3A_3 = vector.broadcast %broadcast_in_dim3A : i32 to vector<16xi32>
    %add3A_4 = arith.constant 0 : i32
    %add3A_5 = vector.broadcast %add3A_4 : i32 to vector<16xi32>
    %add3A_6 = arith.addi %iota3A, %add3A_5 : vector<16xi32>
    %add3A_7 = arith.constant 16 : i32
    %add3A_8 = vector.broadcast %add3A_7 : i32 to vector<16xi32>
    %add3A_9 = arith.addi %iota3A, %add3A_8 : vector<16xi32>
    %add3A_10 = arith.constant 32 : i32
    %add3A_11 = vector.broadcast %add3A_10 : i32 to vector<16xi32>
    %add3A_12 = arith.addi %iota3A, %add3A_11 : vector<16xi32>
    %add3A_13 = arith.constant 48 : i32
    %add3A_14 = vector.broadcast %add3A_13 : i32 to vector<16xi32>
    %add3A_15 = arith.addi %iota3A, %add3A_14 : vector<16xi32>
    %parallel_loop3A = arith.constant 0 : i32
    %parallel_loop3A_16 = arith.constant 8 : i32
    %parallel_loop3A_17 = arith.constant 1 : i32
    scf.for %parallel_loop3A_86 = %parallel_loop3A to %parallel_loop3A_16 step %parallel_loop3A_17  : i32 {
      %parallel_loop3A_87 = arith.constant 16 : i32
      %parallel_loop3A_88 = arith.muli %parallel_loop3A_86, %parallel_loop3A_87 : i32
      %parallel_loop3A_89 = arith.constant 0 : i32
      %parallel_loop3A_90 = arith.index_cast %parallel_loop3A_89 : i32 to index
      %parallel_loop3A_91 = arith.index_cast %parallel_loop3A_88 : i32 to index
      %parallel_loop3A_92 = tpu.vector_load %arg5[%parallel_loop3A_90, %parallel_loop3A_91] {strides = array<i32>} : memref<200x128xi32, #tpu.memory_space<vmem>>, vector<16xi32>,
      %parallel_loop3A_93 = arith.constant 1 : i32
      %parallel_loop3A_94 = vector.broadcast %parallel_loop3A_93 : i32 to vector<16xi32>
      %parallel_loop3A_95 = arith.shrsi %parallel_loop3A_92, %parallel_loop3A_94 : vector<16xi32>
      %parallel_loop3A_96 = arith.constant 16 : i32
      %parallel_loop3A_97 = arith.muli %parallel_loop3A_86, %parallel_loop3A_96 : i32
      %parallel_loop3A_98 = arith.constant 0 : i32
      %parallel_loop3A_99 = arith.index_cast %parallel_loop3A_98 : i32 to index
      %parallel_loop3A_100 = arith.index_cast %parallel_loop3A_97 : i32 to index
      %parallel_loop3A_101 = tpu.vector_load %arg8[%parallel_loop3A_99, %parallel_loop3A_100] {strides = array<i32>} : memref<4x128xi32, #tpu.memory_space<vmem>>, vector<16xi32>,
      tpu.vector_store %arg8[%parallel_loop3A_99, %parallel_loop3A_100], %parallel_loop3A_95 {strides = array<i32>} : memref<4x128xi32, #tpu.memory_space<vmem>>, vector<16xi32>,
    } {sc.loop_unroll_factor = 1 : i64, sc.parallel_access}
    %dma_start3A = arith.constant 0 : i32
    %dma_start3A_18 = arith.constant 0 : i32
    %dma_start3A_19 = arith.constant 0 : i32
    %dma_start3A_20 = arith.constant 0 : i32
    %dma_start3A_21 = tpu.memref_slice %arg6[%dma_start3A_18, %dma_start3A_19, %dma_start3A_20] : memref<4x128x128xf32, #tpu.memory_space<vmem>> -> memref<1x128x128xf32, #tpu.memory_space<vmem>>
    %dma_start3A_22 = tpu.memref_squeeze %dma_start3A_21 : memref<1x128x128xf32, #tpu.memory_space<vmem>> -> memref<128x128xf32, #tpu.memory_space<vmem>>
    %dma_start3A_23 = arith.constant 0 : i32
    %dma_start3A_24 = tpu.memref_slice %arg8[%dma_start3A, %dma_start3A_23] : memref<4x128xi32, #tpu.memory_space<vmem>> -> memref<1x128xi32, #tpu.memory_space<vmem>>
    %dma_start3A_25 = tpu.memref_squeeze %dma_start3A_24 : memref<1x128xi32, #tpu.memory_space<vmem>> -> memref<128xi32, #tpu.memory_space<vmem>>
    %dma_start3A_26 = arith.constant 0 : i32
    %dma_start3A_27 = arith.constant 0 : i32
    %dma_start3A_28 = tpu.memref_slice %arg3[%dma_start3A_26, %dma_start3A_27] : memref<500000x128xf32, #tpu.memory_space<hbm>> -> memref<500000x128xf32, #tpu.memory_space<hbm>>
    tpu.enqueue_indirect_dma source(%dma_start3A_28 : memref<500000x128xf32, #tpu.memory_space<hbm>>) target(%dma_start3A_22 : memref<128x128xf32, #tpu.memory_space<vmem>>) offsets(%dma_start3A_25 : memref<128xi32, #tpu.memory_space<vmem>>) semaphore(%arg10 : memref<!tpu.dma_semaphore, #tpu.memory_space<semaphore_mem>>)
    %parallel_loop3A_29 = arith.constant 0 : i32
    %parallel_loop3A_30 = arith.constant 8 : i32
    %parallel_loop3A_31 = arith.constant 1 : i32
    scf.for %parallel_loop3A_86 = %parallel_loop3A_29 to %parallel_loop3A_30 step %parallel_loop3A_31  : i32 {
      %parallel_loop3A_87 = arith.constant 16 : i32
      %parallel_loop3A_88 = arith.muli %parallel_loop3A_86, %parallel_loop3A_87 : i32
      %parallel_loop3A_89 = arith.constant 1 : i32
      %parallel_loop3A_90 = arith.index_cast %parallel_loop3A_89 : i32 to index
      %parallel_loop3A_91 = arith.index_cast %parallel_loop3A_88 : i32 to index
      %parallel_loop3A_92 = tpu.vector_load %arg5[%parallel_loop3A_90, %parallel_loop3A_91] {strides = array<i32>} : memref<200x128xi32, #tpu.memory_space<vmem>>, vector<16xi32>,
      %parallel_loop3A_93 = arith.constant 1 : i32
      %parallel_loop3A_94 = vector.broadcast %parallel_loop3A_93 : i32 to vector<16xi32>
      %parallel_loop3A_95 = arith.shrsi %parallel_loop3A_92, %parallel_loop3A_94 : vector<16xi32>
      %parallel_loop3A_96 = arith.constant 16 : i32
      %parallel_loop3A_97 = arith.muli %parallel_loop3A_86, %parallel_loop3A_96 : i32
      %parallel_loop3A_98 = arith.constant 1 : i32
      %parallel_loop3A_99 = arith.index_cast %parallel_loop3A_98 : i32 to index
      %parallel_loop3A_100 = arith.index_cast %parallel_loop3A_97 : i32 to index
      %parallel_loop3A_101 = tpu.vector_load %arg8[%parallel_loop3A_99, %parallel_loop3A_100] {strides = array<i32>} : memref<4x128xi32, #tpu.memory_space<vmem>>, vector<16xi32>,
      tpu.vector_store %arg8[%parallel_loop3A_99, %parallel_loop3A_100], %parallel_loop3A_95 {strides = array<i32>} : memref<4x128xi32, #tpu.memory_space<vmem>>, vector<16xi32>,
    } {sc.loop_unroll_factor = 1 : i64, sc.parallel_access}
    %dma_start3A_32 = arith.constant 1 : i32
    %dma_start3A_33 = arith.constant 1 : i32
    %dma_start3A_34 = arith.constant 0 : i32
    %dma_start3A_35 = arith.constant 0 : i32
    %dma_start3A_36 = tpu.memref_slice %arg6[%dma_start3A_33, %dma_start3A_34, %dma_start3A_35] : memref<4x128x128xf32, #tpu.memory_space<vmem>> -> memref<1x128x128xf32, #tpu.memory_space<vmem>>
    %dma_start3A_37 = tpu.memref_squeeze %dma_start3A_36 : memref<1x128x128xf32, #tpu.memory_space<vmem>> -> memref<128x128xf32, #tpu.memory_space<vmem>>
    %dma_start3A_38 = arith.constant 0 : i32
    %dma_start3A_39 = tpu.memref_slice %arg8[%dma_start3A_32, %dma_start3A_38] : memref<4x128xi32, #tpu.memory_space<vmem>> -> memref<1x128xi32, #tpu.memory_space<vmem>>
    %dma_start3A_40 = tpu.memref_squeeze %dma_start3A_39 : memref<1x128xi32, #tpu.memory_space<vmem>> -> memref<128xi32, #tpu.memory_space<vmem>>
    %dma_start3A_41 = arith.constant 0 : i32
    %dma_start3A_42 = arith.constant 0 : i32
    %dma_start3A_43 = tpu.memref_slice %arg3[%dma_start3A_41, %dma_start3A_42] : memref<500000x128xf32, #tpu.memory_space<hbm>> -> memref<500000x128xf32, #tpu.memory_space<hbm>>
    tpu.enqueue_indirect_dma source(%dma_start3A_43 : memref<500000x128xf32, #tpu.memory_space<hbm>>) target(%dma_start3A_37 : memref<128x128xf32, #tpu.memory_space<vmem>>) offsets(%dma_start3A_40 : memref<128xi32, #tpu.memory_space<vmem>>) semaphore(%arg11 : memref<!tpu.dma_semaphore, #tpu.memory_space<semaphore_mem>>)
    %scan3A = arith.constant 0 : i32
    %scan3A_44 = arith.constant 0 : i32
    %scan3A_45 = arith.constant 50 : i32
    %scan3A_46 = arith.addi %scan3A_44, %scan3A_45 : i32
    %scan3A_47 = arith.constant 1 : i32
    scf.for %scan3A_86 = %scan3A_44 to %scan3A_46 step %scan3A_47  : i32 {
      %mul3A_87 = arith.constant 4 : i32
      %mul3A_88 = arith.muli %scan3A_86, %mul3A_87 : i32
      %add3A_89 = arith.constant 0 : i32
      %add3A_90 = arith.addi %mul3A_88, %add3A_89 : i32
      %ge3A = arith.constant 2 : i32
      %ge3A_91 = arith.cmpi sge, %add3A_90, %ge3A : i32
      %convert_element_type3A = arith.extui %ge3A_91 : i1 to i32
      %cond3A = arith.constant 0 : i32
      %cond3A_92 = arith.cmpi ne, %convert_element_type3A, %cond3A : i32
      scf.if %cond3A_92 {
        %sub3A = arith.constant 2 : i32
        %sub3A_299 = arith.subi %add3A_90, %sub3A : i32
        %mul3A_300 = arith.constant 128 : i32
        %mul3A_301 = arith.muli %add3A, %mul3A_300 : i32
        %dma_wait3A_302 = arith.constant 0 : i32
        %dma_wait3A_303 = arith.constant 0 : i32
        %dma_wait3A_304 = arith.constant 0 : i32
        %dma_wait3A_305 = arith.constant 0 : i32
        %dma_wait3A_306 = tpu.memref_slice %arg7[%dma_wait3A_302, %dma_wait3A_303, %dma_wait3A_304, %dma_wait3A_305] : memref<2x1x64x128xf32, #tpu.memory_space<vmem>> -> memref<1x1x64x128xf32, #tpu.memory_space<vmem>>
        %dma_wait3A_307 = tpu.memref_squeeze %dma_wait3A_306 : memref<1x1x64x128xf32, #tpu.memory_space<vmem>> -> memref<1x64x128xf32, #tpu.memory_space<vmem>>
        %dma_wait3A_308 = arith.constant 0 : i32
        %dma_wait3A_309 = tpu.memref_slice %arg4[%sub3A_299, %dma_wait3A_308, %mul3A_301] : memref<200x64x4096xf32, #tpu.memory_space<hbm>> -> memref<1x64x128xf32, #tpu.memory_space<hbm>>
        %dma_wait3A_310 = arith.constant 0 : i32
        %dma_wait3A_311 = tpu.memref_slice %arg4[%sub3A_299, %dma_wait3A_310, %mul3A_301] : memref<200x64x4096xf32, #tpu.memory_space<hbm>> -> memref<1x64x128xf32, #tpu.memory_space<hbm>>
        %dma_wait3A_312 = arith.constant 0 : i32
        %dma_wait3A_313 = arith.constant 0 : i32
        %dma_wait3A_314 = arith.constant 0 : i32
        %dma_wait3A_315 = tpu.memref_slice %arg7[%dma_wait3A_302, %dma_wait3A_312, %dma_wait3A_313, %dma_wait3A_314] : memref<2x1x64x128xf32, #tpu.memory_space<vmem>> -> memref<1x1x64x128xf32, #tpu.memory_space<vmem>>
        %dma_wait3A_316 = tpu.memref_squeeze %dma_wait3A_315 : memref<1x1x64x128xf32, #tpu.memory_space<vmem>> -> memref<1x64x128xf32, #tpu.memory_space<vmem>>
        tpu.wait_dma2 semaphore(%arg14 : memref<!tpu.dma_semaphore, #tpu.memory_space<semaphore_mem>>) src(%dma_wait3A_316 : memref<1x64x128xf32, #tpu.memory_space<vmem>>) dst(%dma_wait3A_311 : memref<1x64x128xf32, #tpu.memory_space<hbm>>)
      } else {
      }
      %add3A_93 = arith.constant 2 : i32
      %add3A_94 = arith.addi %add3A_90, %add3A_93 : i32
      %lt3A = arith.constant 200 : i32
      %lt3A_95 = arith.cmpi slt, %add3A_94, %lt3A : i32
      %convert_element_type3A_96 = arith.extui %lt3A_95 : i1 to i32
      %cond3A_97 = arith.constant 0 : i32
      %cond3A_98 = arith.cmpi ne, %convert_element_type3A_96, %cond3A_97 : i32
      scf.if %cond3A_98 {
        %add3A_299 = arith.constant 2 : i32
        %add3A_300 = arith.addi %add3A_90, %add3A_299 : i32
        %parallel_loop3A_301 = arith.constant 0 : i32
        %parallel_loop3A_302 = arith.constant 8 : i32
        %parallel_loop3A_303 = arith.constant 1 : i32
        scf.for %parallel_loop3A_316 = %parallel_loop3A_301 to %parallel_loop3A_302 step %parallel_loop3A_303  : i32 {
          %parallel_loop3A_317 = arith.constant 16 : i32
          %parallel_loop3A_318 = arith.muli %parallel_loop3A_316, %parallel_loop3A_317 : i32
          %parallel_loop3A_319 = arith.index_cast %add3A_300 : i32 to index
          %parallel_loop3A_320 = arith.index_cast %parallel_loop3A_318 : i32 to index
          %parallel_loop3A_321 = tpu.vector_load %arg5[%parallel_loop3A_319, %parallel_loop3A_320] {strides = array<i32>} : memref<200x128xi32, #tpu.memory_space<vmem>>, vector<16xi32>,
          %parallel_loop3A_322 = arith.constant 1 : i32
          %parallel_loop3A_323 = vector.broadcast %parallel_loop3A_322 : i32 to vector<16xi32>
          %parallel_loop3A_324 = arith.shrsi %parallel_loop3A_321, %parallel_loop3A_323 : vector<16xi32>
          %parallel_loop3A_325 = arith.constant 16 : i32
          %parallel_loop3A_326 = arith.muli %parallel_loop3A_316, %parallel_loop3A_325 : i32
          %parallel_loop3A_327 = arith.constant 2 : i32
          %parallel_loop3A_328 = arith.index_cast %parallel_loop3A_327 : i32 to index
          %parallel_loop3A_329 = arith.index_cast %parallel_loop3A_326 : i32 to index
          %parallel_loop3A_330 = tpu.vector_load %arg8[%parallel_loop3A_328, %parallel_loop3A_329] {strides = array<i32>} : memref<4x128xi32, #tpu.memory_space<vmem>>, vector<16xi32>,
          tpu.vector_store %arg8[%parallel_loop3A_328, %parallel_loop3A_329], %parallel_loop3A_324 {strides = array<i32>} : memref<4x128xi32, #tpu.memory_space<vmem>>, vector<16xi32>,
        } {sc.loop_unroll_factor = 1 : i64, sc.parallel_access}
        %dma_start3A_304 = arith.constant 2 : i32
        %dma_start3A_305 = arith.constant 2 : i32
        %dma_start3A_306 = arith.constant 0 : i32
        %dma_start3A_307 = arith.constant 0 : i32
        %dma_start3A_308 = tpu.memref_slice %arg6[%dma_start3A_305, %dma_start3A_306, %dma_start3A_307] : memref<4x128x128xf32, #tpu.memory_space<vmem>> -> memref<1x128x128xf32, #tpu.memory_space<vmem>>
        %dma_start3A_309 = tpu.memref_squeeze %dma_start3A_308 : memref<1x128x128xf32, #tpu.memory_space<vmem>> -> memref<128x128xf32, #tpu.memory_space<vmem>>
        %dma_start3A_310 = arith.constant 0 : i32
        %dma_start3A_311 = tpu.memref_slice %arg8[%dma_start3A_304, %dma_start3A_310] : memref<4x128xi32, #tpu.memory_space<vmem>> -> memref<1x128xi32, #tpu.memory_space<vmem>>
        %dma_start3A_312 = tpu.memref_squeeze %dma_start3A_311 : memref<1x128xi32, #tpu.memory_space<vmem>> -> memref<128xi32, #tpu.memory_space<vmem>>
        %dma_start3A_313 = arith.constant 0 : i32
        %dma_start3A_314 = arith.constant 0 : i32
        %dma_start3A_315 = tpu.memref_slice %arg3[%dma_start3A_313, %dma_start3A_314] : memref<500000x128xf32, #tpu.memory_space<hbm>> -> memref<500000x128xf32, #tpu.memory_space<hbm>>
        tpu.enqueue_indirect_dma source(%dma_start3A_315 : memref<500000x128xf32, #tpu.memory_space<hbm>>) target(%dma_start3A_309 : memref<128x128xf32, #tpu.memory_space<vmem>>) offsets(%dma_start3A_312 : memref<128xi32, #tpu.memory_space<vmem>>) semaphore(%arg12 : memref<!tpu.dma_semaphore, #tpu.memory_space<semaphore_mem>>)
      } else {
      }
      %dma_wait3A_99 = arith.constant 0 : i32
      %dma_wait3A_100 = arith.constant 0 : i32
      %dma_wait3A_101 = arith.constant 0 : i32
      %dma_wait3A_102 = tpu.memref_slice %arg6[%dma_wait3A_99, %dma_wait3A_100, %dma_wait3A_101] : memref<4x128x128xf32, #tpu.memory_space<vmem>> -> memref<1x128x128xf32, #tpu.memory_space<vmem>>
      %dma_wait3A_103 = tpu.memref_squeeze %dma_wait3A_102 : memref<1x128x128xf32, #tpu.memory_space<vmem>> -> memref<128x128xf32, #tpu.memory_space<vmem>>
      %dma_wait3A_104 = arith.constant 0 : i32
      %dma_wait3A_105 = arith.constant 0 : i32
      %dma_wait3A_106 = tpu.memref_slice %arg3[%dma_wait3A_104, %dma_wait3A_105] : memref<500000x128xf32, #tpu.memory_space<hbm>> -> memref<128x128xf32, #tpu.memory_space<hbm>>
      %dma_wait3A_107 = arith.constant 0 : i32
      %dma_wait3A_108 = arith.constant 0 : i32
      %dma_wait3A_109 = tpu.memref_slice %arg6[%dma_wait3A_99, %dma_wait3A_107, %dma_wait3A_108] : memref<4x128x128xf32, #tpu.memory_space<vmem>> -> memref<1x128x128xf32, #tpu.memory_space<vmem>>
      %dma_wait3A_110 = tpu.memref_squeeze %dma_wait3A_109 : memref<1x128x128xf32, #tpu.memory_space<vmem>> -> memref<128x128xf32, #tpu.memory_space<vmem>>
      %dma_wait3A_111 = arith.constant 0 : i32
      %dma_wait3A_112 = arith.constant 0 : i32
      %dma_wait3A_113 = tpu.memref_slice %arg3[%dma_wait3A_111, %dma_wait3A_112] : memref<500000x128xf32, #tpu.memory_space<hbm>> -> memref<128x128xf32, #tpu.memory_space<hbm>>
      tpu.wait_dma2 semaphore(%arg10 : memref<!tpu.dma_semaphore, #tpu.memory_space<semaphore_mem>>) src(%dma_wait3A_113 : memref<128x128xf32, #tpu.memory_space<hbm>>) dst(%dma_wait3A_110 : memref<128x128xf32, #tpu.memory_space<vmem>>)
      %parallel_loop3A_114 = arith.constant 0 : i32
      %parallel_loop3A_115 = arith.constant 8 : i32
      %parallel_loop3A_116 = arith.constant 1 : i32
      scf.for %parallel_loop3A_299 = %parallel_loop3A_114 to %parallel_loop3A_115 step %parallel_loop3A_116  : i32 {
        %parallel_loop3A_300 = arith.constant 16 : i32
        %parallel_loop3A_301 = arith.muli %parallel_loop3A_299, %parallel_loop3A_300 : i32
        %parallel_loop3A_302 = arith.index_cast %add3A_90 : i32 to index
        %parallel_loop3A_303 = arith.index_cast %parallel_loop3A_301 : i32 to index
        %parallel_loop3A_304 = tpu.vector_load %arg5[%parallel_loop3A_302, %parallel_loop3A_303] {strides = array<i32>} : memref<200x128xi32, #tpu.memory_space<vmem>>, vector<16xi32>,
        %parallel_loop3A_305 = arith.constant 1 : i32
        %parallel_loop3A_306 = vector.broadcast %parallel_loop3A_305 : i32 to vector<16xi32>
        %parallel_loop3A_307 = arith.andi %parallel_loop3A_304, %parallel_loop3A_306 : vector<16xi32>
        %parallel_loop3A_308 = arith.constant 6 : i32
        %parallel_loop3A_309 = vector.broadcast %parallel_loop3A_308 : i32 to vector<16xi32>
        %parallel_loop3A_310 = arith.shli %parallel_loop3A_307, %parallel_loop3A_309 : vector<16xi32>
        %parallel_loop3A_311 = arith.constant 16 : i32
        %parallel_loop3A_312 = arith.muli %parallel_loop3A_299, %parallel_loop3A_311 : i32
        %parallel_loop3A_313 = arith.index_cast %parallel_loop3A_312 : i32 to index
        %parallel_loop3A_314 = tpu.vector_load %arg9[%parallel_loop3A_313] {strides = array<i32>} : memref<128xi32, #tpu.memory_space<vmem>>, vector<16xi32>,
        tpu.vector_store %arg9[%parallel_loop3A_313], %parallel_loop3A_310 {strides = array<i32>} : memref<128xi32, #tpu.memory_space<vmem>>, vector<16xi32>,
      } {sc.loop_unroll_factor = 1 : i64, sc.parallel_access}
      %parallel_loop3A_117 = arith.constant 0 : i32
      %parallel_loop3A_118 = arith.constant 128 : i32
      %parallel_loop3A_119 = arith.constant 1 : i32
      scf.for %parallel_loop3A_299 = %parallel_loop3A_117 to %parallel_loop3A_118 step %parallel_loop3A_119  : i32 {
        %parallel_loop3A_300 = arith.constant 16 : i32
        %parallel_loop3A_301 = arith.divsi %parallel_loop3A_299, %parallel_loop3A_300 : i32
        %parallel_loop3A_302 = arith.constant 0 : i32
        %parallel_loop3A_303 = arith.cmpi sgt, %parallel_loop3A_299, %parallel_loop3A_302 : i32
        %parallel_loop3A_304 = arith.extui %parallel_loop3A_303 : i1 to i32
        %parallel_loop3A_305 = arith.constant 0 : i32
        %parallel_loop3A_306 = arith.cmpi slt, %parallel_loop3A_299, %parallel_loop3A_305 : i32
        %parallel_loop3A_307 = arith.extui %parallel_loop3A_306 : i1 to i32
        %parallel_loop3A_308 = arith.subi %parallel_loop3A_304, %parallel_loop3A_307 : i32
        %parallel_loop3A_309 = arith.constant 0 : i32
        %parallel_loop3A_310 = arith.cmpi sgt, %parallel_loop3A_300, %parallel_loop3A_309 : i32
        %parallel_loop3A_311 = arith.extui %parallel_loop3A_310 : i1 to i32
        %parallel_loop3A_312 = arith.constant 0 : i32
        %parallel_loop3A_313 = arith.cmpi slt, %parallel_loop3A_300, %parallel_loop3A_312 : i32
        %parallel_loop3A_314 = arith.extui %parallel_loop3A_313 : i1 to i32
        %parallel_loop3A_315 = arith.subi %parallel_loop3A_311, %parallel_loop3A_314 : i32
        %parallel_loop3A_316 = arith.cmpi ne, %parallel_loop3A_308, %parallel_loop3A_315 : i32
        %parallel_loop3A_317 = arith.remsi %parallel_loop3A_299, %parallel_loop3A_300 : i32
        %parallel_loop3A_318 = arith.constant 0 : i32
        %parallel_loop3A_319 = arith.cmpi ne, %parallel_loop3A_317, %parallel_loop3A_318 : i32
        %parallel_loop3A_320 = arith.andi %parallel_loop3A_316, %parallel_loop3A_319 : i1
        %parallel_loop3A_321 = arith.constant 1 : i32
        %parallel_loop3A_322 = arith.subi %parallel_loop3A_301, %parallel_loop3A_321 : i32
        %parallel_loop3A_323 = arith.select %parallel_loop3A_320, %parallel_loop3A_322, %parallel_loop3A_301 : i32
        %parallel_loop3A_324 = arith.constant 16 : i32
        %parallel_loop3A_325 = arith.muli %parallel_loop3A_323, %parallel_loop3A_324 : i32
        %parallel_loop3A_326 = arith.constant 16 : i32
        %parallel_loop3A_327 = arith.constant 0 : i32
        %parallel_loop3A_328 = arith.cmpi eq, %parallel_loop3A_326, %parallel_loop3A_327 : i32
        %parallel_loop3A_329 = arith.constant 1 : i32
        %parallel_loop3A_330 = arith.select %parallel_loop3A_328, %parallel_loop3A_329, %parallel_loop3A_326 : i32
        %parallel_loop3A_331 = arith.remsi %parallel_loop3A_299, %parallel_loop3A_330 : i32
        %parallel_loop3A_332 = arith.constant 0 : i32
        %parallel_loop3A_333 = arith.cmpi ne, %parallel_loop3A_331, %parallel_loop3A_332 : i32
        %parallel_loop3A_334 = arith.constant 0 : i32
        %parallel_loop3A_335 = arith.cmpi slt, %parallel_loop3A_331, %parallel_loop3A_334 : i32
        %parallel_loop3A_336 = arith.constant 0 : i32
        %parallel_loop3A_337 = arith.cmpi slt, %parallel_loop3A_330, %parallel_loop3A_336 : i32
        %parallel_loop3A_338 = arith.xori %parallel_loop3A_335, %parallel_loop3A_337 : i1
        %parallel_loop3A_339 = arith.andi %parallel_loop3A_338, %parallel_loop3A_333 : i1
        %parallel_loop3A_340 = arith.addi %parallel_loop3A_331, %parallel_loop3A_330 : i32
        %parallel_loop3A_341 = arith.select %parallel_loop3A_339, %parallel_loop3A_340, %parallel_loop3A_331 : i32
        %parallel_loop3A_342 = vector.broadcast %parallel_loop3A_341 : i32 to vector<16xi32>
        %parallel_loop3A_343 = arith.addi %iota3A, %parallel_loop3A_342 : vector<16xi32>
        %parallel_loop3A_344 = arith.constant 15 : i32
        %parallel_loop3A_345 = vector.broadcast %parallel_loop3A_344 : i32 to vector<16xi32>
        %parallel_loop3A_346 = arith.andi %parallel_loop3A_343, %parallel_loop3A_345 : vector<16xi32>
        %parallel_loop3A_347 = vector.broadcast %parallel_loop3A_325 : i32 to vector<16xi32>
        %parallel_loop3A_348 = arith.addi %parallel_loop3A_347, %parallel_loop3A_346 : vector<16xi32>
        %parallel_loop3A_349 = tpu.vector_load_idx %arg9[%parallel_loop3A_348] : memref<128xi32, #tpu.memory_space<vmem>>[vector<16xi32>], vector<16xi32>,
        %parallel_loop3A_350 = arith.addi %parallel_loop3A_349, %add3A_6 : vector<16xi32>
        %parallel_loop3A_351 = arith.constant 0 : i32
        %parallel_loop3A_352 = arith.constant 0 : i32
        %parallel_loop3A_353 = arith.constant 0 : i32
        %parallel_loop3A_354 = tpu.memref_slice %arg6[%parallel_loop3A_351, %parallel_loop3A_352, %parallel_loop3A_353] : memref<4x128x128xf32, #tpu.memory_space<vmem>> -> memref<1x128x128xf32, #tpu.memory_space<vmem>>
        %parallel_loop3A_355 = tpu.memref_squeeze %parallel_loop3A_354 : memref<1x128x128xf32, #tpu.memory_space<vmem>> -> memref<128x128xf32, #tpu.memory_space<vmem>>
        %parallel_loop3A_356 = tpu.vector_load_idx %parallel_loop3A_355[%parallel_loop3A_348, %parallel_loop3A_350] : memref<128x128xf32, #tpu.memory_space<vmem>>[vector<16xi32>, vector<16xi32>], vector<16xf32>,
        %parallel_loop3A_357 = arith.constant 8.000000e+00 : f32
        %parallel_loop3A_358 = vector.broadcast %parallel_loop3A_357 : f32 to vector<16xf32>
        %parallel_loop3A_359 = arith.mulf %parallel_loop3A_356, %parallel_loop3A_358 : vector<16xf32>
        %parallel_loop3A_360 = arith.constant 0 : i32
        %parallel_loop3A_361 = arith.constant 0 : i32
        %parallel_loop3A_362 = arith.constant 0 : i32
        %parallel_loop3A_363 = arith.constant 0 : i32
        %parallel_loop3A_364 = tpu.memref_slice %arg7[%parallel_loop3A_360, %parallel_loop3A_361, %parallel_loop3A_362, %parallel_loop3A_363] : memref<2x1x64x128xf32, #tpu.memory_space<vmem>> -> memref<1x1x64x128xf32, #tpu.memory_space<vmem>>
        %parallel_loop3A_365 = tpu.memref_squeeze %parallel_loop3A_364 : memref<1x1x64x128xf32, #tpu.memory_space<vmem>> -> memref<64x128xf32, #tpu.memory_space<vmem>>
        tpu.vector_store_idx %parallel_loop3A_365[%add3A_6, %parallel_loop3A_348], %parallel_loop3A_359 : memref<64x128xf32, #tpu.memory_space<vmem>>[vector<16xi32>, vector<16xi32>], vector<16xf32>,
        %parallel_loop3A_366 = arith.addi %parallel_loop3A_349, %add3A_9 : vector<16xi32>
        %parallel_loop3A_367 = arith.constant 0 : i32
        %parallel_loop3A_368 = arith.constant 0 : i32
        %parallel_loop3A_369 = arith.constant 0 : i32
        %parallel_loop3A_370 = tpu.memref_slice %arg6[%parallel_loop3A_367, %parallel_loop3A_368, %parallel_loop3A_369] : memref<4x128x128xf32, #tpu.memory_space<vmem>> -> memref<1x128x128xf32, #tpu.memory_space<vmem>>
        %parallel_loop3A_371 = tpu.memref_squeeze %parallel_loop3A_370 : memref<1x128x128xf32, #tpu.memory_space<vmem>> -> memref<128x128xf32, #tpu.memory_space<vmem>>
        %parallel_loop3A_372 = tpu.vector_load_idx %parallel_loop3A_371[%parallel_loop3A_348, %parallel_loop3A_366] : memref<128x128xf32, #tpu.memory_space<vmem>>[vector<16xi32>, vector<16xi32>], vector<16xf32>,
        %parallel_loop3A_373 = arith.constant 8.000000e+00 : f32
        %parallel_loop3A_374 = vector.broadcast %parallel_loop3A_373 : f32 to vector<16xf32>
        %parallel_loop3A_375 = arith.mulf %parallel_loop3A_372, %parallel_loop3A_374 : vector<16xf32>
        %parallel_loop3A_376 = arith.constant 0 : i32
        %parallel_loop3A_377 = arith.constant 0 : i32
        %parallel_loop3A_378 = arith.constant 0 : i32
        %parallel_loop3A_379 = arith.constant 0 : i32
        %parallel_loop3A_380 = tpu.memref_slice %arg7[%parallel_loop3A_376, %parallel_loop3A_377, %parallel_loop3A_378, %parallel_loop3A_379] : memref<2x1x64x128xf32, #tpu.memory_space<vmem>> -> memref<1x1x64x128xf32, #tpu.memory_space<vmem>>
        %parallel_loop3A_381 = tpu.memref_squeeze %parallel_loop3A_380 : memref<1x1x64x128xf32, #tpu.memory_space<vmem>> -> memref<64x128xf32, #tpu.memory_space<vmem>>
        tpu.vector_store_idx %parallel_loop3A_381[%add3A_9, %parallel_loop3A_348], %parallel_loop3A_375 : memref<64x128xf32, #tpu.memory_space<vmem>>[vector<16xi32>, vector<16xi32>], vector<16xf32>,
        %parallel_loop3A_382 = arith.addi %parallel_loop3A_349, %add3A_12 : vector<16xi32>
        %parallel_loop3A_383 = arith.constant 0 : i32
        %parallel_loop3A_384 = arith.constant 0 : i32
        %parallel_loop3A_385 = arith.constant 0 : i32
        %parallel_loop3A_386 = tpu.memref_slice %arg6[%parallel_loop3A_383, %parallel_loop3A_384, %parallel_loop3A_385] : memref<4x128x128xf32, #tpu.memory_space<vmem>> -> memref<1x128x128xf32, #tpu.memory_space<vmem>>
        %parallel_loop3A_387 = tpu.memref_squeeze %parallel_loop3A_386 : memref<1x128x128xf32, #tpu.memory_space<vmem>> -> memref<128x128xf32, #tpu.memory_space<vmem>>
        %parallel_loop3A_388 = tpu.vector_load_idx %parallel_loop3A_387[%parallel_loop3A_348, %parallel_loop3A_382] : memref<128x128xf32, #tpu.memory_space<vmem>>[vector<16xi32>, vector<16xi32>], vector<16xf32>,
        %parallel_loop3A_389 = arith.constant 8.000000e+00 : f32
        %parallel_loop3A_390 = vector.broadcast %parallel_loop3A_389 : f32 to vector<16xf32>
        %parallel_loop3A_391 = arith.mulf %parallel_loop3A_388, %parallel_loop3A_390 : vector<16xf32>
        %parallel_loop3A_392 = arith.constant 0 : i32
        %parallel_loop3A_393 = arith.constant 0 : i32
        %parallel_loop3A_394 = arith.constant 0 : i32
        %parallel_loop3A_395 = arith.constant 0 : i32
        %parallel_loop3A_396 = tpu.memref_slice %arg7[%parallel_loop3A_392, %parallel_loop3A_393, %parallel_loop3A_394, %parallel_loop3A_395] : memref<2x1x64x128xf32, #tpu.memory_space<vmem>> -> memref<1x1x64x128xf32, #tpu.memory_space<vmem>>
        %parallel_loop3A_397 = tpu.memref_squeeze %parallel_loop3A_396 : memref<1x1x64x128xf32, #tpu.memory_space<vmem>> -> memref<64x128xf32, #tpu.memory_space<vmem>>
        tpu.vector_store_idx %parallel_loop3A_397[%add3A_12, %parallel_loop3A_348], %parallel_loop3A_391 : memref<64x128xf32, #tpu.memory_space<vmem>>[vector<16xi32>, vector<16xi32>], vector<16xf32>,
        %parallel_loop3A_398 = arith.addi %parallel_loop3A_349, %add3A_15 : vector<16xi32>
        %parallel_loop3A_399 = arith.constant 0 : i32
        %parallel_loop3A_400 = arith.constant 0 : i32
        %parallel_loop3A_401 = arith.constant 0 : i32
        %parallel_loop3A_402 = tpu.memref_slice %arg6[%parallel_loop3A_399, %parallel_loop3A_400, %parallel_loop3A_401] : memref<4x128x128xf32, #tpu.memory_space<vmem>> -> memref<1x128x128xf32, #tpu.memory_space<vmem>>
        %parallel_loop3A_403 = tpu.memref_squeeze %parallel_loop3A_402 : memref<1x128x128xf32, #tpu.memory_space<vmem>> -> memref<128x128xf32, #tpu.memory_space<vmem>>
        %parallel_loop3A_404 = tpu.vector_load_idx %parallel_loop3A_403[%parallel_loop3A_348, %parallel_loop3A_398] : memref<128x128xf32, #tpu.memory_space<vmem>>[vector<16xi32>, vector<16xi32>], vector<16xf32>,
        %parallel_loop3A_405 = arith.constant 8.000000e+00 : f32
        %parallel_loop3A_406 = vector.broadcast %parallel_loop3A_405 : f32 to vector<16xf32>
        %parallel_loop3A_407 = arith.mulf %parallel_loop3A_404, %parallel_loop3A_406 : vector<16xf32>
        %parallel_loop3A_408 = arith.constant 0 : i32
        %parallel_loop3A_409 = arith.constant 0 : i32
        %parallel_loop3A_410 = arith.constant 0 : i32
        %parallel_loop3A_411 = arith.constant 0 : i32
        %parallel_loop3A_412 = tpu.memref_slice %arg7[%parallel_loop3A_408, %parallel_loop3A_409, %parallel_loop3A_410, %parallel_loop3A_411] : memref<2x1x64x128xf32, #tpu.memory_space<vmem>> -> memref<1x1x64x128xf32, #tpu.memory_space<vmem>>
        %parallel_loop3A_413 = tpu.memref_squeeze %parallel_loop3A_412 : memref<1x1x64x128xf32, #tpu.memory_space<vmem>> -> memref<64x128xf32, #tpu.memory_space<vmem>>
        tpu.vector_store_idx %parallel_loop3A_413[%add3A_15, %parallel_loop3A_348], %parallel_loop3A_407 : memref<64x128xf32, #tpu.memory_space<vmem>>[vector<16xi32>, vector<16xi32>], vector<16xf32>,
      } {sc.loop_unroll_factor = 4 : i64, sc.parallel_access}
      %mul3A_120 = arith.constant 128 : i32
      %mul3A_121 = arith.muli %add3A, %mul3A_120 : i32
      %dma_start3A_122 = arith.constant 0 : i32
      %dma_start3A_123 = arith.constant 0 : i32
      %dma_start3A_124 = arith.constant 0 : i32
      %dma_start3A_125 = arith.constant 0 : i32
      %dma_start3A_126 = tpu.memref_slice %arg7[%dma_start3A_122, %dma_start3A_123, %dma_start3A_124, %dma_start3A_125] : memref<2x1x64x128xf32, #tpu.memory_space<vmem>> -> memref<1x1x64x128xf32, #tpu.memory_space<vmem>>
      %dma_start3A_127 = tpu.memref_squeeze %dma_start3A_126 : memref<1x1x64x128xf32, #tpu.memory_space<vmem>> -> memref<1x64x128xf32, #tpu.memory_space<vmem>>
      %dma_start3A_128 = arith.constant 0 : i32
      %dma_start3A_129 = tpu.memref_slice %arg4[%add3A_90, %dma_start3A_128, %mul3A_121] : memref<200x64x4096xf32, #tpu.memory_space<hbm>> -> memref<1x64x128xf32, #tpu.memory_space<hbm>>
      %dma_start3A_130 = arith.constant 0 : i32
      %dma_start3A_131 = tpu.memref_slice %arg4[%add3A_90, %dma_start3A_130, %mul3A_121] : memref<200x64x4096xf32, #tpu.memory_space<hbm>> -> memref<1x64x128xf32, #tpu.memory_space<hbm>>
      %dma_start3A_132 = arith.constant 0 : i32
      %dma_start3A_133 = arith.constant 0 : i32
      %dma_start3A_134 = arith.constant 0 : i32
      %dma_start3A_135 = tpu.memref_slice %arg7[%dma_start3A_122, %dma_start3A_132, %dma_start3A_133, %dma_start3A_134] : memref<2x1x64x128xf32, #tpu.memory_space<vmem>> -> memref<1x1x64x128xf32, #tpu.memory_space<vmem>>
      %dma_start3A_136 = tpu.memref_squeeze %dma_start3A_135 : memref<1x1x64x128xf32, #tpu.memory_space<vmem>> -> memref<1x64x128xf32, #tpu.memory_space<vmem>>
      tpu.enqueue_dma source(%dma_start3A_136 : memref<1x64x128xf32, #tpu.memory_space<vmem>>) target(%dma_start3A_131 : memref<1x64x128xf32, #tpu.memory_space<hbm>>) target_semaphore(%arg14 : memref<!tpu.dma_semaphore, #tpu.memory_space<semaphore_mem>>)
      %mul3A_137 = arith.constant 4 : i32
      %mul3A_138 = arith.muli %scan3A_86, %mul3A_137 : i32
      %add3A_139 = arith.constant 1 : i32
      %add3A_140 = arith.addi %mul3A_138, %add3A_139 : i32
      %ge3A_141 = arith.constant 2 : i32
      %ge3A_142 = arith.cmpi sge, %add3A_140, %ge3A_141 : i32
      %convert_element_type3A_143 = arith.extui %ge3A_142 : i1 to i32
      %cond3A_144 = arith.constant 0 : i32
      %cond3A_145 = arith.cmpi ne, %convert_element_type3A_143, %cond3A_144 : i32
      scf.if %cond3A_145 {
        %sub3A = arith.constant 2 : i32
        %sub3A_299 = arith.subi %add3A_140, %sub3A : i32
        %mul3A_300 = arith.constant 128 : i32
        %mul3A_301 = arith.muli %add3A, %mul3A_300 : i32
        %dma_wait3A_302 = arith.constant 1 : i32
        %dma_wait3A_303 = arith.constant 0 : i32
        %dma_wait3A_304 = arith.constant 0 : i32
        %dma_wait3A_305 = arith.constant 0 : i32
        %dma_wait3A_306 = tpu.memref_slice %arg7[%dma_wait3A_302, %dma_wait3A_303, %dma_wait3A_304, %dma_wait3A_305] : memref<2x1x64x128xf32, #tpu.memory_space<vmem>> -> memref<1x1x64x128xf32, #tpu.memory_space<vmem>>
        %dma_wait3A_307 = tpu.memref_squeeze %dma_wait3A_306 : memref<1x1x64x128xf32, #tpu.memory_space<vmem>> -> memref<1x64x128xf32, #tpu.memory_space<vmem>>
        %dma_wait3A_308 = arith.constant 0 : i32
        %dma_wait3A_309 = tpu.memref_slice %arg4[%sub3A_299, %dma_wait3A_308, %mul3A_301] : memref<200x64x4096xf32, #tpu.memory_space<hbm>> -> memref<1x64x128xf32, #tpu.memory_space<hbm>>
        %dma_wait3A_310 = arith.constant 0 : i32
        %dma_wait3A_311 = tpu.memref_slice %arg4[%sub3A_299, %dma_wait3A_310, %mul3A_301] : memref<200x64x4096xf32, #tpu.memory_space<hbm>> -> memref<1x64x128xf32, #tpu.memory_space<hbm>>
        %dma_wait3A_312 = arith.constant 0 : i32
        %dma_wait3A_313 = arith.constant 0 : i32
        %dma_wait3A_314 = arith.constant 0 : i32
        %dma_wait3A_315 = tpu.memref_slice %arg7[%dma_wait3A_302, %dma_wait3A_312, %dma_wait3A_313, %dma_wait3A_314] : memref<2x1x64x128xf32, #tpu.memory_space<vmem>> -> memref<1x1x64x128xf32, #tpu.memory_space<vmem>>
        %dma_wait3A_316 = tpu.memref_squeeze %dma_wait3A_315 : memref<1x1x64x128xf32, #tpu.memory_space<vmem>> -> memref<1x64x128xf32, #tpu.memory_space<vmem>>
        tpu.wait_dma2 semaphore(%arg15 : memref<!tpu.dma_semaphore, #tpu.memory_space<semaphore_mem>>) src(%dma_wait3A_316 : memref<1x64x128xf32, #tpu.memory_space<vmem>>) dst(%dma_wait3A_311 : memref<1x64x128xf32, #tpu.memory_space<hbm>>)
      } else {
      }
      %add3A_146 = arith.constant 2 : i32
      %add3A_147 = arith.addi %add3A_140, %add3A_146 : i32
      %lt3A_148 = arith.constant 200 : i32
      %lt3A_149 = arith.cmpi slt, %add3A_147, %lt3A_148 : i32
      %convert_element_type3A_150 = arith.extui %lt3A_149 : i1 to i32
      %cond3A_151 = arith.constant 0 : i32
      %cond3A_152 = arith.cmpi ne, %convert_element_type3A_150, %cond3A_151 : i32
      scf.if %cond3A_152 {
        %add3A_299 = arith.constant 2 : i32
        %add3A_300 = arith.addi %add3A_140, %add3A_299 : i32
        %parallel_loop3A_301 = arith.constant 0 : i32
        %parallel_loop3A_302 = arith.constant 8 : i32
        %parallel_loop3A_303 = arith.constant 1 : i32
        scf.for %parallel_loop3A_316 = %parallel_loop3A_301 to %parallel_loop3A_302 step %parallel_loop3A_303  : i32 {
          %parallel_loop3A_317 = arith.constant 16 : i32
          %parallel_loop3A_318 = arith.muli %parallel_loop3A_316, %parallel_loop3A_317 : i32
          %parallel_loop3A_319 = arith.index_cast %add3A_300 : i32 to index
          %parallel_loop3A_320 = arith.index_cast %parallel_loop3A_318 : i32 to index
          %parallel_loop3A_321 = tpu.vector_load %arg5[%parallel_loop3A_319, %parallel_loop3A_320] {strides = array<i32>} : memref<200x128xi32, #tpu.memory_space<vmem>>, vector<16xi32>,
          %parallel_loop3A_322 = arith.constant 1 : i32
          %parallel_loop3A_323 = vector.broadcast %parallel_loop3A_322 : i32 to vector<16xi32>
          %parallel_loop3A_324 = arith.shrsi %parallel_loop3A_321, %parallel_loop3A_323 : vector<16xi32>
          %parallel_loop3A_325 = arith.constant 16 : i32
          %parallel_loop3A_326 = arith.muli %parallel_loop3A_316, %parallel_loop3A_325 : i32
          %parallel_loop3A_327 = arith.constant 3 : i32
          %parallel_loop3A_328 = arith.index_cast %parallel_loop3A_327 : i32 to index
          %parallel_loop3A_329 = arith.index_cast %parallel_loop3A_326 : i32 to index
          %parallel_loop3A_330 = tpu.vector_load %arg8[%parallel_loop3A_328, %parallel_loop3A_329] {strides = array<i32>} : memref<4x128xi32, #tpu.memory_space<vmem>>, vector<16xi32>,
          tpu.vector_store %arg8[%parallel_loop3A_328, %parallel_loop3A_329], %parallel_loop3A_324 {strides = array<i32>} : memref<4x128xi32, #tpu.memory_space<vmem>>, vector<16xi32>,
        } {sc.loop_unroll_factor = 1 : i64, sc.parallel_access}
        %dma_start3A_304 = arith.constant 3 : i32
        %dma_start3A_305 = arith.constant 3 : i32
        %dma_start3A_306 = arith.constant 0 : i32
        %dma_start3A_307 = arith.constant 0 : i32
        %dma_start3A_308 = tpu.memref_slice %arg6[%dma_start3A_305, %dma_start3A_306, %dma_start3A_307] : memref<4x128x128xf32, #tpu.memory_space<vmem>> -> memref<1x128x128xf32, #tpu.memory_space<vmem>>
        %dma_start3A_309 = tpu.memref_squeeze %dma_start3A_308 : memref<1x128x128xf32, #tpu.memory_space<vmem>> -> memref<128x128xf32, #tpu.memory_space<vmem>>
        %dma_start3A_310 = arith.constant 0 : i32
        %dma_start3A_311 = tpu.memref_slice %arg8[%dma_start3A_304, %dma_start3A_310] : memref<4x128xi32, #tpu.memory_space<vmem>> -> memref<1x128xi32, #tpu.memory_space<vmem>>
        %dma_start3A_312 = tpu.memref_squeeze %dma_start3A_311 : memref<1x128xi32, #tpu.memory_space<vmem>> -> memref<128xi32, #tpu.memory_space<vmem>>
        %dma_start3A_313 = arith.constant 0 : i32
        %dma_start3A_314 = arith.constant 0 : i32
        %dma_start3A_315 = tpu.memref_slice %arg3[%dma_start3A_313, %dma_start3A_314] : memref<500000x128xf32, #tpu.memory_space<hbm>> -> memref<500000x128xf32, #tpu.memory_space<hbm>>
        tpu.enqueue_indirect_dma source(%dma_start3A_315 : memref<500000x128xf32, #tpu.memory_space<hbm>>) target(%dma_start3A_309 : memref<128x128xf32, #tpu.memory_space<vmem>>) offsets(%dma_start3A_312 : memref<128xi32, #tpu.memory_space<vmem>>) semaphore(%arg13 : memref<!tpu.dma_semaphore, #tpu.memory_space<semaphore_mem>>)
      } else {
      }
      %dma_wait3A_153 = arith.constant 1 : i32
      %dma_wait3A_154 = arith.constant 0 : i32
      %dma_wait3A_155 = arith.constant 0 : i32
      %dma_wait3A_156 = tpu.memref_slice %arg6[%dma_wait3A_153, %dma_wait3A_154, %dma_wait3A_155] : memref<4x128x128xf32, #tpu.memory_space<vmem>> -> memref<1x128x128xf32, #tpu.memory_space<vmem>>
      %dma_wait3A_157 = tpu.memref_squeeze %dma_wait3A_156 : memref<1x128x128xf32, #tpu.memory_space<vmem>> -> memref<128x128xf32, #tpu.memory_space<vmem>>
      %dma_wait3A_158 = arith.constant 0 : i32
      %dma_wait3A_159 = arith.constant 0 : i32
      %dma_wait3A_160 = tpu.memref_slice %arg3[%dma_wait3A_158, %dma_wait3A_159] : memref<500000x128xf32, #tpu.memory_space<hbm>> -> memref<128x128xf32, #tpu.memory_space<hbm>>
      %dma_wait3A_161 = arith.constant 0 : i32
      %dma_wait3A_162 = arith.constant 0 : i32
      %dma_wait3A_163 = tpu.memref_slice %arg6[%dma_wait3A_153, %dma_wait3A_161, %dma_wait3A_162] : memref<4x128x128xf32, #tpu.memory_space<vmem>> -> memref<1x128x128xf32, #tpu.memory_space<vmem>>
      %dma_wait3A_164 = tpu.memref_squeeze %dma_wait3A_163 : memref<1x128x128xf32, #tpu.memory_space<vmem>> -> memref<128x128xf32, #tpu.memory_space<vmem>>
      %dma_wait3A_165 = arith.constant 0 : i32
      %dma_wait3A_166 = arith.constant 0 : i32
      %dma_wait3A_167 = tpu.memref_slice %arg3[%dma_wait3A_165, %dma_wait3A_166] : memref<500000x128xf32, #tpu.memory_space<hbm>> -> memref<128x128xf32, #tpu.memory_space<hbm>>
      tpu.wait_dma2 semaphore(%arg11 : memref<!tpu.dma_semaphore, #tpu.memory_space<semaphore_mem>>) src(%dma_wait3A_167 : memref<128x128xf32, #tpu.memory_space<hbm>>) dst(%dma_wait3A_164 : memref<128x128xf32, #tpu.memory_space<vmem>>)
      %parallel_loop3A_168 = arith.constant 0 : i32
      %parallel_loop3A_169 = arith.constant 8 : i32
      %parallel_loop3A_170 = arith.constant 1 : i32
      scf.for %parallel_loop3A_299 = %parallel_loop3A_168 to %parallel_loop3A_169 step %parallel_loop3A_170  : i32 {
        %parallel_loop3A_300 = arith.constant 16 : i32
        %parallel_loop3A_301 = arith.muli %parallel_loop3A_299, %parallel_loop3A_300 : i32
        %parallel_loop3A_302 = arith.index_cast %add3A_140 : i32 to index
        %parallel_loop3A_303 = arith.index_cast %parallel_loop3A_301 : i32 to index
        %parallel_loop3A_304 = tpu.vector_load %arg5[%parallel_loop3A_302, %parallel_loop3A_303] {strides = array<i32>} : memref<200x128xi32, #tpu.memory_space<vmem>>, vector<16xi32>,
        %parallel_loop3A_305 = arith.constant 1 : i32
        %parallel_loop3A_306 = vector.broadcast %parallel_loop3A_305 : i32 to vector<16xi32>
        %parallel_loop3A_307 = arith.andi %parallel_loop3A_304, %parallel_loop3A_306 : vector<16xi32>
        %parallel_loop3A_308 = arith.constant 6 : i32
        %parallel_loop3A_309 = vector.broadcast %parallel_loop3A_308 : i32 to vector<16xi32>
        %parallel_loop3A_310 = arith.shli %parallel_loop3A_307, %parallel_loop3A_309 : vector<16xi32>
        %parallel_loop3A_311 = arith.constant 16 : i32
        %parallel_loop3A_312 = arith.muli %parallel_loop3A_299, %parallel_loop3A_311 : i32
        %parallel_loop3A_313 = arith.index_cast %parallel_loop3A_312 : i32 to index
        %parallel_loop3A_314 = tpu.vector_load %arg9[%parallel_loop3A_313] {strides = array<i32>} : memref<128xi32, #tpu.memory_space<vmem>>, vector<16xi32>,
        tpu.vector_store %arg9[%parallel_loop3A_313], %parallel_loop3A_310 {strides = array<i32>} : memref<128xi32, #tpu.memory_space<vmem>>, vector<16xi32>,
      } {sc.loop_unroll_factor = 1 : i64, sc.parallel_access}
      %parallel_loop3A_171 = arith.constant 0 : i32
      %parallel_loop3A_172 = arith.constant 128 : i32
      %parallel_loop3A_173 = arith.constant 1 : i32
      scf.for %parallel_loop3A_299 = %parallel_loop3A_171 to %parallel_loop3A_172 step %parallel_loop3A_173  : i32 {
        %parallel_loop3A_300 = arith.constant 16 : i32
        %parallel_loop3A_301 = arith.divsi %parallel_loop3A_299, %parallel_loop3A_300 : i32
        %parallel_loop3A_302 = arith.constant 0 : i32
        %parallel_loop3A_303 = arith.cmpi sgt, %parallel_loop3A_299, %parallel_loop3A_302 : i32
        %parallel_loop3A_304 = arith.extui %parallel_loop3A_303 : i1 to i32
        %parallel_loop3A_305 = arith.constant 0 : i32
        %parallel_loop3A_306 = arith.cmpi slt, %parallel_loop3A_299, %parallel_loop3A_305 : i32
        %parallel_loop3A_307 = arith.extui %parallel_loop3A_306 : i1 to i32
        %parallel_loop3A_308 = arith.subi %parallel_loop3A_304, %parallel_loop3A_307 : i32
        %parallel_loop3A_309 = arith.constant 0 : i32
        %parallel_loop3A_310 = arith.cmpi sgt, %parallel_loop3A_300, %parallel_loop3A_309 : i32
        %parallel_loop3A_311 = arith.extui %parallel_loop3A_310 : i1 to i32
        %parallel_loop3A_312 = arith.constant 0 : i32
        %parallel_loop3A_313 = arith.cmpi slt, %parallel_loop3A_300, %parallel_loop3A_312 : i32
        %parallel_loop3A_314 = arith.extui %parallel_loop3A_313 : i1 to i32
        %parallel_loop3A_315 = arith.subi %parallel_loop3A_311, %parallel_loop3A_314 : i32
        %parallel_loop3A_316 = arith.cmpi ne, %parallel_loop3A_308, %parallel_loop3A_315 : i32
        %parallel_loop3A_317 = arith.remsi %parallel_loop3A_299, %parallel_loop3A_300 : i32
        %parallel_loop3A_318 = arith.constant 0 : i32
        %parallel_loop3A_319 = arith.cmpi ne, %parallel_loop3A_317, %parallel_loop3A_318 : i32
        %parallel_loop3A_320 = arith.andi %parallel_loop3A_316, %parallel_loop3A_319 : i1
        %parallel_loop3A_321 = arith.constant 1 : i32
        %parallel_loop3A_322 = arith.subi %parallel_loop3A_301, %parallel_loop3A_321 : i32
        %parallel_loop3A_323 = arith.select %parallel_loop3A_320, %parallel_loop3A_322, %parallel_loop3A_301 : i32
        %parallel_loop3A_324 = arith.constant 16 : i32
        %parallel_loop3A_325 = arith.muli %parallel_loop3A_323, %parallel_loop3A_324 : i32
        %parallel_loop3A_326 = arith.constant 16 : i32
        %parallel_loop3A_327 = arith.constant 0 : i32
        %parallel_loop3A_328 = arith.cmpi eq, %parallel_loop3A_326, %parallel_loop3A_327 : i32
        %parallel_loop3A_329 = arith.constant 1 : i32
        %parallel_loop3A_330 = arith.select %parallel_loop3A_328, %parallel_loop3A_329, %parallel_loop3A_326 : i32
        %parallel_loop3A_331 = arith.remsi %parallel_loop3A_299, %parallel_loop3A_330 : i32
        %parallel_loop3A_332 = arith.constant 0 : i32
        %parallel_loop3A_333 = arith.cmpi ne, %parallel_loop3A_331, %parallel_loop3A_332 : i32
        %parallel_loop3A_334 = arith.constant 0 : i32
        %parallel_loop3A_335 = arith.cmpi slt, %parallel_loop3A_331, %parallel_loop3A_334 : i32
        %parallel_loop3A_336 = arith.constant 0 : i32
        %parallel_loop3A_337 = arith.cmpi slt, %parallel_loop3A_330, %parallel_loop3A_336 : i32
        %parallel_loop3A_338 = arith.xori %parallel_loop3A_335, %parallel_loop3A_337 : i1
        %parallel_loop3A_339 = arith.andi %parallel_loop3A_338, %parallel_loop3A_333 : i1
        %parallel_loop3A_340 = arith.addi %parallel_loop3A_331, %parallel_loop3A_330 : i32
        %parallel_loop3A_341 = arith.select %parallel_loop3A_339, %parallel_loop3A_340, %parallel_loop3A_331 : i32
        %parallel_loop3A_342 = vector.broadcast %parallel_loop3A_341 : i32 to vector<16xi32>
        %parallel_loop3A_343 = arith.addi %iota3A, %parallel_loop3A_342 : vector<16xi32>
        %parallel_loop3A_344 = arith.constant 15 : i32
        %parallel_loop3A_345 = vector.broadcast %parallel_loop3A_344 : i32 to vector<16xi32>
        %parallel_loop3A_346 = arith.andi %parallel_loop3A_343, %parallel_loop3A_345 : vector<16xi32>
        %parallel_loop3A_347 = vector.broadcast %parallel_loop3A_325 : i32 to vector<16xi32>
        %parallel_loop3A_348 = arith.addi %parallel_loop3A_347, %parallel_loop3A_346 : vector<16xi32>
        %parallel_loop3A_349 = tpu.vector_load_idx %arg9[%parallel_loop3A_348] : memref<128xi32, #tpu.memory_space<vmem>>[vector<16xi32>], vector<16xi32>,
        %parallel_loop3A_350 = arith.addi %parallel_loop3A_349, %add3A_6 : vector<16xi32>
        %parallel_loop3A_351 = arith.constant 1 : i32
        %parallel_loop3A_352 = arith.constant 0 : i32
        %parallel_loop3A_353 = arith.constant 0 : i32
        %parallel_loop3A_354 = tpu.memref_slice %arg6[%parallel_loop3A_351, %parallel_loop3A_352, %parallel_loop3A_353] : memref<4x128x128xf32, #tpu.memory_space<vmem>> -> memref<1x128x128xf32, #tpu.memory_space<vmem>>
        %parallel_loop3A_355 = tpu.memref_squeeze %parallel_loop3A_354 : memref<1x128x128xf32, #tpu.memory_space<vmem>> -> memref<128x128xf32, #tpu.memory_space<vmem>>
        %parallel_loop3A_356 = tpu.vector_load_idx %parallel_loop3A_355[%parallel_loop3A_348, %parallel_loop3A_350] : memref<128x128xf32, #tpu.memory_space<vmem>>[vector<16xi32>, vector<16xi32>], vector<16xf32>,
        %parallel_loop3A_357 = arith.constant 8.000000e+00 : f32
        %parallel_loop3A_358 = vector.broadcast %parallel_loop3A_357 : f32 to vector<16xf32>
        %parallel_loop3A_359 = arith.mulf %parallel_loop3A_356, %parallel_loop3A_358 : vector<16xf32>
        %parallel_loop3A_360 = arith.constant 1 : i32
        %parallel_loop3A_361 = arith.constant 0 : i32
        %parallel_loop3A_362 = arith.constant 0 : i32
        %parallel_loop3A_363 = arith.constant 0 : i32
        %parallel_loop3A_364 = tpu.memref_slice %arg7[%parallel_loop3A_360, %parallel_loop3A_361, %parallel_loop3A_362, %parallel_loop3A_363] : memref<2x1x64x128xf32, #tpu.memory_space<vmem>> -> memref<1x1x64x128xf32, #tpu.memory_space<vmem>>
        %parallel_loop3A_365 = tpu.memref_squeeze %parallel_loop3A_364 : memref<1x1x64x128xf32, #tpu.memory_space<vmem>> -> memref<64x128xf32, #tpu.memory_space<vmem>>
        tpu.vector_store_idx %parallel_loop3A_365[%add3A_6, %parallel_loop3A_348], %parallel_loop3A_359 : memref<64x128xf32, #tpu.memory_space<vmem>>[vector<16xi32>, vector<16xi32>], vector<16xf32>,
        %parallel_loop3A_366 = arith.addi %parallel_loop3A_349, %add3A_9 : vector<16xi32>
        %parallel_loop3A_367 = arith.constant 1 : i32
        %parallel_loop3A_368 = arith.constant 0 : i32
        %parallel_loop3A_369 = arith.constant 0 : i32
        %parallel_loop3A_370 = tpu.memref_slice %arg6[%parallel_loop3A_367, %parallel_loop3A_368, %parallel_loop3A_369] : memref<4x128x128xf32, #tpu.memory_space<vmem>> -> memref<1x128x128xf32, #tpu.memory_space<vmem>>
        %parallel_loop3A_371 = tpu.memref_squeeze %parallel_loop3A_370 : memref<1x128x128xf32, #tpu.memory_space<vmem>> -> memref<128x128xf32, #tpu.memory_space<vmem>>
        %parallel_loop3A_372 = tpu.vector_load_idx %parallel_loop3A_371[%parallel_loop3A_348, %parallel_loop3A_366] : memref<128x128xf32, #tpu.memory_space<vmem>>[vector<16xi32>, vector<16xi32>], vector<16xf32>,
        %parallel_loop3A_373 = arith.constant 8.000000e+00 : f32
        %parallel_loop3A_374 = vector.broadcast %parallel_loop3A_373 : f32 to vector<16xf32>
        %parallel_loop3A_375 = arith.mulf %parallel_loop3A_372, %parallel_loop3A_374 : vector<16xf32>
        %parallel_loop3A_376 = arith.constant 1 : i32
        %parallel_loop3A_377 = arith.constant 0 : i32
        %parallel_loop3A_378 = arith.constant 0 : i32
        %parallel_loop3A_379 = arith.constant 0 : i32
        %parallel_loop3A_380 = tpu.memref_slice %arg7[%parallel_loop3A_376, %parallel_loop3A_377, %parallel_loop3A_378, %parallel_loop3A_379] : memref<2x1x64x128xf32, #tpu.memory_space<vmem>> -> memref<1x1x64x128xf32, #tpu.memory_space<vmem>>
        %parallel_loop3A_381 = tpu.memref_squeeze %parallel_loop3A_380 : memref<1x1x64x128xf32, #tpu.memory_space<vmem>> -> memref<64x128xf32, #tpu.memory_space<vmem>>
        tpu.vector_store_idx %parallel_loop3A_381[%add3A_9, %parallel_loop3A_348], %parallel_loop3A_375 : memref<64x128xf32, #tpu.memory_space<vmem>>[vector<16xi32>, vector<16xi32>], vector<16xf32>,
        %parallel_loop3A_382 = arith.addi %parallel_loop3A_349, %add3A_12 : vector<16xi32>
        %parallel_loop3A_383 = arith.constant 1 : i32
        %parallel_loop3A_384 = arith.constant 0 : i32
        %parallel_loop3A_385 = arith.constant 0 : i32
        %parallel_loop3A_386 = tpu.memref_slice %arg6[%parallel_loop3A_383, %parallel_loop3A_384, %parallel_loop3A_385] : memref<4x128x128xf32, #tpu.memory_space<vmem>> -> memref<1x128x128xf32, #tpu.memory_space<vmem>>
        %parallel_loop3A_387 = tpu.memref_squeeze %parallel_loop3A_386 : memref<1x128x128xf32, #tpu.memory_space<vmem>> -> memref<128x128xf32, #tpu.memory_space<vmem>>
        %parallel_loop3A_388 = tpu.vector_load_idx %parallel_loop3A_387[%parallel_loop3A_348, %parallel_loop3A_382] : memref<128x128xf32, #tpu.memory_space<vmem>>[vector<16xi32>, vector<16xi32>], vector<16xf32>,
        %parallel_loop3A_389 = arith.constant 8.000000e+00 : f32
        %parallel_loop3A_390 = vector.broadcast %parallel_loop3A_389 : f32 to vector<16xf32>
        %parallel_loop3A_391 = arith.mulf %parallel_loop3A_388, %parallel_loop3A_390 : vector<16xf32>
        %parallel_loop3A_392 = arith.constant 1 : i32
        %parallel_loop3A_393 = arith.constant 0 : i32
        %parallel_loop3A_394 = arith.constant 0 : i32
        %parallel_loop3A_395 = arith.constant 0 : i32
        %parallel_loop3A_396 = tpu.memref_slice %arg7[%parallel_loop3A_392, %parallel_loop3A_393, %parallel_loop3A_394, %parallel_loop3A_395] : memref<2x1x64x128xf32, #tpu.memory_space<vmem>> -> memref<1x1x64x128xf32, #tpu.memory_space<vmem>>
        %parallel_loop3A_397 = tpu.memref_squeeze %parallel_loop3A_396 : memref<1x1x64x128xf32, #tpu.memory_space<vmem>> -> memref<64x128xf32, #tpu.memory_space<vmem>>
        tpu.vector_store_idx %parallel_loop3A_397[%add3A_12, %parallel_loop3A_348], %parallel_loop3A_391 : memref<64x128xf32, #tpu.memory_space<vmem>>[vector<16xi32>, vector<16xi32>], vector<16xf32>,
        %parallel_loop3A_398 = arith.addi %parallel_loop3A_349, %add3A_15 : vector<16xi32>
        %parallel_loop3A_399 = arith.constant 1 : i32
        %parallel_loop3A_400 = arith.constant 0 : i32
        %parallel_loop3A_401 = arith.constant 0 : i32
        %parallel_loop3A_402 = tpu.memref_slice %arg6[%parallel_loop3A_399, %parallel_loop3A_400, %parallel_loop3A_401] : memref<4x128x128xf32, #tpu.memory_space<vmem>> -> memref<1x128x128xf32, #tpu.memory_space<vmem>>
        %parallel_loop3A_403 = tpu.memref_squeeze %parallel_loop3A_402 : memref<1x128x128xf32, #tpu.memory_space<vmem>> -> memref<128x128xf32, #tpu.memory_space<vmem>>
        %parallel_loop3A_404 = tpu.vector_load_idx %parallel_loop3A_403[%parallel_loop3A_348, %parallel_loop3A_398] : memref<128x128xf32, #tpu.memory_space<vmem>>[vector<16xi32>, vector<16xi32>], vector<16xf32>,
        %parallel_loop3A_405 = arith.constant 8.000000e+00 : f32
        %parallel_loop3A_406 = vector.broadcast %parallel_loop3A_405 : f32 to vector<16xf32>
        %parallel_loop3A_407 = arith.mulf %parallel_loop3A_404, %parallel_loop3A_406 : vector<16xf32>
        %parallel_loop3A_408 = arith.constant 1 : i32
        %parallel_loop3A_409 = arith.constant 0 : i32
        %parallel_loop3A_410 = arith.constant 0 : i32
        %parallel_loop3A_411 = arith.constant 0 : i32
        %parallel_loop3A_412 = tpu.memref_slice %arg7[%parallel_loop3A_408, %parallel_loop3A_409, %parallel_loop3A_410, %parallel_loop3A_411] : memref<2x1x64x128xf32, #tpu.memory_space<vmem>> -> memref<1x1x64x128xf32, #tpu.memory_space<vmem>>
        %parallel_loop3A_413 = tpu.memref_squeeze %parallel_loop3A_412 : memref<1x1x64x128xf32, #tpu.memory_space<vmem>> -> memref<64x128xf32, #tpu.memory_space<vmem>>
        tpu.vector_store_idx %parallel_loop3A_413[%add3A_15, %parallel_loop3A_348], %parallel_loop3A_407 : memref<64x128xf32, #tpu.memory_space<vmem>>[vector<16xi32>, vector<16xi32>], vector<16xf32>,
      } {sc.loop_unroll_factor = 4 : i64, sc.parallel_access}
      %mul3A_174 = arith.constant 128 : i32
      %mul3A_175 = arith.muli %add3A, %mul3A_174 : i32
      %dma_start3A_176 = arith.constant 1 : i32
      %dma_start3A_177 = arith.constant 0 : i32
      %dma_start3A_178 = arith.constant 0 : i32
      %dma_start3A_179 = arith.constant 0 : i32
      %dma_start3A_180 = tpu.memref_slice %arg7[%dma_start3A_176, %dma_start3A_177, %dma_start3A_178, %dma_start3A_179] : memref<2x1x64x128xf32, #tpu.memory_space<vmem>> -> memref<1x1x64x128xf32, #tpu.memory_space<vmem>>
      %dma_start3A_181 = tpu.memref_squeeze %dma_start3A_180 : memref<1x1x64x128xf32, #tpu.memory_space<vmem>> -> memref<1x64x128xf32, #tpu.memory_space<vmem>>
      %dma_start3A_182 = arith.constant 0 : i32
      %dma_start3A_183 = tpu.memref_slice %arg4[%add3A_140, %dma_start3A_182, %mul3A_175] : memref<200x64x4096xf32, #tpu.memory_space<hbm>> -> memref<1x64x128xf32, #tpu.memory_space<hbm>>
      %dma_start3A_184 = arith.constant 0 : i32
      %dma_start3A_185 = tpu.memref_slice %arg4[%add3A_140, %dma_start3A_184, %mul3A_175] : memref<200x64x4096xf32, #tpu.memory_space<hbm>> -> memref<1x64x128xf32, #tpu.memory_space<hbm>>
      %dma_start3A_186 = arith.constant 0 : i32
      %dma_start3A_187 = arith.constant 0 : i32
      %dma_start3A_188 = arith.constant 0 : i32
      %dma_start3A_189 = tpu.memref_slice %arg7[%dma_start3A_176, %dma_start3A_186, %dma_start3A_187, %dma_start3A_188] : memref<2x1x64x128xf32, #tpu.memory_space<vmem>> -> memref<1x1x64x128xf32, #tpu.memory_space<vmem>>
      %dma_start3A_190 = tpu.memref_squeeze %dma_start3A_189 : memref<1x1x64x128xf32, #tpu.memory_space<vmem>> -> memref<1x64x128xf32, #tpu.memory_space<vmem>>
      tpu.enqueue_dma source(%dma_start3A_190 : memref<1x64x128xf32, #tpu.memory_space<vmem>>) target(%dma_start3A_185 : memref<1x64x128xf32, #tpu.memory_space<hbm>>) target_semaphore(%arg15 : memref<!tpu.dma_semaphore, #tpu.memory_space<semaphore_mem>>)
      %mul3A_191 = arith.constant 4 : i32
      %mul3A_192 = arith.muli %scan3A_86, %mul3A_191 : i32
      %add3A_193 = arith.constant 2 : i32
      %add3A_194 = arith.addi %mul3A_192, %add3A_193 : i32
      %ge3A_195 = arith.constant 2 : i32
      %ge3A_196 = arith.cmpi sge, %add3A_194, %ge3A_195 : i32
      %convert_element_type3A_197 = arith.extui %ge3A_196 : i1 to i32
      %cond3A_198 = arith.constant 0 : i32
      %cond3A_199 = arith.cmpi ne, %convert_element_type3A_197, %cond3A_198 : i32
      scf.if %cond3A_199 {
        %sub3A = arith.constant 2 : i32
        %sub3A_299 = arith.subi %add3A_194, %sub3A : i32
        %mul3A_300 = arith.constant 128 : i32
        %mul3A_301 = arith.muli %add3A, %mul3A_300 : i32
        %dma_wait3A_302 = arith.constant 0 : i32
        %dma_wait3A_303 = arith.constant 0 : i32
        %dma_wait3A_304 = arith.constant 0 : i32
        %dma_wait3A_305 = arith.constant 0 : i32
        %dma_wait3A_306 = tpu.memref_slice %arg7[%dma_wait3A_302, %dma_wait3A_303, %dma_wait3A_304, %dma_wait3A_305] : memref<2x1x64x128xf32, #tpu.memory_space<vmem>> -> memref<1x1x64x128xf32, #tpu.memory_space<vmem>>
        %dma_wait3A_307 = tpu.memref_squeeze %dma_wait3A_306 : memref<1x1x64x128xf32, #tpu.memory_space<vmem>> -> memref<1x64x128xf32, #tpu.memory_space<vmem>>
        %dma_wait3A_308 = arith.constant 0 : i32
        %dma_wait3A_309 = tpu.memref_slice %arg4[%sub3A_299, %dma_wait3A_308, %mul3A_301] : memref<200x64x4096xf32, #tpu.memory_space<hbm>> -> memref<1x64x128xf32, #tpu.memory_space<hbm>>
        %dma_wait3A_310 = arith.constant 0 : i32
        %dma_wait3A_311 = tpu.memref_slice %arg4[%sub3A_299, %dma_wait3A_310, %mul3A_301] : memref<200x64x4096xf32, #tpu.memory_space<hbm>> -> memref<1x64x128xf32, #tpu.memory_space<hbm>>
        %dma_wait3A_312 = arith.constant 0 : i32
        %dma_wait3A_313 = arith.constant 0 : i32
        %dma_wait3A_314 = arith.constant 0 : i32
        %dma_wait3A_315 = tpu.memref_slice %arg7[%dma_wait3A_302, %dma_wait3A_312, %dma_wait3A_313, %dma_wait3A_314] : memref<2x1x64x128xf32, #tpu.memory_space<vmem>> -> memref<1x1x64x128xf32, #tpu.memory_space<vmem>>
        %dma_wait3A_316 = tpu.memref_squeeze %dma_wait3A_315 : memref<1x1x64x128xf32, #tpu.memory_space<vmem>> -> memref<1x64x128xf32, #tpu.memory_space<vmem>>
        tpu.wait_dma2 semaphore(%arg14 : memref<!tpu.dma_semaphore, #tpu.memory_space<semaphore_mem>>) src(%dma_wait3A_316 : memref<1x64x128xf32, #tpu.memory_space<vmem>>) dst(%dma_wait3A_311 : memref<1x64x128xf32, #tpu.memory_space<hbm>>)
      } else {
      }
      %add3A_200 = arith.constant 2 : i32
      %add3A_201 = arith.addi %add3A_194, %add3A_200 : i32
      %lt3A_202 = arith.constant 200 : i32
      %lt3A_203 = arith.cmpi slt, %add3A_201, %lt3A_202 : i32
      %convert_element_type3A_204 = arith.extui %lt3A_203 : i1 to i32
      %cond3A_205 = arith.constant 0 : i32
      %cond3A_206 = arith.cmpi ne, %convert_element_type3A_204, %cond3A_205 : i32
      scf.if %cond3A_206 {
        %add3A_299 = arith.constant 2 : i32
        %add3A_300 = arith.addi %add3A_194, %add3A_299 : i32
        %parallel_loop3A_301 = arith.constant 0 : i32
        %parallel_loop3A_302 = arith.constant 8 : i32
        %parallel_loop3A_303 = arith.constant 1 : i32
        scf.for %parallel_loop3A_316 = %parallel_loop3A_301 to %parallel_loop3A_302 step %parallel_loop3A_303  : i32 {
          %parallel_loop3A_317 = arith.constant 16 : i32
          %parallel_loop3A_318 = arith.muli %parallel_loop3A_316, %parallel_loop3A_317 : i32
          %parallel_loop3A_319 = arith.index_cast %add3A_300 : i32 to index
          %parallel_loop3A_320 = arith.index_cast %parallel_loop3A_318 : i32 to index
          %parallel_loop3A_321 = tpu.vector_load %arg5[%parallel_loop3A_319, %parallel_loop3A_320] {strides = array<i32>} : memref<200x128xi32, #tpu.memory_space<vmem>>, vector<16xi32>,
          %parallel_loop3A_322 = arith.constant 1 : i32
          %parallel_loop3A_323 = vector.broadcast %parallel_loop3A_322 : i32 to vector<16xi32>
          %parallel_loop3A_324 = arith.shrsi %parallel_loop3A_321, %parallel_loop3A_323 : vector<16xi32>
          %parallel_loop3A_325 = arith.constant 16 : i32
          %parallel_loop3A_326 = arith.muli %parallel_loop3A_316, %parallel_loop3A_325 : i32
          %parallel_loop3A_327 = arith.constant 0 : i32
          %parallel_loop3A_328 = arith.index_cast %parallel_loop3A_327 : i32 to index
          %parallel_loop3A_329 = arith.index_cast %parallel_loop3A_326 : i32 to index
          %parallel_loop3A_330 = tpu.vector_load %arg8[%parallel_loop3A_328, %parallel_loop3A_329] {strides = array<i32>} : memref<4x128xi32, #tpu.memory_space<vmem>>, vector<16xi32>,
          tpu.vector_store %arg8[%parallel_loop3A_328, %parallel_loop3A_329], %parallel_loop3A_324 {strides = array<i32>} : memref<4x128xi32, #tpu.memory_space<vmem>>, vector<16xi32>,
        } {sc.loop_unroll_factor = 1 : i64, sc.parallel_access}
        %dma_start3A_304 = arith.constant 0 : i32
        %dma_start3A_305 = arith.constant 0 : i32
        %dma_start3A_306 = arith.constant 0 : i32
        %dma_start3A_307 = arith.constant 0 : i32
        %dma_start3A_308 = tpu.memref_slice %arg6[%dma_start3A_305, %dma_start3A_306, %dma_start3A_307] : memref<4x128x128xf32, #tpu.memory_space<vmem>> -> memref<1x128x128xf32, #tpu.memory_space<vmem>>
        %dma_start3A_309 = tpu.memref_squeeze %dma_start3A_308 : memref<1x128x128xf32, #tpu.memory_space<vmem>> -> memref<128x128xf32, #tpu.memory_space<vmem>>
        %dma_start3A_310 = arith.constant 0 : i32
        %dma_start3A_311 = tpu.memref_slice %arg8[%dma_start3A_304, %dma_start3A_310] : memref<4x128xi32, #tpu.memory_space<vmem>> -> memref<1x128xi32, #tpu.memory_space<vmem>>
        %dma_start3A_312 = tpu.memref_squeeze %dma_start3A_311 : memref<1x128xi32, #tpu.memory_space<vmem>> -> memref<128xi32, #tpu.memory_space<vmem>>
        %dma_start3A_313 = arith.constant 0 : i32
        %dma_start3A_314 = arith.constant 0 : i32
        %dma_start3A_315 = tpu.memref_slice %arg3[%dma_start3A_313, %dma_start3A_314] : memref<500000x128xf32, #tpu.memory_space<hbm>> -> memref<500000x128xf32, #tpu.memory_space<hbm>>
        tpu.enqueue_indirect_dma source(%dma_start3A_315 : memref<500000x128xf32, #tpu.memory_space<hbm>>) target(%dma_start3A_309 : memref<128x128xf32, #tpu.memory_space<vmem>>) offsets(%dma_start3A_312 : memref<128xi32, #tpu.memory_space<vmem>>) semaphore(%arg10 : memref<!tpu.dma_semaphore, #tpu.memory_space<semaphore_mem>>)
      } else {
      }
      %dma_wait3A_207 = arith.constant 2 : i32
      %dma_wait3A_208 = arith.constant 0 : i32
      %dma_wait3A_209 = arith.constant 0 : i32
      %dma_wait3A_210 = tpu.memref_slice %arg6[%dma_wait3A_207, %dma_wait3A_208, %dma_wait3A_209] : memref<4x128x128xf32, #tpu.memory_space<vmem>> -> memref<1x128x128xf32, #tpu.memory_space<vmem>>
      %dma_wait3A_211 = tpu.memref_squeeze %dma_wait3A_210 : memref<1x128x128xf32, #tpu.memory_space<vmem>> -> memref<128x128xf32, #tpu.memory_space<vmem>>
      %dma_wait3A_212 = arith.constant 0 : i32
      %dma_wait3A_213 = arith.constant 0 : i32
      %dma_wait3A_214 = tpu.memref_slice %arg3[%dma_wait3A_212, %dma_wait3A_213] : memref<500000x128xf32, #tpu.memory_space<hbm>> -> memref<128x128xf32, #tpu.memory_space<hbm>>
      %dma_wait3A_215 = arith.constant 0 : i32
      %dma_wait3A_216 = arith.constant 0 : i32
      %dma_wait3A_217 = tpu.memref_slice %arg6[%dma_wait3A_207, %dma_wait3A_215, %dma_wait3A_216] : memref<4x128x128xf32, #tpu.memory_space<vmem>> -> memref<1x128x128xf32, #tpu.memory_space<vmem>>
      %dma_wait3A_218 = tpu.memref_squeeze %dma_wait3A_217 : memref<1x128x128xf32, #tpu.memory_space<vmem>> -> memref<128x128xf32, #tpu.memory_space<vmem>>
      %dma_wait3A_219 = arith.constant 0 : i32
      %dma_wait3A_220 = arith.constant 0 : i32
      %dma_wait3A_221 = tpu.memref_slice %arg3[%dma_wait3A_219, %dma_wait3A_220] : memref<500000x128xf32, #tpu.memory_space<hbm>> -> memref<128x128xf32, #tpu.memory_space<hbm>>
      tpu.wait_dma2 semaphore(%arg12 : memref<!tpu.dma_semaphore, #tpu.memory_space<semaphore_mem>>) src(%dma_wait3A_221 : memref<128x128xf32, #tpu.memory_space<hbm>>) dst(%dma_wait3A_218 : memref<128x128xf32, #tpu.memory_space<vmem>>)
      %parallel_loop3A_222 = arith.constant 0 : i32
      %parallel_loop3A_223 = arith.constant 8 : i32
      %parallel_loop3A_224 = arith.constant 1 : i32
      scf.for %parallel_loop3A_299 = %parallel_loop3A_222 to %parallel_loop3A_223 step %parallel_loop3A_224  : i32 {
        %parallel_loop3A_300 = arith.constant 16 : i32
        %parallel_loop3A_301 = arith.muli %parallel_loop3A_299, %parallel_loop3A_300 : i32
        %parallel_loop3A_302 = arith.index_cast %add3A_194 : i32 to index
        %parallel_loop3A_303 = arith.index_cast %parallel_loop3A_301 : i32 to index
        %parallel_loop3A_304 = tpu.vector_load %arg5[%parallel_loop3A_302, %parallel_loop3A_303] {strides = array<i32>} : memref<200x128xi32, #tpu.memory_space<vmem>>, vector<16xi32>,
        %parallel_loop3A_305 = arith.constant 1 : i32
        %parallel_loop3A_306 = vector.broadcast %parallel_loop3A_305 : i32 to vector<16xi32>
        %parallel_loop3A_307 = arith.andi %parallel_loop3A_304, %parallel_loop3A_306 : vector<16xi32>
        %parallel_loop3A_308 = arith.constant 6 : i32
        %parallel_loop3A_309 = vector.broadcast %parallel_loop3A_308 : i32 to vector<16xi32>
        %parallel_loop3A_310 = arith.shli %parallel_loop3A_307, %parallel_loop3A_309 : vector<16xi32>
        %parallel_loop3A_311 = arith.constant 16 : i32
        %parallel_loop3A_312 = arith.muli %parallel_loop3A_299, %parallel_loop3A_311 : i32
        %parallel_loop3A_313 = arith.index_cast %parallel_loop3A_312 : i32 to index
        %parallel_loop3A_314 = tpu.vector_load %arg9[%parallel_loop3A_313] {strides = array<i32>} : memref<128xi32, #tpu.memory_space<vmem>>, vector<16xi32>,
        tpu.vector_store %arg9[%parallel_loop3A_313], %parallel_loop3A_310 {strides = array<i32>} : memref<128xi32, #tpu.memory_space<vmem>>, vector<16xi32>,
      } {sc.loop_unroll_factor = 1 : i64, sc.parallel_access}
      %parallel_loop3A_225 = arith.constant 0 : i32
      %parallel_loop3A_226 = arith.constant 128 : i32
      %parallel_loop3A_227 = arith.constant 1 : i32
      scf.for %parallel_loop3A_299 = %parallel_loop3A_225 to %parallel_loop3A_226 step %parallel_loop3A_227  : i32 {
        %parallel_loop3A_300 = arith.constant 16 : i32
        %parallel_loop3A_301 = arith.divsi %parallel_loop3A_299, %parallel_loop3A_300 : i32
        %parallel_loop3A_302 = arith.constant 0 : i32
        %parallel_loop3A_303 = arith.cmpi sgt, %parallel_loop3A_299, %parallel_loop3A_302 : i32
        %parallel_loop3A_304 = arith.extui %parallel_loop3A_303 : i1 to i32
        %parallel_loop3A_305 = arith.constant 0 : i32
        %parallel_loop3A_306 = arith.cmpi slt, %parallel_loop3A_299, %parallel_loop3A_305 : i32
        %parallel_loop3A_307 = arith.extui %parallel_loop3A_306 : i1 to i32
        %parallel_loop3A_308 = arith.subi %parallel_loop3A_304, %parallel_loop3A_307 : i32
        %parallel_loop3A_309 = arith.constant 0 : i32
        %parallel_loop3A_310 = arith.cmpi sgt, %parallel_loop3A_300, %parallel_loop3A_309 : i32
        %parallel_loop3A_311 = arith.extui %parallel_loop3A_310 : i1 to i32
        %parallel_loop3A_312 = arith.constant 0 : i32
        %parallel_loop3A_313 = arith.cmpi slt, %parallel_loop3A_300, %parallel_loop3A_312 : i32
        %parallel_loop3A_314 = arith.extui %parallel_loop3A_313 : i1 to i32
        %parallel_loop3A_315 = arith.subi %parallel_loop3A_311, %parallel_loop3A_314 : i32
        %parallel_loop3A_316 = arith.cmpi ne, %parallel_loop3A_308, %parallel_loop3A_315 : i32
        %parallel_loop3A_317 = arith.remsi %parallel_loop3A_299, %parallel_loop3A_300 : i32
        %parallel_loop3A_318 = arith.constant 0 : i32
        %parallel_loop3A_319 = arith.cmpi ne, %parallel_loop3A_317, %parallel_loop3A_318 : i32
        %parallel_loop3A_320 = arith.andi %parallel_loop3A_316, %parallel_loop3A_319 : i1
        %parallel_loop3A_321 = arith.constant 1 : i32
        %parallel_loop3A_322 = arith.subi %parallel_loop3A_301, %parallel_loop3A_321 : i32
        %parallel_loop3A_323 = arith.select %parallel_loop3A_320, %parallel_loop3A_322, %parallel_loop3A_301 : i32
        %parallel_loop3A_324 = arith.constant 16 : i32
        %parallel_loop3A_325 = arith.muli %parallel_loop3A_323, %parallel_loop3A_324 : i32
        %parallel_loop3A_326 = arith.constant 16 : i32
        %parallel_loop3A_327 = arith.constant 0 : i32
        %parallel_loop3A_328 = arith.cmpi eq, %parallel_loop3A_326, %parallel_loop3A_327 : i32
        %parallel_loop3A_329 = arith.constant 1 : i32
        %parallel_loop3A_330 = arith.select %parallel_loop3A_328, %parallel_loop3A_329, %parallel_loop3A_326 : i32
        %parallel_loop3A_331 = arith.remsi %parallel_loop3A_299, %parallel_loop3A_330 : i32
        %parallel_loop3A_332 = arith.constant 0 : i32
        %parallel_loop3A_333 = arith.cmpi ne, %parallel_loop3A_331, %parallel_loop3A_332 : i32
        %parallel_loop3A_334 = arith.constant 0 : i32
        %parallel_loop3A_335 = arith.cmpi slt, %parallel_loop3A_331, %parallel_loop3A_334 : i32
        %parallel_loop3A_336 = arith.constant 0 : i32
        %parallel_loop3A_337 = arith.cmpi slt, %parallel_loop3A_330, %parallel_loop3A_336 : i32
        %parallel_loop3A_338 = arith.xori %parallel_loop3A_335, %parallel_loop3A_337 : i1
        %parallel_loop3A_339 = arith.andi %parallel_loop3A_338, %parallel_loop3A_333 : i1
        %parallel_loop3A_340 = arith.addi %parallel_loop3A_331, %parallel_loop3A_330 : i32
        %parallel_loop3A_341 = arith.select %parallel_loop3A_339, %parallel_loop3A_340, %parallel_loop3A_331 : i32
        %parallel_loop3A_342 = vector.broadcast %parallel_loop3A_341 : i32 to vector<16xi32>
        %parallel_loop3A_343 = arith.addi %iota3A, %parallel_loop3A_342 : vector<16xi32>
        %parallel_loop3A_344 = arith.constant 15 : i32
        %parallel_loop3A_345 = vector.broadcast %parallel_loop3A_344 : i32 to vector<16xi32>
        %parallel_loop3A_346 = arith.andi %parallel_loop3A_343, %parallel_loop3A_345 : vector<16xi32>
        %parallel_loop3A_347 = vector.broadcast %parallel_loop3A_325 : i32 to vector<16xi32>
        %parallel_loop3A_348 = arith.addi %parallel_loop3A_347, %parallel_loop3A_346 : vector<16xi32>
        %parallel_loop3A_349 = tpu.vector_load_idx %arg9[%parallel_loop3A_348] : memref<128xi32, #tpu.memory_space<vmem>>[vector<16xi32>], vector<16xi32>,
        %parallel_loop3A_350 = arith.addi %parallel_loop3A_349, %add3A_6 : vector<16xi32>
        %parallel_loop3A_351 = arith.constant 2 : i32
        %parallel_loop3A_352 = arith.constant 0 : i32
        %parallel_loop3A_353 = arith.constant 0 : i32
        %parallel_loop3A_354 = tpu.memref_slice %arg6[%parallel_loop3A_351, %parallel_loop3A_352, %parallel_loop3A_353] : memref<4x128x128xf32, #tpu.memory_space<vmem>> -> memref<1x128x128xf32, #tpu.memory_space<vmem>>
        %parallel_loop3A_355 = tpu.memref_squeeze %parallel_loop3A_354 : memref<1x128x128xf32, #tpu.memory_space<vmem>> -> memref<128x128xf32, #tpu.memory_space<vmem>>
        %parallel_loop3A_356 = tpu.vector_load_idx %parallel_loop3A_355[%parallel_loop3A_348, %parallel_loop3A_350] : memref<128x128xf32, #tpu.memory_space<vmem>>[vector<16xi32>, vector<16xi32>], vector<16xf32>,
        %parallel_loop3A_357 = arith.constant 8.000000e+00 : f32
        %parallel_loop3A_358 = vector.broadcast %parallel_loop3A_357 : f32 to vector<16xf32>
        %parallel_loop3A_359 = arith.mulf %parallel_loop3A_356, %parallel_loop3A_358 : vector<16xf32>
        %parallel_loop3A_360 = arith.constant 0 : i32
        %parallel_loop3A_361 = arith.constant 0 : i32
        %parallel_loop3A_362 = arith.constant 0 : i32
        %parallel_loop3A_363 = arith.constant 0 : i32
        %parallel_loop3A_364 = tpu.memref_slice %arg7[%parallel_loop3A_360, %parallel_loop3A_361, %parallel_loop3A_362, %parallel_loop3A_363] : memref<2x1x64x128xf32, #tpu.memory_space<vmem>> -> memref<1x1x64x128xf32, #tpu.memory_space<vmem>>
        %parallel_loop3A_365 = tpu.memref_squeeze %parallel_loop3A_364 : memref<1x1x64x128xf32, #tpu.memory_space<vmem>> -> memref<64x128xf32, #tpu.memory_space<vmem>>
        tpu.vector_store_idx %parallel_loop3A_365[%add3A_6, %parallel_loop3A_348], %parallel_loop3A_359 : memref<64x128xf32, #tpu.memory_space<vmem>>[vector<16xi32>, vector<16xi32>], vector<16xf32>,
        %parallel_loop3A_366 = arith.addi %parallel_loop3A_349, %add3A_9 : vector<16xi32>
        %parallel_loop3A_367 = arith.constant 2 : i32
        %parallel_loop3A_368 = arith.constant 0 : i32
        %parallel_loop3A_369 = arith.constant 0 : i32
        %parallel_loop3A_370 = tpu.memref_slice %arg6[%parallel_loop3A_367, %parallel_loop3A_368, %parallel_loop3A_369] : memref<4x128x128xf32, #tpu.memory_space<vmem>> -> memref<1x128x128xf32, #tpu.memory_space<vmem>>
        %parallel_loop3A_371 = tpu.memref_squeeze %parallel_loop3A_370 : memref<1x128x128xf32, #tpu.memory_space<vmem>> -> memref<128x128xf32, #tpu.memory_space<vmem>>
        %parallel_loop3A_372 = tpu.vector_load_idx %parallel_loop3A_371[%parallel_loop3A_348, %parallel_loop3A_366] : memref<128x128xf32, #tpu.memory_space<vmem>>[vector<16xi32>, vector<16xi32>], vector<16xf32>,
        %parallel_loop3A_373 = arith.constant 8.000000e+00 : f32
        %parallel_loop3A_374 = vector.broadcast %parallel_loop3A_373 : f32 to vector<16xf32>
        %parallel_loop3A_375 = arith.mulf %parallel_loop3A_372, %parallel_loop3A_374 : vector<16xf32>
        %parallel_loop3A_376 = arith.constant 0 : i32
        %parallel_loop3A_377 = arith.constant 0 : i32
        %parallel_loop3A_378 = arith.constant 0 : i32
        %parallel_loop3A_379 = arith.constant 0 : i32
        %parallel_loop3A_380 = tpu.memref_slice %arg7[%parallel_loop3A_376, %parallel_loop3A_377, %parallel_loop3A_378, %parallel_loop3A_379] : memref<2x1x64x128xf32, #tpu.memory_space<vmem>> -> memref<1x1x64x128xf32, #tpu.memory_space<vmem>>
        %parallel_loop3A_381 = tpu.memref_squeeze %parallel_loop3A_380 : memref<1x1x64x128xf32, #tpu.memory_space<vmem>> -> memref<64x128xf32, #tpu.memory_space<vmem>>
        tpu.vector_store_idx %parallel_loop3A_381[%add3A_9, %parallel_loop3A_348], %parallel_loop3A_375 : memref<64x128xf32, #tpu.memory_space<vmem>>[vector<16xi32>, vector<16xi32>], vector<16xf32>,
        %parallel_loop3A_382 = arith.addi %parallel_loop3A_349, %add3A_12 : vector<16xi32>
        %parallel_loop3A_383 = arith.constant 2 : i32
        %parallel_loop3A_384 = arith.constant 0 : i32
        %parallel_loop3A_385 = arith.constant 0 : i32
        %parallel_loop3A_386 = tpu.memref_slice %arg6[%parallel_loop3A_383, %parallel_loop3A_384, %parallel_loop3A_385] : memref<4x128x128xf32, #tpu.memory_space<vmem>> -> memref<1x128x128xf32, #tpu.memory_space<vmem>>
        %parallel_loop3A_387 = tpu.memref_squeeze %parallel_loop3A_386 : memref<1x128x128xf32, #tpu.memory_space<vmem>> -> memref<128x128xf32, #tpu.memory_space<vmem>>
        %parallel_loop3A_388 = tpu.vector_load_idx %parallel_loop3A_387[%parallel_loop3A_348, %parallel_loop3A_382] : memref<128x128xf32, #tpu.memory_space<vmem>>[vector<16xi32>, vector<16xi32>], vector<16xf32>,
        %parallel_loop3A_389 = arith.constant 8.000000e+00 : f32
        %parallel_loop3A_390 = vector.broadcast %parallel_loop3A_389 : f32 to vector<16xf32>
        %parallel_loop3A_391 = arith.mulf %parallel_loop3A_388, %parallel_loop3A_390 : vector<16xf32>
        %parallel_loop3A_392 = arith.constant 0 : i32
        %parallel_loop3A_393 = arith.constant 0 : i32
        %parallel_loop3A_394 = arith.constant 0 : i32
        %parallel_loop3A_395 = arith.constant 0 : i32
        %parallel_loop3A_396 = tpu.memref_slice %arg7[%parallel_loop3A_392, %parallel_loop3A_393, %parallel_loop3A_394, %parallel_loop3A_395] : memref<2x1x64x128xf32, #tpu.memory_space<vmem>> -> memref<1x1x64x128xf32, #tpu.memory_space<vmem>>
        %parallel_loop3A_397 = tpu.memref_squeeze %parallel_loop3A_396 : memref<1x1x64x128xf32, #tpu.memory_space<vmem>> -> memref<64x128xf32, #tpu.memory_space<vmem>>
        tpu.vector_store_idx %parallel_loop3A_397[%add3A_12, %parallel_loop3A_348], %parallel_loop3A_391 : memref<64x128xf32, #tpu.memory_space<vmem>>[vector<16xi32>, vector<16xi32>], vector<16xf32>,
        %parallel_loop3A_398 = arith.addi %parallel_loop3A_349, %add3A_15 : vector<16xi32>
        %parallel_loop3A_399 = arith.constant 2 : i32
        %parallel_loop3A_400 = arith.constant 0 : i32
        %parallel_loop3A_401 = arith.constant 0 : i32
        %parallel_loop3A_402 = tpu.memref_slice %arg6[%parallel_loop3A_399, %parallel_loop3A_400, %parallel_loop3A_401] : memref<4x128x128xf32, #tpu.memory_space<vmem>> -> memref<1x128x128xf32, #tpu.memory_space<vmem>>
        %parallel_loop3A_403 = tpu.memref_squeeze %parallel_loop3A_402 : memref<1x128x128xf32, #tpu.memory_space<vmem>> -> memref<128x128xf32, #tpu.memory_space<vmem>>
        %parallel_loop3A_404 = tpu.vector_load_idx %parallel_loop3A_403[%parallel_loop3A_348, %parallel_loop3A_398] : memref<128x128xf32, #tpu.memory_space<vmem>>[vector<16xi32>, vector<16xi32>], vector<16xf32>,
        %parallel_loop3A_405 = arith.constant 8.000000e+00 : f32
        %parallel_loop3A_406 = vector.broadcast %parallel_loop3A_405 : f32 to vector<16xf32>
        %parallel_loop3A_407 = arith.mulf %parallel_loop3A_404, %parallel_loop3A_406 : vector<16xf32>
        %parallel_loop3A_408 = arith.constant 0 : i32
        %parallel_loop3A_409 = arith.constant 0 : i32
        %parallel_loop3A_410 = arith.constant 0 : i32
        %parallel_loop3A_411 = arith.constant 0 : i32
        %parallel_loop3A_412 = tpu.memref_slice %arg7[%parallel_loop3A_408, %parallel_loop3A_409, %parallel_loop3A_410, %parallel_loop3A_411] : memref<2x1x64x128xf32, #tpu.memory_space<vmem>> -> memref<1x1x64x128xf32, #tpu.memory_space<vmem>>
        %parallel_loop3A_413 = tpu.memref_squeeze %parallel_loop3A_412 : memref<1x1x64x128xf32, #tpu.memory_space<vmem>> -> memref<64x128xf32, #tpu.memory_space<vmem>>
        tpu.vector_store_idx %parallel_loop3A_413[%add3A_15, %parallel_loop3A_348], %parallel_loop3A_407 : memref<64x128xf32, #tpu.memory_space<vmem>>[vector<16xi32>, vector<16xi32>], vector<16xf32>,
      } {sc.loop_unroll_factor = 4 : i64, sc.parallel_access}
      %mul3A_228 = arith.constant 128 : i32
      %mul3A_229 = arith.muli %add3A, %mul3A_228 : i32
      %dma_start3A_230 = arith.constant 0 : i32
      %dma_start3A_231 = arith.constant 0 : i32
      %dma_start3A_232 = arith.constant 0 : i32
      %dma_start3A_233 = arith.constant 0 : i32
      %dma_start3A_234 = tpu.memref_slice %arg7[%dma_start3A_230, %dma_start3A_231, %dma_start3A_232, %dma_start3A_233] : memref<2x1x64x128xf32, #tpu.memory_space<vmem>> -> memref<1x1x64x128xf32, #tpu.memory_space<vmem>>
      %dma_start3A_235 = tpu.memref_squeeze %dma_start3A_234 : memref<1x1x64x128xf32, #tpu.memory_space<vmem>> -> memref<1x64x128xf32, #tpu.memory_space<vmem>>
      %dma_start3A_236 = arith.constant 0 : i32
      %dma_start3A_237 = tpu.memref_slice %arg4[%add3A_194, %dma_start3A_236, %mul3A_229] : memref<200x64x4096xf32, #tpu.memory_space<hbm>> -> memref<1x64x128xf32, #tpu.memory_space<hbm>>
      %dma_start3A_238 = arith.constant 0 : i32
      %dma_start3A_239 = tpu.memref_slice %arg4[%add3A_194, %dma_start3A_238, %mul3A_229] : memref<200x64x4096xf32, #tpu.memory_space<hbm>> -> memref<1x64x128xf32, #tpu.memory_space<hbm>>
      %dma_start3A_240 = arith.constant 0 : i32
      %dma_start3A_241 = arith.constant 0 : i32
      %dma_start3A_242 = arith.constant 0 : i32
      %dma_start3A_243 = tpu.memref_slice %arg7[%dma_start3A_230, %dma_start3A_240, %dma_start3A_241, %dma_start3A_242] : memref<2x1x64x128xf32, #tpu.memory_space<vmem>> -> memref<1x1x64x128xf32, #tpu.memory_space<vmem>>
      %dma_start3A_244 = tpu.memref_squeeze %dma_start3A_243 : memref<1x1x64x128xf32, #tpu.memory_space<vmem>> -> memref<1x64x128xf32, #tpu.memory_space<vmem>>
      tpu.enqueue_dma source(%dma_start3A_244 : memref<1x64x128xf32, #tpu.memory_space<vmem>>) target(%dma_start3A_239 : memref<1x64x128xf32, #tpu.memory_space<hbm>>) target_semaphore(%arg14 : memref<!tpu.dma_semaphore, #tpu.memory_space<semaphore_mem>>)
      %mul3A_245 = arith.constant 4 : i32
      %mul3A_246 = arith.muli %scan3A_86, %mul3A_245 : i32
      %add3A_247 = arith.constant 3 : i32
      %add3A_248 = arith.addi %mul3A_246, %add3A_247 : i32
      %ge3A_249 = arith.constant 2 : i32
      %ge3A_250 = arith.cmpi sge, %add3A_248, %ge3A_249 : i32
      %convert_element_type3A_251 = arith.extui %ge3A_250 : i1 to i32
      %cond3A_252 = arith.constant 0 : i32
      %cond3A_253 = arith.cmpi ne, %convert_element_type3A_251, %cond3A_252 : i32
      scf.if %cond3A_253 {
        %sub3A = arith.constant 2 : i32
        %sub3A_299 = arith.subi %add3A_248, %sub3A : i32
        %mul3A_300 = arith.constant 128 : i32
        %mul3A_301 = arith.muli %add3A, %mul3A_300 : i32
        %dma_wait3A_302 = arith.constant 1 : i32
        %dma_wait3A_303 = arith.constant 0 : i32
        %dma_wait3A_304 = arith.constant 0 : i32
        %dma_wait3A_305 = arith.constant 0 : i32
        %dma_wait3A_306 = tpu.memref_slice %arg7[%dma_wait3A_302, %dma_wait3A_303, %dma_wait3A_304, %dma_wait3A_305] : memref<2x1x64x128xf32, #tpu.memory_space<vmem>> -> memref<1x1x64x128xf32, #tpu.memory_space<vmem>>
        %dma_wait3A_307 = tpu.memref_squeeze %dma_wait3A_306 : memref<1x1x64x128xf32, #tpu.memory_space<vmem>> -> memref<1x64x128xf32, #tpu.memory_space<vmem>>
        %dma_wait3A_308 = arith.constant 0 : i32
        %dma_wait3A_309 = tpu.memref_slice %arg4[%sub3A_299, %dma_wait3A_308, %mul3A_301] : memref<200x64x4096xf32, #tpu.memory_space<hbm>> -> memref<1x64x128xf32, #tpu.memory_space<hbm>>
        %dma_wait3A_310 = arith.constant 0 : i32
        %dma_wait3A_311 = tpu.memref_slice %arg4[%sub3A_299, %dma_wait3A_310, %mul3A_301] : memref<200x64x4096xf32, #tpu.memory_space<hbm>> -> memref<1x64x128xf32, #tpu.memory_space<hbm>>
        %dma_wait3A_312 = arith.constant 0 : i32
        %dma_wait3A_313 = arith.constant 0 : i32
        %dma_wait3A_314 = arith.constant 0 : i32
        %dma_wait3A_315 = tpu.memref_slice %arg7[%dma_wait3A_302, %dma_wait3A_312, %dma_wait3A_313, %dma_wait3A_314] : memref<2x1x64x128xf32, #tpu.memory_space<vmem>> -> memref<1x1x64x128xf32, #tpu.memory_space<vmem>>
        %dma_wait3A_316 = tpu.memref_squeeze %dma_wait3A_315 : memref<1x1x64x128xf32, #tpu.memory_space<vmem>> -> memref<1x64x128xf32, #tpu.memory_space<vmem>>
        tpu.wait_dma2 semaphore(%arg15 : memref<!tpu.dma_semaphore, #tpu.memory_space<semaphore_mem>>) src(%dma_wait3A_316 : memref<1x64x128xf32, #tpu.memory_space<vmem>>) dst(%dma_wait3A_311 : memref<1x64x128xf32, #tpu.memory_space<hbm>>)
      } else {
      }
      %add3A_254 = arith.constant 2 : i32
      %add3A_255 = arith.addi %add3A_248, %add3A_254 : i32
      %lt3A_256 = arith.constant 200 : i32
      %lt3A_257 = arith.cmpi slt, %add3A_255, %lt3A_256 : i32
      %convert_element_type3A_258 = arith.extui %lt3A_257 : i1 to i32
      %cond3A_259 = arith.constant 0 : i32
      %cond3A_260 = arith.cmpi ne, %convert_element_type3A_258, %cond3A_259 : i32
      scf.if %cond3A_260 {
        %add3A_299 = arith.constant 2 : i32
        %add3A_300 = arith.addi %add3A_248, %add3A_299 : i32
        %parallel_loop3A_301 = arith.constant 0 : i32
        %parallel_loop3A_302 = arith.constant 8 : i32
        %parallel_loop3A_303 = arith.constant 1 : i32
        scf.for %parallel_loop3A_316 = %parallel_loop3A_301 to %parallel_loop3A_302 step %parallel_loop3A_303  : i32 {
          %parallel_loop3A_317 = arith.constant 16 : i32
          %parallel_loop3A_318 = arith.muli %parallel_loop3A_316, %parallel_loop3A_317 : i32
          %parallel_loop3A_319 = arith.index_cast %add3A_300 : i32 to index
          %parallel_loop3A_320 = arith.index_cast %parallel_loop3A_318 : i32 to index
          %parallel_loop3A_321 = tpu.vector_load %arg5[%parallel_loop3A_319, %parallel_loop3A_320] {strides = array<i32>} : memref<200x128xi32, #tpu.memory_space<vmem>>, vector<16xi32>,
          %parallel_loop3A_322 = arith.constant 1 : i32
          %parallel_loop3A_323 = vector.broadcast %parallel_loop3A_322 : i32 to vector<16xi32>
          %parallel_loop3A_324 = arith.shrsi %parallel_loop3A_321, %parallel_loop3A_323 : vector<16xi32>
          %parallel_loop3A_325 = arith.constant 16 : i32
          %parallel_loop3A_326 = arith.muli %parallel_loop3A_316, %parallel_loop3A_325 : i32
          %parallel_loop3A_327 = arith.constant 1 : i32
          %parallel_loop3A_328 = arith.index_cast %parallel_loop3A_327 : i32 to index
          %parallel_loop3A_329 = arith.index_cast %parallel_loop3A_326 : i32 to index
          %parallel_loop3A_330 = tpu.vector_load %arg8[%parallel_loop3A_328, %parallel_loop3A_329] {strides = array<i32>} : memref<4x128xi32, #tpu.memory_space<vmem>>, vector<16xi32>,
          tpu.vector_store %arg8[%parallel_loop3A_328, %parallel_loop3A_329], %parallel_loop3A_324 {strides = array<i32>} : memref<4x128xi32, #tpu.memory_space<vmem>>, vector<16xi32>,
        } {sc.loop_unroll_factor = 1 : i64, sc.parallel_access}
        %dma_start3A_304 = arith.constant 1 : i32
        %dma_start3A_305 = arith.constant 1 : i32
        %dma_start3A_306 = arith.constant 0 : i32
        %dma_start3A_307 = arith.constant 0 : i32
        %dma_start3A_308 = tpu.memref_slice %arg6[%dma_start3A_305, %dma_start3A_306, %dma_start3A_307] : memref<4x128x128xf32, #tpu.memory_space<vmem>> -> memref<1x128x128xf32, #tpu.memory_space<vmem>>
        %dma_start3A_309 = tpu.memref_squeeze %dma_start3A_308 : memref<1x128x128xf32, #tpu.memory_space<vmem>> -> memref<128x128xf32, #tpu.memory_space<vmem>>
        %dma_start3A_310 = arith.constant 0 : i32
        %dma_start3A_311 = tpu.memref_slice %arg8[%dma_start3A_304, %dma_start3A_310] : memref<4x128xi32, #tpu.memory_space<vmem>> -> memref<1x128xi32, #tpu.memory_space<vmem>>
        %dma_start3A_312 = tpu.memref_squeeze %dma_start3A_311 : memref<1x128xi32, #tpu.memory_space<vmem>> -> memref<128xi32, #tpu.memory_space<vmem>>
        %dma_start3A_313 = arith.constant 0 : i32
        %dma_start3A_314 = arith.constant 0 : i32
        %dma_start3A_315 = tpu.memref_slice %arg3[%dma_start3A_313, %dma_start3A_314] : memref<500000x128xf32, #tpu.memory_space<hbm>> -> memref<500000x128xf32, #tpu.memory_space<hbm>>
        tpu.enqueue_indirect_dma source(%dma_start3A_315 : memref<500000x128xf32, #tpu.memory_space<hbm>>) target(%dma_start3A_309 : memref<128x128xf32, #tpu.memory_space<vmem>>) offsets(%dma_start3A_312 : memref<128xi32, #tpu.memory_space<vmem>>) semaphore(%arg11 : memref<!tpu.dma_semaphore, #tpu.memory_space<semaphore_mem>>)
      } else {
      }
      %dma_wait3A_261 = arith.constant 3 : i32
      %dma_wait3A_262 = arith.constant 0 : i32
      %dma_wait3A_263 = arith.constant 0 : i32
      %dma_wait3A_264 = tpu.memref_slice %arg6[%dma_wait3A_261, %dma_wait3A_262, %dma_wait3A_263] : memref<4x128x128xf32, #tpu.memory_space<vmem>> -> memref<1x128x128xf32, #tpu.memory_space<vmem>>
      %dma_wait3A_265 = tpu.memref_squeeze %dma_wait3A_264 : memref<1x128x128xf32, #tpu.memory_space<vmem>> -> memref<128x128xf32, #tpu.memory_space<vmem>>
      %dma_wait3A_266 = arith.constant 0 : i32
      %dma_wait3A_267 = arith.constant 0 : i32
      %dma_wait3A_268 = tpu.memref_slice %arg3[%dma_wait3A_266, %dma_wait3A_267] : memref<500000x128xf32, #tpu.memory_space<hbm>> -> memref<128x128xf32, #tpu.memory_space<hbm>>
      %dma_wait3A_269 = arith.constant 0 : i32
      %dma_wait3A_270 = arith.constant 0 : i32
      %dma_wait3A_271 = tpu.memref_slice %arg6[%dma_wait3A_261, %dma_wait3A_269, %dma_wait3A_270] : memref<4x128x128xf32, #tpu.memory_space<vmem>> -> memref<1x128x128xf32, #tpu.memory_space<vmem>>
      %dma_wait3A_272 = tpu.memref_squeeze %dma_wait3A_271 : memref<1x128x128xf32, #tpu.memory_space<vmem>> -> memref<128x128xf32, #tpu.memory_space<vmem>>
      %dma_wait3A_273 = arith.constant 0 : i32
      %dma_wait3A_274 = arith.constant 0 : i32
      %dma_wait3A_275 = tpu.memref_slice %arg3[%dma_wait3A_273, %dma_wait3A_274] : memref<500000x128xf32, #tpu.memory_space<hbm>> -> memref<128x128xf32, #tpu.memory_space<hbm>>
      tpu.wait_dma2 semaphore(%arg13 : memref<!tpu.dma_semaphore, #tpu.memory_space<semaphore_mem>>) src(%dma_wait3A_275 : memref<128x128xf32, #tpu.memory_space<hbm>>) dst(%dma_wait3A_272 : memref<128x128xf32, #tpu.memory_space<vmem>>)
      %parallel_loop3A_276 = arith.constant 0 : i32
      %parallel_loop3A_277 = arith.constant 8 : i32
      %parallel_loop3A_278 = arith.constant 1 : i32
      scf.for %parallel_loop3A_299 = %parallel_loop3A_276 to %parallel_loop3A_277 step %parallel_loop3A_278  : i32 {
        %parallel_loop3A_300 = arith.constant 16 : i32
        %parallel_loop3A_301 = arith.muli %parallel_loop3A_299, %parallel_loop3A_300 : i32
        %parallel_loop3A_302 = arith.index_cast %add3A_248 : i32 to index
        %parallel_loop3A_303 = arith.index_cast %parallel_loop3A_301 : i32 to index
        %parallel_loop3A_304 = tpu.vector_load %arg5[%parallel_loop3A_302, %parallel_loop3A_303] {strides = array<i32>} : memref<200x128xi32, #tpu.memory_space<vmem>>, vector<16xi32>,
        %parallel_loop3A_305 = arith.constant 1 : i32
        %parallel_loop3A_306 = vector.broadcast %parallel_loop3A_305 : i32 to vector<16xi32>
        %parallel_loop3A_307 = arith.andi %parallel_loop3A_304, %parallel_loop3A_306 : vector<16xi32>
        %parallel_loop3A_308 = arith.constant 6 : i32
        %parallel_loop3A_309 = vector.broadcast %parallel_loop3A_308 : i32 to vector<16xi32>
        %parallel_loop3A_310 = arith.shli %parallel_loop3A_307, %parallel_loop3A_309 : vector<16xi32>
        %parallel_loop3A_311 = arith.constant 16 : i32
        %parallel_loop3A_312 = arith.muli %parallel_loop3A_299, %parallel_loop3A_311 : i32
        %parallel_loop3A_313 = arith.index_cast %parallel_loop3A_312 : i32 to index
        %parallel_loop3A_314 = tpu.vector_load %arg9[%parallel_loop3A_313] {strides = array<i32>} : memref<128xi32, #tpu.memory_space<vmem>>, vector<16xi32>,
        tpu.vector_store %arg9[%parallel_loop3A_313], %parallel_loop3A_310 {strides = array<i32>} : memref<128xi32, #tpu.memory_space<vmem>>, vector<16xi32>,
      } {sc.loop_unroll_factor = 1 : i64, sc.parallel_access}
      %parallel_loop3A_279 = arith.constant 0 : i32
      %parallel_loop3A_280 = arith.constant 128 : i32
      %parallel_loop3A_281 = arith.constant 1 : i32
      scf.for %parallel_loop3A_299 = %parallel_loop3A_279 to %parallel_loop3A_280 step %parallel_loop3A_281  : i32 {
        %parallel_loop3A_300 = arith.constant 16 : i32
        %parallel_loop3A_301 = arith.divsi %parallel_loop3A_299, %parallel_loop3A_300 : i32
        %parallel_loop3A_302 = arith.constant 0 : i32
        %parallel_loop3A_303 = arith.cmpi sgt, %parallel_loop3A_299, %parallel_loop3A_302 : i32
        %parallel_loop3A_304 = arith.extui %parallel_loop3A_303 : i1 to i32
        %parallel_loop3A_305 = arith.constant 0 : i32
        %parallel_loop3A_306 = arith.cmpi slt, %parallel_loop3A_299, %parallel_loop3A_305 : i32
        %parallel_loop3A_307 = arith.extui %parallel_loop3A_306 : i1 to i32
        %parallel_loop3A_308 = arith.subi %parallel_loop3A_304, %parallel_loop3A_307 : i32
        %parallel_loop3A_309 = arith.constant 0 : i32
        %parallel_loop3A_310 = arith.cmpi sgt, %parallel_loop3A_300, %parallel_loop3A_309 : i32
        %parallel_loop3A_311 = arith.extui %parallel_loop3A_310 : i1 to i32
        %parallel_loop3A_312 = arith.constant 0 : i32
        %parallel_loop3A_313 = arith.cmpi slt, %parallel_loop3A_300, %parallel_loop3A_312 : i32
        %parallel_loop3A_314 = arith.extui %parallel_loop3A_313 : i1 to i32
        %parallel_loop3A_315 = arith.subi %parallel_loop3A_311, %parallel_loop3A_314 : i32
        %parallel_loop3A_316 = arith.cmpi ne, %parallel_loop3A_308, %parallel_loop3A_315 : i32
        %parallel_loop3A_317 = arith.remsi %parallel_loop3A_299, %parallel_loop3A_300 : i32
        %parallel_loop3A_318 = arith.constant 0 : i32
        %parallel_loop3A_319 = arith.cmpi ne, %parallel_loop3A_317, %parallel_loop3A_318 : i32
        %parallel_loop3A_320 = arith.andi %parallel_loop3A_316, %parallel_loop3A_319 : i1
        %parallel_loop3A_321 = arith.constant 1 : i32
        %parallel_loop3A_322 = arith.subi %parallel_loop3A_301, %parallel_loop3A_321 : i32
        %parallel_loop3A_323 = arith.select %parallel_loop3A_320, %parallel_loop3A_322, %parallel_loop3A_301 : i32
        %parallel_loop3A_324 = arith.constant 16 : i32
        %parallel_loop3A_325 = arith.muli %parallel_loop3A_323, %parallel_loop3A_324 : i32
        %parallel_loop3A_326 = arith.constant 16 : i32
        %parallel_loop3A_327 = arith.constant 0 : i32
        %parallel_loop3A_328 = arith.cmpi eq, %parallel_loop3A_326, %parallel_loop3A_327 : i32
        %parallel_loop3A_329 = arith.constant 1 : i32
        %parallel_loop3A_330 = arith.select %parallel_loop3A_328, %parallel_loop3A_329, %parallel_loop3A_326 : i32
        %parallel_loop3A_331 = arith.remsi %parallel_loop3A_299, %parallel_loop3A_330 : i32
        %parallel_loop3A_332 = arith.constant 0 : i32
        %parallel_loop3A_333 = arith.cmpi ne, %parallel_loop3A_331, %parallel_loop3A_332 : i32
        %parallel_loop3A_334 = arith.constant 0 : i32
        %parallel_loop3A_335 = arith.cmpi slt, %parallel_loop3A_331, %parallel_loop3A_334 : i32
        %parallel_loop3A_336 = arith.constant 0 : i32
        %parallel_loop3A_337 = arith.cmpi slt, %parallel_loop3A_330, %parallel_loop3A_336 : i32
        %parallel_loop3A_338 = arith.xori %parallel_loop3A_335, %parallel_loop3A_337 : i1
        %parallel_loop3A_339 = arith.andi %parallel_loop3A_338, %parallel_loop3A_333 : i1
        %parallel_loop3A_340 = arith.addi %parallel_loop3A_331, %parallel_loop3A_330 : i32
        %parallel_loop3A_341 = arith.select %parallel_loop3A_339, %parallel_loop3A_340, %parallel_loop3A_331 : i32
        %parallel_loop3A_342 = vector.broadcast %parallel_loop3A_341 : i32 to vector<16xi32>
        %parallel_loop3A_343 = arith.addi %iota3A, %parallel_loop3A_342 : vector<16xi32>
        %parallel_loop3A_344 = arith.constant 15 : i32
        %parallel_loop3A_345 = vector.broadcast %parallel_loop3A_344 : i32 to vector<16xi32>
        %parallel_loop3A_346 = arith.andi %parallel_loop3A_343, %parallel_loop3A_345 : vector<16xi32>
        %parallel_loop3A_347 = vector.broadcast %parallel_loop3A_325 : i32 to vector<16xi32>
        %parallel_loop3A_348 = arith.addi %parallel_loop3A_347, %parallel_loop3A_346 : vector<16xi32>
        %parallel_loop3A_349 = tpu.vector_load_idx %arg9[%parallel_loop3A_348] : memref<128xi32, #tpu.memory_space<vmem>>[vector<16xi32>], vector<16xi32>,
        %parallel_loop3A_350 = arith.addi %parallel_loop3A_349, %add3A_6 : vector<16xi32>
        %parallel_loop3A_351 = arith.constant 3 : i32
        %parallel_loop3A_352 = arith.constant 0 : i32
        %parallel_loop3A_353 = arith.constant 0 : i32
        %parallel_loop3A_354 = tpu.memref_slice %arg6[%parallel_loop3A_351, %parallel_loop3A_352, %parallel_loop3A_353] : memref<4x128x128xf32, #tpu.memory_space<vmem>> -> memref<1x128x128xf32, #tpu.memory_space<vmem>>
        %parallel_loop3A_355 = tpu.memref_squeeze %parallel_loop3A_354 : memref<1x128x128xf32, #tpu.memory_space<vmem>> -> memref<128x128xf32, #tpu.memory_space<vmem>>
        %parallel_loop3A_356 = tpu.vector_load_idx %parallel_loop3A_355[%parallel_loop3A_348, %parallel_loop3A_350] : memref<128x128xf32, #tpu.memory_space<vmem>>[vector<16xi32>, vector<16xi32>], vector<16xf32>,
        %parallel_loop3A_357 = arith.constant 8.000000e+00 : f32
        %parallel_loop3A_358 = vector.broadcast %parallel_loop3A_357 : f32 to vector<16xf32>
        %parallel_loop3A_359 = arith.mulf %parallel_loop3A_356, %parallel_loop3A_358 : vector<16xf32>
        %parallel_loop3A_360 = arith.constant 1 : i32
        %parallel_loop3A_361 = arith.constant 0 : i32
        %parallel_loop3A_362 = arith.constant 0 : i32
        %parallel_loop3A_363 = arith.constant 0 : i32
        %parallel_loop3A_364 = tpu.memref_slice %arg7[%parallel_loop3A_360, %parallel_loop3A_361, %parallel_loop3A_362, %parallel_loop3A_363] : memref<2x1x64x128xf32, #tpu.memory_space<vmem>> -> memref<1x1x64x128xf32, #tpu.memory_space<vmem>>
        %parallel_loop3A_365 = tpu.memref_squeeze %parallel_loop3A_364 : memref<1x1x64x128xf32, #tpu.memory_space<vmem>> -> memref<64x128xf32, #tpu.memory_space<vmem>>
        tpu.vector_store_idx %parallel_loop3A_365[%add3A_6, %parallel_loop3A_348], %parallel_loop3A_359 : memref<64x128xf32, #tpu.memory_space<vmem>>[vector<16xi32>, vector<16xi32>], vector<16xf32>,
        %parallel_loop3A_366 = arith.addi %parallel_loop3A_349, %add3A_9 : vector<16xi32>
        %parallel_loop3A_367 = arith.constant 3 : i32
        %parallel_loop3A_368 = arith.constant 0 : i32
        %parallel_loop3A_369 = arith.constant 0 : i32
        %parallel_loop3A_370 = tpu.memref_slice %arg6[%parallel_loop3A_367, %parallel_loop3A_368, %parallel_loop3A_369] : memref<4x128x128xf32, #tpu.memory_space<vmem>> -> memref<1x128x128xf32, #tpu.memory_space<vmem>>
        %parallel_loop3A_371 = tpu.memref_squeeze %parallel_loop3A_370 : memref<1x128x128xf32, #tpu.memory_space<vmem>> -> memref<128x128xf32, #tpu.memory_space<vmem>>
        %parallel_loop3A_372 = tpu.vector_load_idx %parallel_loop3A_371[%parallel_loop3A_348, %parallel_loop3A_366] : memref<128x128xf32, #tpu.memory_space<vmem>>[vector<16xi32>, vector<16xi32>], vector<16xf32>,
        %parallel_loop3A_373 = arith.constant 8.000000e+00 : f32
        %parallel_loop3A_374 = vector.broadcast %parallel_loop3A_373 : f32 to vector<16xf32>
        %parallel_loop3A_375 = arith.mulf %parallel_loop3A_372, %parallel_loop3A_374 : vector<16xf32>
        %parallel_loop3A_376 = arith.constant 1 : i32
        %parallel_loop3A_377 = arith.constant 0 : i32
        %parallel_loop3A_378 = arith.constant 0 : i32
        %parallel_loop3A_379 = arith.constant 0 : i32
        %parallel_loop3A_380 = tpu.memref_slice %arg7[%parallel_loop3A_376, %parallel_loop3A_377, %parallel_loop3A_378, %parallel_loop3A_379] : memref<2x1x64x128xf32, #tpu.memory_space<vmem>> -> memref<1x1x64x128xf32, #tpu.memory_space<vmem>>
        %parallel_loop3A_381 = tpu.memref_squeeze %parallel_loop3A_380 : memref<1x1x64x128xf32, #tpu.memory_space<vmem>> -> memref<64x128xf32, #tpu.memory_space<vmem>>
        tpu.vector_store_idx %parallel_loop3A_381[%add3A_9, %parallel_loop3A_348], %parallel_loop3A_375 : memref<64x128xf32, #tpu.memory_space<vmem>>[vector<16xi32>, vector<16xi32>], vector<16xf32>,
        %parallel_loop3A_382 = arith.addi %parallel_loop3A_349, %add3A_12 : vector<16xi32>
        %parallel_loop3A_383 = arith.constant 3 : i32
        %parallel_loop3A_384 = arith.constant 0 : i32
        %parallel_loop3A_385 = arith.constant 0 : i32
        %parallel_loop3A_386 = tpu.memref_slice %arg6[%parallel_loop3A_383, %parallel_loop3A_384, %parallel_loop3A_385] : memref<4x128x128xf32, #tpu.memory_space<vmem>> -> memref<1x128x128xf32, #tpu.memory_space<vmem>>
        %parallel_loop3A_387 = tpu.memref_squeeze %parallel_loop3A_386 : memref<1x128x128xf32, #tpu.memory_space<vmem>> -> memref<128x128xf32, #tpu.memory_space<vmem>>
        %parallel_loop3A_388 = tpu.vector_load_idx %parallel_loop3A_387[%parallel_loop3A_348, %parallel_loop3A_382] : memref<128x128xf32, #tpu.memory_space<vmem>>[vector<16xi32>, vector<16xi32>], vector<16xf32>,
        %parallel_loop3A_389 = arith.constant 8.000000e+00 : f32
        %parallel_loop3A_390 = vector.broadcast %parallel_loop3A_389 : f32 to vector<16xf32>
        %parallel_loop3A_391 = arith.mulf %parallel_loop3A_388, %parallel_loop3A_390 : vector<16xf32>
        %parallel_loop3A_392 = arith.constant 1 : i32
        %parallel_loop3A_393 = arith.constant 0 : i32
        %parallel_loop3A_394 = arith.constant 0 : i32
        %parallel_loop3A_395 = arith.constant 0 : i32
        %parallel_loop3A_396 = tpu.memref_slice %arg7[%parallel_loop3A_392, %parallel_loop3A_393, %parallel_loop3A_394, %parallel_loop3A_395] : memref<2x1x64x128xf32, #tpu.memory_space<vmem>> -> memref<1x1x64x128xf32, #tpu.memory_space<vmem>>
        %parallel_loop3A_397 = tpu.memref_squeeze %parallel_loop3A_396 : memref<1x1x64x128xf32, #tpu.memory_space<vmem>> -> memref<64x128xf32, #tpu.memory_space<vmem>>
        tpu.vector_store_idx %parallel_loop3A_397[%add3A_12, %parallel_loop3A_348], %parallel_loop3A_391 : memref<64x128xf32, #tpu.memory_space<vmem>>[vector<16xi32>, vector<16xi32>], vector<16xf32>,
        %parallel_loop3A_398 = arith.addi %parallel_loop3A_349, %add3A_15 : vector<16xi32>
        %parallel_loop3A_399 = arith.constant 3 : i32
        %parallel_loop3A_400 = arith.constant 0 : i32
        %parallel_loop3A_401 = arith.constant 0 : i32
        %parallel_loop3A_402 = tpu.memref_slice %arg6[%parallel_loop3A_399, %parallel_loop3A_400, %parallel_loop3A_401] : memref<4x128x128xf32, #tpu.memory_space<vmem>> -> memref<1x128x128xf32, #tpu.memory_space<vmem>>
        %parallel_loop3A_403 = tpu.memref_squeeze %parallel_loop3A_402 : memref<1x128x128xf32, #tpu.memory_space<vmem>> -> memref<128x128xf32, #tpu.memory_space<vmem>>
        %parallel_loop3A_404 = tpu.vector_load_idx %parallel_loop3A_403[%parallel_loop3A_348, %parallel_loop3A_398] : memref<128x128xf32, #tpu.memory_space<vmem>>[vector<16xi32>, vector<16xi32>], vector<16xf32>,
        %parallel_loop3A_405 = arith.constant 8.000000e+00 : f32
        %parallel_loop3A_406 = vector.broadcast %parallel_loop3A_405 : f32 to vector<16xf32>
        %parallel_loop3A_407 = arith.mulf %parallel_loop3A_404, %parallel_loop3A_406 : vector<16xf32>
        %parallel_loop3A_408 = arith.constant 1 : i32
        %parallel_loop3A_409 = arith.constant 0 : i32
        %parallel_loop3A_410 = arith.constant 0 : i32
        %parallel_loop3A_411 = arith.constant 0 : i32
        %parallel_loop3A_412 = tpu.memref_slice %arg7[%parallel_loop3A_408, %parallel_loop3A_409, %parallel_loop3A_410, %parallel_loop3A_411] : memref<2x1x64x128xf32, #tpu.memory_space<vmem>> -> memref<1x1x64x128xf32, #tpu.memory_space<vmem>>
        %parallel_loop3A_413 = tpu.memref_squeeze %parallel_loop3A_412 : memref<1x1x64x128xf32, #tpu.memory_space<vmem>> -> memref<64x128xf32, #tpu.memory_space<vmem>>
        tpu.vector_store_idx %parallel_loop3A_413[%add3A_15, %parallel_loop3A_348], %parallel_loop3A_407 : memref<64x128xf32, #tpu.memory_space<vmem>>[vector<16xi32>, vector<16xi32>], vector<16xf32>,
      } {sc.loop_unroll_factor = 4 : i64, sc.parallel_access}
      %mul3A_282 = arith.constant 128 : i32
      %mul3A_283 = arith.muli %add3A, %mul3A_282 : i32
      %dma_start3A_284 = arith.constant 1 : i32
      %dma_start3A_285 = arith.constant 0 : i32
      %dma_start3A_286 = arith.constant 0 : i32
      %dma_start3A_287 = arith.constant 0 : i32
      %dma_start3A_288 = tpu.memref_slice %arg7[%dma_start3A_284, %dma_start3A_285, %dma_start3A_286, %dma_start3A_287] : memref<2x1x64x128xf32, #tpu.memory_space<vmem>> -> memref<1x1x64x128xf32, #tpu.memory_space<vmem>>
      %dma_start3A_289 = tpu.memref_squeeze %dma_start3A_288 : memref<1x1x64x128xf32, #tpu.memory_space<vmem>> -> memref<1x64x128xf32, #tpu.memory_space<vmem>>
      %dma_start3A_290 = arith.constant 0 : i32
      %dma_start3A_291 = tpu.memref_slice %arg4[%add3A_248, %dma_start3A_290, %mul3A_283] : memref<200x64x4096xf32, #tpu.memory_space<hbm>> -> memref<1x64x128xf32, #tpu.memory_space<hbm>>
      %dma_start3A_292 = arith.constant 0 : i32
      %dma_start3A_293 = tpu.memref_slice %arg4[%add3A_248, %dma_start3A_292, %mul3A_283] : memref<200x64x4096xf32, #tpu.memory_space<hbm>> -> memref<1x64x128xf32, #tpu.memory_space<hbm>>
      %dma_start3A_294 = arith.constant 0 : i32
      %dma_start3A_295 = arith.constant 0 : i32
      %dma_start3A_296 = arith.constant 0 : i32
      %dma_start3A_297 = tpu.memref_slice %arg7[%dma_start3A_284, %dma_start3A_294, %dma_start3A_295, %dma_start3A_296] : memref<2x1x64x128xf32, #tpu.memory_space<vmem>> -> memref<1x1x64x128xf32, #tpu.memory_space<vmem>>
      %dma_start3A_298 = tpu.memref_squeeze %dma_start3A_297 : memref<1x1x64x128xf32, #tpu.memory_space<vmem>> -> memref<1x64x128xf32, #tpu.memory_space<vmem>>
      tpu.enqueue_dma source(%dma_start3A_298 : memref<1x64x128xf32, #tpu.memory_space<vmem>>) target(%dma_start3A_293 : memref<1x64x128xf32, #tpu.memory_space<hbm>>) target_semaphore(%arg15 : memref<!tpu.dma_semaphore, #tpu.memory_space<semaphore_mem>>)
    }
    %scan3A_48 = arith.constant 50 : i32
    %mul3A_49 = arith.constant 128 : i32
    %mul3A_50 = arith.muli %add3A, %mul3A_49 : i32
    %dma_wait3A = arith.constant 0 : i32
    %dma_wait3A_51 = arith.constant 0 : i32
    %dma_wait3A_52 = arith.constant 0 : i32
    %dma_wait3A_53 = arith.constant 0 : i32
    %dma_wait3A_54 = tpu.memref_slice %arg7[%dma_wait3A, %dma_wait3A_51, %dma_wait3A_52, %dma_wait3A_53] : memref<2x1x64x128xf32, #tpu.memory_space<vmem>> -> memref<1x1x64x128xf32, #tpu.memory_space<vmem>>
    %dma_wait3A_55 = tpu.memref_squeeze %dma_wait3A_54 : memref<1x1x64x128xf32, #tpu.memory_space<vmem>> -> memref<1x64x128xf32, #tpu.memory_space<vmem>>
    %dma_wait3A_56 = arith.constant 198 : i32
    %dma_wait3A_57 = arith.constant 0 : i32
    %dma_wait3A_58 = tpu.memref_slice %arg4[%dma_wait3A_56, %dma_wait3A_57, %mul3A_50] : memref<200x64x4096xf32, #tpu.memory_space<hbm>> -> memref<1x64x128xf32, #tpu.memory_space<hbm>>
    %dma_wait3A_59 = arith.constant 198 : i32
    %dma_wait3A_60 = arith.constant 0 : i32
    %dma_wait3A_61 = tpu.memref_slice %arg4[%dma_wait3A_59, %dma_wait3A_60, %mul3A_50] : memref<200x64x4096xf32, #tpu.memory_space<hbm>> -> memref<1x64x128xf32, #tpu.memory_space<hbm>>
    %dma_wait3A_62 = arith.constant 0 : i32
    %dma_wait3A_63 = arith.constant 0 : i32
    %dma_wait3A_64 = arith.constant 0 : i32
    %dma_wait3A_65 = tpu.memref_slice %arg7[%dma_wait3A, %dma_wait3A_62, %dma_wait3A_63, %dma_wait3A_64] : memref<2x1x64x128xf32, #tpu.memory_space<vmem>> -> memref<1x1x64x128xf32, #tpu.memory_space<vmem>>
    %dma_wait3A_66 = tpu.memref_squeeze %dma_wait3A_65 : memref<1x1x64x128xf32, #tpu.memory_space<vmem>> -> memref<1x64x128xf32, #tpu.memory_space<vmem>>
    tpu.wait_dma2 semaphore(%arg14 : memref<!tpu.dma_semaphore, #tpu.memory_space<semaphore_mem>>) src(%dma_wait3A_66 : memref<1x64x128xf32, #tpu.memory_space<vmem>>) dst(%dma_wait3A_61 : memref<1x64x128xf32, #tpu.memory_space<hbm>>)
    %mul3A_67 = arith.constant 128 : i32
    %mul3A_68 = arith.muli %add3A, %mul3A_67 : i32
    %dma_wait3A_69 = arith.constant 1 : i32
    %dma_wait3A_70 = arith.constant 0 : i32
    %dma_wait3A_71 = arith.constant 0 : i32
    %dma_wait3A_72 = arith.constant 0 : i32
    %dma_wait3A_73 = tpu.memref_slice %arg7[%dma_wait3A_69, %dma_wait3A_70, %dma_wait3A_71, %dma_wait3A_72] : memref<2x1x64x128xf32, #tpu.memory_space<vmem>> -> memref<1x1x64x128xf32, #tpu.memory_space<vmem>>
    %dma_wait3A_74 = tpu.memref_squeeze %dma_wait3A_73 : memref<1x1x64x128xf32, #tpu.memory_space<vmem>> -> memref<1x64x128xf32, #tpu.memory_space<vmem>>
    %dma_wait3A_75 = arith.constant 199 : i32
    %dma_wait3A_76 = arith.constant 0 : i32
    %dma_wait3A_77 = tpu.memref_slice %arg4[%dma_wait3A_75, %dma_wait3A_76, %mul3A_68] : memref<200x64x4096xf32, #tpu.memory_space<hbm>> -> memref<1x64x128xf32, #tpu.memory_space<hbm>>
    %dma_wait3A_78 = arith.constant 199 : i32
    %dma_wait3A_79 = arith.constant 0 : i32
    %dma_wait3A_80 = tpu.memref_slice %arg4[%dma_wait3A_78, %dma_wait3A_79, %mul3A_68] : memref<200x64x4096xf32, #tpu.memory_space<hbm>> -> memref<1x64x128xf32, #tpu.memory_space<hbm>>
    %dma_wait3A_81 = arith.constant 0 : i32
    %dma_wait3A_82 = arith.constant 0 : i32
    %dma_wait3A_83 = arith.constant 0 : i32
    %dma_wait3A_84 = tpu.memref_slice %arg7[%dma_wait3A_69, %dma_wait3A_81, %dma_wait3A_82, %dma_wait3A_83] : memref<2x1x64x128xf32, #tpu.memory_space<vmem>> -> memref<1x1x64x128xf32, #tpu.memory_space<vmem>>
    %dma_wait3A_85 = tpu.memref_squeeze %dma_wait3A_84 : memref<1x1x64x128xf32, #tpu.memory_space<vmem>> -> memref<1x64x128xf32, #tpu.memory_space<vmem>>
    tpu.wait_dma2 semaphore(%arg15 : memref<!tpu.dma_semaphore, #tpu.memory_space<semaphore_mem>>) src(%dma_wait3A_85 : memref<1x64x128xf32, #tpu.memory_space<vmem>>) dst(%dma_wait3A_80 : memref<1x64x128xf32, #tpu.memory_space<hbm>>)
    return
  }
}

#map = affine_map<(d0, d1) -> (0, 0)>
module attributes {stable_mosaic.version = 14 : i64} {
  func.func @_tbody(%arg0: i32, %arg1: i32, %arg2: memref<64x1000000xf32, #tpu.memory_space<hbm>>, %arg3: memref<32x128xf32, #tpu.memory_space<hbm>>, %arg4: memref<500000x128xf32, #tpu.memory_space<hbm>>, %arg5: memref<2x64x128xf32, #tpu.memory_space<vmem>>, %arg6: memref<2x64x128xf32, #tpu.memory_space<vmem>>, %arg7: memref<!tpu.dma_semaphore, #tpu.memory_space<semaphore_mem>>, %arg8: memref<!tpu.dma_semaphore, #tpu.memory_space<semaphore_mem>>, %arg9: memref<!tpu.dma_semaphore, #tpu.memory_space<semaphore_mem>>, %arg10: memref<!tpu.dma_semaphore, #tpu.memory_space<semaphore_mem>>) attributes {dimension_semantics = [#tpu.dimension_semantics<core_parallel>, #tpu.dimension_semantics<subcore_parallel>], iteration_bounds = array<i64: 2, 16>, scalar_prefetch = 0 : i64, scratch_operands = 6 : i64, tpu.core_type = #tpu.core_type<sc_vector_subcore>, window_params = [{transform_indices = #map}, {transform_indices = #map}, {transform_indices = #map}]} {
    %mul3A = arith.constant 2 : i32
    %mul3A_0 = arith.muli %arg1, %mul3A : i32
    %add3A = arith.addi %mul3A_0, %arg0 : i32
    %mul3A_1 = arith.constant 31232 : i32
    %mul3A_2 = arith.muli %add3A, %mul3A_1 : i32
    %iota3A = tpu.iota {dimensions = array<i32: 0>} : vector<16xi32>
    %add3A_3 = arith.constant 0 : i32
    %add3A_4 = vector.broadcast %add3A_3 : i32 to vector<16xi32>
    %add3A_5 = arith.addi %iota3A, %add3A_4 : vector<16xi32>
    %add3A_6 = arith.constant 16 : i32
    %add3A_7 = vector.broadcast %add3A_6 : i32 to vector<16xi32>
    %add3A_8 = arith.addi %iota3A, %add3A_7 : vector<16xi32>
    %add3A_9 = arith.constant 32 : i32
    %add3A_10 = vector.broadcast %add3A_9 : i32 to vector<16xi32>
    %add3A_11 = arith.addi %iota3A, %add3A_10 : vector<16xi32>
    %add3A_12 = arith.constant 48 : i32
    %add3A_13 = vector.broadcast %add3A_12 : i32 to vector<16xi32>
    %add3A_14 = arith.addi %iota3A, %add3A_13 : vector<16xi32>
    %add3A_15 = arith.constant 0 : i32
    %add3A_16 = arith.addi %mul3A_2, %add3A_15 : i32
    %dma_start3A = arith.constant 0 : i32
    %dma_start3A_17 = arith.constant 0 : i32
    %dma_start3A_18 = arith.constant 0 : i32
    %dma_start3A_19 = tpu.memref_slice %arg5[%dma_start3A, %dma_start3A_17, %dma_start3A_18] : memref<2x64x128xf32, #tpu.memory_space<vmem>> -> memref<1x64x128xf32, #tpu.memory_space<vmem>>
    %dma_start3A_20 = tpu.memref_squeeze %dma_start3A_19 : memref<1x64x128xf32, #tpu.memory_space<vmem>> -> memref<64x128xf32, #tpu.memory_space<vmem>>
    %dma_start3A_21 = arith.constant 0 : i32
    %dma_start3A_22 = tpu.memref_slice %arg2[%dma_start3A_21, %add3A_16] : memref<64x1000000xf32, #tpu.memory_space<hbm>> -> memref<64x128xf32, #tpu.memory_space<hbm>>
    %dma_start3A_23 = arith.constant 0 : i32
    %dma_start3A_24 = arith.constant 0 : i32
    %dma_start3A_25 = tpu.memref_slice %arg5[%dma_start3A, %dma_start3A_23, %dma_start3A_24] : memref<2x64x128xf32, #tpu.memory_space<vmem>> -> memref<1x64x128xf32, #tpu.memory_space<vmem>>
    %dma_start3A_26 = tpu.memref_squeeze %dma_start3A_25 : memref<1x64x128xf32, #tpu.memory_space<vmem>> -> memref<64x128xf32, #tpu.memory_space<vmem>>
    %dma_start3A_27 = arith.constant 0 : i32
    %dma_start3A_28 = tpu.memref_slice %arg2[%dma_start3A_27, %add3A_16] : memref<64x1000000xf32, #tpu.memory_space<hbm>> -> memref<64x128xf32, #tpu.memory_space<hbm>>
    tpu.enqueue_dma source(%dma_start3A_28 : memref<64x128xf32, #tpu.memory_space<hbm>>) target(%dma_start3A_26 : memref<64x128xf32, #tpu.memory_space<vmem>>) target_semaphore(%arg7 : memref<!tpu.dma_semaphore, #tpu.memory_space<semaphore_mem>>)
    %add3A_29 = arith.constant 128 : i32
    %add3A_30 = arith.addi %mul3A_2, %add3A_29 : i32
    %dma_start3A_31 = arith.constant 1 : i32
    %dma_start3A_32 = arith.constant 0 : i32
    %dma_start3A_33 = arith.constant 0 : i32
    %dma_start3A_34 = tpu.memref_slice %arg5[%dma_start3A_31, %dma_start3A_32, %dma_start3A_33] : memref<2x64x128xf32, #tpu.memory_space<vmem>> -> memref<1x64x128xf32, #tpu.memory_space<vmem>>
    %dma_start3A_35 = tpu.memref_squeeze %dma_start3A_34 : memref<1x64x128xf32, #tpu.memory_space<vmem>> -> memref<64x128xf32, #tpu.memory_space<vmem>>
    %dma_start3A_36 = arith.constant 0 : i32
    %dma_start3A_37 = tpu.memref_slice %arg2[%dma_start3A_36, %add3A_30] : memref<64x1000000xf32, #tpu.memory_space<hbm>> -> memref<64x128xf32, #tpu.memory_space<hbm>>
    %dma_start3A_38 = arith.constant 0 : i32
    %dma_start3A_39 = arith.constant 0 : i32
    %dma_start3A_40 = tpu.memref_slice %arg5[%dma_start3A_31, %dma_start3A_38, %dma_start3A_39] : memref<2x64x128xf32, #tpu.memory_space<vmem>> -> memref<1x64x128xf32, #tpu.memory_space<vmem>>
    %dma_start3A_41 = tpu.memref_squeeze %dma_start3A_40 : memref<1x64x128xf32, #tpu.memory_space<vmem>> -> memref<64x128xf32, #tpu.memory_space<vmem>>
    %dma_start3A_42 = arith.constant 0 : i32
    %dma_start3A_43 = tpu.memref_slice %arg2[%dma_start3A_42, %add3A_30] : memref<64x1000000xf32, #tpu.memory_space<hbm>> -> memref<64x128xf32, #tpu.memory_space<hbm>>
    tpu.enqueue_dma source(%dma_start3A_43 : memref<64x128xf32, #tpu.memory_space<hbm>>) target(%dma_start3A_41 : memref<64x128xf32, #tpu.memory_space<vmem>>) target_semaphore(%arg8 : memref<!tpu.dma_semaphore, #tpu.memory_space<semaphore_mem>>)
    %scan3A = arith.constant 0 : i32
    %scan3A_44 = arith.constant 0 : i32
    %scan3A_45 = arith.constant 122 : i32
    %scan3A_46 = arith.addi %scan3A_44, %scan3A_45 : i32
    %scan3A_47 = arith.constant 1 : i32
    scf.for %scan3A_103 = %scan3A_44 to %scan3A_46 step %scan3A_47  : i32 {
      %mul3A_104 = arith.constant 2 : i32
      %mul3A_105 = arith.muli %scan3A_103, %mul3A_104 : i32
      %add3A_106 = arith.constant 0 : i32
      %add3A_107 = arith.addi %mul3A_105, %add3A_106 : i32
      %dma_wait3A_108 = arith.constant 0 : i32
      %dma_wait3A_109 = arith.constant 0 : i32
      %dma_wait3A_110 = arith.constant 0 : i32
      %dma_wait3A_111 = tpu.memref_slice %arg5[%dma_wait3A_108, %dma_wait3A_109, %dma_wait3A_110] : memref<2x64x128xf32, #tpu.memory_space<vmem>> -> memref<1x64x128xf32, #tpu.memory_space<vmem>>
      %dma_wait3A_112 = tpu.memref_squeeze %dma_wait3A_111 : memref<1x64x128xf32, #tpu.memory_space<vmem>> -> memref<64x128xf32, #tpu.memory_space<vmem>>
      %dma_wait3A_113 = arith.constant 0 : i32
      %dma_wait3A_114 = arith.constant 0 : i32
      %dma_wait3A_115 = tpu.memref_slice %arg2[%dma_wait3A_113, %dma_wait3A_114] : memref<64x1000000xf32, #tpu.memory_space<hbm>> -> memref<64x128xf32, #tpu.memory_space<hbm>>
      %dma_wait3A_116 = arith.constant 0 : i32
      %dma_wait3A_117 = arith.constant 0 : i32
      %dma_wait3A_118 = tpu.memref_slice %arg5[%dma_wait3A_108, %dma_wait3A_116, %dma_wait3A_117] : memref<2x64x128xf32, #tpu.memory_space<vmem>> -> memref<1x64x128xf32, #tpu.memory_space<vmem>>
      %dma_wait3A_119 = tpu.memref_squeeze %dma_wait3A_118 : memref<1x64x128xf32, #tpu.memory_space<vmem>> -> memref<64x128xf32, #tpu.memory_space<vmem>>
      %dma_wait3A_120 = arith.constant 0 : i32
      %dma_wait3A_121 = arith.constant 0 : i32
      %dma_wait3A_122 = tpu.memref_slice %arg2[%dma_wait3A_120, %dma_wait3A_121] : memref<64x1000000xf32, #tpu.memory_space<hbm>> -> memref<64x128xf32, #tpu.memory_space<hbm>>
      tpu.wait_dma2 semaphore(%arg7 : memref<!tpu.dma_semaphore, #tpu.memory_space<semaphore_mem>>) src(%dma_wait3A_122 : memref<64x128xf32, #tpu.memory_space<hbm>>) dst(%dma_wait3A_119 : memref<64x128xf32, #tpu.memory_space<vmem>>)
      %ge3A = arith.constant 2 : i32
      %ge3A_123 = arith.cmpi sge, %add3A_107, %ge3A : i32
      %convert_element_type3A = arith.extui %ge3A_123 : i1 to i32
      %cond3A = arith.constant 0 : i32
      %cond3A_124 = arith.cmpi ne, %convert_element_type3A, %cond3A : i32
      scf.if %cond3A_124 {
        %sub3A = arith.constant 2 : i32
        %sub3A_206 = arith.subi %add3A_107, %sub3A : i32
        %mul3A_207 = arith.constant 15616 : i32
        %mul3A_208 = arith.muli %add3A, %mul3A_207 : i32
        %mul3A_209 = arith.constant 64 : i32
        %mul3A_210 = arith.muli %sub3A_206, %mul3A_209 : i32
        %add3A_211 = arith.addi %mul3A_208, %mul3A_210 : i32
        %multiple_of3A_212 = tpu.assume_multiple %add3A_211, 64 : i32
        %dma_wait3A_213 = arith.constant 0 : i32
        %dma_wait3A_214 = arith.constant 0 : i32
        %dma_wait3A_215 = arith.constant 0 : i32
        %dma_wait3A_216 = tpu.memref_slice %arg6[%dma_wait3A_213, %dma_wait3A_214, %dma_wait3A_215] : memref<2x64x128xf32, #tpu.memory_space<vmem>> -> memref<1x64x128xf32, #tpu.memory_space<vmem>>
        %dma_wait3A_217 = tpu.memref_squeeze %dma_wait3A_216 : memref<1x64x128xf32, #tpu.memory_space<vmem>> -> memref<64x128xf32, #tpu.memory_space<vmem>>
        %dma_wait3A_218 = arith.constant 0 : i32
        %dma_wait3A_219 = tpu.memref_slice %arg4[%multiple_of3A_212, %dma_wait3A_218] : memref<500000x128xf32, #tpu.memory_space<hbm>> -> memref<64x128xf32, #tpu.memory_space<hbm>>
        %dma_wait3A_220 = arith.constant 0 : i32
        %dma_wait3A_221 = tpu.memref_slice %arg4[%multiple_of3A_212, %dma_wait3A_220] : memref<500000x128xf32, #tpu.memory_space<hbm>> -> memref<64x128xf32, #tpu.memory_space<hbm>>
        %dma_wait3A_222 = arith.constant 0 : i32
        %dma_wait3A_223 = arith.constant 0 : i32
        %dma_wait3A_224 = tpu.memref_slice %arg6[%dma_wait3A_213, %dma_wait3A_222, %dma_wait3A_223] : memref<2x64x128xf32, #tpu.memory_space<vmem>> -> memref<1x64x128xf32, #tpu.memory_space<vmem>>
        %dma_wait3A_225 = tpu.memref_squeeze %dma_wait3A_224 : memref<1x64x128xf32, #tpu.memory_space<vmem>> -> memref<64x128xf32, #tpu.memory_space<vmem>>
        tpu.wait_dma2 semaphore(%arg9 : memref<!tpu.dma_semaphore, #tpu.memory_space<semaphore_mem>>) src(%dma_wait3A_225 : memref<64x128xf32, #tpu.memory_space<vmem>>) dst(%dma_wait3A_221 : memref<64x128xf32, #tpu.memory_space<hbm>>)
      } else {
      }
      %parallel_loop3A_125 = arith.constant 0 : i32
      %parallel_loop3A_126 = arith.constant 128 : i32
      %parallel_loop3A_127 = arith.constant 1 : i32
      scf.for %parallel_loop3A_206 = %parallel_loop3A_125 to %parallel_loop3A_126 step %parallel_loop3A_127  : i32 {
        %parallel_loop3A_207 = arith.constant 16 : i32
        %parallel_loop3A_208 = arith.divsi %parallel_loop3A_206, %parallel_loop3A_207 : i32
        %parallel_loop3A_209 = arith.constant 0 : i32
        %parallel_loop3A_210 = arith.cmpi sgt, %parallel_loop3A_206, %parallel_loop3A_209 : i32
        %parallel_loop3A_211 = arith.extui %parallel_loop3A_210 : i1 to i32
        %parallel_loop3A_212 = arith.constant 0 : i32
        %parallel_loop3A_213 = arith.cmpi slt, %parallel_loop3A_206, %parallel_loop3A_212 : i32
        %parallel_loop3A_214 = arith.extui %parallel_loop3A_213 : i1 to i32
        %parallel_loop3A_215 = arith.subi %parallel_loop3A_211, %parallel_loop3A_214 : i32
        %parallel_loop3A_216 = arith.constant 0 : i32
        %parallel_loop3A_217 = arith.cmpi sgt, %parallel_loop3A_207, %parallel_loop3A_216 : i32
        %parallel_loop3A_218 = arith.extui %parallel_loop3A_217 : i1 to i32
        %parallel_loop3A_219 = arith.constant 0 : i32
        %parallel_loop3A_220 = arith.cmpi slt, %parallel_loop3A_207, %parallel_loop3A_219 : i32
        %parallel_loop3A_221 = arith.extui %parallel_loop3A_220 : i1 to i32
        %parallel_loop3A_222 = arith.subi %parallel_loop3A_218, %parallel_loop3A_221 : i32
        %parallel_loop3A_223 = arith.cmpi ne, %parallel_loop3A_215, %parallel_loop3A_222 : i32
        %parallel_loop3A_224 = arith.remsi %parallel_loop3A_206, %parallel_loop3A_207 : i32
        %parallel_loop3A_225 = arith.constant 0 : i32
        %parallel_loop3A_226 = arith.cmpi ne, %parallel_loop3A_224, %parallel_loop3A_225 : i32
        %parallel_loop3A_227 = arith.andi %parallel_loop3A_223, %parallel_loop3A_226 : i1
        %parallel_loop3A_228 = arith.constant 1 : i32
        %parallel_loop3A_229 = arith.subi %parallel_loop3A_208, %parallel_loop3A_228 : i32
        %parallel_loop3A_230 = arith.select %parallel_loop3A_227, %parallel_loop3A_229, %parallel_loop3A_208 : i32
        %parallel_loop3A_231 = arith.constant 16 : i32
        %parallel_loop3A_232 = arith.muli %parallel_loop3A_230, %parallel_loop3A_231 : i32
        %parallel_loop3A_233 = arith.constant 16 : i32
        %parallel_loop3A_234 = arith.constant 0 : i32
        %parallel_loop3A_235 = arith.cmpi eq, %parallel_loop3A_233, %parallel_loop3A_234 : i32
        %parallel_loop3A_236 = arith.constant 1 : i32
        %parallel_loop3A_237 = arith.select %parallel_loop3A_235, %parallel_loop3A_236, %parallel_loop3A_233 : i32
        %parallel_loop3A_238 = arith.remsi %parallel_loop3A_206, %parallel_loop3A_237 : i32
        %parallel_loop3A_239 = arith.constant 0 : i32
        %parallel_loop3A_240 = arith.cmpi ne, %parallel_loop3A_238, %parallel_loop3A_239 : i32
        %parallel_loop3A_241 = arith.constant 0 : i32
        %parallel_loop3A_242 = arith.cmpi slt, %parallel_loop3A_238, %parallel_loop3A_241 : i32
        %parallel_loop3A_243 = arith.constant 0 : i32
        %parallel_loop3A_244 = arith.cmpi slt, %parallel_loop3A_237, %parallel_loop3A_243 : i32
        %parallel_loop3A_245 = arith.xori %parallel_loop3A_242, %parallel_loop3A_244 : i1
        %parallel_loop3A_246 = arith.andi %parallel_loop3A_245, %parallel_loop3A_240 : i1
        %parallel_loop3A_247 = arith.addi %parallel_loop3A_238, %parallel_loop3A_237 : i32
        %parallel_loop3A_248 = arith.select %parallel_loop3A_246, %parallel_loop3A_247, %parallel_loop3A_238 : i32
        %parallel_loop3A_249 = vector.broadcast %parallel_loop3A_248 : i32 to vector<16xi32>
        %parallel_loop3A_250 = arith.addi %iota3A, %parallel_loop3A_249 : vector<16xi32>
        %parallel_loop3A_251 = arith.constant 15 : i32
        %parallel_loop3A_252 = vector.broadcast %parallel_loop3A_251 : i32 to vector<16xi32>
        %parallel_loop3A_253 = arith.andi %parallel_loop3A_250, %parallel_loop3A_252 : vector<16xi32>
        %parallel_loop3A_254 = vector.broadcast %parallel_loop3A_232 : i32 to vector<16xi32>
        %parallel_loop3A_255 = arith.addi %parallel_loop3A_254, %parallel_loop3A_253 : vector<16xi32>
        %parallel_loop3A_256 = arith.constant 1 : i32
        %parallel_loop3A_257 = vector.broadcast %parallel_loop3A_256 : i32 to vector<16xi32>
        %parallel_loop3A_258 = arith.shrsi %parallel_loop3A_255, %parallel_loop3A_257 : vector<16xi32>
        %parallel_loop3A_259 = arith.constant 1 : i32
        %parallel_loop3A_260 = vector.broadcast %parallel_loop3A_259 : i32 to vector<16xi32>
        %parallel_loop3A_261 = arith.andi %parallel_loop3A_255, %parallel_loop3A_260 : vector<16xi32>
        %parallel_loop3A_262 = arith.constant 6 : i32
        %parallel_loop3A_263 = vector.broadcast %parallel_loop3A_262 : i32 to vector<16xi32>
        %parallel_loop3A_264 = arith.shli %parallel_loop3A_261, %parallel_loop3A_263 : vector<16xi32>
        %parallel_loop3A_265 = arith.constant 0 : i32
        %parallel_loop3A_266 = arith.constant 0 : i32
        %parallel_loop3A_267 = arith.constant 0 : i32
        %parallel_loop3A_268 = tpu.memref_slice %arg5[%parallel_loop3A_265, %parallel_loop3A_266, %parallel_loop3A_267] : memref<2x64x128xf32, #tpu.memory_space<vmem>> -> memref<1x64x128xf32, #tpu.memory_space<vmem>>
        %parallel_loop3A_269 = tpu.memref_squeeze %parallel_loop3A_268 : memref<1x64x128xf32, #tpu.memory_space<vmem>> -> memref<64x128xf32, #tpu.memory_space<vmem>>
        %parallel_loop3A_270 = tpu.vector_load_idx %parallel_loop3A_269[%add3A_5, %parallel_loop3A_255] : memref<64x128xf32, #tpu.memory_space<vmem>>[vector<16xi32>, vector<16xi32>], vector<16xf32>,
        %parallel_loop3A_271 = arith.addi %parallel_loop3A_264, %add3A_5 : vector<16xi32>
        %parallel_loop3A_272 = arith.constant 0 : i32
        %parallel_loop3A_273 = arith.constant 0 : i32
        %parallel_loop3A_274 = arith.constant 0 : i32
        %parallel_loop3A_275 = tpu.memref_slice %arg6[%parallel_loop3A_272, %parallel_loop3A_273, %parallel_loop3A_274] : memref<2x64x128xf32, #tpu.memory_space<vmem>> -> memref<1x64x128xf32, #tpu.memory_space<vmem>>
        %parallel_loop3A_276 = tpu.memref_squeeze %parallel_loop3A_275 : memref<1x64x128xf32, #tpu.memory_space<vmem>> -> memref<64x128xf32, #tpu.memory_space<vmem>>
        tpu.vector_store_idx %parallel_loop3A_276[%parallel_loop3A_258, %parallel_loop3A_271], %parallel_loop3A_270 : memref<64x128xf32, #tpu.memory_space<vmem>>[vector<16xi32>, vector<16xi32>], vector<16xf32>,
        %parallel_loop3A_277 = arith.constant 0 : i32
        %parallel_loop3A_278 = arith.constant 0 : i32
        %parallel_loop3A_279 = arith.constant 0 : i32
        %parallel_loop3A_280 = tpu.memref_slice %arg5[%parallel_loop3A_277, %parallel_loop3A_278, %parallel_loop3A_279] : memref<2x64x128xf32, #tpu.memory_space<vmem>> -> memref<1x64x128xf32, #tpu.memory_space<vmem>>
        %parallel_loop3A_281 = tpu.memref_squeeze %parallel_loop3A_280 : memref<1x64x128xf32, #tpu.memory_space<vmem>> -> memref<64x128xf32, #tpu.memory_space<vmem>>
        %parallel_loop3A_282 = tpu.vector_load_idx %parallel_loop3A_281[%add3A_8, %parallel_loop3A_255] : memref<64x128xf32, #tpu.memory_space<vmem>>[vector<16xi32>, vector<16xi32>], vector<16xf32>,
        %parallel_loop3A_283 = arith.addi %parallel_loop3A_264, %add3A_8 : vector<16xi32>
        %parallel_loop3A_284 = arith.constant 0 : i32
        %parallel_loop3A_285 = arith.constant 0 : i32
        %parallel_loop3A_286 = arith.constant 0 : i32
        %parallel_loop3A_287 = tpu.memref_slice %arg6[%parallel_loop3A_284, %parallel_loop3A_285, %parallel_loop3A_286] : memref<2x64x128xf32, #tpu.memory_space<vmem>> -> memref<1x64x128xf32, #tpu.memory_space<vmem>>
        %parallel_loop3A_288 = tpu.memref_squeeze %parallel_loop3A_287 : memref<1x64x128xf32, #tpu.memory_space<vmem>> -> memref<64x128xf32, #tpu.memory_space<vmem>>
        tpu.vector_store_idx %parallel_loop3A_288[%parallel_loop3A_258, %parallel_loop3A_283], %parallel_loop3A_282 : memref<64x128xf32, #tpu.memory_space<vmem>>[vector<16xi32>, vector<16xi32>], vector<16xf32>,
        %parallel_loop3A_289 = arith.constant 0 : i32
        %parallel_loop3A_290 = arith.constant 0 : i32
        %parallel_loop3A_291 = arith.constant 0 : i32
        %parallel_loop3A_292 = tpu.memref_slice %arg5[%parallel_loop3A_289, %parallel_loop3A_290, %parallel_loop3A_291] : memref<2x64x128xf32, #tpu.memory_space<vmem>> -> memref<1x64x128xf32, #tpu.memory_space<vmem>>
        %parallel_loop3A_293 = tpu.memref_squeeze %parallel_loop3A_292 : memref<1x64x128xf32, #tpu.memory_space<vmem>> -> memref<64x128xf32, #tpu.memory_space<vmem>>
        %parallel_loop3A_294 = tpu.vector_load_idx %parallel_loop3A_293[%add3A_11, %parallel_loop3A_255] : memref<64x128xf32, #tpu.memory_space<vmem>>[vector<16xi32>, vector<16xi32>], vector<16xf32>,
        %parallel_loop3A_295 = arith.addi %parallel_loop3A_264, %add3A_11 : vector<16xi32>
        %parallel_loop3A_296 = arith.constant 0 : i32
        %parallel_loop3A_297 = arith.constant 0 : i32
        %parallel_loop3A_298 = arith.constant 0 : i32
        %parallel_loop3A_299 = tpu.memref_slice %arg6[%parallel_loop3A_296, %parallel_loop3A_297, %parallel_loop3A_298] : memref<2x64x128xf32, #tpu.memory_space<vmem>> -> memref<1x64x128xf32, #tpu.memory_space<vmem>>
        %parallel_loop3A_300 = tpu.memref_squeeze %parallel_loop3A_299 : memref<1x64x128xf32, #tpu.memory_space<vmem>> -> memref<64x128xf32, #tpu.memory_space<vmem>>
        tpu.vector_store_idx %parallel_loop3A_300[%parallel_loop3A_258, %parallel_loop3A_295], %parallel_loop3A_294 : memref<64x128xf32, #tpu.memory_space<vmem>>[vector<16xi32>, vector<16xi32>], vector<16xf32>,
        %parallel_loop3A_301 = arith.constant 0 : i32
        %parallel_loop3A_302 = arith.constant 0 : i32
        %parallel_loop3A_303 = arith.constant 0 : i32
        %parallel_loop3A_304 = tpu.memref_slice %arg5[%parallel_loop3A_301, %parallel_loop3A_302, %parallel_loop3A_303] : memref<2x64x128xf32, #tpu.memory_space<vmem>> -> memref<1x64x128xf32, #tpu.memory_space<vmem>>
        %parallel_loop3A_305 = tpu.memref_squeeze %parallel_loop3A_304 : memref<1x64x128xf32, #tpu.memory_space<vmem>> -> memref<64x128xf32, #tpu.memory_space<vmem>>
        %parallel_loop3A_306 = tpu.vector_load_idx %parallel_loop3A_305[%add3A_14, %parallel_loop3A_255] : memref<64x128xf32, #tpu.memory_space<vmem>>[vector<16xi32>, vector<16xi32>], vector<16xf32>,
        %parallel_loop3A_307 = arith.addi %parallel_loop3A_264, %add3A_14 : vector<16xi32>
        %parallel_loop3A_308 = arith.constant 0 : i32
        %parallel_loop3A_309 = arith.constant 0 : i32
        %parallel_loop3A_310 = arith.constant 0 : i32
        %parallel_loop3A_311 = tpu.memref_slice %arg6[%parallel_loop3A_308, %parallel_loop3A_309, %parallel_loop3A_310] : memref<2x64x128xf32, #tpu.memory_space<vmem>> -> memref<1x64x128xf32, #tpu.memory_space<vmem>>
        %parallel_loop3A_312 = tpu.memref_squeeze %parallel_loop3A_311 : memref<1x64x128xf32, #tpu.memory_space<vmem>> -> memref<64x128xf32, #tpu.memory_space<vmem>>
        tpu.vector_store_idx %parallel_loop3A_312[%parallel_loop3A_258, %parallel_loop3A_307], %parallel_loop3A_306 : memref<64x128xf32, #tpu.memory_space<vmem>>[vector<16xi32>, vector<16xi32>], vector<16xf32>,
      } {sc.loop_unroll_factor = 4 : i64, sc.parallel_access}
      %mul3A_128 = arith.constant 15616 : i32
      %mul3A_129 = arith.muli %add3A, %mul3A_128 : i32
      %mul3A_130 = arith.constant 64 : i32
      %mul3A_131 = arith.muli %add3A_107, %mul3A_130 : i32
      %add3A_132 = arith.addi %mul3A_129, %mul3A_131 : i32
      %multiple_of3A_133 = tpu.assume_multiple %add3A_132, 64 : i32
      %dma_start3A_134 = arith.constant 0 : i32
      %dma_start3A_135 = arith.constant 0 : i32
      %dma_start3A_136 = arith.constant 0 : i32
      %dma_start3A_137 = tpu.memref_slice %arg6[%dma_start3A_134, %dma_start3A_135, %dma_start3A_136] : memref<2x64x128xf32, #tpu.memory_space<vmem>> -> memref<1x64x128xf32, #tpu.memory_space<vmem>>
      %dma_start3A_138 = tpu.memref_squeeze %dma_start3A_137 : memref<1x64x128xf32, #tpu.memory_space<vmem>> -> memref<64x128xf32, #tpu.memory_space<vmem>>
      %dma_start3A_139 = arith.constant 0 : i32
      %dma_start3A_140 = tpu.memref_slice %arg4[%multiple_of3A_133, %dma_start3A_139] : memref<500000x128xf32, #tpu.memory_space<hbm>> -> memref<64x128xf32, #tpu.memory_space<hbm>>
      %dma_start3A_141 = arith.constant 0 : i32
      %dma_start3A_142 = tpu.memref_slice %arg4[%multiple_of3A_133, %dma_start3A_141] : memref<500000x128xf32, #tpu.memory_space<hbm>> -> memref<64x128xf32, #tpu.memory_space<hbm>>
      %dma_start3A_143 = arith.constant 0 : i32
      %dma_start3A_144 = arith.constant 0 : i32
      %dma_start3A_145 = tpu.memref_slice %arg6[%dma_start3A_134, %dma_start3A_143, %dma_start3A_144] : memref<2x64x128xf32, #tpu.memory_space<vmem>> -> memref<1x64x128xf32, #tpu.memory_space<vmem>>
      %dma_start3A_146 = tpu.memref_squeeze %dma_start3A_145 : memref<1x64x128xf32, #tpu.memory_space<vmem>> -> memref<64x128xf32, #tpu.memory_space<vmem>>
      tpu.enqueue_dma source(%dma_start3A_146 : memref<64x128xf32, #tpu.memory_space<vmem>>) target(%dma_start3A_142 : memref<64x128xf32, #tpu.memory_space<hbm>>) target_semaphore(%arg9 : memref<!tpu.dma_semaphore, #tpu.memory_space<semaphore_mem>>)
      %add3A_147 = arith.constant 2 : i32
      %add3A_148 = arith.addi %add3A_107, %add3A_147 : i32
      %lt3A = arith.constant 244 : i32
      %lt3A_149 = arith.cmpi slt, %add3A_148, %lt3A : i32
      %convert_element_type3A_150 = arith.extui %lt3A_149 : i1 to i32
      %cond3A_151 = arith.constant 0 : i32
      %cond3A_152 = arith.cmpi ne, %convert_element_type3A_150, %cond3A_151 : i32
      scf.if %cond3A_152 {
        %add3A_206 = arith.constant 2 : i32
        %add3A_207 = arith.addi %add3A_107, %add3A_206 : i32
        %mul3A_208 = arith.constant 128 : i32
        %mul3A_209 = arith.muli %add3A_207, %mul3A_208 : i32
        %add3A_210 = arith.addi %mul3A_2, %mul3A_209 : i32
        %dma_start3A_211 = arith.constant 0 : i32
        %dma_start3A_212 = arith.constant 0 : i32
        %dma_start3A_213 = arith.constant 0 : i32
        %dma_start3A_214 = tpu.memref_slice %arg5[%dma_start3A_211, %dma_start3A_212, %dma_start3A_213] : memref<2x64x128xf32, #tpu.memory_space<vmem>> -> memref<1x64x128xf32, #tpu.memory_space<vmem>>
        %dma_start3A_215 = tpu.memref_squeeze %dma_start3A_214 : memref<1x64x128xf32, #tpu.memory_space<vmem>> -> memref<64x128xf32, #tpu.memory_space<vmem>>
        %dma_start3A_216 = arith.constant 0 : i32
        %dma_start3A_217 = tpu.memref_slice %arg2[%dma_start3A_216, %add3A_210] : memref<64x1000000xf32, #tpu.memory_space<hbm>> -> memref<64x128xf32, #tpu.memory_space<hbm>>
        %dma_start3A_218 = arith.constant 0 : i32
        %dma_start3A_219 = arith.constant 0 : i32
        %dma_start3A_220 = tpu.memref_slice %arg5[%dma_start3A_211, %dma_start3A_218, %dma_start3A_219] : memref<2x64x128xf32, #tpu.memory_space<vmem>> -> memref<1x64x128xf32, #tpu.memory_space<vmem>>
        %dma_start3A_221 = tpu.memref_squeeze %dma_start3A_220 : memref<1x64x128xf32, #tpu.memory_space<vmem>> -> memref<64x128xf32, #tpu.memory_space<vmem>>
        %dma_start3A_222 = arith.constant 0 : i32
        %dma_start3A_223 = tpu.memref_slice %arg2[%dma_start3A_222, %add3A_210] : memref<64x1000000xf32, #tpu.memory_space<hbm>> -> memref<64x128xf32, #tpu.memory_space<hbm>>
        tpu.enqueue_dma source(%dma_start3A_223 : memref<64x128xf32, #tpu.memory_space<hbm>>) target(%dma_start3A_221 : memref<64x128xf32, #tpu.memory_space<vmem>>) target_semaphore(%arg7 : memref<!tpu.dma_semaphore, #tpu.memory_space<semaphore_mem>>)
      } else {
      }
      %mul3A_153 = arith.constant 2 : i32
      %mul3A_154 = arith.muli %scan3A_103, %mul3A_153 : i32
      %add3A_155 = arith.constant 1 : i32
      %add3A_156 = arith.addi %mul3A_154, %add3A_155 : i32
      %dma_wait3A_157 = arith.constant 1 : i32
      %dma_wait3A_158 = arith.constant 0 : i32
      %dma_wait3A_159 = arith.constant 0 : i32
      %dma_wait3A_160 = tpu.memref_slice %arg5[%dma_wait3A_157, %dma_wait3A_158, %dma_wait3A_159] : memref<2x64x128xf32, #tpu.memory_space<vmem>> -> memref<1x64x128xf32, #tpu.memory_space<vmem>>
      %dma_wait3A_161 = tpu.memref_squeeze %dma_wait3A_160 : memref<1x64x128xf32, #tpu.memory_space<vmem>> -> memref<64x128xf32, #tpu.memory_space<vmem>>
      %dma_wait3A_162 = arith.constant 0 : i32
      %dma_wait3A_163 = arith.constant 0 : i32
      %dma_wait3A_164 = tpu.memref_slice %arg2[%dma_wait3A_162, %dma_wait3A_163] : memref<64x1000000xf32, #tpu.memory_space<hbm>> -> memref<64x128xf32, #tpu.memory_space<hbm>>
      %dma_wait3A_165 = arith.constant 0 : i32
      %dma_wait3A_166 = arith.constant 0 : i32
      %dma_wait3A_167 = tpu.memref_slice %arg5[%dma_wait3A_157, %dma_wait3A_165, %dma_wait3A_166] : memref<2x64x128xf32, #tpu.memory_space<vmem>> -> memref<1x64x128xf32, #tpu.memory_space<vmem>>
      %dma_wait3A_168 = tpu.memref_squeeze %dma_wait3A_167 : memref<1x64x128xf32, #tpu.memory_space<vmem>> -> memref<64x128xf32, #tpu.memory_space<vmem>>
      %dma_wait3A_169 = arith.constant 0 : i32
      %dma_wait3A_170 = arith.constant 0 : i32
      %dma_wait3A_171 = tpu.memref_slice %arg2[%dma_wait3A_169, %dma_wait3A_170] : memref<64x1000000xf32, #tpu.memory_space<hbm>> -> memref<64x128xf32, #tpu.memory_space<hbm>>
      tpu.wait_dma2 semaphore(%arg8 : memref<!tpu.dma_semaphore, #tpu.memory_space<semaphore_mem>>) src(%dma_wait3A_171 : memref<64x128xf32, #tpu.memory_space<hbm>>) dst(%dma_wait3A_168 : memref<64x128xf32, #tpu.memory_space<vmem>>)
      %ge3A_172 = arith.constant 2 : i32
      %ge3A_173 = arith.cmpi sge, %add3A_156, %ge3A_172 : i32
      %convert_element_type3A_174 = arith.extui %ge3A_173 : i1 to i32
      %cond3A_175 = arith.constant 0 : i32
      %cond3A_176 = arith.cmpi ne, %convert_element_type3A_174, %cond3A_175 : i32
      scf.if %cond3A_176 {
        %sub3A = arith.constant 2 : i32
        %sub3A_206 = arith.subi %add3A_156, %sub3A : i32
        %mul3A_207 = arith.constant 15616 : i32
        %mul3A_208 = arith.muli %add3A, %mul3A_207 : i32
        %mul3A_209 = arith.constant 64 : i32
        %mul3A_210 = arith.muli %sub3A_206, %mul3A_209 : i32
        %add3A_211 = arith.addi %mul3A_208, %mul3A_210 : i32
        %multiple_of3A_212 = tpu.assume_multiple %add3A_211, 64 : i32
        %dma_wait3A_213 = arith.constant 1 : i32
        %dma_wait3A_214 = arith.constant 0 : i32
        %dma_wait3A_215 = arith.constant 0 : i32
        %dma_wait3A_216 = tpu.memref_slice %arg6[%dma_wait3A_213, %dma_wait3A_214, %dma_wait3A_215] : memref<2x64x128xf32, #tpu.memory_space<vmem>> -> memref<1x64x128xf32, #tpu.memory_space<vmem>>
        %dma_wait3A_217 = tpu.memref_squeeze %dma_wait3A_216 : memref<1x64x128xf32, #tpu.memory_space<vmem>> -> memref<64x128xf32, #tpu.memory_space<vmem>>
        %dma_wait3A_218 = arith.constant 0 : i32
        %dma_wait3A_219 = tpu.memref_slice %arg4[%multiple_of3A_212, %dma_wait3A_218] : memref<500000x128xf32, #tpu.memory_space<hbm>> -> memref<64x128xf32, #tpu.memory_space<hbm>>
        %dma_wait3A_220 = arith.constant 0 : i32
        %dma_wait3A_221 = tpu.memref_slice %arg4[%multiple_of3A_212, %dma_wait3A_220] : memref<500000x128xf32, #tpu.memory_space<hbm>> -> memref<64x128xf32, #tpu.memory_space<hbm>>
        %dma_wait3A_222 = arith.constant 0 : i32
        %dma_wait3A_223 = arith.constant 0 : i32
        %dma_wait3A_224 = tpu.memref_slice %arg6[%dma_wait3A_213, %dma_wait3A_222, %dma_wait3A_223] : memref<2x64x128xf32, #tpu.memory_space<vmem>> -> memref<1x64x128xf32, #tpu.memory_space<vmem>>
        %dma_wait3A_225 = tpu.memref_squeeze %dma_wait3A_224 : memref<1x64x128xf32, #tpu.memory_space<vmem>> -> memref<64x128xf32, #tpu.memory_space<vmem>>
        tpu.wait_dma2 semaphore(%arg10 : memref<!tpu.dma_semaphore, #tpu.memory_space<semaphore_mem>>) src(%dma_wait3A_225 : memref<64x128xf32, #tpu.memory_space<vmem>>) dst(%dma_wait3A_221 : memref<64x128xf32, #tpu.memory_space<hbm>>)
      } else {
      }
      %parallel_loop3A_177 = arith.constant 0 : i32
      %parallel_loop3A_178 = arith.constant 128 : i32
      %parallel_loop3A_179 = arith.constant 1 : i32
      scf.for %parallel_loop3A_206 = %parallel_loop3A_177 to %parallel_loop3A_178 step %parallel_loop3A_179  : i32 {
        %parallel_loop3A_207 = arith.constant 16 : i32
        %parallel_loop3A_208 = arith.divsi %parallel_loop3A_206, %parallel_loop3A_207 : i32
        %parallel_loop3A_209 = arith.constant 0 : i32
        %parallel_loop3A_210 = arith.cmpi sgt, %parallel_loop3A_206, %parallel_loop3A_209 : i32
        %parallel_loop3A_211 = arith.extui %parallel_loop3A_210 : i1 to i32
        %parallel_loop3A_212 = arith.constant 0 : i32
        %parallel_loop3A_213 = arith.cmpi slt, %parallel_loop3A_206, %parallel_loop3A_212 : i32
        %parallel_loop3A_214 = arith.extui %parallel_loop3A_213 : i1 to i32
        %parallel_loop3A_215 = arith.subi %parallel_loop3A_211, %parallel_loop3A_214 : i32
        %parallel_loop3A_216 = arith.constant 0 : i32
        %parallel_loop3A_217 = arith.cmpi sgt, %parallel_loop3A_207, %parallel_loop3A_216 : i32
        %parallel_loop3A_218 = arith.extui %parallel_loop3A_217 : i1 to i32
        %parallel_loop3A_219 = arith.constant 0 : i32
        %parallel_loop3A_220 = arith.cmpi slt, %parallel_loop3A_207, %parallel_loop3A_219 : i32
        %parallel_loop3A_221 = arith.extui %parallel_loop3A_220 : i1 to i32
        %parallel_loop3A_222 = arith.subi %parallel_loop3A_218, %parallel_loop3A_221 : i32
        %parallel_loop3A_223 = arith.cmpi ne, %parallel_loop3A_215, %parallel_loop3A_222 : i32
        %parallel_loop3A_224 = arith.remsi %parallel_loop3A_206, %parallel_loop3A_207 : i32
        %parallel_loop3A_225 = arith.constant 0 : i32
        %parallel_loop3A_226 = arith.cmpi ne, %parallel_loop3A_224, %parallel_loop3A_225 : i32
        %parallel_loop3A_227 = arith.andi %parallel_loop3A_223, %parallel_loop3A_226 : i1
        %parallel_loop3A_228 = arith.constant 1 : i32
        %parallel_loop3A_229 = arith.subi %parallel_loop3A_208, %parallel_loop3A_228 : i32
        %parallel_loop3A_230 = arith.select %parallel_loop3A_227, %parallel_loop3A_229, %parallel_loop3A_208 : i32
        %parallel_loop3A_231 = arith.constant 16 : i32
        %parallel_loop3A_232 = arith.muli %parallel_loop3A_230, %parallel_loop3A_231 : i32
        %parallel_loop3A_233 = arith.constant 16 : i32
        %parallel_loop3A_234 = arith.constant 0 : i32
        %parallel_loop3A_235 = arith.cmpi eq, %parallel_loop3A_233, %parallel_loop3A_234 : i32
        %parallel_loop3A_236 = arith.constant 1 : i32
        %parallel_loop3A_237 = arith.select %parallel_loop3A_235, %parallel_loop3A_236, %parallel_loop3A_233 : i32
        %parallel_loop3A_238 = arith.remsi %parallel_loop3A_206, %parallel_loop3A_237 : i32
        %parallel_loop3A_239 = arith.constant 0 : i32
        %parallel_loop3A_240 = arith.cmpi ne, %parallel_loop3A_238, %parallel_loop3A_239 : i32
        %parallel_loop3A_241 = arith.constant 0 : i32
        %parallel_loop3A_242 = arith.cmpi slt, %parallel_loop3A_238, %parallel_loop3A_241 : i32
        %parallel_loop3A_243 = arith.constant 0 : i32
        %parallel_loop3A_244 = arith.cmpi slt, %parallel_loop3A_237, %parallel_loop3A_243 : i32
        %parallel_loop3A_245 = arith.xori %parallel_loop3A_242, %parallel_loop3A_244 : i1
        %parallel_loop3A_246 = arith.andi %parallel_loop3A_245, %parallel_loop3A_240 : i1
        %parallel_loop3A_247 = arith.addi %parallel_loop3A_238, %parallel_loop3A_237 : i32
        %parallel_loop3A_248 = arith.select %parallel_loop3A_246, %parallel_loop3A_247, %parallel_loop3A_238 : i32
        %parallel_loop3A_249 = vector.broadcast %parallel_loop3A_248 : i32 to vector<16xi32>
        %parallel_loop3A_250 = arith.addi %iota3A, %parallel_loop3A_249 : vector<16xi32>
        %parallel_loop3A_251 = arith.constant 15 : i32
        %parallel_loop3A_252 = vector.broadcast %parallel_loop3A_251 : i32 to vector<16xi32>
        %parallel_loop3A_253 = arith.andi %parallel_loop3A_250, %parallel_loop3A_252 : vector<16xi32>
        %parallel_loop3A_254 = vector.broadcast %parallel_loop3A_232 : i32 to vector<16xi32>
        %parallel_loop3A_255 = arith.addi %parallel_loop3A_254, %parallel_loop3A_253 : vector<16xi32>
        %parallel_loop3A_256 = arith.constant 1 : i32
        %parallel_loop3A_257 = vector.broadcast %parallel_loop3A_256 : i32 to vector<16xi32>
        %parallel_loop3A_258 = arith.shrsi %parallel_loop3A_255, %parallel_loop3A_257 : vector<16xi32>
        %parallel_loop3A_259 = arith.constant 1 : i32
        %parallel_loop3A_260 = vector.broadcast %parallel_loop3A_259 : i32 to vector<16xi32>
        %parallel_loop3A_261 = arith.andi %parallel_loop3A_255, %parallel_loop3A_260 : vector<16xi32>
        %parallel_loop3A_262 = arith.constant 6 : i32
        %parallel_loop3A_263 = vector.broadcast %parallel_loop3A_262 : i32 to vector<16xi32>
        %parallel_loop3A_264 = arith.shli %parallel_loop3A_261, %parallel_loop3A_263 : vector<16xi32>
        %parallel_loop3A_265 = arith.constant 1 : i32
        %parallel_loop3A_266 = arith.constant 0 : i32
        %parallel_loop3A_267 = arith.constant 0 : i32
        %parallel_loop3A_268 = tpu.memref_slice %arg5[%parallel_loop3A_265, %parallel_loop3A_266, %parallel_loop3A_267] : memref<2x64x128xf32, #tpu.memory_space<vmem>> -> memref<1x64x128xf32, #tpu.memory_space<vmem>>
        %parallel_loop3A_269 = tpu.memref_squeeze %parallel_loop3A_268 : memref<1x64x128xf32, #tpu.memory_space<vmem>> -> memref<64x128xf32, #tpu.memory_space<vmem>>
        %parallel_loop3A_270 = tpu.vector_load_idx %parallel_loop3A_269[%add3A_5, %parallel_loop3A_255] : memref<64x128xf32, #tpu.memory_space<vmem>>[vector<16xi32>, vector<16xi32>], vector<16xf32>,
        %parallel_loop3A_271 = arith.addi %parallel_loop3A_264, %add3A_5 : vector<16xi32>
        %parallel_loop3A_272 = arith.constant 1 : i32
        %parallel_loop3A_273 = arith.constant 0 : i32
        %parallel_loop3A_274 = arith.constant 0 : i32
        %parallel_loop3A_275 = tpu.memref_slice %arg6[%parallel_loop3A_272, %parallel_loop3A_273, %parallel_loop3A_274] : memref<2x64x128xf32, #tpu.memory_space<vmem>> -> memref<1x64x128xf32, #tpu.memory_space<vmem>>
        %parallel_loop3A_276 = tpu.memref_squeeze %parallel_loop3A_275 : memref<1x64x128xf32, #tpu.memory_space<vmem>> -> memref<64x128xf32, #tpu.memory_space<vmem>>
        tpu.vector_store_idx %parallel_loop3A_276[%parallel_loop3A_258, %parallel_loop3A_271], %parallel_loop3A_270 : memref<64x128xf32, #tpu.memory_space<vmem>>[vector<16xi32>, vector<16xi32>], vector<16xf32>,
        %parallel_loop3A_277 = arith.constant 1 : i32
        %parallel_loop3A_278 = arith.constant 0 : i32
        %parallel_loop3A_279 = arith.constant 0 : i32
        %parallel_loop3A_280 = tpu.memref_slice %arg5[%parallel_loop3A_277, %parallel_loop3A_278, %parallel_loop3A_279] : memref<2x64x128xf32, #tpu.memory_space<vmem>> -> memref<1x64x128xf32, #tpu.memory_space<vmem>>
        %parallel_loop3A_281 = tpu.memref_squeeze %parallel_loop3A_280 : memref<1x64x128xf32, #tpu.memory_space<vmem>> -> memref<64x128xf32, #tpu.memory_space<vmem>>
        %parallel_loop3A_282 = tpu.vector_load_idx %parallel_loop3A_281[%add3A_8, %parallel_loop3A_255] : memref<64x128xf32, #tpu.memory_space<vmem>>[vector<16xi32>, vector<16xi32>], vector<16xf32>,
        %parallel_loop3A_283 = arith.addi %parallel_loop3A_264, %add3A_8 : vector<16xi32>
        %parallel_loop3A_284 = arith.constant 1 : i32
        %parallel_loop3A_285 = arith.constant 0 : i32
        %parallel_loop3A_286 = arith.constant 0 : i32
        %parallel_loop3A_287 = tpu.memref_slice %arg6[%parallel_loop3A_284, %parallel_loop3A_285, %parallel_loop3A_286] : memref<2x64x128xf32, #tpu.memory_space<vmem>> -> memref<1x64x128xf32, #tpu.memory_space<vmem>>
        %parallel_loop3A_288 = tpu.memref_squeeze %parallel_loop3A_287 : memref<1x64x128xf32, #tpu.memory_space<vmem>> -> memref<64x128xf32, #tpu.memory_space<vmem>>
        tpu.vector_store_idx %parallel_loop3A_288[%parallel_loop3A_258, %parallel_loop3A_283], %parallel_loop3A_282 : memref<64x128xf32, #tpu.memory_space<vmem>>[vector<16xi32>, vector<16xi32>], vector<16xf32>,
        %parallel_loop3A_289 = arith.constant 1 : i32
        %parallel_loop3A_290 = arith.constant 0 : i32
        %parallel_loop3A_291 = arith.constant 0 : i32
        %parallel_loop3A_292 = tpu.memref_slice %arg5[%parallel_loop3A_289, %parallel_loop3A_290, %parallel_loop3A_291] : memref<2x64x128xf32, #tpu.memory_space<vmem>> -> memref<1x64x128xf32, #tpu.memory_space<vmem>>
        %parallel_loop3A_293 = tpu.memref_squeeze %parallel_loop3A_292 : memref<1x64x128xf32, #tpu.memory_space<vmem>> -> memref<64x128xf32, #tpu.memory_space<vmem>>
        %parallel_loop3A_294 = tpu.vector_load_idx %parallel_loop3A_293[%add3A_11, %parallel_loop3A_255] : memref<64x128xf32, #tpu.memory_space<vmem>>[vector<16xi32>, vector<16xi32>], vector<16xf32>,
        %parallel_loop3A_295 = arith.addi %parallel_loop3A_264, %add3A_11 : vector<16xi32>
        %parallel_loop3A_296 = arith.constant 1 : i32
        %parallel_loop3A_297 = arith.constant 0 : i32
        %parallel_loop3A_298 = arith.constant 0 : i32
        %parallel_loop3A_299 = tpu.memref_slice %arg6[%parallel_loop3A_296, %parallel_loop3A_297, %parallel_loop3A_298] : memref<2x64x128xf32, #tpu.memory_space<vmem>> -> memref<1x64x128xf32, #tpu.memory_space<vmem>>
        %parallel_loop3A_300 = tpu.memref_squeeze %parallel_loop3A_299 : memref<1x64x128xf32, #tpu.memory_space<vmem>> -> memref<64x128xf32, #tpu.memory_space<vmem>>
        tpu.vector_store_idx %parallel_loop3A_300[%parallel_loop3A_258, %parallel_loop3A_295], %parallel_loop3A_294 : memref<64x128xf32, #tpu.memory_space<vmem>>[vector<16xi32>, vector<16xi32>], vector<16xf32>,
        %parallel_loop3A_301 = arith.constant 1 : i32
        %parallel_loop3A_302 = arith.constant 0 : i32
        %parallel_loop3A_303 = arith.constant 0 : i32
        %parallel_loop3A_304 = tpu.memref_slice %arg5[%parallel_loop3A_301, %parallel_loop3A_302, %parallel_loop3A_303] : memref<2x64x128xf32, #tpu.memory_space<vmem>> -> memref<1x64x128xf32, #tpu.memory_space<vmem>>
        %parallel_loop3A_305 = tpu.memref_squeeze %parallel_loop3A_304 : memref<1x64x128xf32, #tpu.memory_space<vmem>> -> memref<64x128xf32, #tpu.memory_space<vmem>>
        %parallel_loop3A_306 = tpu.vector_load_idx %parallel_loop3A_305[%add3A_14, %parallel_loop3A_255] : memref<64x128xf32, #tpu.memory_space<vmem>>[vector<16xi32>, vector<16xi32>], vector<16xf32>,
        %parallel_loop3A_307 = arith.addi %parallel_loop3A_264, %add3A_14 : vector<16xi32>
        %parallel_loop3A_308 = arith.constant 1 : i32
        %parallel_loop3A_309 = arith.constant 0 : i32
        %parallel_loop3A_310 = arith.constant 0 : i32
        %parallel_loop3A_311 = tpu.memref_slice %arg6[%parallel_loop3A_308, %parallel_loop3A_309, %parallel_loop3A_310] : memref<2x64x128xf32, #tpu.memory_space<vmem>> -> memref<1x64x128xf32, #tpu.memory_space<vmem>>
        %parallel_loop3A_312 = tpu.memref_squeeze %parallel_loop3A_311 : memref<1x64x128xf32, #tpu.memory_space<vmem>> -> memref<64x128xf32, #tpu.memory_space<vmem>>
        tpu.vector_store_idx %parallel_loop3A_312[%parallel_loop3A_258, %parallel_loop3A_307], %parallel_loop3A_306 : memref<64x128xf32, #tpu.memory_space<vmem>>[vector<16xi32>, vector<16xi32>], vector<16xf32>,
      } {sc.loop_unroll_factor = 4 : i64, sc.parallel_access}
      %mul3A_180 = arith.constant 15616 : i32
      %mul3A_181 = arith.muli %add3A, %mul3A_180 : i32
      %mul3A_182 = arith.constant 64 : i32
      %mul3A_183 = arith.muli %add3A_156, %mul3A_182 : i32
      %add3A_184 = arith.addi %mul3A_181, %mul3A_183 : i32
      %multiple_of3A_185 = tpu.assume_multiple %add3A_184, 64 : i32
      %dma_start3A_186 = arith.constant 1 : i32
      %dma_start3A_187 = arith.constant 0 : i32
      %dma_start3A_188 = arith.constant 0 : i32
      %dma_start3A_189 = tpu.memref_slice %arg6[%dma_start3A_186, %dma_start3A_187, %dma_start3A_188] : memref<2x64x128xf32, #tpu.memory_space<vmem>> -> memref<1x64x128xf32, #tpu.memory_space<vmem>>
      %dma_start3A_190 = tpu.memref_squeeze %dma_start3A_189 : memref<1x64x128xf32, #tpu.memory_space<vmem>> -> memref<64x128xf32, #tpu.memory_space<vmem>>
      %dma_start3A_191 = arith.constant 0 : i32
      %dma_start3A_192 = tpu.memref_slice %arg4[%multiple_of3A_185, %dma_start3A_191] : memref<500000x128xf32, #tpu.memory_space<hbm>> -> memref<64x128xf32, #tpu.memory_space<hbm>>
      %dma_start3A_193 = arith.constant 0 : i32
      %dma_start3A_194 = tpu.memref_slice %arg4[%multiple_of3A_185, %dma_start3A_193] : memref<500000x128xf32, #tpu.memory_space<hbm>> -> memref<64x128xf32, #tpu.memory_space<hbm>>
      %dma_start3A_195 = arith.constant 0 : i32
      %dma_start3A_196 = arith.constant 0 : i32
      %dma_start3A_197 = tpu.memref_slice %arg6[%dma_start3A_186, %dma_start3A_195, %dma_start3A_196] : memref<2x64x128xf32, #tpu.memory_space<vmem>> -> memref<1x64x128xf32, #tpu.memory_space<vmem>>
      %dma_start3A_198 = tpu.memref_squeeze %dma_start3A_197 : memref<1x64x128xf32, #tpu.memory_space<vmem>> -> memref<64x128xf32, #tpu.memory_space<vmem>>
      tpu.enqueue_dma source(%dma_start3A_198 : memref<64x128xf32, #tpu.memory_space<vmem>>) target(%dma_start3A_194 : memref<64x128xf32, #tpu.memory_space<hbm>>) target_semaphore(%arg10 : memref<!tpu.dma_semaphore, #tpu.memory_space<semaphore_mem>>)
      %add3A_199 = arith.constant 2 : i32
      %add3A_200 = arith.addi %add3A_156, %add3A_199 : i32
      %lt3A_201 = arith.constant 244 : i32
      %lt3A_202 = arith.cmpi slt, %add3A_200, %lt3A_201 : i32
      %convert_element_type3A_203 = arith.extui %lt3A_202 : i1 to i32
      %cond3A_204 = arith.constant 0 : i32
      %cond3A_205 = arith.cmpi ne, %convert_element_type3A_203, %cond3A_204 : i32
      scf.if %cond3A_205 {
        %add3A_206 = arith.constant 2 : i32
        %add3A_207 = arith.addi %add3A_156, %add3A_206 : i32
        %mul3A_208 = arith.constant 128 : i32
        %mul3A_209 = arith.muli %add3A_207, %mul3A_208 : i32
        %add3A_210 = arith.addi %mul3A_2, %mul3A_209 : i32
        %dma_start3A_211 = arith.constant 1 : i32
        %dma_start3A_212 = arith.constant 0 : i32
        %dma_start3A_213 = arith.constant 0 : i32
        %dma_start3A_214 = tpu.memref_slice %arg5[%dma_start3A_211, %dma_start3A_212, %dma_start3A_213] : memref<2x64x128xf32, #tpu.memory_space<vmem>> -> memref<1x64x128xf32, #tpu.memory_space<vmem>>
        %dma_start3A_215 = tpu.memref_squeeze %dma_start3A_214 : memref<1x64x128xf32, #tpu.memory_space<vmem>> -> memref<64x128xf32, #tpu.memory_space<vmem>>
        %dma_start3A_216 = arith.constant 0 : i32
        %dma_start3A_217 = tpu.memref_slice %arg2[%dma_start3A_216, %add3A_210] : memref<64x1000000xf32, #tpu.memory_space<hbm>> -> memref<64x128xf32, #tpu.memory_space<hbm>>
        %dma_start3A_218 = arith.constant 0 : i32
        %dma_start3A_219 = arith.constant 0 : i32
        %dma_start3A_220 = tpu.memref_slice %arg5[%dma_start3A_211, %dma_start3A_218, %dma_start3A_219] : memref<2x64x128xf32, #tpu.memory_space<vmem>> -> memref<1x64x128xf32, #tpu.memory_space<vmem>>
        %dma_start3A_221 = tpu.memref_squeeze %dma_start3A_220 : memref<1x64x128xf32, #tpu.memory_space<vmem>> -> memref<64x128xf32, #tpu.memory_space<vmem>>
        %dma_start3A_222 = arith.constant 0 : i32
        %dma_start3A_223 = tpu.memref_slice %arg2[%dma_start3A_222, %add3A_210] : memref<64x1000000xf32, #tpu.memory_space<hbm>> -> memref<64x128xf32, #tpu.memory_space<hbm>>
        tpu.enqueue_dma source(%dma_start3A_223 : memref<64x128xf32, #tpu.memory_space<hbm>>) target(%dma_start3A_221 : memref<64x128xf32, #tpu.memory_space<vmem>>) target_semaphore(%arg8 : memref<!tpu.dma_semaphore, #tpu.memory_space<semaphore_mem>>)
      } else {
      }
    }
    %scan3A_48 = arith.constant 122 : i32
    %mul3A_49 = arith.constant 15616 : i32
    %mul3A_50 = arith.muli %add3A, %mul3A_49 : i32
    %add3A_51 = arith.constant 15488 : i32
    %add3A_52 = arith.addi %mul3A_50, %add3A_51 : i32
    %multiple_of3A = tpu.assume_multiple %add3A_52, 64 : i32
    %dma_wait3A = arith.constant 0 : i32
    %dma_wait3A_53 = arith.constant 0 : i32
    %dma_wait3A_54 = arith.constant 0 : i32
    %dma_wait3A_55 = tpu.memref_slice %arg6[%dma_wait3A, %dma_wait3A_53, %dma_wait3A_54] : memref<2x64x128xf32, #tpu.memory_space<vmem>> -> memref<1x64x128xf32, #tpu.memory_space<vmem>>
    %dma_wait3A_56 = tpu.memref_squeeze %dma_wait3A_55 : memref<1x64x128xf32, #tpu.memory_space<vmem>> -> memref<64x128xf32, #tpu.memory_space<vmem>>
    %dma_wait3A_57 = arith.constant 0 : i32
    %dma_wait3A_58 = tpu.memref_slice %arg4[%multiple_of3A, %dma_wait3A_57] : memref<500000x128xf32, #tpu.memory_space<hbm>> -> memref<64x128xf32, #tpu.memory_space<hbm>>
    %dma_wait3A_59 = arith.constant 0 : i32
    %dma_wait3A_60 = tpu.memref_slice %arg4[%multiple_of3A, %dma_wait3A_59] : memref<500000x128xf32, #tpu.memory_space<hbm>> -> memref<64x128xf32, #tpu.memory_space<hbm>>
    %dma_wait3A_61 = arith.constant 0 : i32
    %dma_wait3A_62 = arith.constant 0 : i32
    %dma_wait3A_63 = tpu.memref_slice %arg6[%dma_wait3A, %dma_wait3A_61, %dma_wait3A_62] : memref<2x64x128xf32, #tpu.memory_space<vmem>> -> memref<1x64x128xf32, #tpu.memory_space<vmem>>
    %dma_wait3A_64 = tpu.memref_squeeze %dma_wait3A_63 : memref<1x64x128xf32, #tpu.memory_space<vmem>> -> memref<64x128xf32, #tpu.memory_space<vmem>>
    tpu.wait_dma2 semaphore(%arg9 : memref<!tpu.dma_semaphore, #tpu.memory_space<semaphore_mem>>) src(%dma_wait3A_64 : memref<64x128xf32, #tpu.memory_space<vmem>>) dst(%dma_wait3A_60 : memref<64x128xf32, #tpu.memory_space<hbm>>)
    %mul3A_65 = arith.constant 15616 : i32
    %mul3A_66 = arith.muli %add3A, %mul3A_65 : i32
    %add3A_67 = arith.constant 15552 : i32
    %add3A_68 = arith.addi %mul3A_66, %add3A_67 : i32
    %multiple_of3A_69 = tpu.assume_multiple %add3A_68, 64 : i32
    %dma_wait3A_70 = arith.constant 1 : i32
    %dma_wait3A_71 = arith.constant 0 : i32
    %dma_wait3A_72 = arith.constant 0 : i32
    %dma_wait3A_73 = tpu.memref_slice %arg6[%dma_wait3A_70, %dma_wait3A_71, %dma_wait3A_72] : memref<2x64x128xf32, #tpu.memory_space<vmem>> -> memref<1x64x128xf32, #tpu.memory_space<vmem>>
    %dma_wait3A_74 = tpu.memref_squeeze %dma_wait3A_73 : memref<1x64x128xf32, #tpu.memory_space<vmem>> -> memref<64x128xf32, #tpu.memory_space<vmem>>
    %dma_wait3A_75 = arith.constant 0 : i32
    %dma_wait3A_76 = tpu.memref_slice %arg4[%multiple_of3A_69, %dma_wait3A_75] : memref<500000x128xf32, #tpu.memory_space<hbm>> -> memref<64x128xf32, #tpu.memory_space<hbm>>
    %dma_wait3A_77 = arith.constant 0 : i32
    %dma_wait3A_78 = tpu.memref_slice %arg4[%multiple_of3A_69, %dma_wait3A_77] : memref<500000x128xf32, #tpu.memory_space<hbm>> -> memref<64x128xf32, #tpu.memory_space<hbm>>
    %dma_wait3A_79 = arith.constant 0 : i32
    %dma_wait3A_80 = arith.constant 0 : i32
    %dma_wait3A_81 = tpu.memref_slice %arg6[%dma_wait3A_70, %dma_wait3A_79, %dma_wait3A_80] : memref<2x64x128xf32, #tpu.memory_space<vmem>> -> memref<1x64x128xf32, #tpu.memory_space<vmem>>
    %dma_wait3A_82 = tpu.memref_squeeze %dma_wait3A_81 : memref<1x64x128xf32, #tpu.memory_space<vmem>> -> memref<64x128xf32, #tpu.memory_space<vmem>>
    tpu.wait_dma2 semaphore(%arg10 : memref<!tpu.dma_semaphore, #tpu.memory_space<semaphore_mem>>) src(%dma_wait3A_82 : memref<64x128xf32, #tpu.memory_space<vmem>>) dst(%dma_wait3A_78 : memref<64x128xf32, #tpu.memory_space<hbm>>)
    %run_scoped3A = arith.constant 0 : i32
    "tpu.region"() ({
      %run_scoped3A_103 = tpu.sem_alloc : memref<!tpu.dma_semaphore, #tpu.memory_space<semaphore_mem>>
      %dma_start3A_104 = arith.constant 0 : i32
      %dma_start3A_105 = arith.constant 0 : i32
      %dma_start3A_106 = tpu.memref_slice %arg5[%run_scoped3A, %dma_start3A_104, %dma_start3A_105] : memref<2x64x128xf32, #tpu.memory_space<vmem>> -> memref<1x64x128xf32, #tpu.memory_space<vmem>>
      %dma_start3A_107 = tpu.memref_squeeze %dma_start3A_106 : memref<1x64x128xf32, #tpu.memory_space<vmem>> -> memref<64x128xf32, #tpu.memory_space<vmem>>
      %dma_start3A_108 = arith.constant 0 : i32
      %dma_start3A_109 = arith.constant 999424 : i32
      %dma_start3A_110 = tpu.memref_slice %arg2[%dma_start3A_108, %dma_start3A_109] : memref<64x1000000xf32, #tpu.memory_space<hbm>> -> memref<64x128xf32, #tpu.memory_space<hbm>>
      %dma_start3A_111 = arith.constant 0 : i32
      %dma_start3A_112 = arith.constant 0 : i32
      %dma_start3A_113 = tpu.memref_slice %arg5[%run_scoped3A, %dma_start3A_111, %dma_start3A_112] : memref<2x64x128xf32, #tpu.memory_space<vmem>> -> memref<1x64x128xf32, #tpu.memory_space<vmem>>
      %dma_start3A_114 = tpu.memref_squeeze %dma_start3A_113 : memref<1x64x128xf32, #tpu.memory_space<vmem>> -> memref<64x128xf32, #tpu.memory_space<vmem>>
      %dma_start3A_115 = arith.constant 0 : i32
      %dma_start3A_116 = arith.constant 999424 : i32
      %dma_start3A_117 = tpu.memref_slice %arg2[%dma_start3A_115, %dma_start3A_116] : memref<64x1000000xf32, #tpu.memory_space<hbm>> -> memref<64x128xf32, #tpu.memory_space<hbm>>
      tpu.enqueue_dma source(%dma_start3A_117 : memref<64x128xf32, #tpu.memory_space<hbm>>) target(%dma_start3A_114 : memref<64x128xf32, #tpu.memory_space<vmem>>) target_semaphore(%run_scoped3A_103 : memref<!tpu.dma_semaphore, #tpu.memory_space<semaphore_mem>>)
      %dma_wait3A_118 = arith.constant 0 : i32
      %dma_wait3A_119 = arith.constant 0 : i32
      %dma_wait3A_120 = tpu.memref_slice %arg5[%run_scoped3A, %dma_wait3A_118, %dma_wait3A_119] : memref<2x64x128xf32, #tpu.memory_space<vmem>> -> memref<1x64x128xf32, #tpu.memory_space<vmem>>
      %dma_wait3A_121 = tpu.memref_squeeze %dma_wait3A_120 : memref<1x64x128xf32, #tpu.memory_space<vmem>> -> memref<64x128xf32, #tpu.memory_space<vmem>>
      %dma_wait3A_122 = arith.constant 0 : i32
      %dma_wait3A_123 = arith.constant 999424 : i32
      %dma_wait3A_124 = tpu.memref_slice %arg2[%dma_wait3A_122, %dma_wait3A_123] : memref<64x1000000xf32, #tpu.memory_space<hbm>> -> memref<64x128xf32, #tpu.memory_space<hbm>>
      %dma_wait3A_125 = arith.constant 0 : i32
      %dma_wait3A_126 = arith.constant 0 : i32
      %dma_wait3A_127 = tpu.memref_slice %arg5[%run_scoped3A, %dma_wait3A_125, %dma_wait3A_126] : memref<2x64x128xf32, #tpu.memory_space<vmem>> -> memref<1x64x128xf32, #tpu.memory_space<vmem>>
      %dma_wait3A_128 = tpu.memref_squeeze %dma_wait3A_127 : memref<1x64x128xf32, #tpu.memory_space<vmem>> -> memref<64x128xf32, #tpu.memory_space<vmem>>
      %dma_wait3A_129 = arith.constant 0 : i32
      %dma_wait3A_130 = arith.constant 999424 : i32
      %dma_wait3A_131 = tpu.memref_slice %arg2[%dma_wait3A_129, %dma_wait3A_130] : memref<64x1000000xf32, #tpu.memory_space<hbm>> -> memref<64x128xf32, #tpu.memory_space<hbm>>
      tpu.wait_dma2 semaphore(%run_scoped3A_103 : memref<!tpu.dma_semaphore, #tpu.memory_space<semaphore_mem>>) src(%dma_wait3A_131 : memref<64x128xf32, #tpu.memory_space<hbm>>) dst(%dma_wait3A_128 : memref<64x128xf32, #tpu.memory_space<vmem>>)
      tpu.yield
    }) : () -> ()
    %parallel_loop3A = arith.constant 0 : i32
    %parallel_loop3A_83 = arith.constant 128 : i32
    %parallel_loop3A_84 = arith.constant 1 : i32
    scf.for %parallel_loop3A_103 = %parallel_loop3A to %parallel_loop3A_83 step %parallel_loop3A_84  : i32 {
      %parallel_loop3A_104 = arith.constant 16 : i32
      %parallel_loop3A_105 = arith.divsi %parallel_loop3A_103, %parallel_loop3A_104 : i32
      %parallel_loop3A_106 = arith.constant 0 : i32
      %parallel_loop3A_107 = arith.cmpi sgt, %parallel_loop3A_103, %parallel_loop3A_106 : i32
      %parallel_loop3A_108 = arith.extui %parallel_loop3A_107 : i1 to i32
      %parallel_loop3A_109 = arith.constant 0 : i32
      %parallel_loop3A_110 = arith.cmpi slt, %parallel_loop3A_103, %parallel_loop3A_109 : i32
      %parallel_loop3A_111 = arith.extui %parallel_loop3A_110 : i1 to i32
      %parallel_loop3A_112 = arith.subi %parallel_loop3A_108, %parallel_loop3A_111 : i32
      %parallel_loop3A_113 = arith.constant 0 : i32
      %parallel_loop3A_114 = arith.cmpi sgt, %parallel_loop3A_104, %parallel_loop3A_113 : i32
      %parallel_loop3A_115 = arith.extui %parallel_loop3A_114 : i1 to i32
      %parallel_loop3A_116 = arith.constant 0 : i32
      %parallel_loop3A_117 = arith.cmpi slt, %parallel_loop3A_104, %parallel_loop3A_116 : i32
      %parallel_loop3A_118 = arith.extui %parallel_loop3A_117 : i1 to i32
      %parallel_loop3A_119 = arith.subi %parallel_loop3A_115, %parallel_loop3A_118 : i32
      %parallel_loop3A_120 = arith.cmpi ne, %parallel_loop3A_112, %parallel_loop3A_119 : i32
      %parallel_loop3A_121 = arith.remsi %parallel_loop3A_103, %parallel_loop3A_104 : i32
      %parallel_loop3A_122 = arith.constant 0 : i32
      %parallel_loop3A_123 = arith.cmpi ne, %parallel_loop3A_121, %parallel_loop3A_122 : i32
      %parallel_loop3A_124 = arith.andi %parallel_loop3A_120, %parallel_loop3A_123 : i1
      %parallel_loop3A_125 = arith.constant 1 : i32
      %parallel_loop3A_126 = arith.subi %parallel_loop3A_105, %parallel_loop3A_125 : i32
      %parallel_loop3A_127 = arith.select %parallel_loop3A_124, %parallel_loop3A_126, %parallel_loop3A_105 : i32
      %parallel_loop3A_128 = arith.constant 16 : i32
      %parallel_loop3A_129 = arith.muli %parallel_loop3A_127, %parallel_loop3A_128 : i32
      %parallel_loop3A_130 = arith.constant 16 : i32
      %parallel_loop3A_131 = arith.constant 0 : i32
      %parallel_loop3A_132 = arith.cmpi eq, %parallel_loop3A_130, %parallel_loop3A_131 : i32
      %parallel_loop3A_133 = arith.constant 1 : i32
      %parallel_loop3A_134 = arith.select %parallel_loop3A_132, %parallel_loop3A_133, %parallel_loop3A_130 : i32
      %parallel_loop3A_135 = arith.remsi %parallel_loop3A_103, %parallel_loop3A_134 : i32
      %parallel_loop3A_136 = arith.constant 0 : i32
      %parallel_loop3A_137 = arith.cmpi ne, %parallel_loop3A_135, %parallel_loop3A_136 : i32
      %parallel_loop3A_138 = arith.constant 0 : i32
      %parallel_loop3A_139 = arith.cmpi slt, %parallel_loop3A_135, %parallel_loop3A_138 : i32
      %parallel_loop3A_140 = arith.constant 0 : i32
      %parallel_loop3A_141 = arith.cmpi slt, %parallel_loop3A_134, %parallel_loop3A_140 : i32
      %parallel_loop3A_142 = arith.xori %parallel_loop3A_139, %parallel_loop3A_141 : i1
      %parallel_loop3A_143 = arith.andi %parallel_loop3A_142, %parallel_loop3A_137 : i1
      %parallel_loop3A_144 = arith.addi %parallel_loop3A_135, %parallel_loop3A_134 : i32
      %parallel_loop3A_145 = arith.select %parallel_loop3A_143, %parallel_loop3A_144, %parallel_loop3A_135 : i32
      %parallel_loop3A_146 = vector.broadcast %parallel_loop3A_145 : i32 to vector<16xi32>
      %parallel_loop3A_147 = arith.addi %iota3A, %parallel_loop3A_146 : vector<16xi32>
      %parallel_loop3A_148 = arith.constant 15 : i32
      %parallel_loop3A_149 = vector.broadcast %parallel_loop3A_148 : i32 to vector<16xi32>
      %parallel_loop3A_150 = arith.andi %parallel_loop3A_147, %parallel_loop3A_149 : vector<16xi32>
      %parallel_loop3A_151 = vector.broadcast %parallel_loop3A_129 : i32 to vector<16xi32>
      %parallel_loop3A_152 = arith.addi %parallel_loop3A_151, %parallel_loop3A_150 : vector<16xi32>
      %parallel_loop3A_153 = arith.constant 1 : i32
      %parallel_loop3A_154 = vector.broadcast %parallel_loop3A_153 : i32 to vector<16xi32>
      %parallel_loop3A_155 = arith.shrsi %parallel_loop3A_152, %parallel_loop3A_154 : vector<16xi32>
      %parallel_loop3A_156 = arith.constant 1 : i32
      %parallel_loop3A_157 = vector.broadcast %parallel_loop3A_156 : i32 to vector<16xi32>
      %parallel_loop3A_158 = arith.andi %parallel_loop3A_152, %parallel_loop3A_157 : vector<16xi32>
      %parallel_loop3A_159 = arith.constant 6 : i32
      %parallel_loop3A_160 = vector.broadcast %parallel_loop3A_159 : i32 to vector<16xi32>
      %parallel_loop3A_161 = arith.shli %parallel_loop3A_158, %parallel_loop3A_160 : vector<16xi32>
      %parallel_loop3A_162 = arith.constant 0 : i32
      %parallel_loop3A_163 = arith.constant 0 : i32
      %parallel_loop3A_164 = arith.constant 0 : i32
      %parallel_loop3A_165 = tpu.memref_slice %arg5[%parallel_loop3A_162, %parallel_loop3A_163, %parallel_loop3A_164] : memref<2x64x128xf32, #tpu.memory_space<vmem>> -> memref<1x64x128xf32, #tpu.memory_space<vmem>>
      %parallel_loop3A_166 = tpu.memref_squeeze %parallel_loop3A_165 : memref<1x64x128xf32, #tpu.memory_space<vmem>> -> memref<64x128xf32, #tpu.memory_space<vmem>>
      %parallel_loop3A_167 = tpu.vector_load_idx %parallel_loop3A_166[%add3A_5, %parallel_loop3A_152] : memref<64x128xf32, #tpu.memory_space<vmem>>[vector<16xi32>, vector<16xi32>], vector<16xf32>,
      %parallel_loop3A_168 = arith.addi %parallel_loop3A_161, %add3A_5 : vector<16xi32>
      %parallel_loop3A_169 = arith.constant 0 : i32
      %parallel_loop3A_170 = arith.constant 0 : i32
      %parallel_loop3A_171 = arith.constant 0 : i32
      %parallel_loop3A_172 = tpu.memref_slice %arg6[%parallel_loop3A_169, %parallel_loop3A_170, %parallel_loop3A_171] : memref<2x64x128xf32, #tpu.memory_space<vmem>> -> memref<1x64x128xf32, #tpu.memory_space<vmem>>
      %parallel_loop3A_173 = tpu.memref_squeeze %parallel_loop3A_172 : memref<1x64x128xf32, #tpu.memory_space<vmem>> -> memref<64x128xf32, #tpu.memory_space<vmem>>
      tpu.vector_store_idx %parallel_loop3A_173[%parallel_loop3A_155, %parallel_loop3A_168], %parallel_loop3A_167 : memref<64x128xf32, #tpu.memory_space<vmem>>[vector<16xi32>, vector<16xi32>], vector<16xf32>,
      %parallel_loop3A_174 = arith.constant 0 : i32
      %parallel_loop3A_175 = arith.constant 0 : i32
      %parallel_loop3A_176 = arith.constant 0 : i32
      %parallel_loop3A_177 = tpu.memref_slice %arg5[%parallel_loop3A_174, %parallel_loop3A_175, %parallel_loop3A_176] : memref<2x64x128xf32, #tpu.memory_space<vmem>> -> memref<1x64x128xf32, #tpu.memory_space<vmem>>
      %parallel_loop3A_178 = tpu.memref_squeeze %parallel_loop3A_177 : memref<1x64x128xf32, #tpu.memory_space<vmem>> -> memref<64x128xf32, #tpu.memory_space<vmem>>
      %parallel_loop3A_179 = tpu.vector_load_idx %parallel_loop3A_178[%add3A_8, %parallel_loop3A_152] : memref<64x128xf32, #tpu.memory_space<vmem>>[vector<16xi32>, vector<16xi32>], vector<16xf32>,
      %parallel_loop3A_180 = arith.addi %parallel_loop3A_161, %add3A_8 : vector<16xi32>
      %parallel_loop3A_181 = arith.constant 0 : i32
      %parallel_loop3A_182 = arith.constant 0 : i32
      %parallel_loop3A_183 = arith.constant 0 : i32
      %parallel_loop3A_184 = tpu.memref_slice %arg6[%parallel_loop3A_181, %parallel_loop3A_182, %parallel_loop3A_183] : memref<2x64x128xf32, #tpu.memory_space<vmem>> -> memref<1x64x128xf32, #tpu.memory_space<vmem>>
      %parallel_loop3A_185 = tpu.memref_squeeze %parallel_loop3A_184 : memref<1x64x128xf32, #tpu.memory_space<vmem>> -> memref<64x128xf32, #tpu.memory_space<vmem>>
      tpu.vector_store_idx %parallel_loop3A_185[%parallel_loop3A_155, %parallel_loop3A_180], %parallel_loop3A_179 : memref<64x128xf32, #tpu.memory_space<vmem>>[vector<16xi32>, vector<16xi32>], vector<16xf32>,
      %parallel_loop3A_186 = arith.constant 0 : i32
      %parallel_loop3A_187 = arith.constant 0 : i32
      %parallel_loop3A_188 = arith.constant 0 : i32
      %parallel_loop3A_189 = tpu.memref_slice %arg5[%parallel_loop3A_186, %parallel_loop3A_187, %parallel_loop3A_188] : memref<2x64x128xf32, #tpu.memory_space<vmem>> -> memref<1x64x128xf32, #tpu.memory_space<vmem>>
      %parallel_loop3A_190 = tpu.memref_squeeze %parallel_loop3A_189 : memref<1x64x128xf32, #tpu.memory_space<vmem>> -> memref<64x128xf32, #tpu.memory_space<vmem>>
      %parallel_loop3A_191 = tpu.vector_load_idx %parallel_loop3A_190[%add3A_11, %parallel_loop3A_152] : memref<64x128xf32, #tpu.memory_space<vmem>>[vector<16xi32>, vector<16xi32>], vector<16xf32>,
      %parallel_loop3A_192 = arith.addi %parallel_loop3A_161, %add3A_11 : vector<16xi32>
      %parallel_loop3A_193 = arith.constant 0 : i32
      %parallel_loop3A_194 = arith.constant 0 : i32
      %parallel_loop3A_195 = arith.constant 0 : i32
      %parallel_loop3A_196 = tpu.memref_slice %arg6[%parallel_loop3A_193, %parallel_loop3A_194, %parallel_loop3A_195] : memref<2x64x128xf32, #tpu.memory_space<vmem>> -> memref<1x64x128xf32, #tpu.memory_space<vmem>>
      %parallel_loop3A_197 = tpu.memref_squeeze %parallel_loop3A_196 : memref<1x64x128xf32, #tpu.memory_space<vmem>> -> memref<64x128xf32, #tpu.memory_space<vmem>>
      tpu.vector_store_idx %parallel_loop3A_197[%parallel_loop3A_155, %parallel_loop3A_192], %parallel_loop3A_191 : memref<64x128xf32, #tpu.memory_space<vmem>>[vector<16xi32>, vector<16xi32>], vector<16xf32>,
      %parallel_loop3A_198 = arith.constant 0 : i32
      %parallel_loop3A_199 = arith.constant 0 : i32
      %parallel_loop3A_200 = arith.constant 0 : i32
      %parallel_loop3A_201 = tpu.memref_slice %arg5[%parallel_loop3A_198, %parallel_loop3A_199, %parallel_loop3A_200] : memref<2x64x128xf32, #tpu.memory_space<vmem>> -> memref<1x64x128xf32, #tpu.memory_space<vmem>>
      %parallel_loop3A_202 = tpu.memref_squeeze %parallel_loop3A_201 : memref<1x64x128xf32, #tpu.memory_space<vmem>> -> memref<64x128xf32, #tpu.memory_space<vmem>>
      %parallel_loop3A_203 = tpu.vector_load_idx %parallel_loop3A_202[%add3A_14, %parallel_loop3A_152] : memref<64x128xf32, #tpu.memory_space<vmem>>[vector<16xi32>, vector<16xi32>], vector<16xf32>,
      %parallel_loop3A_204 = arith.addi %parallel_loop3A_161, %add3A_14 : vector<16xi32>
      %parallel_loop3A_205 = arith.constant 0 : i32
      %parallel_loop3A_206 = arith.constant 0 : i32
      %parallel_loop3A_207 = arith.constant 0 : i32
      %parallel_loop3A_208 = tpu.memref_slice %arg6[%parallel_loop3A_205, %parallel_loop3A_206, %parallel_loop3A_207] : memref<2x64x128xf32, #tpu.memory_space<vmem>> -> memref<1x64x128xf32, #tpu.memory_space<vmem>>
      %parallel_loop3A_209 = tpu.memref_squeeze %parallel_loop3A_208 : memref<1x64x128xf32, #tpu.memory_space<vmem>> -> memref<64x128xf32, #tpu.memory_space<vmem>>
      tpu.vector_store_idx %parallel_loop3A_209[%parallel_loop3A_155, %parallel_loop3A_204], %parallel_loop3A_203 : memref<64x128xf32, #tpu.memory_space<vmem>>[vector<16xi32>, vector<16xi32>], vector<16xf32>,
    } {sc.loop_unroll_factor = 4 : i64, sc.parallel_access}
    %run_scoped3A_85 = arith.constant 0 : i32
    "tpu.region"() ({
      %run_scoped3A_103 = tpu.sem_alloc : memref<!tpu.dma_semaphore, #tpu.memory_space<semaphore_mem>>
      %dma_start3A_104 = arith.constant 0 : i32
      %dma_start3A_105 = arith.constant 0 : i32
      %dma_start3A_106 = tpu.memref_slice %arg6[%run_scoped3A_85, %dma_start3A_104, %dma_start3A_105] : memref<2x64x128xf32, #tpu.memory_space<vmem>> -> memref<1x64x128xf32, #tpu.memory_space<vmem>>
      %dma_start3A_107 = tpu.memref_squeeze %dma_start3A_106 : memref<1x64x128xf32, #tpu.memory_space<vmem>> -> memref<64x128xf32, #tpu.memory_space<vmem>>
      %dma_start3A_108 = arith.constant 499712 : i32
      %dma_start3A_109 = arith.constant 0 : i32
      %dma_start3A_110 = tpu.memref_slice %arg4[%dma_start3A_108, %dma_start3A_109] : memref<500000x128xf32, #tpu.memory_space<hbm>> -> memref<64x128xf32, #tpu.memory_space<hbm>>
      %dma_start3A_111 = arith.constant 499712 : i32
      %dma_start3A_112 = arith.constant 0 : i32
      %dma_start3A_113 = tpu.memref_slice %arg4[%dma_start3A_111, %dma_start3A_112] : memref<500000x128xf32, #tpu.memory_space<hbm>> -> memref<64x128xf32, #tpu.memory_space<hbm>>
      %dma_start3A_114 = arith.constant 0 : i32
      %dma_start3A_115 = arith.constant 0 : i32
      %dma_start3A_116 = tpu.memref_slice %arg6[%run_scoped3A_85, %dma_start3A_114, %dma_start3A_115] : memref<2x64x128xf32, #tpu.memory_space<vmem>> -> memref<1x64x128xf32, #tpu.memory_space<vmem>>
      %dma_start3A_117 = tpu.memref_squeeze %dma_start3A_116 : memref<1x64x128xf32, #tpu.memory_space<vmem>> -> memref<64x128xf32, #tpu.memory_space<vmem>>
      tpu.enqueue_dma source(%dma_start3A_117 : memref<64x128xf32, #tpu.memory_space<vmem>>) target(%dma_start3A_113 : memref<64x128xf32, #tpu.memory_space<hbm>>) target_semaphore(%run_scoped3A_103 : memref<!tpu.dma_semaphore, #tpu.memory_space<semaphore_mem>>)
      %dma_wait3A_118 = arith.constant 0 : i32
      %dma_wait3A_119 = arith.constant 0 : i32
      %dma_wait3A_120 = tpu.memref_slice %arg6[%run_scoped3A_85, %dma_wait3A_118, %dma_wait3A_119] : memref<2x64x128xf32, #tpu.memory_space<vmem>> -> memref<1x64x128xf32, #tpu.memory_space<vmem>>
      %dma_wait3A_121 = tpu.memref_squeeze %dma_wait3A_120 : memref<1x64x128xf32, #tpu.memory_space<vmem>> -> memref<64x128xf32, #tpu.memory_space<vmem>>
      %dma_wait3A_122 = arith.constant 499712 : i32
      %dma_wait3A_123 = arith.constant 0 : i32
      %dma_wait3A_124 = tpu.memref_slice %arg4[%dma_wait3A_122, %dma_wait3A_123] : memref<500000x128xf32, #tpu.memory_space<hbm>> -> memref<64x128xf32, #tpu.memory_space<hbm>>
      %dma_wait3A_125 = arith.constant 499712 : i32
      %dma_wait3A_126 = arith.constant 0 : i32
      %dma_wait3A_127 = tpu.memref_slice %arg4[%dma_wait3A_125, %dma_wait3A_126] : memref<500000x128xf32, #tpu.memory_space<hbm>> -> memref<64x128xf32, #tpu.memory_space<hbm>>
      %dma_wait3A_128 = arith.constant 0 : i32
      %dma_wait3A_129 = arith.constant 0 : i32
      %dma_wait3A_130 = tpu.memref_slice %arg6[%run_scoped3A_85, %dma_wait3A_128, %dma_wait3A_129] : memref<2x64x128xf32, #tpu.memory_space<vmem>> -> memref<1x64x128xf32, #tpu.memory_space<vmem>>
      %dma_wait3A_131 = tpu.memref_squeeze %dma_wait3A_130 : memref<1x64x128xf32, #tpu.memory_space<vmem>> -> memref<64x128xf32, #tpu.memory_space<vmem>>
      tpu.wait_dma2 semaphore(%run_scoped3A_103 : memref<!tpu.dma_semaphore, #tpu.memory_space<semaphore_mem>>) src(%dma_wait3A_131 : memref<64x128xf32, #tpu.memory_space<vmem>>) dst(%dma_wait3A_127 : memref<64x128xf32, #tpu.memory_space<hbm>>)
      tpu.yield
    }) : () -> ()
    %run_scoped3A_86 = arith.constant 0 : i32
    "tpu.region"() ({
      %run_scoped3A_103 = tpu.sem_alloc : memref<!tpu.dma_semaphore, #tpu.memory_space<semaphore_mem>>
      %dma_start3A_104 = arith.constant 0 : i32
      %dma_start3A_105 = arith.constant 0 : i32
      %dma_start3A_106 = tpu.memref_slice %arg5[%run_scoped3A_86, %dma_start3A_104, %dma_start3A_105] : memref<2x64x128xf32, #tpu.memory_space<vmem>> -> memref<1x64x128xf32, #tpu.memory_space<vmem>>
      %dma_start3A_107 = tpu.memref_squeeze %dma_start3A_106 : memref<1x64x128xf32, #tpu.memory_space<vmem>> -> memref<64x128xf32, #tpu.memory_space<vmem>>
      %dma_start3A_108 = arith.constant 0 : i32
      %dma_start3A_109 = arith.constant 999552 : i32
      %dma_start3A_110 = tpu.memref_slice %arg2[%dma_start3A_108, %dma_start3A_109] : memref<64x1000000xf32, #tpu.memory_space<hbm>> -> memref<64x128xf32, #tpu.memory_space<hbm>>
      %dma_start3A_111 = arith.constant 0 : i32
      %dma_start3A_112 = arith.constant 0 : i32
      %dma_start3A_113 = tpu.memref_slice %arg5[%run_scoped3A_86, %dma_start3A_111, %dma_start3A_112] : memref<2x64x128xf32, #tpu.memory_space<vmem>> -> memref<1x64x128xf32, #tpu.memory_space<vmem>>
      %dma_start3A_114 = tpu.memref_squeeze %dma_start3A_113 : memref<1x64x128xf32, #tpu.memory_space<vmem>> -> memref<64x128xf32, #tpu.memory_space<vmem>>
      %dma_start3A_115 = arith.constant 0 : i32
      %dma_start3A_116 = arith.constant 999552 : i32
      %dma_start3A_117 = tpu.memref_slice %arg2[%dma_start3A_115, %dma_start3A_116] : memref<64x1000000xf32, #tpu.memory_space<hbm>> -> memref<64x128xf32, #tpu.memory_space<hbm>>
      tpu.enqueue_dma source(%dma_start3A_117 : memref<64x128xf32, #tpu.memory_space<hbm>>) target(%dma_start3A_114 : memref<64x128xf32, #tpu.memory_space<vmem>>) target_semaphore(%run_scoped3A_103 : memref<!tpu.dma_semaphore, #tpu.memory_space<semaphore_mem>>)
      %dma_wait3A_118 = arith.constant 0 : i32
      %dma_wait3A_119 = arith.constant 0 : i32
      %dma_wait3A_120 = tpu.memref_slice %arg5[%run_scoped3A_86, %dma_wait3A_118, %dma_wait3A_119] : memref<2x64x128xf32, #tpu.memory_space<vmem>> -> memref<1x64x128xf32, #tpu.memory_space<vmem>>
      %dma_wait3A_121 = tpu.memref_squeeze %dma_wait3A_120 : memref<1x64x128xf32, #tpu.memory_space<vmem>> -> memref<64x128xf32, #tpu.memory_space<vmem>>
      %dma_wait3A_122 = arith.constant 0 : i32
      %dma_wait3A_123 = arith.constant 999552 : i32
      %dma_wait3A_124 = tpu.memref_slice %arg2[%dma_wait3A_122, %dma_wait3A_123] : memref<64x1000000xf32, #tpu.memory_space<hbm>> -> memref<64x128xf32, #tpu.memory_space<hbm>>
      %dma_wait3A_125 = arith.constant 0 : i32
      %dma_wait3A_126 = arith.constant 0 : i32
      %dma_wait3A_127 = tpu.memref_slice %arg5[%run_scoped3A_86, %dma_wait3A_125, %dma_wait3A_126] : memref<2x64x128xf32, #tpu.memory_space<vmem>> -> memref<1x64x128xf32, #tpu.memory_space<vmem>>
      %dma_wait3A_128 = tpu.memref_squeeze %dma_wait3A_127 : memref<1x64x128xf32, #tpu.memory_space<vmem>> -> memref<64x128xf32, #tpu.memory_space<vmem>>
      %dma_wait3A_129 = arith.constant 0 : i32
      %dma_wait3A_130 = arith.constant 999552 : i32
      %dma_wait3A_131 = tpu.memref_slice %arg2[%dma_wait3A_129, %dma_wait3A_130] : memref<64x1000000xf32, #tpu.memory_space<hbm>> -> memref<64x128xf32, #tpu.memory_space<hbm>>
      tpu.wait_dma2 semaphore(%run_scoped3A_103 : memref<!tpu.dma_semaphore, #tpu.memory_space<semaphore_mem>>) src(%dma_wait3A_131 : memref<64x128xf32, #tpu.memory_space<hbm>>) dst(%dma_wait3A_128 : memref<64x128xf32, #tpu.memory_space<vmem>>)
      tpu.yield
    }) : () -> ()
    %parallel_loop3A_87 = arith.constant 0 : i32
    %parallel_loop3A_88 = arith.constant 128 : i32
    %parallel_loop3A_89 = arith.constant 1 : i32
    scf.for %parallel_loop3A_103 = %parallel_loop3A_87 to %parallel_loop3A_88 step %parallel_loop3A_89  : i32 {
      %parallel_loop3A_104 = arith.constant 16 : i32
      %parallel_loop3A_105 = arith.divsi %parallel_loop3A_103, %parallel_loop3A_104 : i32
      %parallel_loop3A_106 = arith.constant 0 : i32
      %parallel_loop3A_107 = arith.cmpi sgt, %parallel_loop3A_103, %parallel_loop3A_106 : i32
      %parallel_loop3A_108 = arith.extui %parallel_loop3A_107 : i1 to i32
      %parallel_loop3A_109 = arith.constant 0 : i32
      %parallel_loop3A_110 = arith.cmpi slt, %parallel_loop3A_103, %parallel_loop3A_109 : i32
      %parallel_loop3A_111 = arith.extui %parallel_loop3A_110 : i1 to i32
      %parallel_loop3A_112 = arith.subi %parallel_loop3A_108, %parallel_loop3A_111 : i32
      %parallel_loop3A_113 = arith.constant 0 : i32
      %parallel_loop3A_114 = arith.cmpi sgt, %parallel_loop3A_104, %parallel_loop3A_113 : i32
      %parallel_loop3A_115 = arith.extui %parallel_loop3A_114 : i1 to i32
      %parallel_loop3A_116 = arith.constant 0 : i32
      %parallel_loop3A_117 = arith.cmpi slt, %parallel_loop3A_104, %parallel_loop3A_116 : i32
      %parallel_loop3A_118 = arith.extui %parallel_loop3A_117 : i1 to i32
      %parallel_loop3A_119 = arith.subi %parallel_loop3A_115, %parallel_loop3A_118 : i32
      %parallel_loop3A_120 = arith.cmpi ne, %parallel_loop3A_112, %parallel_loop3A_119 : i32
      %parallel_loop3A_121 = arith.remsi %parallel_loop3A_103, %parallel_loop3A_104 : i32
      %parallel_loop3A_122 = arith.constant 0 : i32
      %parallel_loop3A_123 = arith.cmpi ne, %parallel_loop3A_121, %parallel_loop3A_122 : i32
      %parallel_loop3A_124 = arith.andi %parallel_loop3A_120, %parallel_loop3A_123 : i1
      %parallel_loop3A_125 = arith.constant 1 : i32
      %parallel_loop3A_126 = arith.subi %parallel_loop3A_105, %parallel_loop3A_125 : i32
      %parallel_loop3A_127 = arith.select %parallel_loop3A_124, %parallel_loop3A_126, %parallel_loop3A_105 : i32
      %parallel_loop3A_128 = arith.constant 16 : i32
      %parallel_loop3A_129 = arith.muli %parallel_loop3A_127, %parallel_loop3A_128 : i32
      %parallel_loop3A_130 = arith.constant 16 : i32
      %parallel_loop3A_131 = arith.constant 0 : i32
      %parallel_loop3A_132 = arith.cmpi eq, %parallel_loop3A_130, %parallel_loop3A_131 : i32
      %parallel_loop3A_133 = arith.constant 1 : i32
      %parallel_loop3A_134 = arith.select %parallel_loop3A_132, %parallel_loop3A_133, %parallel_loop3A_130 : i32
      %parallel_loop3A_135 = arith.remsi %parallel_loop3A_103, %parallel_loop3A_134 : i32
      %parallel_loop3A_136 = arith.constant 0 : i32
      %parallel_loop3A_137 = arith.cmpi ne, %parallel_loop3A_135, %parallel_loop3A_136 : i32
      %parallel_loop3A_138 = arith.constant 0 : i32
      %parallel_loop3A_139 = arith.cmpi slt, %parallel_loop3A_135, %parallel_loop3A_138 : i32
      %parallel_loop3A_140 = arith.constant 0 : i32
      %parallel_loop3A_141 = arith.cmpi slt, %parallel_loop3A_134, %parallel_loop3A_140 : i32
      %parallel_loop3A_142 = arith.xori %parallel_loop3A_139, %parallel_loop3A_141 : i1
      %parallel_loop3A_143 = arith.andi %parallel_loop3A_142, %parallel_loop3A_137 : i1
      %parallel_loop3A_144 = arith.addi %parallel_loop3A_135, %parallel_loop3A_134 : i32
      %parallel_loop3A_145 = arith.select %parallel_loop3A_143, %parallel_loop3A_144, %parallel_loop3A_135 : i32
      %parallel_loop3A_146 = vector.broadcast %parallel_loop3A_145 : i32 to vector<16xi32>
      %parallel_loop3A_147 = arith.addi %iota3A, %parallel_loop3A_146 : vector<16xi32>
      %parallel_loop3A_148 = arith.constant 15 : i32
      %parallel_loop3A_149 = vector.broadcast %parallel_loop3A_148 : i32 to vector<16xi32>
      %parallel_loop3A_150 = arith.andi %parallel_loop3A_147, %parallel_loop3A_149 : vector<16xi32>
      %parallel_loop3A_151 = vector.broadcast %parallel_loop3A_129 : i32 to vector<16xi32>
      %parallel_loop3A_152 = arith.addi %parallel_loop3A_151, %parallel_loop3A_150 : vector<16xi32>
      %parallel_loop3A_153 = arith.constant 1 : i32
      %parallel_loop3A_154 = vector.broadcast %parallel_loop3A_153 : i32 to vector<16xi32>
      %parallel_loop3A_155 = arith.shrsi %parallel_loop3A_152, %parallel_loop3A_154 : vector<16xi32>
      %parallel_loop3A_156 = arith.constant 1 : i32
      %parallel_loop3A_157 = vector.broadcast %parallel_loop3A_156 : i32 to vector<16xi32>
      %parallel_loop3A_158 = arith.andi %parallel_loop3A_152, %parallel_loop3A_157 : vector<16xi32>
      %parallel_loop3A_159 = arith.constant 6 : i32
      %parallel_loop3A_160 = vector.broadcast %parallel_loop3A_159 : i32 to vector<16xi32>
      %parallel_loop3A_161 = arith.shli %parallel_loop3A_158, %parallel_loop3A_160 : vector<16xi32>
      %parallel_loop3A_162 = arith.constant 0 : i32
      %parallel_loop3A_163 = arith.constant 0 : i32
      %parallel_loop3A_164 = arith.constant 0 : i32
      %parallel_loop3A_165 = tpu.memref_slice %arg5[%parallel_loop3A_162, %parallel_loop3A_163, %parallel_loop3A_164] : memref<2x64x128xf32, #tpu.memory_space<vmem>> -> memref<1x64x128xf32, #tpu.memory_space<vmem>>
      %parallel_loop3A_166 = tpu.memref_squeeze %parallel_loop3A_165 : memref<1x64x128xf32, #tpu.memory_space<vmem>> -> memref<64x128xf32, #tpu.memory_space<vmem>>
      %parallel_loop3A_167 = tpu.vector_load_idx %parallel_loop3A_166[%add3A_5, %parallel_loop3A_152] : memref<64x128xf32, #tpu.memory_space<vmem>>[vector<16xi32>, vector<16xi32>], vector<16xf32>,
      %parallel_loop3A_168 = arith.addi %parallel_loop3A_161, %add3A_5 : vector<16xi32>
      %parallel_loop3A_169 = arith.constant 0 : i32
      %parallel_loop3A_170 = arith.constant 0 : i32
      %parallel_loop3A_171 = arith.constant 0 : i32
      %parallel_loop3A_172 = tpu.memref_slice %arg6[%parallel_loop3A_169, %parallel_loop3A_170, %parallel_loop3A_171] : memref<2x64x128xf32, #tpu.memory_space<vmem>> -> memref<1x64x128xf32, #tpu.memory_space<vmem>>
      %parallel_loop3A_173 = tpu.memref_squeeze %parallel_loop3A_172 : memref<1x64x128xf32, #tpu.memory_space<vmem>> -> memref<64x128xf32, #tpu.memory_space<vmem>>
      tpu.vector_store_idx %parallel_loop3A_173[%parallel_loop3A_155, %parallel_loop3A_168], %parallel_loop3A_167 : memref<64x128xf32, #tpu.memory_space<vmem>>[vector<16xi32>, vector<16xi32>], vector<16xf32>,
      %parallel_loop3A_174 = arith.constant 0 : i32
      %parallel_loop3A_175 = arith.constant 0 : i32
      %parallel_loop3A_176 = arith.constant 0 : i32
      %parallel_loop3A_177 = tpu.memref_slice %arg5[%parallel_loop3A_174, %parallel_loop3A_175, %parallel_loop3A_176] : memref<2x64x128xf32, #tpu.memory_space<vmem>> -> memref<1x64x128xf32, #tpu.memory_space<vmem>>
      %parallel_loop3A_178 = tpu.memref_squeeze %parallel_loop3A_177 : memref<1x64x128xf32, #tpu.memory_space<vmem>> -> memref<64x128xf32, #tpu.memory_space<vmem>>
      %parallel_loop3A_179 = tpu.vector_load_idx %parallel_loop3A_178[%add3A_8, %parallel_loop3A_152] : memref<64x128xf32, #tpu.memory_space<vmem>>[vector<16xi32>, vector<16xi32>], vector<16xf32>,
      %parallel_loop3A_180 = arith.addi %parallel_loop3A_161, %add3A_8 : vector<16xi32>
      %parallel_loop3A_181 = arith.constant 0 : i32
      %parallel_loop3A_182 = arith.constant 0 : i32
      %parallel_loop3A_183 = arith.constant 0 : i32
      %parallel_loop3A_184 = tpu.memref_slice %arg6[%parallel_loop3A_181, %parallel_loop3A_182, %parallel_loop3A_183] : memref<2x64x128xf32, #tpu.memory_space<vmem>> -> memref<1x64x128xf32, #tpu.memory_space<vmem>>
      %parallel_loop3A_185 = tpu.memref_squeeze %parallel_loop3A_184 : memref<1x64x128xf32, #tpu.memory_space<vmem>> -> memref<64x128xf32, #tpu.memory_space<vmem>>
      tpu.vector_store_idx %parallel_loop3A_185[%parallel_loop3A_155, %parallel_loop3A_180], %parallel_loop3A_179 : memref<64x128xf32, #tpu.memory_space<vmem>>[vector<16xi32>, vector<16xi32>], vector<16xf32>,
      %parallel_loop3A_186 = arith.constant 0 : i32
      %parallel_loop3A_187 = arith.constant 0 : i32
      %parallel_loop3A_188 = arith.constant 0 : i32
      %parallel_loop3A_189 = tpu.memref_slice %arg5[%parallel_loop3A_186, %parallel_loop3A_187, %parallel_loop3A_188] : memref<2x64x128xf32, #tpu.memory_space<vmem>> -> memref<1x64x128xf32, #tpu.memory_space<vmem>>
      %parallel_loop3A_190 = tpu.memref_squeeze %parallel_loop3A_189 : memref<1x64x128xf32, #tpu.memory_space<vmem>> -> memref<64x128xf32, #tpu.memory_space<vmem>>
      %parallel_loop3A_191 = tpu.vector_load_idx %parallel_loop3A_190[%add3A_11, %parallel_loop3A_152] : memref<64x128xf32, #tpu.memory_space<vmem>>[vector<16xi32>, vector<16xi32>], vector<16xf32>,
      %parallel_loop3A_192 = arith.addi %parallel_loop3A_161, %add3A_11 : vector<16xi32>
      %parallel_loop3A_193 = arith.constant 0 : i32
      %parallel_loop3A_194 = arith.constant 0 : i32
      %parallel_loop3A_195 = arith.constant 0 : i32
      %parallel_loop3A_196 = tpu.memref_slice %arg6[%parallel_loop3A_193, %parallel_loop3A_194, %parallel_loop3A_195] : memref<2x64x128xf32, #tpu.memory_space<vmem>> -> memref<1x64x128xf32, #tpu.memory_space<vmem>>
      %parallel_loop3A_197 = tpu.memref_squeeze %parallel_loop3A_196 : memref<1x64x128xf32, #tpu.memory_space<vmem>> -> memref<64x128xf32, #tpu.memory_space<vmem>>
      tpu.vector_store_idx %parallel_loop3A_197[%parallel_loop3A_155, %parallel_loop3A_192], %parallel_loop3A_191 : memref<64x128xf32, #tpu.memory_space<vmem>>[vector<16xi32>, vector<16xi32>], vector<16xf32>,
      %parallel_loop3A_198 = arith.constant 0 : i32
      %parallel_loop3A_199 = arith.constant 0 : i32
      %parallel_loop3A_200 = arith.constant 0 : i32
      %parallel_loop3A_201 = tpu.memref_slice %arg5[%parallel_loop3A_198, %parallel_loop3A_199, %parallel_loop3A_200] : memref<2x64x128xf32, #tpu.memory_space<vmem>> -> memref<1x64x128xf32, #tpu.memory_space<vmem>>
      %parallel_loop3A_202 = tpu.memref_squeeze %parallel_loop3A_201 : memref<1x64x128xf32, #tpu.memory_space<vmem>> -> memref<64x128xf32, #tpu.memory_space<vmem>>
      %parallel_loop3A_203 = tpu.vector_load_idx %parallel_loop3A_202[%add3A_14, %parallel_loop3A_152] : memref<64x128xf32, #tpu.memory_space<vmem>>[vector<16xi32>, vector<16xi32>], vector<16xf32>,
      %parallel_loop3A_204 = arith.addi %parallel_loop3A_161, %add3A_14 : vector<16xi32>
      %parallel_loop3A_205 = arith.constant 0 : i32
      %parallel_loop3A_206 = arith.constant 0 : i32
      %parallel_loop3A_207 = arith.constant 0 : i32
      %parallel_loop3A_208 = tpu.memref_slice %arg6[%parallel_loop3A_205, %parallel_loop3A_206, %parallel_loop3A_207] : memref<2x64x128xf32, #tpu.memory_space<vmem>> -> memref<1x64x128xf32, #tpu.memory_space<vmem>>
      %parallel_loop3A_209 = tpu.memref_squeeze %parallel_loop3A_208 : memref<1x64x128xf32, #tpu.memory_space<vmem>> -> memref<64x128xf32, #tpu.memory_space<vmem>>
      tpu.vector_store_idx %parallel_loop3A_209[%parallel_loop3A_155, %parallel_loop3A_204], %parallel_loop3A_203 : memref<64x128xf32, #tpu.memory_space<vmem>>[vector<16xi32>, vector<16xi32>], vector<16xf32>,
    } {sc.loop_unroll_factor = 4 : i64, sc.parallel_access}
    %run_scoped3A_90 = arith.constant 0 : i32
    "tpu.region"() ({
      %run_scoped3A_103 = tpu.sem_alloc : memref<!tpu.dma_semaphore, #tpu.memory_space<semaphore_mem>>
      %dma_start3A_104 = arith.constant 0 : i32
      %dma_start3A_105 = arith.constant 0 : i32
      %dma_start3A_106 = tpu.memref_slice %arg6[%run_scoped3A_90, %dma_start3A_104, %dma_start3A_105] : memref<2x64x128xf32, #tpu.memory_space<vmem>> -> memref<1x64x128xf32, #tpu.memory_space<vmem>>
      %dma_start3A_107 = tpu.memref_squeeze %dma_start3A_106 : memref<1x64x128xf32, #tpu.memory_space<vmem>> -> memref<64x128xf32, #tpu.memory_space<vmem>>
      %dma_start3A_108 = arith.constant 499776 : i32
      %dma_start3A_109 = arith.constant 0 : i32
      %dma_start3A_110 = tpu.memref_slice %arg4[%dma_start3A_108, %dma_start3A_109] : memref<500000x128xf32, #tpu.memory_space<hbm>> -> memref<64x128xf32, #tpu.memory_space<hbm>>
      %dma_start3A_111 = arith.constant 499776 : i32
      %dma_start3A_112 = arith.constant 0 : i32
      %dma_start3A_113 = tpu.memref_slice %arg4[%dma_start3A_111, %dma_start3A_112] : memref<500000x128xf32, #tpu.memory_space<hbm>> -> memref<64x128xf32, #tpu.memory_space<hbm>>
      %dma_start3A_114 = arith.constant 0 : i32
      %dma_start3A_115 = arith.constant 0 : i32
      %dma_start3A_116 = tpu.memref_slice %arg6[%run_scoped3A_90, %dma_start3A_114, %dma_start3A_115] : memref<2x64x128xf32, #tpu.memory_space<vmem>> -> memref<1x64x128xf32, #tpu.memory_space<vmem>>
      %dma_start3A_117 = tpu.memref_squeeze %dma_start3A_116 : memref<1x64x128xf32, #tpu.memory_space<vmem>> -> memref<64x128xf32, #tpu.memory_space<vmem>>
      tpu.enqueue_dma source(%dma_start3A_117 : memref<64x128xf32, #tpu.memory_space<vmem>>) target(%dma_start3A_113 : memref<64x128xf32, #tpu.memory_space<hbm>>) target_semaphore(%run_scoped3A_103 : memref<!tpu.dma_semaphore, #tpu.memory_space<semaphore_mem>>)
      %dma_wait3A_118 = arith.constant 0 : i32
      %dma_wait3A_119 = arith.constant 0 : i32
      %dma_wait3A_120 = tpu.memref_slice %arg6[%run_scoped3A_90, %dma_wait3A_118, %dma_wait3A_119] : memref<2x64x128xf32, #tpu.memory_space<vmem>> -> memref<1x64x128xf32, #tpu.memory_space<vmem>>
      %dma_wait3A_121 = tpu.memref_squeeze %dma_wait3A_120 : memref<1x64x128xf32, #tpu.memory_space<vmem>> -> memref<64x128xf32, #tpu.memory_space<vmem>>
      %dma_wait3A_122 = arith.constant 499776 : i32
      %dma_wait3A_123 = arith.constant 0 : i32
      %dma_wait3A_124 = tpu.memref_slice %arg4[%dma_wait3A_122, %dma_wait3A_123] : memref<500000x128xf32, #tpu.memory_space<hbm>> -> memref<64x128xf32, #tpu.memory_space<hbm>>
      %dma_wait3A_125 = arith.constant 499776 : i32
      %dma_wait3A_126 = arith.constant 0 : i32
      %dma_wait3A_127 = tpu.memref_slice %arg4[%dma_wait3A_125, %dma_wait3A_126] : memref<500000x128xf32, #tpu.memory_space<hbm>> -> memref<64x128xf32, #tpu.memory_space<hbm>>
      %dma_wait3A_128 = arith.constant 0 : i32
      %dma_wait3A_129 = arith.constant 0 : i32
      %dma_wait3A_130 = tpu.memref_slice %arg6[%run_scoped3A_90, %dma_wait3A_128, %dma_wait3A_129] : memref<2x64x128xf32, #tpu.memory_space<vmem>> -> memref<1x64x128xf32, #tpu.memory_space<vmem>>
      %dma_wait3A_131 = tpu.memref_squeeze %dma_wait3A_130 : memref<1x64x128xf32, #tpu.memory_space<vmem>> -> memref<64x128xf32, #tpu.memory_space<vmem>>
      tpu.wait_dma2 semaphore(%run_scoped3A_103 : memref<!tpu.dma_semaphore, #tpu.memory_space<semaphore_mem>>) src(%dma_wait3A_131 : memref<64x128xf32, #tpu.memory_space<vmem>>) dst(%dma_wait3A_127 : memref<64x128xf32, #tpu.memory_space<hbm>>)
      tpu.yield
    }) : () -> ()
    %run_scoped3A_91 = arith.constant 0 : i32
    "tpu.region"() ({
      %run_scoped3A_103 = tpu.sem_alloc : memref<!tpu.dma_semaphore, #tpu.memory_space<semaphore_mem>>
      %dma_start3A_104 = arith.constant 0 : i32
      %dma_start3A_105 = arith.constant 0 : i32
      %dma_start3A_106 = tpu.memref_slice %arg5[%run_scoped3A_91, %dma_start3A_104, %dma_start3A_105] : memref<2x64x128xf32, #tpu.memory_space<vmem>> -> memref<1x64x128xf32, #tpu.memory_space<vmem>>
      %dma_start3A_107 = tpu.memref_squeeze %dma_start3A_106 : memref<1x64x128xf32, #tpu.memory_space<vmem>> -> memref<64x128xf32, #tpu.memory_space<vmem>>
      %dma_start3A_108 = arith.constant 0 : i32
      %dma_start3A_109 = arith.constant 999680 : i32
      %dma_start3A_110 = tpu.memref_slice %arg2[%dma_start3A_108, %dma_start3A_109] : memref<64x1000000xf32, #tpu.memory_space<hbm>> -> memref<64x128xf32, #tpu.memory_space<hbm>>
      %dma_start3A_111 = arith.constant 0 : i32
      %dma_start3A_112 = arith.constant 0 : i32
      %dma_start3A_113 = tpu.memref_slice %arg5[%run_scoped3A_91, %dma_start3A_111, %dma_start3A_112] : memref<2x64x128xf32, #tpu.memory_space<vmem>> -> memref<1x64x128xf32, #tpu.memory_space<vmem>>
      %dma_start3A_114 = tpu.memref_squeeze %dma_start3A_113 : memref<1x64x128xf32, #tpu.memory_space<vmem>> -> memref<64x128xf32, #tpu.memory_space<vmem>>
      %dma_start3A_115 = arith.constant 0 : i32
      %dma_start3A_116 = arith.constant 999680 : i32
      %dma_start3A_117 = tpu.memref_slice %arg2[%dma_start3A_115, %dma_start3A_116] : memref<64x1000000xf32, #tpu.memory_space<hbm>> -> memref<64x128xf32, #tpu.memory_space<hbm>>
      tpu.enqueue_dma source(%dma_start3A_117 : memref<64x128xf32, #tpu.memory_space<hbm>>) target(%dma_start3A_114 : memref<64x128xf32, #tpu.memory_space<vmem>>) target_semaphore(%run_scoped3A_103 : memref<!tpu.dma_semaphore, #tpu.memory_space<semaphore_mem>>)
      %dma_wait3A_118 = arith.constant 0 : i32
      %dma_wait3A_119 = arith.constant 0 : i32
      %dma_wait3A_120 = tpu.memref_slice %arg5[%run_scoped3A_91, %dma_wait3A_118, %dma_wait3A_119] : memref<2x64x128xf32, #tpu.memory_space<vmem>> -> memref<1x64x128xf32, #tpu.memory_space<vmem>>
      %dma_wait3A_121 = tpu.memref_squeeze %dma_wait3A_120 : memref<1x64x128xf32, #tpu.memory_space<vmem>> -> memref<64x128xf32, #tpu.memory_space<vmem>>
      %dma_wait3A_122 = arith.constant 0 : i32
      %dma_wait3A_123 = arith.constant 999680 : i32
      %dma_wait3A_124 = tpu.memref_slice %arg2[%dma_wait3A_122, %dma_wait3A_123] : memref<64x1000000xf32, #tpu.memory_space<hbm>> -> memref<64x128xf32, #tpu.memory_space<hbm>>
      %dma_wait3A_125 = arith.constant 0 : i32
      %dma_wait3A_126 = arith.constant 0 : i32
      %dma_wait3A_127 = tpu.memref_slice %arg5[%run_scoped3A_91, %dma_wait3A_125, %dma_wait3A_126] : memref<2x64x128xf32, #tpu.memory_space<vmem>> -> memref<1x64x128xf32, #tpu.memory_space<vmem>>
      %dma_wait3A_128 = tpu.memref_squeeze %dma_wait3A_127 : memref<1x64x128xf32, #tpu.memory_space<vmem>> -> memref<64x128xf32, #tpu.memory_space<vmem>>
      %dma_wait3A_129 = arith.constant 0 : i32
      %dma_wait3A_130 = arith.constant 999680 : i32
      %dma_wait3A_131 = tpu.memref_slice %arg2[%dma_wait3A_129, %dma_wait3A_130] : memref<64x1000000xf32, #tpu.memory_space<hbm>> -> memref<64x128xf32, #tpu.memory_space<hbm>>
      tpu.wait_dma2 semaphore(%run_scoped3A_103 : memref<!tpu.dma_semaphore, #tpu.memory_space<semaphore_mem>>) src(%dma_wait3A_131 : memref<64x128xf32, #tpu.memory_space<hbm>>) dst(%dma_wait3A_128 : memref<64x128xf32, #tpu.memory_space<vmem>>)
      tpu.yield
    }) : () -> ()
    %parallel_loop3A_92 = arith.constant 0 : i32
    %parallel_loop3A_93 = arith.constant 128 : i32
    %parallel_loop3A_94 = arith.constant 1 : i32
    scf.for %parallel_loop3A_103 = %parallel_loop3A_92 to %parallel_loop3A_93 step %parallel_loop3A_94  : i32 {
      %parallel_loop3A_104 = arith.constant 16 : i32
      %parallel_loop3A_105 = arith.divsi %parallel_loop3A_103, %parallel_loop3A_104 : i32
      %parallel_loop3A_106 = arith.constant 0 : i32
      %parallel_loop3A_107 = arith.cmpi sgt, %parallel_loop3A_103, %parallel_loop3A_106 : i32
      %parallel_loop3A_108 = arith.extui %parallel_loop3A_107 : i1 to i32
      %parallel_loop3A_109 = arith.constant 0 : i32
      %parallel_loop3A_110 = arith.cmpi slt, %parallel_loop3A_103, %parallel_loop3A_109 : i32
      %parallel_loop3A_111 = arith.extui %parallel_loop3A_110 : i1 to i32
      %parallel_loop3A_112 = arith.subi %parallel_loop3A_108, %parallel_loop3A_111 : i32
      %parallel_loop3A_113 = arith.constant 0 : i32
      %parallel_loop3A_114 = arith.cmpi sgt, %parallel_loop3A_104, %parallel_loop3A_113 : i32
      %parallel_loop3A_115 = arith.extui %parallel_loop3A_114 : i1 to i32
      %parallel_loop3A_116 = arith.constant 0 : i32
      %parallel_loop3A_117 = arith.cmpi slt, %parallel_loop3A_104, %parallel_loop3A_116 : i32
      %parallel_loop3A_118 = arith.extui %parallel_loop3A_117 : i1 to i32
      %parallel_loop3A_119 = arith.subi %parallel_loop3A_115, %parallel_loop3A_118 : i32
      %parallel_loop3A_120 = arith.cmpi ne, %parallel_loop3A_112, %parallel_loop3A_119 : i32
      %parallel_loop3A_121 = arith.remsi %parallel_loop3A_103, %parallel_loop3A_104 : i32
      %parallel_loop3A_122 = arith.constant 0 : i32
      %parallel_loop3A_123 = arith.cmpi ne, %parallel_loop3A_121, %parallel_loop3A_122 : i32
      %parallel_loop3A_124 = arith.andi %parallel_loop3A_120, %parallel_loop3A_123 : i1
      %parallel_loop3A_125 = arith.constant 1 : i32
      %parallel_loop3A_126 = arith.subi %parallel_loop3A_105, %parallel_loop3A_125 : i32
      %parallel_loop3A_127 = arith.select %parallel_loop3A_124, %parallel_loop3A_126, %parallel_loop3A_105 : i32
      %parallel_loop3A_128 = arith.constant 16 : i32
      %parallel_loop3A_129 = arith.muli %parallel_loop3A_127, %parallel_loop3A_128 : i32
      %parallel_loop3A_130 = arith.constant 16 : i32
      %parallel_loop3A_131 = arith.constant 0 : i32
      %parallel_loop3A_132 = arith.cmpi eq, %parallel_loop3A_130, %parallel_loop3A_131 : i32
      %parallel_loop3A_133 = arith.constant 1 : i32
      %parallel_loop3A_134 = arith.select %parallel_loop3A_132, %parallel_loop3A_133, %parallel_loop3A_130 : i32
      %parallel_loop3A_135 = arith.remsi %parallel_loop3A_103, %parallel_loop3A_134 : i32
      %parallel_loop3A_136 = arith.constant 0 : i32
      %parallel_loop3A_137 = arith.cmpi ne, %parallel_loop3A_135, %parallel_loop3A_136 : i32
      %parallel_loop3A_138 = arith.constant 0 : i32
      %parallel_loop3A_139 = arith.cmpi slt, %parallel_loop3A_135, %parallel_loop3A_138 : i32
      %parallel_loop3A_140 = arith.constant 0 : i32
      %parallel_loop3A_141 = arith.cmpi slt, %parallel_loop3A_134, %parallel_loop3A_140 : i32
      %parallel_loop3A_142 = arith.xori %parallel_loop3A_139, %parallel_loop3A_141 : i1
      %parallel_loop3A_143 = arith.andi %parallel_loop3A_142, %parallel_loop3A_137 : i1
      %parallel_loop3A_144 = arith.addi %parallel_loop3A_135, %parallel_loop3A_134 : i32
      %parallel_loop3A_145 = arith.select %parallel_loop3A_143, %parallel_loop3A_144, %parallel_loop3A_135 : i32
      %parallel_loop3A_146 = vector.broadcast %parallel_loop3A_145 : i32 to vector<16xi32>
      %parallel_loop3A_147 = arith.addi %iota3A, %parallel_loop3A_146 : vector<16xi32>
      %parallel_loop3A_148 = arith.constant 15 : i32
      %parallel_loop3A_149 = vector.broadcast %parallel_loop3A_148 : i32 to vector<16xi32>
      %parallel_loop3A_150 = arith.andi %parallel_loop3A_147, %parallel_loop3A_149 : vector<16xi32>
      %parallel_loop3A_151 = vector.broadcast %parallel_loop3A_129 : i32 to vector<16xi32>
      %parallel_loop3A_152 = arith.addi %parallel_loop3A_151, %parallel_loop3A_150 : vector<16xi32>
      %parallel_loop3A_153 = arith.constant 1 : i32
      %parallel_loop3A_154 = vector.broadcast %parallel_loop3A_153 : i32 to vector<16xi32>
      %parallel_loop3A_155 = arith.shrsi %parallel_loop3A_152, %parallel_loop3A_154 : vector<16xi32>
      %parallel_loop3A_156 = arith.constant 1 : i32
      %parallel_loop3A_157 = vector.broadcast %parallel_loop3A_156 : i32 to vector<16xi32>
      %parallel_loop3A_158 = arith.andi %parallel_loop3A_152, %parallel_loop3A_157 : vector<16xi32>
      %parallel_loop3A_159 = arith.constant 6 : i32
      %parallel_loop3A_160 = vector.broadcast %parallel_loop3A_159 : i32 to vector<16xi32>
      %parallel_loop3A_161 = arith.shli %parallel_loop3A_158, %parallel_loop3A_160 : vector<16xi32>
      %parallel_loop3A_162 = arith.constant 0 : i32
      %parallel_loop3A_163 = arith.constant 0 : i32
      %parallel_loop3A_164 = arith.constant 0 : i32
      %parallel_loop3A_165 = tpu.memref_slice %arg5[%parallel_loop3A_162, %parallel_loop3A_163, %parallel_loop3A_164] : memref<2x64x128xf32, #tpu.memory_space<vmem>> -> memref<1x64x128xf32, #tpu.memory_space<vmem>>
      %parallel_loop3A_166 = tpu.memref_squeeze %parallel_loop3A_165 : memref<1x64x128xf32, #tpu.memory_space<vmem>> -> memref<64x128xf32, #tpu.memory_space<vmem>>
      %parallel_loop3A_167 = tpu.vector_load_idx %parallel_loop3A_166[%add3A_5, %parallel_loop3A_152] : memref<64x128xf32, #tpu.memory_space<vmem>>[vector<16xi32>, vector<16xi32>], vector<16xf32>,
      %parallel_loop3A_168 = arith.addi %parallel_loop3A_161, %add3A_5 : vector<16xi32>
      %parallel_loop3A_169 = arith.constant 0 : i32
      %parallel_loop3A_170 = arith.constant 0 : i32
      %parallel_loop3A_171 = arith.constant 0 : i32
      %parallel_loop3A_172 = tpu.memref_slice %arg6[%parallel_loop3A_169, %parallel_loop3A_170, %parallel_loop3A_171] : memref<2x64x128xf32, #tpu.memory_space<vmem>> -> memref<1x64x128xf32, #tpu.memory_space<vmem>>
      %parallel_loop3A_173 = tpu.memref_squeeze %parallel_loop3A_172 : memref<1x64x128xf32, #tpu.memory_space<vmem>> -> memref<64x128xf32, #tpu.memory_space<vmem>>
      tpu.vector_store_idx %parallel_loop3A_173[%parallel_loop3A_155, %parallel_loop3A_168], %parallel_loop3A_167 : memref<64x128xf32, #tpu.memory_space<vmem>>[vector<16xi32>, vector<16xi32>], vector<16xf32>,
      %parallel_loop3A_174 = arith.constant 0 : i32
      %parallel_loop3A_175 = arith.constant 0 : i32
      %parallel_loop3A_176 = arith.constant 0 : i32
      %parallel_loop3A_177 = tpu.memref_slice %arg5[%parallel_loop3A_174, %parallel_loop3A_175, %parallel_loop3A_176] : memref<2x64x128xf32, #tpu.memory_space<vmem>> -> memref<1x64x128xf32, #tpu.memory_space<vmem>>
      %parallel_loop3A_178 = tpu.memref_squeeze %parallel_loop3A_177 : memref<1x64x128xf32, #tpu.memory_space<vmem>> -> memref<64x128xf32, #tpu.memory_space<vmem>>
      %parallel_loop3A_179 = tpu.vector_load_idx %parallel_loop3A_178[%add3A_8, %parallel_loop3A_152] : memref<64x128xf32, #tpu.memory_space<vmem>>[vector<16xi32>, vector<16xi32>], vector<16xf32>,
      %parallel_loop3A_180 = arith.addi %parallel_loop3A_161, %add3A_8 : vector<16xi32>
      %parallel_loop3A_181 = arith.constant 0 : i32
      %parallel_loop3A_182 = arith.constant 0 : i32
      %parallel_loop3A_183 = arith.constant 0 : i32
      %parallel_loop3A_184 = tpu.memref_slice %arg6[%parallel_loop3A_181, %parallel_loop3A_182, %parallel_loop3A_183] : memref<2x64x128xf32, #tpu.memory_space<vmem>> -> memref<1x64x128xf32, #tpu.memory_space<vmem>>
      %parallel_loop3A_185 = tpu.memref_squeeze %parallel_loop3A_184 : memref<1x64x128xf32, #tpu.memory_space<vmem>> -> memref<64x128xf32, #tpu.memory_space<vmem>>
      tpu.vector_store_idx %parallel_loop3A_185[%parallel_loop3A_155, %parallel_loop3A_180], %parallel_loop3A_179 : memref<64x128xf32, #tpu.memory_space<vmem>>[vector<16xi32>, vector<16xi32>], vector<16xf32>,
      %parallel_loop3A_186 = arith.constant 0 : i32
      %parallel_loop3A_187 = arith.constant 0 : i32
      %parallel_loop3A_188 = arith.constant 0 : i32
      %parallel_loop3A_189 = tpu.memref_slice %arg5[%parallel_loop3A_186, %parallel_loop3A_187, %parallel_loop3A_188] : memref<2x64x128xf32, #tpu.memory_space<vmem>> -> memref<1x64x128xf32, #tpu.memory_space<vmem>>
      %parallel_loop3A_190 = tpu.memref_squeeze %parallel_loop3A_189 : memref<1x64x128xf32, #tpu.memory_space<vmem>> -> memref<64x128xf32, #tpu.memory_space<vmem>>
      %parallel_loop3A_191 = tpu.vector_load_idx %parallel_loop3A_190[%add3A_11, %parallel_loop3A_152] : memref<64x128xf32, #tpu.memory_space<vmem>>[vector<16xi32>, vector<16xi32>], vector<16xf32>,
      %parallel_loop3A_192 = arith.addi %parallel_loop3A_161, %add3A_11 : vector<16xi32>
      %parallel_loop3A_193 = arith.constant 0 : i32
      %parallel_loop3A_194 = arith.constant 0 : i32
      %parallel_loop3A_195 = arith.constant 0 : i32
      %parallel_loop3A_196 = tpu.memref_slice %arg6[%parallel_loop3A_193, %parallel_loop3A_194, %parallel_loop3A_195] : memref<2x64x128xf32, #tpu.memory_space<vmem>> -> memref<1x64x128xf32, #tpu.memory_space<vmem>>
      %parallel_loop3A_197 = tpu.memref_squeeze %parallel_loop3A_196 : memref<1x64x128xf32, #tpu.memory_space<vmem>> -> memref<64x128xf32, #tpu.memory_space<vmem>>
      tpu.vector_store_idx %parallel_loop3A_197[%parallel_loop3A_155, %parallel_loop3A_192], %parallel_loop3A_191 : memref<64x128xf32, #tpu.memory_space<vmem>>[vector<16xi32>, vector<16xi32>], vector<16xf32>,
      %parallel_loop3A_198 = arith.constant 0 : i32
      %parallel_loop3A_199 = arith.constant 0 : i32
      %parallel_loop3A_200 = arith.constant 0 : i32
      %parallel_loop3A_201 = tpu.memref_slice %arg5[%parallel_loop3A_198, %parallel_loop3A_199, %parallel_loop3A_200] : memref<2x64x128xf32, #tpu.memory_space<vmem>> -> memref<1x64x128xf32, #tpu.memory_space<vmem>>
      %parallel_loop3A_202 = tpu.memref_squeeze %parallel_loop3A_201 : memref<1x64x128xf32, #tpu.memory_space<vmem>> -> memref<64x128xf32, #tpu.memory_space<vmem>>
      %parallel_loop3A_203 = tpu.vector_load_idx %parallel_loop3A_202[%add3A_14, %parallel_loop3A_152] : memref<64x128xf32, #tpu.memory_space<vmem>>[vector<16xi32>, vector<16xi32>], vector<16xf32>,
      %parallel_loop3A_204 = arith.addi %parallel_loop3A_161, %add3A_14 : vector<16xi32>
      %parallel_loop3A_205 = arith.constant 0 : i32
      %parallel_loop3A_206 = arith.constant 0 : i32
      %parallel_loop3A_207 = arith.constant 0 : i32
      %parallel_loop3A_208 = tpu.memref_slice %arg6[%parallel_loop3A_205, %parallel_loop3A_206, %parallel_loop3A_207] : memref<2x64x128xf32, #tpu.memory_space<vmem>> -> memref<1x64x128xf32, #tpu.memory_space<vmem>>
      %parallel_loop3A_209 = tpu.memref_squeeze %parallel_loop3A_208 : memref<1x64x128xf32, #tpu.memory_space<vmem>> -> memref<64x128xf32, #tpu.memory_space<vmem>>
      tpu.vector_store_idx %parallel_loop3A_209[%parallel_loop3A_155, %parallel_loop3A_204], %parallel_loop3A_203 : memref<64x128xf32, #tpu.memory_space<vmem>>[vector<16xi32>, vector<16xi32>], vector<16xf32>,
    } {sc.loop_unroll_factor = 4 : i64, sc.parallel_access}
    %run_scoped3A_95 = arith.constant 0 : i32
    "tpu.region"() ({
      %run_scoped3A_103 = tpu.sem_alloc : memref<!tpu.dma_semaphore, #tpu.memory_space<semaphore_mem>>
      %dma_start3A_104 = arith.constant 0 : i32
      %dma_start3A_105 = arith.constant 0 : i32
      %dma_start3A_106 = tpu.memref_slice %arg6[%run_scoped3A_95, %dma_start3A_104, %dma_start3A_105] : memref<2x64x128xf32, #tpu.memory_space<vmem>> -> memref<1x64x128xf32, #tpu.memory_space<vmem>>
      %dma_start3A_107 = tpu.memref_squeeze %dma_start3A_106 : memref<1x64x128xf32, #tpu.memory_space<vmem>> -> memref<64x128xf32, #tpu.memory_space<vmem>>
      %dma_start3A_108 = arith.constant 499840 : i32
      %dma_start3A_109 = arith.constant 0 : i32
      %dma_start3A_110 = tpu.memref_slice %arg4[%dma_start3A_108, %dma_start3A_109] : memref<500000x128xf32, #tpu.memory_space<hbm>> -> memref<64x128xf32, #tpu.memory_space<hbm>>
      %dma_start3A_111 = arith.constant 499840 : i32
      %dma_start3A_112 = arith.constant 0 : i32
      %dma_start3A_113 = tpu.memref_slice %arg4[%dma_start3A_111, %dma_start3A_112] : memref<500000x128xf32, #tpu.memory_space<hbm>> -> memref<64x128xf32, #tpu.memory_space<hbm>>
      %dma_start3A_114 = arith.constant 0 : i32
      %dma_start3A_115 = arith.constant 0 : i32
      %dma_start3A_116 = tpu.memref_slice %arg6[%run_scoped3A_95, %dma_start3A_114, %dma_start3A_115] : memref<2x64x128xf32, #tpu.memory_space<vmem>> -> memref<1x64x128xf32, #tpu.memory_space<vmem>>
      %dma_start3A_117 = tpu.memref_squeeze %dma_start3A_116 : memref<1x64x128xf32, #tpu.memory_space<vmem>> -> memref<64x128xf32, #tpu.memory_space<vmem>>
      tpu.enqueue_dma source(%dma_start3A_117 : memref<64x128xf32, #tpu.memory_space<vmem>>) target(%dma_start3A_113 : memref<64x128xf32, #tpu.memory_space<hbm>>) target_semaphore(%run_scoped3A_103 : memref<!tpu.dma_semaphore, #tpu.memory_space<semaphore_mem>>)
      %dma_wait3A_118 = arith.constant 0 : i32
      %dma_wait3A_119 = arith.constant 0 : i32
      %dma_wait3A_120 = tpu.memref_slice %arg6[%run_scoped3A_95, %dma_wait3A_118, %dma_wait3A_119] : memref<2x64x128xf32, #tpu.memory_space<vmem>> -> memref<1x64x128xf32, #tpu.memory_space<vmem>>
      %dma_wait3A_121 = tpu.memref_squeeze %dma_wait3A_120 : memref<1x64x128xf32, #tpu.memory_space<vmem>> -> memref<64x128xf32, #tpu.memory_space<vmem>>
      %dma_wait3A_122 = arith.constant 499840 : i32
      %dma_wait3A_123 = arith.constant 0 : i32
      %dma_wait3A_124 = tpu.memref_slice %arg4[%dma_wait3A_122, %dma_wait3A_123] : memref<500000x128xf32, #tpu.memory_space<hbm>> -> memref<64x128xf32, #tpu.memory_space<hbm>>
      %dma_wait3A_125 = arith.constant 499840 : i32
      %dma_wait3A_126 = arith.constant 0 : i32
      %dma_wait3A_127 = tpu.memref_slice %arg4[%dma_wait3A_125, %dma_wait3A_126] : memref<500000x128xf32, #tpu.memory_space<hbm>> -> memref<64x128xf32, #tpu.memory_space<hbm>>
      %dma_wait3A_128 = arith.constant 0 : i32
      %dma_wait3A_129 = arith.constant 0 : i32
      %dma_wait3A_130 = tpu.memref_slice %arg6[%run_scoped3A_95, %dma_wait3A_128, %dma_wait3A_129] : memref<2x64x128xf32, #tpu.memory_space<vmem>> -> memref<1x64x128xf32, #tpu.memory_space<vmem>>
      %dma_wait3A_131 = tpu.memref_squeeze %dma_wait3A_130 : memref<1x64x128xf32, #tpu.memory_space<vmem>> -> memref<64x128xf32, #tpu.memory_space<vmem>>
      tpu.wait_dma2 semaphore(%run_scoped3A_103 : memref<!tpu.dma_semaphore, #tpu.memory_space<semaphore_mem>>) src(%dma_wait3A_131 : memref<64x128xf32, #tpu.memory_space<vmem>>) dst(%dma_wait3A_127 : memref<64x128xf32, #tpu.memory_space<hbm>>)
      tpu.yield
    }) : () -> ()
    %run_scoped3A_96 = arith.constant 0 : i32
    "tpu.region"() ({
      %run_scoped3A_103 = tpu.sem_alloc : memref<!tpu.dma_semaphore, #tpu.memory_space<semaphore_mem>>
      %dma_start3A_104 = arith.constant 0 : i32
      %dma_start3A_105 = arith.constant 0 : i32
      %dma_start3A_106 = tpu.memref_slice %arg5[%run_scoped3A_96, %dma_start3A_104, %dma_start3A_105] : memref<2x64x128xf32, #tpu.memory_space<vmem>> -> memref<1x64x128xf32, #tpu.memory_space<vmem>>
      %dma_start3A_107 = tpu.memref_squeeze %dma_start3A_106 : memref<1x64x128xf32, #tpu.memory_space<vmem>> -> memref<64x128xf32, #tpu.memory_space<vmem>>
      %dma_start3A_108 = arith.constant 0 : i32
      %dma_start3A_109 = arith.constant 999808 : i32
      %dma_start3A_110 = tpu.memref_slice %arg2[%dma_start3A_108, %dma_start3A_109] : memref<64x1000000xf32, #tpu.memory_space<hbm>> -> memref<64x128xf32, #tpu.memory_space<hbm>>
      %dma_start3A_111 = arith.constant 0 : i32
      %dma_start3A_112 = arith.constant 0 : i32
      %dma_start3A_113 = tpu.memref_slice %arg5[%run_scoped3A_96, %dma_start3A_111, %dma_start3A_112] : memref<2x64x128xf32, #tpu.memory_space<vmem>> -> memref<1x64x128xf32, #tpu.memory_space<vmem>>
      %dma_start3A_114 = tpu.memref_squeeze %dma_start3A_113 : memref<1x64x128xf32, #tpu.memory_space<vmem>> -> memref<64x128xf32, #tpu.memory_space<vmem>>
      %dma_start3A_115 = arith.constant 0 : i32
      %dma_start3A_116 = arith.constant 999808 : i32
      %dma_start3A_117 = tpu.memref_slice %arg2[%dma_start3A_115, %dma_start3A_116] : memref<64x1000000xf32, #tpu.memory_space<hbm>> -> memref<64x128xf32, #tpu.memory_space<hbm>>
      tpu.enqueue_dma source(%dma_start3A_117 : memref<64x128xf32, #tpu.memory_space<hbm>>) target(%dma_start3A_114 : memref<64x128xf32, #tpu.memory_space<vmem>>) target_semaphore(%run_scoped3A_103 : memref<!tpu.dma_semaphore, #tpu.memory_space<semaphore_mem>>)
      %dma_wait3A_118 = arith.constant 0 : i32
      %dma_wait3A_119 = arith.constant 0 : i32
      %dma_wait3A_120 = tpu.memref_slice %arg5[%run_scoped3A_96, %dma_wait3A_118, %dma_wait3A_119] : memref<2x64x128xf32, #tpu.memory_space<vmem>> -> memref<1x64x128xf32, #tpu.memory_space<vmem>>
      %dma_wait3A_121 = tpu.memref_squeeze %dma_wait3A_120 : memref<1x64x128xf32, #tpu.memory_space<vmem>> -> memref<64x128xf32, #tpu.memory_space<vmem>>
      %dma_wait3A_122 = arith.constant 0 : i32
      %dma_wait3A_123 = arith.constant 999808 : i32
      %dma_wait3A_124 = tpu.memref_slice %arg2[%dma_wait3A_122, %dma_wait3A_123] : memref<64x1000000xf32, #tpu.memory_space<hbm>> -> memref<64x128xf32, #tpu.memory_space<hbm>>
      %dma_wait3A_125 = arith.constant 0 : i32
      %dma_wait3A_126 = arith.constant 0 : i32
      %dma_wait3A_127 = tpu.memref_slice %arg5[%run_scoped3A_96, %dma_wait3A_125, %dma_wait3A_126] : memref<2x64x128xf32, #tpu.memory_space<vmem>> -> memref<1x64x128xf32, #tpu.memory_space<vmem>>
      %dma_wait3A_128 = tpu.memref_squeeze %dma_wait3A_127 : memref<1x64x128xf32, #tpu.memory_space<vmem>> -> memref<64x128xf32, #tpu.memory_space<vmem>>
      %dma_wait3A_129 = arith.constant 0 : i32
      %dma_wait3A_130 = arith.constant 999808 : i32
      %dma_wait3A_131 = tpu.memref_slice %arg2[%dma_wait3A_129, %dma_wait3A_130] : memref<64x1000000xf32, #tpu.memory_space<hbm>> -> memref<64x128xf32, #tpu.memory_space<hbm>>
      tpu.wait_dma2 semaphore(%run_scoped3A_103 : memref<!tpu.dma_semaphore, #tpu.memory_space<semaphore_mem>>) src(%dma_wait3A_131 : memref<64x128xf32, #tpu.memory_space<hbm>>) dst(%dma_wait3A_128 : memref<64x128xf32, #tpu.memory_space<vmem>>)
      tpu.yield
    }) : () -> ()
    %parallel_loop3A_97 = arith.constant 0 : i32
    %parallel_loop3A_98 = arith.constant 128 : i32
    %parallel_loop3A_99 = arith.constant 1 : i32
    scf.for %parallel_loop3A_103 = %parallel_loop3A_97 to %parallel_loop3A_98 step %parallel_loop3A_99  : i32 {
      %parallel_loop3A_104 = arith.constant 16 : i32
      %parallel_loop3A_105 = arith.divsi %parallel_loop3A_103, %parallel_loop3A_104 : i32
      %parallel_loop3A_106 = arith.constant 0 : i32
      %parallel_loop3A_107 = arith.cmpi sgt, %parallel_loop3A_103, %parallel_loop3A_106 : i32
      %parallel_loop3A_108 = arith.extui %parallel_loop3A_107 : i1 to i32
      %parallel_loop3A_109 = arith.constant 0 : i32
      %parallel_loop3A_110 = arith.cmpi slt, %parallel_loop3A_103, %parallel_loop3A_109 : i32
      %parallel_loop3A_111 = arith.extui %parallel_loop3A_110 : i1 to i32
      %parallel_loop3A_112 = arith.subi %parallel_loop3A_108, %parallel_loop3A_111 : i32
      %parallel_loop3A_113 = arith.constant 0 : i32
      %parallel_loop3A_114 = arith.cmpi sgt, %parallel_loop3A_104, %parallel_loop3A_113 : i32
      %parallel_loop3A_115 = arith.extui %parallel_loop3A_114 : i1 to i32
      %parallel_loop3A_116 = arith.constant 0 : i32
      %parallel_loop3A_117 = arith.cmpi slt, %parallel_loop3A_104, %parallel_loop3A_116 : i32
      %parallel_loop3A_118 = arith.extui %parallel_loop3A_117 : i1 to i32
      %parallel_loop3A_119 = arith.subi %parallel_loop3A_115, %parallel_loop3A_118 : i32
      %parallel_loop3A_120 = arith.cmpi ne, %parallel_loop3A_112, %parallel_loop3A_119 : i32
      %parallel_loop3A_121 = arith.remsi %parallel_loop3A_103, %parallel_loop3A_104 : i32
      %parallel_loop3A_122 = arith.constant 0 : i32
      %parallel_loop3A_123 = arith.cmpi ne, %parallel_loop3A_121, %parallel_loop3A_122 : i32
      %parallel_loop3A_124 = arith.andi %parallel_loop3A_120, %parallel_loop3A_123 : i1
      %parallel_loop3A_125 = arith.constant 1 : i32
      %parallel_loop3A_126 = arith.subi %parallel_loop3A_105, %parallel_loop3A_125 : i32
      %parallel_loop3A_127 = arith.select %parallel_loop3A_124, %parallel_loop3A_126, %parallel_loop3A_105 : i32
      %parallel_loop3A_128 = arith.constant 16 : i32
      %parallel_loop3A_129 = arith.muli %parallel_loop3A_127, %parallel_loop3A_128 : i32
      %parallel_loop3A_130 = arith.constant 16 : i32
      %parallel_loop3A_131 = arith.constant 0 : i32
      %parallel_loop3A_132 = arith.cmpi eq, %parallel_loop3A_130, %parallel_loop3A_131 : i32
      %parallel_loop3A_133 = arith.constant 1 : i32
      %parallel_loop3A_134 = arith.select %parallel_loop3A_132, %parallel_loop3A_133, %parallel_loop3A_130 : i32
      %parallel_loop3A_135 = arith.remsi %parallel_loop3A_103, %parallel_loop3A_134 : i32
      %parallel_loop3A_136 = arith.constant 0 : i32
      %parallel_loop3A_137 = arith.cmpi ne, %parallel_loop3A_135, %parallel_loop3A_136 : i32
      %parallel_loop3A_138 = arith.constant 0 : i32
      %parallel_loop3A_139 = arith.cmpi slt, %parallel_loop3A_135, %parallel_loop3A_138 : i32
      %parallel_loop3A_140 = arith.constant 0 : i32
      %parallel_loop3A_141 = arith.cmpi slt, %parallel_loop3A_134, %parallel_loop3A_140 : i32
      %parallel_loop3A_142 = arith.xori %parallel_loop3A_139, %parallel_loop3A_141 : i1
      %parallel_loop3A_143 = arith.andi %parallel_loop3A_142, %parallel_loop3A_137 : i1
      %parallel_loop3A_144 = arith.addi %parallel_loop3A_135, %parallel_loop3A_134 : i32
      %parallel_loop3A_145 = arith.select %parallel_loop3A_143, %parallel_loop3A_144, %parallel_loop3A_135 : i32
      %parallel_loop3A_146 = vector.broadcast %parallel_loop3A_145 : i32 to vector<16xi32>
      %parallel_loop3A_147 = arith.addi %iota3A, %parallel_loop3A_146 : vector<16xi32>
      %parallel_loop3A_148 = arith.constant 15 : i32
      %parallel_loop3A_149 = vector.broadcast %parallel_loop3A_148 : i32 to vector<16xi32>
      %parallel_loop3A_150 = arith.andi %parallel_loop3A_147, %parallel_loop3A_149 : vector<16xi32>
      %parallel_loop3A_151 = vector.broadcast %parallel_loop3A_129 : i32 to vector<16xi32>
      %parallel_loop3A_152 = arith.addi %parallel_loop3A_151, %parallel_loop3A_150 : vector<16xi32>
      %parallel_loop3A_153 = arith.constant 1 : i32
      %parallel_loop3A_154 = vector.broadcast %parallel_loop3A_153 : i32 to vector<16xi32>
      %parallel_loop3A_155 = arith.shrsi %parallel_loop3A_152, %parallel_loop3A_154 : vector<16xi32>
      %parallel_loop3A_156 = arith.constant 1 : i32
      %parallel_loop3A_157 = vector.broadcast %parallel_loop3A_156 : i32 to vector<16xi32>
      %parallel_loop3A_158 = arith.andi %parallel_loop3A_152, %parallel_loop3A_157 : vector<16xi32>
      %parallel_loop3A_159 = arith.constant 6 : i32
      %parallel_loop3A_160 = vector.broadcast %parallel_loop3A_159 : i32 to vector<16xi32>
      %parallel_loop3A_161 = arith.shli %parallel_loop3A_158, %parallel_loop3A_160 : vector<16xi32>
      %parallel_loop3A_162 = arith.constant 0 : i32
      %parallel_loop3A_163 = arith.constant 0 : i32
      %parallel_loop3A_164 = arith.constant 0 : i32
      %parallel_loop3A_165 = tpu.memref_slice %arg5[%parallel_loop3A_162, %parallel_loop3A_163, %parallel_loop3A_164] : memref<2x64x128xf32, #tpu.memory_space<vmem>> -> memref<1x64x128xf32, #tpu.memory_space<vmem>>
      %parallel_loop3A_166 = tpu.memref_squeeze %parallel_loop3A_165 : memref<1x64x128xf32, #tpu.memory_space<vmem>> -> memref<64x128xf32, #tpu.memory_space<vmem>>
      %parallel_loop3A_167 = tpu.vector_load_idx %parallel_loop3A_166[%add3A_5, %parallel_loop3A_152] : memref<64x128xf32, #tpu.memory_space<vmem>>[vector<16xi32>, vector<16xi32>], vector<16xf32>,
      %parallel_loop3A_168 = arith.addi %parallel_loop3A_161, %add3A_5 : vector<16xi32>
      %parallel_loop3A_169 = arith.constant 0 : i32
      %parallel_loop3A_170 = arith.constant 0 : i32
      %parallel_loop3A_171 = arith.constant 0 : i32
      %parallel_loop3A_172 = tpu.memref_slice %arg6[%parallel_loop3A_169, %parallel_loop3A_170, %parallel_loop3A_171] : memref<2x64x128xf32, #tpu.memory_space<vmem>> -> memref<1x64x128xf32, #tpu.memory_space<vmem>>
      %parallel_loop3A_173 = tpu.memref_squeeze %parallel_loop3A_172 : memref<1x64x128xf32, #tpu.memory_space<vmem>> -> memref<64x128xf32, #tpu.memory_space<vmem>>
      tpu.vector_store_idx %parallel_loop3A_173[%parallel_loop3A_155, %parallel_loop3A_168], %parallel_loop3A_167 : memref<64x128xf32, #tpu.memory_space<vmem>>[vector<16xi32>, vector<16xi32>], vector<16xf32>,
      %parallel_loop3A_174 = arith.constant 0 : i32
      %parallel_loop3A_175 = arith.constant 0 : i32
      %parallel_loop3A_176 = arith.constant 0 : i32
      %parallel_loop3A_177 = tpu.memref_slice %arg5[%parallel_loop3A_174, %parallel_loop3A_175, %parallel_loop3A_176] : memref<2x64x128xf32, #tpu.memory_space<vmem>> -> memref<1x64x128xf32, #tpu.memory_space<vmem>>
      %parallel_loop3A_178 = tpu.memref_squeeze %parallel_loop3A_177 : memref<1x64x128xf32, #tpu.memory_space<vmem>> -> memref<64x128xf32, #tpu.memory_space<vmem>>
      %parallel_loop3A_179 = tpu.vector_load_idx %parallel_loop3A_178[%add3A_8, %parallel_loop3A_152] : memref<64x128xf32, #tpu.memory_space<vmem>>[vector<16xi32>, vector<16xi32>], vector<16xf32>,
      %parallel_loop3A_180 = arith.addi %parallel_loop3A_161, %add3A_8 : vector<16xi32>
      %parallel_loop3A_181 = arith.constant 0 : i32
      %parallel_loop3A_182 = arith.constant 0 : i32
      %parallel_loop3A_183 = arith.constant 0 : i32
      %parallel_loop3A_184 = tpu.memref_slice %arg6[%parallel_loop3A_181, %parallel_loop3A_182, %parallel_loop3A_183] : memref<2x64x128xf32, #tpu.memory_space<vmem>> -> memref<1x64x128xf32, #tpu.memory_space<vmem>>
      %parallel_loop3A_185 = tpu.memref_squeeze %parallel_loop3A_184 : memref<1x64x128xf32, #tpu.memory_space<vmem>> -> memref<64x128xf32, #tpu.memory_space<vmem>>
      tpu.vector_store_idx %parallel_loop3A_185[%parallel_loop3A_155, %parallel_loop3A_180], %parallel_loop3A_179 : memref<64x128xf32, #tpu.memory_space<vmem>>[vector<16xi32>, vector<16xi32>], vector<16xf32>,
      %parallel_loop3A_186 = arith.constant 0 : i32
      %parallel_loop3A_187 = arith.constant 0 : i32
      %parallel_loop3A_188 = arith.constant 0 : i32
      %parallel_loop3A_189 = tpu.memref_slice %arg5[%parallel_loop3A_186, %parallel_loop3A_187, %parallel_loop3A_188] : memref<2x64x128xf32, #tpu.memory_space<vmem>> -> memref<1x64x128xf32, #tpu.memory_space<vmem>>
      %parallel_loop3A_190 = tpu.memref_squeeze %parallel_loop3A_189 : memref<1x64x128xf32, #tpu.memory_space<vmem>> -> memref<64x128xf32, #tpu.memory_space<vmem>>
      %parallel_loop3A_191 = tpu.vector_load_idx %parallel_loop3A_190[%add3A_11, %parallel_loop3A_152] : memref<64x128xf32, #tpu.memory_space<vmem>>[vector<16xi32>, vector<16xi32>], vector<16xf32>,
      %parallel_loop3A_192 = arith.addi %parallel_loop3A_161, %add3A_11 : vector<16xi32>
      %parallel_loop3A_193 = arith.constant 0 : i32
      %parallel_loop3A_194 = arith.constant 0 : i32
      %parallel_loop3A_195 = arith.constant 0 : i32
      %parallel_loop3A_196 = tpu.memref_slice %arg6[%parallel_loop3A_193, %parallel_loop3A_194, %parallel_loop3A_195] : memref<2x64x128xf32, #tpu.memory_space<vmem>> -> memref<1x64x128xf32, #tpu.memory_space<vmem>>
      %parallel_loop3A_197 = tpu.memref_squeeze %parallel_loop3A_196 : memref<1x64x128xf32, #tpu.memory_space<vmem>> -> memref<64x128xf32, #tpu.memory_space<vmem>>
      tpu.vector_store_idx %parallel_loop3A_197[%parallel_loop3A_155, %parallel_loop3A_192], %parallel_loop3A_191 : memref<64x128xf32, #tpu.memory_space<vmem>>[vector<16xi32>, vector<16xi32>], vector<16xf32>,
      %parallel_loop3A_198 = arith.constant 0 : i32
      %parallel_loop3A_199 = arith.constant 0 : i32
      %parallel_loop3A_200 = arith.constant 0 : i32
      %parallel_loop3A_201 = tpu.memref_slice %arg5[%parallel_loop3A_198, %parallel_loop3A_199, %parallel_loop3A_200] : memref<2x64x128xf32, #tpu.memory_space<vmem>> -> memref<1x64x128xf32, #tpu.memory_space<vmem>>
      %parallel_loop3A_202 = tpu.memref_squeeze %parallel_loop3A_201 : memref<1x64x128xf32, #tpu.memory_space<vmem>> -> memref<64x128xf32, #tpu.memory_space<vmem>>
      %parallel_loop3A_203 = tpu.vector_load_idx %parallel_loop3A_202[%add3A_14, %parallel_loop3A_152] : memref<64x128xf32, #tpu.memory_space<vmem>>[vector<16xi32>, vector<16xi32>], vector<16xf32>,
      %parallel_loop3A_204 = arith.addi %parallel_loop3A_161, %add3A_14 : vector<16xi32>
      %parallel_loop3A_205 = arith.constant 0 : i32
      %parallel_loop3A_206 = arith.constant 0 : i32
      %parallel_loop3A_207 = arith.constant 0 : i32
      %parallel_loop3A_208 = tpu.memref_slice %arg6[%parallel_loop3A_205, %parallel_loop3A_206, %parallel_loop3A_207] : memref<2x64x128xf32, #tpu.memory_space<vmem>> -> memref<1x64x128xf32, #tpu.memory_space<vmem>>
      %parallel_loop3A_209 = tpu.memref_squeeze %parallel_loop3A_208 : memref<1x64x128xf32, #tpu.memory_space<vmem>> -> memref<64x128xf32, #tpu.memory_space<vmem>>
      tpu.vector_store_idx %parallel_loop3A_209[%parallel_loop3A_155, %parallel_loop3A_204], %parallel_loop3A_203 : memref<64x128xf32, #tpu.memory_space<vmem>>[vector<16xi32>, vector<16xi32>], vector<16xf32>,
    } {sc.loop_unroll_factor = 4 : i64, sc.parallel_access}
    %run_scoped3A_100 = arith.constant 0 : i32
    "tpu.region"() ({
      %run_scoped3A_103 = tpu.sem_alloc : memref<!tpu.dma_semaphore, #tpu.memory_space<semaphore_mem>>
      %dma_start3A_104 = arith.constant 0 : i32
      %dma_start3A_105 = arith.constant 0 : i32
      %dma_start3A_106 = tpu.memref_slice %arg6[%run_scoped3A_100, %dma_start3A_104, %dma_start3A_105] : memref<2x64x128xf32, #tpu.memory_space<vmem>> -> memref<1x64x128xf32, #tpu.memory_space<vmem>>
      %dma_start3A_107 = tpu.memref_squeeze %dma_start3A_106 : memref<1x64x128xf32, #tpu.memory_space<vmem>> -> memref<64x128xf32, #tpu.memory_space<vmem>>
      %dma_start3A_108 = arith.constant 499904 : i32
      %dma_start3A_109 = arith.constant 0 : i32
      %dma_start3A_110 = tpu.memref_slice %arg4[%dma_start3A_108, %dma_start3A_109] : memref<500000x128xf32, #tpu.memory_space<hbm>> -> memref<64x128xf32, #tpu.memory_space<hbm>>
      %dma_start3A_111 = arith.constant 499904 : i32
      %dma_start3A_112 = arith.constant 0 : i32
      %dma_start3A_113 = tpu.memref_slice %arg4[%dma_start3A_111, %dma_start3A_112] : memref<500000x128xf32, #tpu.memory_space<hbm>> -> memref<64x128xf32, #tpu.memory_space<hbm>>
      %dma_start3A_114 = arith.constant 0 : i32
      %dma_start3A_115 = arith.constant 0 : i32
      %dma_start3A_116 = tpu.memref_slice %arg6[%run_scoped3A_100, %dma_start3A_114, %dma_start3A_115] : memref<2x64x128xf32, #tpu.memory_space<vmem>> -> memref<1x64x128xf32, #tpu.memory_space<vmem>>
      %dma_start3A_117 = tpu.memref_squeeze %dma_start3A_116 : memref<1x64x128xf32, #tpu.memory_space<vmem>> -> memref<64x128xf32, #tpu.memory_space<vmem>>
      tpu.enqueue_dma source(%dma_start3A_117 : memref<64x128xf32, #tpu.memory_space<vmem>>) target(%dma_start3A_113 : memref<64x128xf32, #tpu.memory_space<hbm>>) target_semaphore(%run_scoped3A_103 : memref<!tpu.dma_semaphore, #tpu.memory_space<semaphore_mem>>)
      %dma_wait3A_118 = arith.constant 0 : i32
      %dma_wait3A_119 = arith.constant 0 : i32
      %dma_wait3A_120 = tpu.memref_slice %arg6[%run_scoped3A_100, %dma_wait3A_118, %dma_wait3A_119] : memref<2x64x128xf32, #tpu.memory_space<vmem>> -> memref<1x64x128xf32, #tpu.memory_space<vmem>>
      %dma_wait3A_121 = tpu.memref_squeeze %dma_wait3A_120 : memref<1x64x128xf32, #tpu.memory_space<vmem>> -> memref<64x128xf32, #tpu.memory_space<vmem>>
      %dma_wait3A_122 = arith.constant 499904 : i32
      %dma_wait3A_123 = arith.constant 0 : i32
      %dma_wait3A_124 = tpu.memref_slice %arg4[%dma_wait3A_122, %dma_wait3A_123] : memref<500000x128xf32, #tpu.memory_space<hbm>> -> memref<64x128xf32, #tpu.memory_space<hbm>>
      %dma_wait3A_125 = arith.constant 499904 : i32
      %dma_wait3A_126 = arith.constant 0 : i32
      %dma_wait3A_127 = tpu.memref_slice %arg4[%dma_wait3A_125, %dma_wait3A_126] : memref<500000x128xf32, #tpu.memory_space<hbm>> -> memref<64x128xf32, #tpu.memory_space<hbm>>
      %dma_wait3A_128 = arith.constant 0 : i32
      %dma_wait3A_129 = arith.constant 0 : i32
      %dma_wait3A_130 = tpu.memref_slice %arg6[%run_scoped3A_100, %dma_wait3A_128, %dma_wait3A_129] : memref<2x64x128xf32, #tpu.memory_space<vmem>> -> memref<1x64x128xf32, #tpu.memory_space<vmem>>
      %dma_wait3A_131 = tpu.memref_squeeze %dma_wait3A_130 : memref<1x64x128xf32, #tpu.memory_space<vmem>> -> memref<64x128xf32, #tpu.memory_space<vmem>>
      tpu.wait_dma2 semaphore(%run_scoped3A_103 : memref<!tpu.dma_semaphore, #tpu.memory_space<semaphore_mem>>) src(%dma_wait3A_131 : memref<64x128xf32, #tpu.memory_space<vmem>>) dst(%dma_wait3A_127 : memref<64x128xf32, #tpu.memory_space<hbm>>)
      tpu.yield
    }) : () -> ()
    %run_scoped3A_101 = arith.constant 0 : i32
    "tpu.region"() ({
      %run_scoped3A_103 = tpu.sem_alloc : memref<!tpu.dma_semaphore, #tpu.memory_space<semaphore_mem>>
      %dma_start3A_104 = arith.constant 0 : i32
      %dma_start3A_105 = arith.constant 0 : i32
      %dma_start3A_106 = tpu.memref_slice %arg5[%run_scoped3A_101, %dma_start3A_104, %dma_start3A_105] : memref<2x64x128xf32, #tpu.memory_space<vmem>> -> memref<1x32x128xf32, #tpu.memory_space<vmem>>
      %dma_start3A_107 = tpu.memref_squeeze %dma_start3A_106 : memref<1x32x128xf32, #tpu.memory_space<vmem>> -> memref<32x128xf32, #tpu.memory_space<vmem>>
      %dma_start3A_108 = arith.constant 0 : i32
      %dma_start3A_109 = arith.constant 0 : i32
      %dma_start3A_110 = tpu.memref_slice %arg5[%run_scoped3A_101, %dma_start3A_108, %dma_start3A_109] : memref<2x64x128xf32, #tpu.memory_space<vmem>> -> memref<1x32x128xf32, #tpu.memory_space<vmem>>
      %dma_start3A_111 = tpu.memref_squeeze %dma_start3A_110 : memref<1x32x128xf32, #tpu.memory_space<vmem>> -> memref<32x128xf32, #tpu.memory_space<vmem>>
      tpu.enqueue_dma source(%arg3 : memref<32x128xf32, #tpu.memory_space<hbm>>) target(%dma_start3A_111 : memref<32x128xf32, #tpu.memory_space<vmem>>) target_semaphore(%run_scoped3A_103 : memref<!tpu.dma_semaphore, #tpu.memory_space<semaphore_mem>>)
      %dma_wait3A_112 = arith.constant 0 : i32
      %dma_wait3A_113 = arith.constant 0 : i32
      %dma_wait3A_114 = tpu.memref_slice %arg5[%run_scoped3A_101, %dma_wait3A_112, %dma_wait3A_113] : memref<2x64x128xf32, #tpu.memory_space<vmem>> -> memref<1x32x128xf32, #tpu.memory_space<vmem>>
      %dma_wait3A_115 = tpu.memref_squeeze %dma_wait3A_114 : memref<1x32x128xf32, #tpu.memory_space<vmem>> -> memref<32x128xf32, #tpu.memory_space<vmem>>
      %dma_wait3A_116 = arith.constant 0 : i32
      %dma_wait3A_117 = arith.constant 0 : i32
      %dma_wait3A_118 = tpu.memref_slice %arg5[%run_scoped3A_101, %dma_wait3A_116, %dma_wait3A_117] : memref<2x64x128xf32, #tpu.memory_space<vmem>> -> memref<1x32x128xf32, #tpu.memory_space<vmem>>
      %dma_wait3A_119 = tpu.memref_squeeze %dma_wait3A_118 : memref<1x32x128xf32, #tpu.memory_space<vmem>> -> memref<32x128xf32, #tpu.memory_space<vmem>>
      tpu.wait_dma2 semaphore(%run_scoped3A_103 : memref<!tpu.dma_semaphore, #tpu.memory_space<semaphore_mem>>) src(%arg3 : memref<32x128xf32, #tpu.memory_space<hbm>>) dst(%dma_wait3A_119 : memref<32x128xf32, #tpu.memory_space<vmem>>)
      tpu.yield
    }) : () -> ()
    %run_scoped3A_102 = arith.constant 0 : i32
    "tpu.region"() ({
      %run_scoped3A_103 = tpu.sem_alloc : memref<!tpu.dma_semaphore, #tpu.memory_space<semaphore_mem>>
      %dma_start3A_104 = arith.constant 0 : i32
      %dma_start3A_105 = arith.constant 0 : i32
      %dma_start3A_106 = tpu.memref_slice %arg5[%run_scoped3A_102, %dma_start3A_104, %dma_start3A_105] : memref<2x64x128xf32, #tpu.memory_space<vmem>> -> memref<1x32x128xf32, #tpu.memory_space<vmem>>
      %dma_start3A_107 = tpu.memref_squeeze %dma_start3A_106 : memref<1x32x128xf32, #tpu.memory_space<vmem>> -> memref<32x128xf32, #tpu.memory_space<vmem>>
      %dma_start3A_108 = arith.constant 499968 : i32
      %dma_start3A_109 = arith.constant 0 : i32
      %dma_start3A_110 = tpu.memref_slice %arg4[%dma_start3A_108, %dma_start3A_109] : memref<500000x128xf32, #tpu.memory_space<hbm>> -> memref<32x128xf32, #tpu.memory_space<hbm>>
      %dma_start3A_111 = arith.constant 499968 : i32
      %dma_start3A_112 = arith.constant 0 : i32
      %dma_start3A_113 = tpu.memref_slice %arg4[%dma_start3A_111, %dma_start3A_112] : memref<500000x128xf32, #tpu.memory_space<hbm>> -> memref<32x128xf32, #tpu.memory_space<hbm>>
      %dma_start3A_114 = arith.constant 0 : i32
      %dma_start3A_115 = arith.constant 0 : i32
      %dma_start3A_116 = tpu.memref_slice %arg5[%run_scoped3A_102, %dma_start3A_114, %dma_start3A_115] : memref<2x64x128xf32, #tpu.memory_space<vmem>> -> memref<1x32x128xf32, #tpu.memory_space<vmem>>
      %dma_start3A_117 = tpu.memref_squeeze %dma_start3A_116 : memref<1x32x128xf32, #tpu.memory_space<vmem>> -> memref<32x128xf32, #tpu.memory_space<vmem>>
      tpu.enqueue_dma source(%dma_start3A_117 : memref<32x128xf32, #tpu.memory_space<vmem>>) target(%dma_start3A_113 : memref<32x128xf32, #tpu.memory_space<hbm>>) target_semaphore(%run_scoped3A_103 : memref<!tpu.dma_semaphore, #tpu.memory_space<semaphore_mem>>)
      %dma_wait3A_118 = arith.constant 0 : i32
      %dma_wait3A_119 = arith.constant 0 : i32
      %dma_wait3A_120 = tpu.memref_slice %arg5[%run_scoped3A_102, %dma_wait3A_118, %dma_wait3A_119] : memref<2x64x128xf32, #tpu.memory_space<vmem>> -> memref<1x32x128xf32, #tpu.memory_space<vmem>>
      %dma_wait3A_121 = tpu.memref_squeeze %dma_wait3A_120 : memref<1x32x128xf32, #tpu.memory_space<vmem>> -> memref<32x128xf32, #tpu.memory_space<vmem>>
      %dma_wait3A_122 = arith.constant 499968 : i32
      %dma_wait3A_123 = arith.constant 0 : i32
      %dma_wait3A_124 = tpu.memref_slice %arg4[%dma_wait3A_122, %dma_wait3A_123] : memref<500000x128xf32, #tpu.memory_space<hbm>> -> memref<32x128xf32, #tpu.memory_space<hbm>>
      %dma_wait3A_125 = arith.constant 499968 : i32
      %dma_wait3A_126 = arith.constant 0 : i32
      %dma_wait3A_127 = tpu.memref_slice %arg4[%dma_wait3A_125, %dma_wait3A_126] : memref<500000x128xf32, #tpu.memory_space<hbm>> -> memref<32x128xf32, #tpu.memory_space<hbm>>
      %dma_wait3A_128 = arith.constant 0 : i32
      %dma_wait3A_129 = arith.constant 0 : i32
      %dma_wait3A_130 = tpu.memref_slice %arg5[%run_scoped3A_102, %dma_wait3A_128, %dma_wait3A_129] : memref<2x64x128xf32, #tpu.memory_space<vmem>> -> memref<1x32x128xf32, #tpu.memory_space<vmem>>
      %dma_wait3A_131 = tpu.memref_squeeze %dma_wait3A_130 : memref<1x32x128xf32, #tpu.memory_space<vmem>> -> memref<32x128xf32, #tpu.memory_space<vmem>>
      tpu.wait_dma2 semaphore(%run_scoped3A_103 : memref<!tpu.dma_semaphore, #tpu.memory_space<semaphore_mem>>) src(%dma_wait3A_131 : memref<32x128xf32, #tpu.memory_space<vmem>>) dst(%dma_wait3A_127 : memref<32x128xf32, #tpu.memory_space<hbm>>)
      tpu.yield
    }) : () -> ()
    return
  }
}

</mosaic_0001>

<sc_bundles>
// kernel: kernel.4.cloned.1.call-start
scs
__scs_entry_jumppad:
0x0: {  	(pc) =	sbr.rel $0x88, $3  }
0x1: {  	(tag) =	ssettag $0x0;
	lr =	simm.s32 $0x1  }
0x2: {  	[smem:$0x3F9F] =	sst lr;
	_ =	strace $0xD0000000  }
0x3: {  	_ = 	snop  }
0x4: {  	_ = 	snop  }
0x5: {  	_ = 	snop  }
0x6: {  	_ = 	snop  }
0x7: {  	_ = 	snop  }
__scs_overlays_trampoline_lowered:
0x8: {  	[smem:$0x3FAE] =	sst s0  }
0x9: {  	[smem:$0x3FAF] =	sst s1  }
0xa: {  	[smem:$0x3FB0] =	sst s2  }
0xb: {  	[smem:$0x3FB1] =	sst s3  }
0xc: {  	[smem:$0x3FB2] =	sst s4  }
0xd: {  	[smem:$0x3FB3] =	sst s5  }
0xe: {  	[smem:$0x3FB4] =	sst s6  }
0xf: {  	[smem:$0x3FB5] =	sst s7  }
0x10: {  	[smem:$0x3FB6] =	sst s8  }
0x11: {  	[smem:$0x3FB7] =	sst s9;
	s0 =	simm.s32 @!p0 $0x0  }
0x12: {  	s1 =	sld [smem:$0x3F9D];
	s0 =	simm.s32 @p0 $0x1  }
0x13: {  	[smem:$0x3FB8] =	sst s0;
	s0 =	simm.s32 @!p1 $0x0  }
0x14: {  	s2 =	sld [smem:$0x3F9C];
	s0 =	simm.s32 @p1 $0x1  }
0x15: {  	[smem:$0x3FB9] =	sst s0;
	s0 =	simm.s32 @!p2 $0x0  }
0x16: {  	s3 =	sld [smem:$0x3FDB];
	s0 =	simm.s32 @p2 $0x1  }
0x17: {  	s4 =	simm.s32 $0x1BF5;
	[smem:$0x3FBB] =	sst s0  }
0x18: {  	s0 =	sld [smem:$0x3F9E];
	_ =	swait.ge [sflag:s4], $0x0  }
0x19: {  	s7 =	sld [smem:$0x3F9F]  }
0x1a: {  	s8 =	sadd.s32 $0xFFFFE003, lr  }
0x1b: {  	s9 =	sadd.s32 $0xFFFFFEF7, lr;
	s5 =	simm.s32 $0xFFFFFFFF;
	p2 =	slt.u32 s8, $0xFFFFF086  }
0x1c: {  	p1 =	slt.u32 s9, $0xF7A;
	s5 =	simm.s32 @!p2 $0x0  }
0x1d: {  	s5 =	simm.s32 @p1 $0x1;
	p0 =	seq.s32 s7, s2  }
0x1e: {  	s7 =	smul.u32 @!p0 $0xF7A, s2;
	p2 =	seq.s32 @!p0 s5, $0x0  }
0x1f: {  	s9 =	smul.u32 $0xF7A, s1;
	s8 =	simm.s32 @!p0 $0x1BF5;
	p2 =	por !p2, p0  }
0x20: {  	[sflag:s8] =	ssyncset.s32 @!p0 $0xFFFFF086;
	s6 =	sadd.s32 @!p0 s3, s7;
	s7 =	simm.s32 @!p0 $0x108  }
0x21: {  	s3 =	sadd.s32 s3, s9;
	s6 =	sadd.s32 @!p0 $0x88, s6;
	s7 =	simm.s32 @p2 $0x1082  }
0x22: {  	[simem:s7], [sflag:s8] =	dma.local @!p0 [hbm:s6], $0xF7A  }
0x23: {  	s9 =	sor.u32 $0xD0000000, s2;
	s6 =	simm.s32 $0x108;
	_ =	swait.ge @!p0 [sflag:s8], $0x0  }
0x24: {  	s3 =	sadd.s32 $0x88, s3;
	s6 =	simm.s32 @!p1 $0x1082;
	[sflag:s4] =	ssyncset.s32 $0xFFFFF086  }
0x25: {  	[simem:s6], [sflag:s4] =	dma.local [hbm:s3], $0xF7A  }
0x26: {  	[smem:$0x3F9F] =	sst s1;
	(tag) =	ssettag s2;
	_ =	strace s9  }
0x27: {  	s1 =	sld [smem:$0x3FAF]  }
0x28: {  	s2 =	sld [smem:$0x3FB0]  }
0x29: {  	s4 =	sld [smem:$0x3FB2]  }
0x2a: {  	p0 =	seq.s32 s5, $0x0;
	s5 =	sld [smem:$0x3FB3]  }
0x2b: {  	s6 =	sld [smem:$0x3FB4]  }
0x2c: {  	s7 =	sld [smem:$0x3FB5]  }
0x2d: {  	s3 =	simm.s32 $0x108;
	s8 =	sld [smem:$0x3FB6]  }
0x2e: {  	s3 =	simm.s32 @!p0 $0x1082;
	s9 =	sld [smem:$0x3FB7]  }
0x2f: {  	lr =	sadd.s32 s0, s3;
	s0 =	sld [smem:$0x3FAE]  }
0x30: {  	s3 =	sld [smem:$0x3FB1]  }
0x31: {  	[smem:$0x3FBA] =	sst s10  }
0x32: {  	s10 =	sld [smem:$0x3FB8];
	_ =	sdelay $0x3  }
0x33: {  	p0 =	seq.s32 s10, $0x1;
	s10 =	sld [smem:$0x3FBA];
	_ =	sdelay $0x3  }
0x34: {  	[smem:$0x3FBA] =	sst s10  }
0x35: {  	s10 =	sld [smem:$0x3FB9];
	_ =	sdelay $0x3  }
0x36: {  	p1 =	seq.s32 s10, $0x1;
	s10 =	sld [smem:$0x3FBA];
	_ =	sdelay $0x3  }
0x37: {  	[smem:$0x3FBA] =	sst s10  }
0x38: {  	s10 =	sld [smem:$0x3FBB]  }
0x39: {  	_ = 	snop;
	(pc) =	sbr.ind lr, $3  }
0x3a: {  	_ = 	snop  }
0x3b: {  	_ = 	snop  }
0x3c: {  	p2 =	seq.s32 s10, $0x1;
	s10 =	sld [smem:$0x3FBA]  }
0x3d: {  	_ =	shalt  }
0x3e: {  	_ =	shalt  }
0x3f: {  	_ =	shalt  }
0x40: {  	_ =	shalt  }
0x41: {  	_ =	shalt  }
0x42: {  	_ =	shalt  }
0x43: {  	_ =	shalt  }
0x44: {  	_ =	shalt  }
0x45: {  	_ =	shalt  }
0x46: {  	_ =	shalt  }
0x47: {  	_ =	shalt  }
0x48: {  	_ =	shalt  }
0x49: {  	_ =	shalt  }
0x4a: {  	_ =	shalt  }
0x4b: {  	_ =	shalt  }
0x4c: {  	_ =	shalt  }
0x4d: {  	_ =	shalt  }
0x4e: {  	_ =	shalt  }
0x4f: {  	_ =	shalt  }
0x50: {  	_ =	shalt  }
0x51: {  	_ =	shalt  }
0x52: {  	_ =	shalt  }
0x53: {  	_ =	shalt  }
0x54: {  	_ =	shalt  }
0x55: {  	_ =	shalt  }
0x56: {  	_ =	shalt  }
0x57: {  	_ =	shalt  }
0x58: {  	_ =	shalt  }
0x59: {  	_ =	shalt  }
0x5a: {  	_ =	shalt  }
0x5b: {  	_ =	shalt  }
0x5c: {  	_ =	shalt  }
0x5d: {  	_ =	shalt  }
0x5e: {  	_ =	shalt  }
0x5f: {  	_ =	shalt  }
0x60: {  	_ =	shalt  }
0x61: {  	_ =	shalt  }
0x62: {  	_ =	shalt  }
0x63: {  	_ =	shalt  }
0x64: {  	_ =	shalt  }
0x65: {  	_ =	shalt  }
0x66: {  	_ =	shalt  }
0x67: {  	_ =	shalt  }
0x68: {  	_ =	shalt  }
0x69: {  	_ =	shalt  }
0x6a: {  	_ =	shalt  }
0x6b: {  	_ =	shalt  }
0x6c: {  	_ =	shalt  }
0x6d: {  	_ =	shalt  }
0x6e: {  	_ =	shalt  }
0x6f: {  	_ =	shalt  }
0x70: {  	_ =	shalt  }
0x71: {  	_ =	shalt  }
0x72: {  	_ =	shalt  }
0x73: {  	_ =	shalt  }
0x74: {  	_ =	shalt  }
0x75: {  	_ =	shalt  }
0x76: {  	_ =	shalt  }
0x77: {  	_ =	shalt  }
0x78: {  	_ =	shalt  }
0x79: {  	_ =	shalt  }
0x7a: {  	_ =	shalt  }
0x7b: {  	_ =	shalt  }
0x7c: {  	_ =	shalt  }
0x7d: {  	_ =	shalt  }
0x7e: {  	_ =	shalt  }
0x7f: {  	_ =	shalt  }
0x80: {  	_ =	shalt  }
0x81: {  	_ =	shalt  }
0x82: {  	_ =	shalt  }
0x83: {  	_ =	shalt  }
0x84: {  	_ =	shalt  }
0x85: {  	_ =	shalt  }
0x86: {  	_ =	shalt  }
0x87: {  	_ =	shalt  }
.Lfunc_end0:
.L_simem_size_0:
called_computation_lowered:
.L_overlay_start_0:
0x88: {  	s2 =	sld [smem:$0x3FD9]  }
0x89: {  	s3 =	sld [smem:$0x3FFE];
	_ =	sdelay $0x1  }
0x8a: {  	s1 =	srdreg.scid  }
0x8b: {  	s0 =	sand.u32 $0x1, s1  }
0x8c: {  	s17 =	sshll.u32 s0, $0xA;
	s2 =	sadd.s32 s3, s2  }
0x8d: {  	s2 =	sadd.s32 s2, s17  }
0x8e: {  	[smem:$0x3FC6] =	sst s2  }
0x8f: {  	_ = 	snop  }
0x90: {  	s2 =	sld [smem:$0x3FC8]  }
0x91: {  	s18 =	sld [smem:$0x3FD0];
	(tm) =	ssettm $0x1  }
0x92: {  	s4 =	sld [smem:$0x3FFB];
	_ =	sdelay $0x3  }
0x93: {  	_ =	strace s4  }
0x94: {  	s4 =	sld [smem:$0x3FFC];
	_ =	sdelay $0x3  }
0x95: {  	_ =	strace s4  }
0x96: {  	s4 =	sld [smem:$0x3FFD];
	_ =	sdelay $0x3  }
0x97: {  	_ =	strace s4  }
0x98: {  	_ =	strace $0x8FFFFFFF  }
0x99: {  	s19 =	sld [smem:$0x3FDB];
	_ =	sdelay $0x1  }
0x9a: {  	s5 =	simm.s32 $_scs_section_size  }
0x9b: {  	s6 =	simm.s32 $_size__tile_overlayer_lowered;
	s7 =	simm.s32 $_tile_overlayer_lowered  }
0x9c: {  	s22 =	simm.s32 $0x1BFF;
	s21 =	sshll.u32 s7, $0x1;
	s4 =	sadd.s32 s5, s19  }
0x9d: {  	s8 =	simm.s32 $0x0;
	s20 =	sshll.u32 s6, $0x1;
	s6 =	sadd.s32 s21, s4  }
0x9e: {  	[timem:s8], [sflag:s22] =	dma.local [hbm:s6], s20  }
0x9f: {  	_ =	swait.ge [sflag:s22], s20  }
0xa0: {  	s5 =	ssub.s32 $0x0, s20;
	[sflag:s22] =	ssyncset.done $0x0  }
0xa1: {  	[sflag:s22] =	ssyncadd.s32 s5;
	_ =	sdelay $0x1  }
0xa2: {  	s23 =	simm.s32 $0x1B8B  }
0xa3: {  	_ =	swait.ge [sflag:s23], $0x1  }
0xa4: {  	[sflag:s23] =	ssyncset.done $0x0  }
0xa5: {  	s25 =	simm.s32 $0x1B8E;
	s24 =	sld [smem:$0x3FFE];
	[sflag:s23] =	ssyncadd.s32 $0xFFFFFFFF  }
0xa6: {  	s26 =	simm.s32 $execute0_lowered;
	[smem:$0x3FD2] =	sst s25  }
0xa7: {  	s6 =	sshll.u32 s26, $0x1;
	_ =	strace $0x80000046;
	[dreg:$0x1] =	wrdreg $0xFFFFFFFF  }
0xa8: {  	s28 =	simm.s32 $_size_execute0_lowered;
	s4 =	sadd.s32 s4, s6;
	[dreg:$0x0] =	wrdreg $0x0  }
0xa9: {  	s6 =	sshll.u32 s28, $0x1;
	[dreg:$0x2] =	wrdreg s4  }
0xaa: {  	[dreg:$0x3] =	wrdreg s6  }
0xab: {  	[dreg:$0x4] =	wrdreg $0xC0  }
0xac: {  	_ =	task [dreg:s8], $0x5FFFF  }
0xad: {  	[dreg:$0x1] =	wrdreg $0xFFFFFFFF  }
0xae: {  	[dreg:$0x0] =	wrdreg $0x60  }
0xaf: {  	[dreg:$0x2] =	wrdreg s2  }
0xb0: {  	[dreg:$0x3] =	wrdreg s18  }
0xb1: {  	[dreg:$0x4] =	wrdreg s24  }
0xb2: {  	[dreg:$0x5] =	wrdreg $0x9  }
0xb3: {  	_ =	task.clear_ibuf [dreg:s8], $0x6FFFF;
	_ =	strace $0x90000046  }
0xb4: {  	s29 =	simm.s32 $0x9;
	_ =	strace $0x80000048  }
0xb5: {  	_ =	swait.ge [sflag:s29], $0x1  }
0xb6: {  	[sflag:s29] =	ssyncadd.s32 $0xFFFFFFFF  }
0xb7: {  	_ =	strace $0x90000048  }
0xb8: {  	_ =	sfence  }
0xb9: {  	s30 =	sld [smem:$0x0];
	_ =	sdelay $0x2  }
0xba: {  	s31 =	sshll.u32 s1, $0xD;
	s1 =	sshrl.u32 s1, $0x2  }
0xbb: {  	s3 =	sand.u32 $0x4000, s31;
	s1 =	sadd.s32 s1, s30  }
0xbc: {  	s0 =	sor.u32 s3, s0;
	s1 =	sshll.u32 s1, $0x11  }
0xbd: {  	s0 =	sor.u32 s1, s0  }
0xbe: {  	s0 =	sadd.s32 $0x8F2B, s0  }
0xbf: {  	[sflag:s0] =	ssyncadd.remote.s32 $0x1  }
0xc0: {  	_ =	sfence.sel $0xFFFF  }
0xc1: {  	[dreg:$0x0] =	wrdreg $0xFFFFFFFF;
	(pc) =	sbr.abs _section_cstart, $3  }
0xc2: {  	[dreg:$0x1] =	wrdreg $0xFFFFFFFF  }
0xc3: {  	_ =	task.clear_ibuf [dreg:s8], $0x2FFFF;
	_ =	strace $0x9FFFFFFF  }
0xc4: {  	(tm) =	ssettm $0x7FFFFFFF  }
0xc5: {  	_ =	shalt  }
tec
execute0_lowered:
.L_overlay_start_1:
0x0: {  	(tag) =	ssettag $0x1  }
0x1: {  	v0 =	vimm.s32 $0x4B0A4908;
	v1 =	vimm.s32 $0x4F0E4D0C  }
0x2: {  	s0 =	rddreg [dreg:$0x0];
	v3 =	vimm.s32 $0x47064504;
	v4 =	vimm.s32 $0x5B1A5918;
	v5 =	vimm.s32 $0x5F1E5D1C  }
0x3: {  	s1 =	srdreg.scid;
	s2 =	stileid.u32;
	v6 =	vimm.s32 $0x53125110;
	v7 =	vimm.s32 $0x57165514;
	v8 =	vimm.s32 $0x7B3A7938  }
0x4: {  	vm0 =	vcmask $0x1F10;
	s8 =	rddreg [dreg:$0x2];
	s3 =	simm.s32 $0x0;
	v9 =	vimm.s32 $0x7F3E7D3C;
	v10 =	vimm.s32 $0x73327130;
	s21 =	simm.s32 $0x400  }
0x5: {  	v11 =	vimm.s32 $0x77367534;
	s22 =	simm.s32 $0x7A1400;
	s28 =	simm.s32 $0x4;
	s29 =	simm.s32 $0x6000;
	v2 =	vunpack.c.0.s8.s32 v0;
	v1 =	vunpack.c.0.s8.s32 v1  }
0x6: {  	s30 =	simm.s32 $0x3;
	s31 =	simm.s32 $0x5;
	s1 =	sand.u32 $0x1, s1;
	v0 =	vlaneseq.u32;
	v3 =	vunpack.c.0.s8.s32 v3;
	v4 =	vunpack.c.0.s8.s32 v4  }
0x7: {  	s2 =	sshll.u32 s2, $0x1;
	[smem:$0x7FF] =	sst s3;
	v5 =	vunpack.c.0.s8.s32 v5;
	s4 =	sadd.s32 $0x800, s8;
	v2 =	vsel vm0, v1, v2;
	v1 =	vimm.s32 $0x43024100  }
0x8: {  	s9 =	sadd.s32 $0x7A0800, s8;
	s23 =	sadd.s32 $0xF4000, s0;
	s24 =	sadd.s32 $0xF4080, s0;
	v8 =	vunpack.c.0.s8.s32 v8;
	v9 =	vunpack.c.0.s8.s32 v9;
	v1 =	vunpack.c.0.s8.s32 v1  }
0x9: {  	v6 =	vunpack.c.0.s8.s32 v6;
	s25 =	sadd.s32 $0x7A0C00, s8;
	s12 =	sadd.s32 $0xF4100, s0;
	s13 =	sadd.s32 $0x7A1000, s8;
	v10 =	vunpack.c.0.s8.s32 v10;
	v11 =	vunpack.c.0.s8.s32 v11  }
0xa: {  	v7 =	vunpack.c.0.s8.s32 v7;
	s14 =	sadd.s32 $0xF4180, s0;
	_ =	strace $0x80000047;
	[dreg:$0x4] =	wrdreg s9;
	v8 =	vsel vm0, v9, v8;
	v3 =	vsel vm0, v3, v1  }
0xb: {  	s15 =	sadd.s32 $0x7A1400, s8;
	s18 =	sadd.s32 $0x7A1800, s8;
	[dreg:$0x5] =	wrdreg s23;
	v9 =	vsel vm0, v11, v10;
	v10 =	vor.u32 $0x20, v0;
	v2 =	vcombine.low v3, v2  }
0xc: {  	s2 =	sor.u32 s1, s2;
	s1 =	ssub.s32 $0x2, s1;
	[dreg:$0x6] =	wrdreg s24;
	v3 =	vsel vm0, v5, v4;
	v4 =	vsel vm0, v7, v6;
	v5 =	vimm.s32 $0x6B2A6928  }
0xd: {  	[dreg:$0x7] =	wrdreg s25;
	s23 =	simm.s32 $0x2000;
	s5 =	smul.u32 $0x7A00, s2;
	v6 =	vimm.s32 $0x6F2E6D2C;
	v7 =	vimm.s32 $0x67266524;
	v3 =	vcombine.low v4, v3  }
0xe: {  	s24 =	simm.s32 $0x1;
	s6 =	smul.u32 $0x1E8000, s2;
	s16 =	sshrl.u32 s1, $0x1;
	v4 =	vunpack.c.0.s8.s32 v5;
	v5 =	vunpack.c.0.s8.s32 v6;
	v6 =	vimm.s32 $0x63226120  }
0xf: {  	s25 =	simm.s32 $0x4000;
	s26 =	smul.u32 $0x3D000, s2;
	s1 =	ssub.s32 s1, s16;
	v1 =	vmul.u32 $0x80, v0;
	v7 =	vunpack.c.0.s8.s32 v7;
	v6 =	vunpack.c.0.s8.s32 v6  }
0x10: {  	v11 =	vor.u32 $0x30, v0;
	s2 =	simm.s32 $0x0;
	v8 =	vcombine.low v9, v8;
	v9 =	vor.u32 $0x10, v0;
	s5 =	sadd.s32 s0, s5;
	s19 =	smax.u32 s1, $0x1  }
0x11: {  	s0 =	sadd.s32 s26, s4;
	s26 =	simm.s32 $0x2;
	s7 =	sadd.s32 $0x180, s5;
	v12 =	vsel vm0, v5, v4;
	v4 =	vor.u32 $0x800, v1;
	v6 =	vsel vm0, v7, v6  }
0x12: {  	s16 =	sadd.s32 $0x80, s5;
	s17 =	sadd.s32 $0x100, s5;
	s20 =	sadd.s32 $0x400, s0;
	v5 =	vor.u32 $0x1000, v1;
	v7 =	vor.u32 $0x1800, v1;
	v6 =	vcombine.low v6, v12  }
.LBB2_1:
0x13: {  	[tilespmem:s3], [sflag:$0x1] =	stream.strided.gather [hbm4b:s5+s21], $0x2000, s22, s21, $0x38;
	[tilespmem:$0x8000] =	vst v63  }
0x14: {  	s0 =	simm.s32 $0x0  }
0x15: {  	[tilespmem:s23], [sflag:$0x2] =	stream.strided.gather [hbm4b:s16+s21], $0x2000, s22, s21, $0x38;
	[tilespmem:$0x8000] =	vst v63  }
.LBB2_2:
0x16: {  	s1 =	simm.s32 $0x0  }
0x17: {  	s8 =	sand.u32 $0xC, s1  }
0x18: {  	v12 =	vadd.s32 s8, v0;
	s9 =	sor.u32 $0x1, s8;
	s10 =	sor.u32 $0x2, s8;
	s8 =	sor.u32 $0x3, s8  }
0x19: {  	v13 =	vadd.s32 s9, v0;
	v14 =	vadd.s32 s10, v0;
	v15 =	vadd.s32 s8, v0  }
0x1a: {  	s1 =	sand.u32 $0x70, s1;
	v12 =	vand.u32 $0xF, v12;
	v16 =	vand.u32 $0xF, v13;
	v17 =	vand.u32 $0xF, v15  }
0x1b: {  	v14 =	vand.u32 $0xF, v14;
	v12 =	vor.u32 s1, v12;
	v15 =	vshll.u32 v15, $0x6  }
0x1c: {  	v13 =	vshll.u32 v13, $0x6;
	v20 =	vor.u32 s1, v17;
	v16 =	vor.u32 s1, v16  }
0x1d: {  	_ =	swait.ge [sflag:s24], $0x2000;
	v19 =	vor.u32 s1, v14;
	v14 =	vor.u32 v1, v12;
	v15 =	vand.u32 $0x40, v15  }
0x1e: {  	p0 =	seq.s32 s0, $0x0;
	[sflag:s24] =	ssyncset.done $0x0;
	v13 =	vand.u32 $0x40, v13;
	v31 =	vor.u32 v4, v12;
	v36 =	vor.u32 v5, v12  }
0x1f: {  	[sflag:s24] =	ssyncadd.s32 $0xFFFFE000;
	s8 =	simm.s32 @!p0 $0x3;
	v17 =	vor.u32 v1, v20;
	v18 =	vor.u32 v1, v16;
	v21 =	vshll.u32 v16, $0x6  }
0x20: {  	_ =	swait.ge @!p0 [sflag:s8], $0x2000;
	v22 =	vor.u32 v1, v19;
	v23 =	vshll.u32 v20, $0x6;
	v21 =	vand.u32 $0x1F80, v21  }
0x21: {  	[sflag:s8] =	ssyncset.done @!p0 $0x0;
	v26 =	vor.u32 v4, v20;
	v13 =	vor.u32 v13, v21;
	v21 =	vshll.u32 v12, $0x6  }
0x22: {  	[sflag:s8] =	ssyncadd.s32 @!p0 $0xFFFFE000;
	v29 =	vor.u32 v4, v16;
	v23 =	vand.u32 $0x1F80, v23;
	v21 =	vand.u32 $0x1F80, v21  }
0x23: {  	v30 =	vor.u32 v4, v19;
	v24 =	vor.u32 v15, v23;
	v28 =	vor.u32 v2, v21;
	v40 =	vld.idx.msk [tilespmem:v14+s3+$0x0], $0xffff  }
0x24: {  	v35 =	vor.u32 v5, v19;
	v15 =	vshll.u32 v19, $0x6;
	v23 =	vor.u32 v0, v24;
	v17 =	vld.idx.msk [tilespmem:v17+s3+$0x0], $0xffff  }
0x25: {  	v39 =	vor.u32 v5, v20;
	v25 =	vand.u32 $0x1F80, v15;
	v15 =	vor.u32 v0, v13;
	v18 =	vld.idx.msk [tilespmem:v18+s3+$0x0], $0xffff  }
0x26: {  	v41 =	vor.u32 v7, v16;
	s8 =	simm.s32 $0x4;
	v32 =	vor.u32 v9, v13;
	v37 =	vor.u32 v10, v13  }
0x27: {  	s9 =	sand.u32 $0xC, s8;
	v38 =	vor.u32 v9, v24;
	v27 =	vor.u32 v2, v25;
	v33 =	vor.u32 v3, v21;
	v22 =	vld.idx.msk [tilespmem:v22+s3+$0x0], $0xffff  }
0x28: {  	s1 =	sor.u32 $0x3, s9;
	v34 =	vor.u32 v3, v25;
	v14 =	vor.u32 v7, v12;
	[tilespmem:v28+s25+$0x0] =	vst.idx.msk $0xffff, v40  }
0x29: {  	v42 =	vadd.s32 s1, v0;
	v12 =	vor.u32 v8, v21;
	[tilespmem:v23+s25+$0x0] =	vst.idx.msk $0xffff, v17;
	v23 =	vor.u32 v5, v16  }
0x2a: {  	[tilespmem:v15+s25+$0x0] =	vst.idx.msk $0xffff, v18;
	v18 =	vor.u32 v6, v25;
	v17 =	vor.u32 v6, v21;
	v26 =	vld.idx.msk [tilespmem:v26+s3+$0x0], $0xffff  }
0x2b: {  	s11 =	sor.u32 $0x2, s9;
	v16 =	vor.u32 v7, v19;
	v15 =	vor.u32 v11, v13;
	v13 =	vor.u32 v8, v25  }
0x2c: {  	s10 =	sor.u32 $0x1, s9;
	v25 =	vadd.s32 s9, v0;
	[tilespmem:v27+s25+$0x0] =	vst.idx.msk $0xffff, v22;
	v19 =	vadd.s32 s11, v0;
	s11 =	sand.u32 $0x70, s8;
	v22 =	vand.u32 $0xF, v42  }
0x2d: {  	v27 =	vadd.s32 s10, v0;
	v31 =	vld.idx.msk [tilespmem:v31+s3+$0x0], $0xffff;
	v53 =	vand.u32 $0xF, v19;
	v19 =	vor.u32 s11, v22  }
0x2e: {  	v29 =	vld.idx.msk [tilespmem:v29+s3+$0x0], $0xffff;
	v21 =	vand.u32 $0xF, v27;
	v22 =	vand.u32 $0xF, v25;
	v28 =	vor.u32 v1, v19  }
0x2f: {  	v30 =	vld.idx.msk [tilespmem:v30+s3+$0x0], $0xffff;
	v25 =	vor.u32 s11, v21;
	v21 =	vor.u32 s11, v22;
	[tilespmem:v38+s25+$0x0] =	vst.idx.msk $0xffff, v26  }
0x30: {  	v55 =	vor.u32 v1, v21;
	v26 =	vor.u32 v10, v24;
	v38 =	vld.idx.msk [tilespmem:v39+s3+$0x0], $0xffff  }
0x31: {  	v20 =	vor.u32 v7, v20;
	v27 =	vshll.u32 v27, $0x6;
	v22 =	vor.u32 s11, v53  }
0x32: {  	v56 =	vshll.u32 v19, $0x6;
	v27 =	vand.u32 $0x40, v27;
	v61 =	vor.u32 v4, v19;
	[tilespmem:v33+s25+$0x0] =	vst.idx.msk $0xffff, v31  }
0x33: {  	v54 =	vor.u32 v1, v25;
	[tilespmem:v32+s25+$0x0] =	vst.idx.msk $0xffff, v29;
	v29 =	vshll.u32 v25, $0x6;
	v31 =	vld.idx.msk [tilespmem:v28+s3+$0x0], $0xffff;
	v28 =	vshll.u32 v21, $0x6  }
0x34: {  	[tilespmem:v34+s25+$0x0] =	vst.idx.msk $0xffff, v30;
	v30 =	vshll.u32 v42, $0x6;
	v39 =	vor.u32 v1, v22;
	v43 =	vld.idx.msk [tilespmem:v23+s3+$0x0], $0xffff;
	v28 =	vand.u32 $0x1F80, v28  }
0x35: {  	v48 =	vld.idx.msk [tilespmem:v55+s3+$0x0], $0xffff;
	[tilespmem:v26+s25+$0x0] =	vst.idx.msk $0xffff, v38;
	v26 =	vand.u32 $0x1F80, v29;
	v29 =	vand.u32 $0x40, v30;
	v30 =	vand.u32 $0x1F80, v56  }
0x36: {  	v58 =	vshll.u32 v22, $0x6;
	v46 =	vor.u32 v2, v28;
	v57 =	vld.idx.msk [tilespmem:v20+s3+$0x0], $0xffff;
	v20 =	vor.u32 v29, v30  }
0x37: {  	v63 =	vor.u32 v4, v25;
	v30 =	vor.u32 v27, v26;
	v59 =	vor.u32 v0, v20  }
0x38: {  	v47 =	vor.u32 v4, v22;
	v60 =	vld.idx.msk [tilespmem:v54+s3+$0x0], $0xffff;
	v29 =	vand.u32 $0x1F80, v58;
	v62 =	vor.u32 v0, v30  }
0x39: {  	v40 =	vor.u32 v4, v21;
	v33 =	vor.u32 v5, v22;
	v45 =	vld.idx.msk [tilespmem:v39+s3+$0x0], $0xffff;
	v44 =	vor.u32 v2, v29  }
0x3a: {  	v24 =	vor.u32 v11, v24;
	v23 =	vld.idx.msk [tilespmem:v35+s3+$0x0], $0xffff;
	v32 =	vor.u32 v3, v28;
	[tilespmem:v37+s25+$0x0] =	vst.idx.msk $0xffff, v43  }
0x3b: {  	v37 =	vor.u32 v6, v28;
	v26 =	vld.idx.msk [tilespmem:v36+s3+$0x0], $0xffff;
	v36 =	vor.u32 v5, v25;
	[tilespmem:v46+s25+$0x0] =	vst.idx.msk $0xffff, v48  }
0x3c: {  	v27 =	vld.idx.msk [tilespmem:v41+s3+$0x0], $0xffff;
	v25 =	vor.u32 v7, v25;
	v35 =	vor.u32 v9, v30;
	[tilespmem:v59+s25+$0x0] =	vst.idx.msk $0xffff, v31  }
0x3d: {  	v34 =	vor.u32 v3, v29;
	v43 =	vor.u32 v9, v20;
	[tilespmem:v62+s25+$0x0] =	vst.idx.msk $0xffff, v60;
	v41 =	vld.idx.msk [tilespmem:v61+s3+$0x0], $0xffff  }
0x3e: {  	v38 =	vor.u32 v6, v29;
	[tilespmem:v44+s25+$0x0] =	vst.idx.msk $0xffff, v45;
	v44 =	vor.u32 v5, v19;
	v39 =	vld.idx.msk [tilespmem:v63+s3+$0x0], $0xffff  }
0x3f: {  	s1 =	sshll.u32 s0, $0x8;
	[tilespmem:v24+s25+$0x0] =	vst.idx.msk $0xffff, v57;
	v24 =	vor.u32 v10, v30;
	v31 =	vor.u32 v5, v21;
	v42 =	vld.idx.msk [tilespmem:v47+s3+$0x0], $0xffff  }
.LBB2_3:
0x40: {  	s8 =	sadd.s32 $0x4, s8;
	v40 =	vld.idx.msk [tilespmem:v40+s3+$0x0], $0xffff;
	v21 =	vor.u32 v7, v21;
	v22 =	vor.u32 v7, v22;
	[tilespmem:v18+s25+$0x0] =	vst.idx.msk $0xffff, v23  }
0x41: {  	v30 =	vor.u32 v11, v30;
	v29 =	vor.u32 v8, v29;
	s9 =	sand.u32 $0xC, s8;
	p1 =	slt.u32 s8, $0x7C;
	[tilespmem:v17+s25+$0x0] =	vst.idx.msk $0xffff, v26;
	v45 =	vld.idx.msk [tilespmem:v16+s3+$0x0], $0xffff  }
0x42: {  	v28 =	vor.u32 v8, v28;
	v23 =	vadd.s32 s9, v0;
	s10 =	sor.u32 $0x1, s9;
	s11 =	sor.u32 $0x2, s9;
	s9 =	sor.u32 $0x3, s9;
	[tilespmem:v43+s25+$0x0] =	vst.idx.msk $0xffff, v41;
	v41 =	vld.idx.msk [tilespmem:v14+s3+$0x0], $0xffff;
	v14 =	vmov v21  }
0x43: {  	v18 =	vmovc v38;
	v16 =	vmovc v22;
	v43 =	vadd.s32 s10, v0;
	v21 =	vadd.s32 s11, v0;
	v46 =	vadd.s32 s9, v0;
	v44 =	vld.idx.msk [tilespmem:v44+s3+$0x0], $0xffff  }
0x44: {  	v17 =	vmovc v37;
	s9 =	sand.u32 $0x70, s8;
	v22 =	vand.u32 $0xF, v43;
	v26 =	vand.u32 $0xF, v46;
	[tilespmem:v35+s25+$0x0] =	vst.idx.msk $0xffff, v39;
	v35 =	vor.u32 v10, v20  }
0x45: {  	v37 =	vand.u32 $0xF, v21;
	v36 =	vld.idx.msk [tilespmem:v36+s3+$0x0], $0xffff;
	[tilespmem:v34+s25+$0x0] =	vst.idx.msk $0xffff, v42;
	v34 =	vor.u32 v7, v19;
	v19 =	vor.u32 s9, v26  }
0x46: {  	v21 =	vand.u32 $0xF, v23;
	v42 =	vor.u32 s9, v22;
	v38 =	vor.u32 v1, v19;
	[tilespmem:v32+s25+$0x0] =	vst.idx.msk $0xffff, v40;
	v23 =	vld.idx.msk [tilespmem:v33+s3+$0x0], $0xffff  }
0x47: {  	v21 =	vor.u32 s9, v21;
	v22 =	vor.u32 s9, v37;
	v32 =	vor.u32 v1, v42;
	v26 =	vld.idx.msk [tilespmem:v31+s3+$0x0], $0xffff;
	[tilespmem:v15+s25+$0x0] =	vst.idx.msk $0xffff, v27  }
0x48: {  	v33 =	vor.u32 v1, v22;
	v27 =	vor.u32 v1, v21;
	v31 =	vshll.u32 v42, $0x6;
	[tilespmem:v13+s25+$0x0] =	vst.idx.msk $0xffff, v45  }
0x49: {  	v39 =	vshll.u32 v46, $0x6;
	v37 =	vshll.u32 v43, $0x6;
	v40 =	vshll.u32 v19, $0x6;
	v15 =	vmovc v30;
	v13 =	vmovc v29;
	[tilespmem:v35+s25+$0x0] =	vst.idx.msk $0xffff, v44  }
0x4a: {  	v30 =	vand.u32 $0x40, v39;
	v29 =	vand.u32 $0x1F80, v31;
	v31 =	vand.u32 $0x1F80, v40;
	v34 =	vld.idx.msk [tilespmem:v34+s3+$0x0], $0xffff;
	[tilespmem:v12+s25+$0x0] =	vst.idx.msk $0xffff, v41;
	v12 =	vmovc v28  }
0x4b: {  	v39 =	vor.u32 v11, v20;
	v20 =	vor.u32 v30, v31;
	v28 =	vshll.u32 v22, $0x6;
	v38 =	vld.idx.msk [tilespmem:v38+s3+$0x0], $0xffff  }
0x4c: {  	v31 =	vshll.u32 v21, $0x6;
	v30 =	vand.u32 $0x40, v37;
	v41 =	vor.u32 v0, v20;
	v37 =	vld.idx.msk [tilespmem:v32+s3+$0x0], $0xffff;
	[tilespmem:v24+s25+$0x0] =	vst.idx.msk $0xffff, v36  }
0x4d: {  	v30 =	vor.u32 v30, v29;
	v29 =	vand.u32 $0x1F80, v28;
	v24 =	vor.u32 v4, v19;
	v44 =	vld.idx.msk [tilespmem:v33+s3+$0x0], $0xffff  }
0x4e: {  	v28 =	vand.u32 $0x1F80, v31;
	v43 =	vor.u32 v0, v30;
	v46 =	vor.u32 v2, v29;
	v45 =	vld.idx.msk [tilespmem:v27+s3+$0x0], $0xffff  }
0x4f: {  	v48 =	vor.u32 v4, v42;
	v49 =	vor.u32 v4, v22;
	v47 =	vor.u32 v2, v28;
	v27 =	vld.idx.msk [tilespmem:v25+s3+$0x0], $0xffff  }
0x50: {  	v40 =	vor.u32 v4, v21;
	v35 =	vor.u32 v9, v30;
	[tilespmem:v39+s25+$0x0] =	vst.idx.msk $0xffff, v34  }
.Ltmp0:
0x51: {  	v32 =	vor.u32 v3, v28;
	v34 =	vor.u32 v3, v29;
	[tilespmem:v41+s25+$0x0] =	vst.idx.msk $0xffff, v38;
	(pc) =	sbr.rel @p1 .LBB2_3-.Ltmp0, $4  }
0x52: {  	v31 =	vor.u32 v5, v21;
	v36 =	vor.u32 v5, v42;
	v33 =	vor.u32 v5, v22;
	v41 =	vld.idx.msk [tilespmem:v24+s3+$0x0], $0xffff  }
0x53: {  	v24 =	vor.u32 v10, v30;
	[tilespmem:v43+s25+$0x0] =	vst.idx.msk $0xffff, v37;
	v43 =	vor.u32 v9, v20  }
0x54: {  	v38 =	vor.u32 v6, v29;
	v39 =	vld.idx.msk [tilespmem:v48+s3+$0x0], $0xffff;
	[tilespmem:v46+s25+$0x0] =	vst.idx.msk $0xffff, v44;
	v44 =	vor.u32 v5, v19  }
0x55: {  	v25 =	vor.u32 v7, v42;
	v37 =	vor.u32 v6, v28;
	[tilespmem:v47+s25+$0x0] =	vst.idx.msk $0xffff, v45;
	v42 =	vld.idx.msk [tilespmem:v49+s3+$0x0], $0xffff  }
0x56: {  	_ =	sdelay $0x3  }
0x57: {  	v40 =	vld.idx.msk [tilespmem:v40+s3+$0x0], $0xffff  }
0x58: {  	[tilespmem:v18+s25+$0x0] =	vst.idx.msk $0xffff, v23  }
0x59: {  	[tilespmem:v43+s25+$0x0] =	vst.idx.msk $0xffff, v41  }
0x5a: {  	v53 =	vor.u32 v10, v20;
	v52 =	vld.idx.msk [tilespmem:v44+s3+$0x0], $0xffff;
	[tilespmem:v35+s25+$0x0] =	vst.idx.msk $0xffff, v39  }
0x5b: {  	v19 =	vor.u32 v7, v19;
	v35 =	vld.idx.msk [tilespmem:v36+s3+$0x0], $0xffff;
	[tilespmem:v34+s25+$0x0] =	vst.idx.msk $0xffff, v42  }
0x5c: {  	[tilespmem:v32+s25+$0x0] =	vst.idx.msk $0xffff, v40;
	v54 =	vld.idx.msk [tilespmem:v33+s3+$0x0], $0xffff  }
0x5d: {  	v22 =	vor.u32 v7, v22;
	[tilespmem:v17+s25+$0x0] =	vst.idx.msk $0xffff, v26;
	v55 =	vld.idx.msk [tilespmem:v31+s3+$0x0], $0xffff  }
0x5e: {  	v21 =	vor.u32 v7, v21;
	[tilespmem:v15+s25+$0x0] =	vst.idx.msk $0xffff, v27;
	v16 =	vld.idx.msk [tilespmem:v16+s3+$0x0], $0xffff  }
0x5f: {  	v14 =	vld.idx.msk [tilespmem:v14+s3+$0x0], $0xffff;
	[tilespmem:v53+s25+$0x0] =	vst.idx.msk $0xffff, v52  }
0x60: {  	v57 =	vor.u32 v11, v20;
	v56 =	vld.idx.msk [tilespmem:v19+s3+$0x0], $0xffff;
	[tilespmem:v24+s25+$0x0] =	vst.idx.msk $0xffff, v35  }
0x61: {  	v58 =	vor.u32 v11, v30;
	v59 =	vld.idx.msk [tilespmem:v25+s3+$0x0], $0xffff;
	[tilespmem:v38+s25+$0x0] =	vst.idx.msk $0xffff, v54  }
0x62: {  	v60 =	vor.u32 v8, v29;
	[tilespmem:v37+s25+$0x0] =	vst.idx.msk $0xffff, v55;
	v61 =	vld.idx.msk [tilespmem:v22+s3+$0x0], $0xffff  }
0x63: {  	v62 =	vor.u32 v8, v28;
	[tilespmem:v13+s25+$0x0] =	vst.idx.msk $0xffff, v16;
	v63 =	vld.idx.msk [tilespmem:v21+s3+$0x0], $0xffff  }
0x64: {  	p1 =	sne.s32 s0, $0x79;
	[tilespmem:v12+s25+$0x0] =	vst.idx.msk $0xffff, v14  }
.Ltmp1:
0x65: {  	s8 =	sshll.u32 s0, $0xE;
	[tilespmem:v57+s25+$0x0] =	vst.idx.msk $0xffff, v56;
	(pc) =	sbr.rel @p1 .LBB2_6-.Ltmp1, $4  }
0x66: {  	s8 =	sadd.s32 s6, s8;
	[tilespmem:v58+s25+$0x0] =	vst.idx.msk $0xffff, v59  }
0x67: {  	s8 =	sshrl.u32 s8, $0x3;
	[tilespmem:v60+s25+$0x0] =	vst.idx.msk $0xffff, v61  }
0x68: {  	s8 =	sadd.s32 s4, s8;
	[tilespmem:v62+s25+$0x0] =	vst.idx.msk $0xffff, v63  }
0x69: {  	[hbm4b:s8+s3] =	stream.linear.scatter [tilespmem:s25], [sflag:$0x3], $0x2000, $0x38;
	[tilespmem:$0x8000] =	vst v63  }
.Ltmp2:
0x6a: {  	(pc) =	sbr.rel .LBB2_7-.Ltmp2, $4  }
0x6b: {  	_ = 	snop  }
0x6c: {  	_ =	swait.ge [sflag:s26], $0x2000  }
0x6d: {  	[sflag:s26] =	ssyncset.done $0x0  }
0x6e: {  	[sflag:s26] =	ssyncadd.s32 $0xFFFFE000  }
.LBB2_6:
.Ltmp3:
0x6f: {  	s8 =	sadd.s32 s1, s17;
	(pc) =	sbr.rel @p0 .LBB2_8-.Ltmp3, $4  }
0x70: {  	[tilespmem:s3], [sflag:$0x1] =	stream.strided.gather [hbm4b:s8+s21], $0x2000, s22, s21, $0x38;
	[tilespmem:$0x8000] =	vst v63  }
0x71: {  	_ =	swait.ge [sflag:s26], $0x2000  }
0x72: {  	[sflag:s26] =	ssyncset.done $0x0  }
0x73: {  	[sflag:s26] =	ssyncadd.s32 $0xFFFFE000  }
.LBB2_7:
0x74: {  	_ =	swait.ge [sflag:s28], $0x2000  }
0x75: {  	[sflag:s28] =	ssyncset.done $0x0  }
0x76: {  	[sflag:s28] =	ssyncadd.s32 $0xFFFFE000  }
.LBB2_8:
0x77: {  	s8 =	simm.s32 $0x0  }
0x78: {  	s9 =	sand.u32 $0xC, s8  }
0x79: {  	v12 =	vadd.s32 s9, v0;
	s10 =	sor.u32 $0x1, s9;
	s11 =	sor.u32 $0x2, s9;
	s9 =	sor.u32 $0x3, s9  }
0x7a: {  	v13 =	vadd.s32 s10, v0;
	v14 =	vadd.s32 s11, v0;
	v15 =	vadd.s32 s9, v0  }
0x7b: {  	s8 =	sand.u32 $0x70, s8;
	v12 =	vand.u32 $0xF, v12;
	v16 =	vand.u32 $0xF, v13;
	v17 =	vand.u32 $0xF, v15  }
0x7c: {  	v14 =	vand.u32 $0xF, v14;
	v12 =	vor.u32 s8, v12;
	v15 =	vshll.u32 v15, $0x6  }
0x7d: {  	v13 =	vshll.u32 v13, $0x6;
	v20 =	vor.u32 s8, v17;
	v16 =	vor.u32 s8, v16  }
0x7e: {  	v19 =	vor.u32 s8, v14;
	v14 =	vor.u32 v1, v12;
	v15 =	vand.u32 $0x40, v15  }
0x7f: {  	v13 =	vand.u32 $0x40, v13;
	v31 =	vor.u32 v4, v12;
	v17 =	vor.u32 v1, v20  }
0x80: {  	v36 =	vor.u32 v5, v12;
	v18 =	vor.u32 v1, v16;
	v21 =	vshll.u32 v16, $0x6  }
0x81: {  	v22 =	vor.u32 v1, v19;
	v23 =	vshll.u32 v20, $0x6;
	v26 =	vor.u32 v4, v20  }
0x82: {  	v29 =	vor.u32 v4, v16;
	v30 =	vor.u32 v4, v19;
	v23 =	vand.u32 $0x1F80, v23  }
0x83: {  	v35 =	vor.u32 v5, v19;
	v21 =	vand.u32 $0x1F80, v21;
	v24 =	vor.u32 v15, v23  }
0x84: {  	v15 =	vshll.u32 v19, $0x6;
	v13 =	vor.u32 v13, v21;
	v23 =	vor.u32 v0, v24;
	v17 =	vld.idx.msk [tilespmem:v17+s23+$0x0], $0xffff  }
0x85: {  	v21 =	vshll.u32 v12, $0x6;
	v25 =	vand.u32 $0x1F80, v15;
	v15 =	vor.u32 v0, v13;
	v18 =	vld.idx.msk [tilespmem:v18+s23+$0x0], $0xffff  }
0x86: {  	v39 =	vor.u32 v5, v20;
	v41 =	vor.u32 v7, v16;
	v21 =	vand.u32 $0x1F80, v21  }
0x87: {  	v32 =	vor.u32 v9, v13;
	v37 =	vor.u32 v10, v13;
	v28 =	vor.u32 v2, v21;
	v40 =	vld.idx.msk [tilespmem:v14+s23+$0x0], $0xffff  }
0x88: {  	v38 =	vor.u32 v9, v24;
	v27 =	vor.u32 v2, v25;
	v33 =	vor.u32 v3, v21;
	v22 =	vld.idx.msk [tilespmem:v22+s23+$0x0], $0xffff  }
0x89: {  	s8 =	simm.s32 $0x4;
	v34 =	vor.u32 v3, v25;
	v14 =	vor.u32 v7, v12;
	[tilespmem:v23+s29+$0x0] =	vst.idx.msk $0xffff, v17  }
0x8a: {  	s9 =	sand.u32 $0xC, s8;
	v12 =	vor.u32 v8, v21;
	[tilespmem:v15+s29+$0x0] =	vst.idx.msk $0xffff, v18;
	v18 =	vor.u32 v6, v25  }
0x8b: {  	s10 =	sor.u32 $0x1, s9;
	s11 =	sor.u32 $0x2, s9;
	v15 =	vor.u32 v11, v13;
	v13 =	vor.u32 v8, v25;
	v25 =	vadd.s32 s9, v0;
	s9 =	sor.u32 $0x3, s9;
	v26 =	vld.idx.msk [tilespmem:v26+s23+$0x0], $0xffff  }
0x8c: {  	[tilespmem:v28+s29+$0x0] =	vst.idx.msk $0xffff, v40;
	v23 =	vor.u32 v5, v16;
	v17 =	vor.u32 v6, v21;
	v42 =	vadd.s32 s9, v0  }
0x8d: {  	v16 =	vor.u32 v7, v19;
	[tilespmem:v27+s29+$0x0] =	vst.idx.msk $0xffff, v22;
	v19 =	vadd.s32 s11, v0;
	s11 =	sand.u32 $0x70, s8;
	v22 =	vand.u32 $0xF, v42  }
0x8e: {  	v27 =	vadd.s32 s10, v0;
	v31 =	vld.idx.msk [tilespmem:v31+s23+$0x0], $0xffff;
	v53 =	vand.u32 $0xF, v19;
	v19 =	vor.u32 s11, v22  }
0x8f: {  	v29 =	vld.idx.msk [tilespmem:v29+s23+$0x0], $0xffff;
	v21 =	vand.u32 $0xF, v27;
	v22 =	vand.u32 $0xF, v25;
	v28 =	vor.u32 v1, v19  }
0x90: {  	v30 =	vld.idx.msk [tilespmem:v30+s23+$0x0], $0xffff;
	v25 =	vor.u32 s11, v21;
	v21 =	vor.u32 s11, v22;
	[tilespmem:v38+s29+$0x0] =	vst.idx.msk $0xffff, v26  }
0x91: {  	v27 =	vshll.u32 v27, $0x6;
	v55 =	vor.u32 v1, v21;
	v26 =	vor.u32 v10, v24;
	v38 =	vld.idx.msk [tilespmem:v39+s23+$0x0], $0xffff  }
0x92: {  	v20 =	vor.u32 v7, v20;
	v27 =	vand.u32 $0x40, v27  }
0x93: {  	v54 =	vor.u32 v1, v25;
	v22 =	vor.u32 s11, v53;
	v56 =	vshll.u32 v19, $0x6;
	[tilespmem:v33+s29+$0x0] =	vst.idx.msk $0xffff, v31  }
0x94: {  	v61 =	vor.u32 v4, v19;
	[tilespmem:v32+s29+$0x0] =	vst.idx.msk $0xffff, v29;
	v29 =	vshll.u32 v25, $0x6;
	v31 =	vld.idx.msk [tilespmem:v28+s23+$0x0], $0xffff;
	v28 =	vshll.u32 v21, $0x6  }
0x95: {  	[tilespmem:v34+s29+$0x0] =	vst.idx.msk $0xffff, v30;
	v30 =	vshll.u32 v42, $0x6;
	v39 =	vor.u32 v1, v22;
	v43 =	vld.idx.msk [tilespmem:v23+s23+$0x0], $0xffff;
	v28 =	vand.u32 $0x1F80, v28  }
0x96: {  	v48 =	vld.idx.msk [tilespmem:v55+s23+$0x0], $0xffff;
	[tilespmem:v26+s29+$0x0] =	vst.idx.msk $0xffff, v38;
	v26 =	vand.u32 $0x1F80, v29;
	v29 =	vand.u32 $0x40, v30;
	v30 =	vand.u32 $0x1F80, v56  }
0x97: {  	v63 =	vor.u32 v4, v25;
	v46 =	vor.u32 v2, v28;
	v57 =	vld.idx.msk [tilespmem:v20+s23+$0x0], $0xffff;
	v20 =	vor.u32 v29, v30  }
0x98: {  	v58 =	vshll.u32 v22, $0x6;
	v30 =	vor.u32 v27, v26;
	v59 =	vor.u32 v0, v20  }
0x99: {  	v47 =	vor.u32 v4, v22;
	v60 =	vld.idx.msk [tilespmem:v54+s23+$0x0], $0xffff;
	v29 =	vand.u32 $0x1F80, v58;
	v62 =	vor.u32 v0, v30  }
0x9a: {  	v40 =	vor.u32 v4, v21;
	v33 =	vor.u32 v5, v22;
	v45 =	vld.idx.msk [tilespmem:v39+s23+$0x0], $0xffff;
	v44 =	vor.u32 v2, v29  }
0x9b: {  	v24 =	vor.u32 v11, v24;
	v23 =	vld.idx.msk [tilespmem:v35+s23+$0x0], $0xffff;
	v32 =	vor.u32 v3, v28;
	[tilespmem:v37+s29+$0x0] =	vst.idx.msk $0xffff, v43  }
0x9c: {  	v37 =	vor.u32 v6, v28;
	v26 =	vld.idx.msk [tilespmem:v36+s23+$0x0], $0xffff;
	v36 =	vor.u32 v5, v25;
	[tilespmem:v46+s29+$0x0] =	vst.idx.msk $0xffff, v48  }
0x9d: {  	v27 =	vld.idx.msk [tilespmem:v41+s23+$0x0], $0xffff;
	v25 =	vor.u32 v7, v25;
	v35 =	vor.u32 v9, v30;
	[tilespmem:v59+s29+$0x0] =	vst.idx.msk $0xffff, v31  }
0x9e: {  	v34 =	vor.u32 v3, v29;
	v43 =	vor.u32 v9, v20;
	[tilespmem:v62+s29+$0x0] =	vst.idx.msk $0xffff, v60;
	v41 =	vld.idx.msk [tilespmem:v61+s23+$0x0], $0xffff  }
0x9f: {  	v38 =	vor.u32 v6, v29;
	[tilespmem:v44+s29+$0x0] =	vst.idx.msk $0xffff, v45;
	v44 =	vor.u32 v5, v19;
	v39 =	vld.idx.msk [tilespmem:v63+s23+$0x0], $0xffff  }
0xa0: {  	[tilespmem:v24+s29+$0x0] =	vst.idx.msk $0xffff, v57;
	v24 =	vor.u32 v10, v30;
	v31 =	vor.u32 v5, v21;
	v42 =	vld.idx.msk [tilespmem:v47+s23+$0x0], $0xffff  }
.LBB2_9:
0xa1: {  	s8 =	sadd.s32 $0x4, s8;
	v40 =	vld.idx.msk [tilespmem:v40+s23+$0x0], $0xffff;
	v21 =	vor.u32 v7, v21;
	v22 =	vor.u32 v7, v22;
	[tilespmem:v18+s29+$0x0] =	vst.idx.msk $0xffff, v23  }
0xa2: {  	v30 =	vor.u32 v11, v30;
	v29 =	vor.u32 v8, v29;
	s9 =	sand.u32 $0xC, s8;
	p0 =	slt.u32 s8, $0x7C;
	[tilespmem:v17+s29+$0x0] =	vst.idx.msk $0xffff, v26;
	v45 =	vld.idx.msk [tilespmem:v16+s23+$0x0], $0xffff  }
0xa3: {  	v28 =	vor.u32 v8, v28;
	v23 =	vadd.s32 s9, v0;
	s10 =	sor.u32 $0x1, s9;
	s11 =	sor.u32 $0x2, s9;
	s9 =	sor.u32 $0x3, s9;
	[tilespmem:v43+s29+$0x0] =	vst.idx.msk $0xffff, v41;
	v41 =	vld.idx.msk [tilespmem:v14+s23+$0x0], $0xffff;
	v14 =	vmov v21  }
0xa4: {  	v18 =	vmovc v38;
	v16 =	vmovc v22;
	v43 =	vadd.s32 s10, v0;
	v21 =	vadd.s32 s11, v0;
	v46 =	vadd.s32 s9, v0;
	v44 =	vld.idx.msk [tilespmem:v44+s23+$0x0], $0xffff  }
0xa5: {  	v17 =	vmovc v37;
	s9 =	sand.u32 $0x70, s8;
	v22 =	vand.u32 $0xF, v43;
	v26 =	vand.u32 $0xF, v46;
	[tilespmem:v35+s29+$0x0] =	vst.idx.msk $0xffff, v39;
	v35 =	vor.u32 v10, v20  }
0xa6: {  	v37 =	vand.u32 $0xF, v21;
	v36 =	vld.idx.msk [tilespmem:v36+s23+$0x0], $0xffff;
	[tilespmem:v34+s29+$0x0] =	vst.idx.msk $0xffff, v42;
	v34 =	vor.u32 v7, v19;
	v19 =	vor.u32 s9, v26  }
0xa7: {  	v21 =	vand.u32 $0xF, v23;
	v42 =	vor.u32 s9, v22;
	v38 =	vor.u32 v1, v19;
	[tilespmem:v32+s29+$0x0] =	vst.idx.msk $0xffff, v40;
	v23 =	vld.idx.msk [tilespmem:v33+s23+$0x0], $0xffff  }
0xa8: {  	v21 =	vor.u32 s9, v21;
	v22 =	vor.u32 s9, v37;
	v32 =	vor.u32 v1, v42;
	v26 =	vld.idx.msk [tilespmem:v31+s23+$0x0], $0xffff;
	[tilespmem:v15+s29+$0x0] =	vst.idx.msk $0xffff, v27  }
0xa9: {  	v33 =	vor.u32 v1, v22;
	v27 =	vor.u32 v1, v21;
	v31 =	vshll.u32 v42, $0x6;
	[tilespmem:v13+s29+$0x0] =	vst.idx.msk $0xffff, v45  }
0xaa: {  	v39 =	vshll.u32 v46, $0x6;
	v37 =	vshll.u32 v43, $0x6;
	v40 =	vshll.u32 v19, $0x6;
	v15 =	vmovc v30;
	v13 =	vmovc v29;
	[tilespmem:v35+s29+$0x0] =	vst.idx.msk $0xffff, v44  }
0xab: {  	v30 =	vand.u32 $0x40, v39;
	v29 =	vand.u32 $0x1F80, v31;
	v31 =	vand.u32 $0x1F80, v40;
	v34 =	vld.idx.msk [tilespmem:v34+s23+$0x0], $0xffff;
	[tilespmem:v12+s29+$0x0] =	vst.idx.msk $0xffff, v41;
	v12 =	vmovc v28  }
0xac: {  	v39 =	vor.u32 v11, v20;
	v20 =	vor.u32 v30, v31;
	v28 =	vshll.u32 v22, $0x6;
	v38 =	vld.idx.msk [tilespmem:v38+s23+$0x0], $0xffff  }
0xad: {  	v31 =	vshll.u32 v21, $0x6;
	v30 =	vand.u32 $0x40, v37;
	v41 =	vor.u32 v0, v20;
	v37 =	vld.idx.msk [tilespmem:v32+s23+$0x0], $0xffff;
	[tilespmem:v24+s29+$0x0] =	vst.idx.msk $0xffff, v36  }
0xae: {  	v30 =	vor.u32 v30, v29;
	v29 =	vand.u32 $0x1F80, v28;
	v24 =	vor.u32 v4, v19;
	v44 =	vld.idx.msk [tilespmem:v33+s23+$0x0], $0xffff  }
0xaf: {  	v28 =	vand.u32 $0x1F80, v31;
	v43 =	vor.u32 v0, v30;
	v46 =	vor.u32 v2, v29;
	v45 =	vld.idx.msk [tilespmem:v27+s23+$0x0], $0xffff  }
0xb0: {  	v48 =	vor.u32 v4, v42;
	v49 =	vor.u32 v4, v22;
	v47 =	vor.u32 v2, v28;
	v27 =	vld.idx.msk [tilespmem:v25+s23+$0x0], $0xffff  }
0xb1: {  	v40 =	vor.u32 v4, v21;
	v35 =	vor.u32 v9, v30;
	[tilespmem:v39+s29+$0x0] =	vst.idx.msk $0xffff, v34  }
.Ltmp4:
0xb2: {  	v32 =	vor.u32 v3, v28;
	v34 =	vor.u32 v3, v29;
	[tilespmem:v41+s29+$0x0] =	vst.idx.msk $0xffff, v38;
	(pc) =	sbr.rel @p0 .LBB2_9-.Ltmp4, $4  }
0xb3: {  	v31 =	vor.u32 v5, v21;
	v36 =	vor.u32 v5, v42;
	v33 =	vor.u32 v5, v22;
	v41 =	vld.idx.msk [tilespmem:v24+s23+$0x0], $0xffff  }
0xb4: {  	v24 =	vor.u32 v10, v30;
	[tilespmem:v43+s29+$0x0] =	vst.idx.msk $0xffff, v37;
	v43 =	vor.u32 v9, v20  }
0xb5: {  	v38 =	vor.u32 v6, v29;
	v39 =	vld.idx.msk [tilespmem:v48+s23+$0x0], $0xffff;
	[tilespmem:v46+s29+$0x0] =	vst.idx.msk $0xffff, v44;
	v44 =	vor.u32 v5, v19  }
0xb6: {  	v25 =	vor.u32 v7, v42;
	v37 =	vor.u32 v6, v28;
	[tilespmem:v47+s29+$0x0] =	vst.idx.msk $0xffff, v45;
	v42 =	vld.idx.msk [tilespmem:v49+s23+$0x0], $0xffff  }
0xb7: {  	_ =	sdelay $0x3  }
0xb8: {  	v40 =	vld.idx.msk [tilespmem:v40+s23+$0x0], $0xffff  }
0xb9: {  	[tilespmem:v18+s29+$0x0] =	vst.idx.msk $0xffff, v23  }
0xba: {  	[tilespmem:v43+s29+$0x0] =	vst.idx.msk $0xffff, v41  }
0xbb: {  	v53 =	vor.u32 v10, v20;
	v52 =	vld.idx.msk [tilespmem:v44+s23+$0x0], $0xffff;
	[tilespmem:v35+s29+$0x0] =	vst.idx.msk $0xffff, v39  }
0xbc: {  	v19 =	vor.u32 v7, v19;
	v35 =	vld.idx.msk [tilespmem:v36+s23+$0x0], $0xffff;
	[tilespmem:v34+s29+$0x0] =	vst.idx.msk $0xffff, v42  }
0xbd: {  	[tilespmem:v32+s29+$0x0] =	vst.idx.msk $0xffff, v40;
	v54 =	vld.idx.msk [tilespmem:v33+s23+$0x0], $0xffff  }
0xbe: {  	v22 =	vor.u32 v7, v22;
	[tilespmem:v17+s29+$0x0] =	vst.idx.msk $0xffff, v26;
	v55 =	vld.idx.msk [tilespmem:v31+s23+$0x0], $0xffff  }
0xbf: {  	v21 =	vor.u32 v7, v21;
	[tilespmem:v15+s29+$0x0] =	vst.idx.msk $0xffff, v27;
	v16 =	vld.idx.msk [tilespmem:v16+s23+$0x0], $0xffff  }
0xc0: {  	v14 =	vld.idx.msk [tilespmem:v14+s23+$0x0], $0xffff;
	[tilespmem:v53+s29+$0x0] =	vst.idx.msk $0xffff, v52  }
0xc1: {  	v57 =	vor.u32 v11, v20;
	v56 =	vld.idx.msk [tilespmem:v19+s23+$0x0], $0xffff;
	[tilespmem:v24+s29+$0x0] =	vst.idx.msk $0xffff, v35  }
0xc2: {  	v58 =	vor.u32 v11, v30;
	v59 =	vld.idx.msk [tilespmem:v25+s23+$0x0], $0xffff;
	[tilespmem:v38+s29+$0x0] =	vst.idx.msk $0xffff, v54  }
0xc3: {  	v60 =	vor.u32 v8, v29;
	[tilespmem:v37+s29+$0x0] =	vst.idx.msk $0xffff, v55;
	v61 =	vld.idx.msk [tilespmem:v22+s23+$0x0], $0xffff  }
0xc4: {  	v62 =	vor.u32 v8, v28;
	[tilespmem:v13+s29+$0x0] =	vst.idx.msk $0xffff, v16;
	v63 =	vld.idx.msk [tilespmem:v21+s23+$0x0], $0xffff  }
0xc5: {  	p0 =	seq.s32 s0, $0x79;
	[tilespmem:v12+s29+$0x0] =	vst.idx.msk $0xffff, v14  }
.Ltmp5:
0xc6: {  	[tilespmem:v57+s29+$0x0] =	vst.idx.msk $0xffff, v56;
	(pc) =	sbr.rel @p0 .LBB2_12-.Ltmp5, $4  }
0xc7: {  	[tilespmem:v58+s29+$0x0] =	vst.idx.msk $0xffff, v59  }
0xc8: {  	s8 =	sshll.u32 s0, $0xB;
	[tilespmem:v60+s29+$0x0] =	vst.idx.msk $0xffff, v61  }
0xc9: {  	s8 =	sadd.s32 s20, s8;
	[tilespmem:v62+s29+$0x0] =	vst.idx.msk $0xffff, v63  }
0xca: {  	[hbm4b:s8+s3] =	stream.linear.scatter [tilespmem:s29], [sflag:$0x4], $0x2000, $0x38;
	[tilespmem:$0x8000] =	vst v63  }
.Ltmp6:
0xcb: {  	(pc) =	sbr.rel .LBB2_2-.Ltmp6, $3  }
0xcc: {  	_ =	sdelay $0x1  }
0xcd: {  	s1 =	sadd.s32 s1, s7;
	s0 =	sadd.s32 $0x1, s0  }
0xce: {  	[tilespmem:s23], [sflag:$0x2] =	stream.strided.gather [hbm4b:s1+s21], $0x2000, s22, s21, $0x38;
	[tilespmem:$0x8000] =	vst v63  }
.LBB2_12:
0xcf: {  	s0 =	simm.s32 $0x0  }
0xd0: {  	s1 =	sand.u32 $0xC, s0  }
0xd1: {  	v12 =	vadd.s32 s1, v0;
	s8 =	sor.u32 $0x1, s1;
	s9 =	sor.u32 $0x2, s1;
	s1 =	sor.u32 $0x3, s1  }
0xd2: {  	_ =	swait.ge [sflag:s30], $0x2000;
	v13 =	vadd.s32 s8, v0;
	v14 =	vadd.s32 s9, v0;
	v15 =	vadd.s32 s1, v0  }
0xd3: {  	[sflag:s30] =	ssyncset.done $0x0;
	s0 =	sand.u32 $0x70, s0;
	v12 =	vand.u32 $0xF, v12;
	v16 =	vand.u32 $0xF, v13;
	v17 =	vand.u32 $0xF, v15  }
0xd4: {  	[sflag:s30] =	ssyncadd.s32 $0xFFFFE000;
	v14 =	vand.u32 $0xF, v14;
	v12 =	vor.u32 s0, v12;
	v15 =	vshll.u32 v15, $0x6  }
0xd5: {  	_ =	swait.ge [sflag:s28], $0x2000;
	v13 =	vshll.u32 v13, $0x6;
	v20 =	vor.u32 s0, v17;
	v16 =	vor.u32 s0, v16  }
0xd6: {  	[sflag:s28] =	ssyncset.done $0x0;
	v19 =	vor.u32 s0, v14;
	v14 =	vor.u32 v1, v12;
	v15 =	vand.u32 $0x40, v15  }
0xd7: {  	s11 =	rddreg [dreg:$0x5];
	[sflag:s28] =	ssyncadd.s32 $0xFFFFE000;
	v13 =	vand.u32 $0x40, v13;
	v31 =	vor.u32 v4, v12;
	v36 =	vor.u32 v5, v12  }
0xd8: {  	v17 =	vor.u32 v1, v20;
	v18 =	vor.u32 v1, v16;
	[tilespmem:s3], [sflag:$0x5] =	stream.strided.gather [hbm4b:s11+s21], $0x2000, s22, s21, $0x38;
	v21 =	vshll.u32 v16, $0x6;
	[tilespmem:$0x8000] =	vst v63  }
0xd9: {  	v22 =	vor.u32 v1, v19;
	v23 =	vshll.u32 v20, $0x6;
	_ =	swait.ge [sflag:s31], $0x2000;
	v21 =	vand.u32 $0x1F80, v21  }
0xda: {  	v26 =	vor.u32 v4, v20;
	[sflag:s31] =	ssyncset.done $0x0;
	v13 =	vor.u32 v13, v21;
	v21 =	vshll.u32 v12, $0x6  }
0xdb: {  	v29 =	vor.u32 v4, v16;
	v23 =	vand.u32 $0x1F80, v23;
	[sflag:s31] =	ssyncadd.s32 $0xFFFFE000;
	v21 =	vand.u32 $0x1F80, v21  }
0xdc: {  	v30 =	vor.u32 v4, v19;
	v24 =	vor.u32 v15, v23;
	v28 =	vor.u32 v2, v21;
	v40 =	vld.idx.msk [tilespmem:v14+s3+$0x0], $0xffff  }
0xdd: {  	v35 =	vor.u32 v5, v19;
	v15 =	vshll.u32 v19, $0x6;
	v23 =	vor.u32 v0, v24;
	v17 =	vld.idx.msk [tilespmem:v17+s3+$0x0], $0xffff  }
0xde: {  	v39 =	vor.u32 v5, v20;
	v25 =	vand.u32 $0x1F80, v15;
	v15 =	vor.u32 v0, v13;
	v18 =	vld.idx.msk [tilespmem:v18+s3+$0x0], $0xffff  }
0xdf: {  	s0 =	simm.s32 $0x4;
	v41 =	vor.u32 v7, v16;
	v32 =	vor.u32 v9, v13;
	v37 =	vor.u32 v10, v13  }
0xe0: {  	s8 =	sand.u32 $0xC, s0;
	v38 =	vor.u32 v9, v24;
	v27 =	vor.u32 v2, v25;
	v33 =	vor.u32 v3, v21;
	v22 =	vld.idx.msk [tilespmem:v22+s3+$0x0], $0xffff  }
0xe1: {  	s1 =	sor.u32 $0x3, s8;
	v34 =	vor.u32 v3, v25;
	v14 =	vor.u32 v7, v12;
	[tilespmem:v28+s25+$0x0] =	vst.idx.msk $0xffff, v40  }
0xe2: {  	v42 =	vadd.s32 s1, v0;
	v12 =	vor.u32 v8, v21;
	[tilespmem:v23+s25+$0x0] =	vst.idx.msk $0xffff, v17;
	v23 =	vor.u32 v5, v16  }
0xe3: {  	[tilespmem:v15+s25+$0x0] =	vst.idx.msk $0xffff, v18;
	v18 =	vor.u32 v6, v25;
	v17 =	vor.u32 v6, v21;
	v26 =	vld.idx.msk [tilespmem:v26+s3+$0x0], $0xffff  }
0xe4: {  	s10 =	sor.u32 $0x2, s8;
	v16 =	vor.u32 v7, v19;
	v15 =	vor.u32 v11, v13;
	v13 =	vor.u32 v8, v25  }
0xe5: {  	s11 =	sand.u32 $0x70, s0;
	s9 =	sor.u32 $0x1, s8;
	v25 =	vadd.s32 s8, v0;
	[tilespmem:v27+s25+$0x0] =	vst.idx.msk $0xffff, v22;
	v19 =	vadd.s32 s10, v0;
	v22 =	vand.u32 $0xF, v42  }
0xe6: {  	v27 =	vadd.s32 s9, v0;
	v31 =	vld.idx.msk [tilespmem:v31+s3+$0x0], $0xffff;
	v53 =	vand.u32 $0xF, v19;
	v19 =	vor.u32 s11, v22  }
0xe7: {  	v29 =	vld.idx.msk [tilespmem:v29+s3+$0x0], $0xffff;
	v21 =	vand.u32 $0xF, v27;
	v22 =	vand.u32 $0xF, v25;
	v28 =	vor.u32 v1, v19  }
0xe8: {  	v30 =	vld.idx.msk [tilespmem:v30+s3+$0x0], $0xffff;
	v25 =	vor.u32 s11, v21;
	v21 =	vor.u32 s11, v22;
	[tilespmem:v38+s25+$0x0] =	vst.idx.msk $0xffff, v26  }
0xe9: {  	v55 =	vor.u32 v1, v21;
	v26 =	vor.u32 v10, v24;
	v38 =	vld.idx.msk [tilespmem:v39+s3+$0x0], $0xffff  }
0xea: {  	v20 =	vor.u32 v7, v20;
	v27 =	vshll.u32 v27, $0x6;
	v22 =	vor.u32 s11, v53  }
0xeb: {  	v56 =	vshll.u32 v19, $0x6;
	v27 =	vand.u32 $0x40, v27;
	v61 =	vor.u32 v4, v19;
	[tilespmem:v33+s25+$0x0] =	vst.idx.msk $0xffff, v31  }
0xec: {  	v54 =	vor.u32 v1, v25;
	[tilespmem:v32+s25+$0x0] =	vst.idx.msk $0xffff, v29;
	v29 =	vshll.u32 v25, $0x6;
	v31 =	vld.idx.msk [tilespmem:v28+s3+$0x0], $0xffff;
	v28 =	vshll.u32 v21, $0x6  }
0xed: {  	[tilespmem:v34+s25+$0x0] =	vst.idx.msk $0xffff, v30;
	v30 =	vshll.u32 v42, $0x6;
	v39 =	vor.u32 v1, v22;
	v43 =	vld.idx.msk [tilespmem:v23+s3+$0x0], $0xffff;
	v28 =	vand.u32 $0x1F80, v28  }
0xee: {  	v48 =	vld.idx.msk [tilespmem:v55+s3+$0x0], $0xffff;
	[tilespmem:v26+s25+$0x0] =	vst.idx.msk $0xffff, v38;
	v26 =	vand.u32 $0x1F80, v29;
	v29 =	vand.u32 $0x40, v30;
	v30 =	vand.u32 $0x1F80, v56  }
0xef: {  	v58 =	vshll.u32 v22, $0x6;
	v46 =	vor.u32 v2, v28;
	v57 =	vld.idx.msk [tilespmem:v20+s3+$0x0], $0xffff;
	v20 =	vor.u32 v29, v30  }
0xf0: {  	v63 =	vor.u32 v4, v25;
	v30 =	vor.u32 v27, v26;
	v59 =	vor.u32 v0, v20  }
0xf1: {  	v47 =	vor.u32 v4, v22;
	v60 =	vld.idx.msk [tilespmem:v54+s3+$0x0], $0xffff;
	v29 =	vand.u32 $0x1F80, v58;
	v62 =	vor.u32 v0, v30  }
0xf2: {  	v40 =	vor.u32 v4, v21;
	v33 =	vor.u32 v5, v22;
	v45 =	vld.idx.msk [tilespmem:v39+s3+$0x0], $0xffff;
	v44 =	vor.u32 v2, v29  }
0xf3: {  	v24 =	vor.u32 v11, v24;
	v23 =	vld.idx.msk [tilespmem:v35+s3+$0x0], $0xffff;
	v32 =	vor.u32 v3, v28;
	[tilespmem:v37+s25+$0x0] =	vst.idx.msk $0xffff, v43  }
0xf4: {  	v37 =	vor.u32 v6, v28;
	v26 =	vld.idx.msk [tilespmem:v36+s3+$0x0], $0xffff;
	v36 =	vor.u32 v5, v25;
	[tilespmem:v46+s25+$0x0] =	vst.idx.msk $0xffff, v48  }
0xf5: {  	v27 =	vld.idx.msk [tilespmem:v41+s3+$0x0], $0xffff;
	v25 =	vor.u32 v7, v25;
	v35 =	vor.u32 v9, v30;
	[tilespmem:v59+s25+$0x0] =	vst.idx.msk $0xffff, v31  }
0xf6: {  	v34 =	vor.u32 v3, v29;
	v43 =	vor.u32 v9, v20;
	[tilespmem:v62+s25+$0x0] =	vst.idx.msk $0xffff, v60;
	v41 =	vld.idx.msk [tilespmem:v61+s3+$0x0], $0xffff  }
0xf7: {  	v38 =	vor.u32 v6, v29;
	[tilespmem:v44+s25+$0x0] =	vst.idx.msk $0xffff, v45;
	v44 =	vor.u32 v5, v19;
	v39 =	vld.idx.msk [tilespmem:v63+s3+$0x0], $0xffff  }
0xf8: {  	[tilespmem:v24+s25+$0x0] =	vst.idx.msk $0xffff, v57;
	v24 =	vor.u32 v10, v30;
	v31 =	vor.u32 v5, v21;
	v42 =	vld.idx.msk [tilespmem:v47+s3+$0x0], $0xffff  }
.LBB2_13:
0xf9: {  	s0 =	sadd.s32 $0x4, s0;
	v40 =	vld.idx.msk [tilespmem:v40+s3+$0x0], $0xffff;
	v21 =	vor.u32 v7, v21;
	v22 =	vor.u32 v7, v22;
	[tilespmem:v18+s25+$0x0] =	vst.idx.msk $0xffff, v23  }
0xfa: {  	v30 =	vor.u32 v11, v30;
	v29 =	vor.u32 v8, v29;
	s1 =	sand.u32 $0xC, s0;
	p0 =	slt.u32 s0, $0x7C;
	[tilespmem:v17+s25+$0x0] =	vst.idx.msk $0xffff, v26;
	v45 =	vld.idx.msk [tilespmem:v16+s3+$0x0], $0xffff  }
0xfb: {  	v28 =	vor.u32 v8, v28;
	v23 =	vadd.s32 s1, v0;
	s8 =	sor.u32 $0x1, s1;
	s9 =	sor.u32 $0x2, s1;
	s1 =	sor.u32 $0x3, s1;
	[tilespmem:v43+s25+$0x0] =	vst.idx.msk $0xffff, v41;
	v41 =	vld.idx.msk [tilespmem:v14+s3+$0x0], $0xffff;
	v14 =	vmov v21  }
0xfc: {  	v18 =	vmovc v38;
	v16 =	vmovc v22;
	v43 =	vadd.s32 s8, v0;
	v21 =	vadd.s32 s9, v0;
	v46 =	vadd.s32 s1, v0;
	v44 =	vld.idx.msk [tilespmem:v44+s3+$0x0], $0xffff  }
0xfd: {  	v17 =	vmovc v37;
	s1 =	sand.u32 $0x70, s0;
	v22 =	vand.u32 $0xF, v43;
	v26 =	vand.u32 $0xF, v46;
	[tilespmem:v35+s25+$0x0] =	vst.idx.msk $0xffff, v39;
	v35 =	vor.u32 v10, v20  }
0xfe: {  	v37 =	vand.u32 $0xF, v21;
	v36 =	vld.idx.msk [tilespmem:v36+s3+$0x0], $0xffff;
	[tilespmem:v34+s25+$0x0] =	vst.idx.msk $0xffff, v42;
	v34 =	vor.u32 v7, v19;
	v19 =	vor.u32 s1, v26  }
0xff: {  	v21 =	vand.u32 $0xF, v23;
	v42 =	vor.u32 s1, v22;
	v38 =	vor.u32 v1, v19;
	[tilespmem:v32+s25+$0x0] =	vst.idx.msk $0xffff, v40;
	v23 =	vld.idx.msk [tilespmem:v33+s3+$0x0], $0xffff  }
0x100: {  	v21 =	vor.u32 s1, v21;
	v22 =	vor.u32 s1, v37;
	v32 =	vor.u32 v1, v42;
	v26 =	vld.idx.msk [tilespmem:v31+s3+$0x0], $0xffff;
	[tilespmem:v15+s25+$0x0] =	vst.idx.msk $0xffff, v27  }
0x101: {  	v33 =	vor.u32 v1, v22;
	v27 =	vor.u32 v1, v21;
	v31 =	vshll.u32 v42, $0x6;
	[tilespmem:v13+s25+$0x0] =	vst.idx.msk $0xffff, v45  }
0x102: {  	v39 =	vshll.u32 v46, $0x6;
	v37 =	vshll.u32 v43, $0x6;
	v40 =	vshll.u32 v19, $0x6;
	v15 =	vmovc v30;
	v13 =	vmovc v29;
	[tilespmem:v35+s25+$0x0] =	vst.idx.msk $0xffff, v44  }
0x103: {  	v30 =	vand.u32 $0x40, v39;
	v29 =	vand.u32 $0x1F80, v31;
	v31 =	vand.u32 $0x1F80, v40;
	v34 =	vld.idx.msk [tilespmem:v34+s3+$0x0], $0xffff;
	[tilespmem:v12+s25+$0x0] =	vst.idx.msk $0xffff, v41;
	v12 =	vmovc v28  }
0x104: {  	v39 =	vor.u32 v11, v20;
	v20 =	vor.u32 v30, v31;
	v28 =	vshll.u32 v22, $0x6;
	v38 =	vld.idx.msk [tilespmem:v38+s3+$0x0], $0xffff  }
0x105: {  	v31 =	vshll.u32 v21, $0x6;
	v30 =	vand.u32 $0x40, v37;
	v41 =	vor.u32 v0, v20;
	v37 =	vld.idx.msk [tilespmem:v32+s3+$0x0], $0xffff;
	[tilespmem:v24+s25+$0x0] =	vst.idx.msk $0xffff, v36  }
0x106: {  	v30 =	vor.u32 v30, v29;
	v29 =	vand.u32 $0x1F80, v28;
	v24 =	vor.u32 v4, v19;
	v44 =	vld.idx.msk [tilespmem:v33+s3+$0x0], $0xffff  }
0x107: {  	v28 =	vand.u32 $0x1F80, v31;
	v43 =	vor.u32 v0, v30;
	v46 =	vor.u32 v2, v29;
	v45 =	vld.idx.msk [tilespmem:v27+s3+$0x0], $0xffff  }
0x108: {  	v48 =	vor.u32 v4, v42;
	v49 =	vor.u32 v4, v22;
	v47 =	vor.u32 v2, v28;
	v27 =	vld.idx.msk [tilespmem:v25+s3+$0x0], $0xffff  }
0x109: {  	v40 =	vor.u32 v4, v21;
	v35 =	vor.u32 v9, v30;
	[tilespmem:v39+s25+$0x0] =	vst.idx.msk $0xffff, v34  }
.Ltmp7:
0x10a: {  	v32 =	vor.u32 v3, v28;
	v34 =	vor.u32 v3, v29;
	[tilespmem:v41+s25+$0x0] =	vst.idx.msk $0xffff, v38;
	(pc) =	sbr.rel @p0 .LBB2_13-.Ltmp7, $4  }
0x10b: {  	v31 =	vor.u32 v5, v21;
	v36 =	vor.u32 v5, v42;
	v33 =	vor.u32 v5, v22;
	v41 =	vld.idx.msk [tilespmem:v24+s3+$0x0], $0xffff  }
0x10c: {  	v24 =	vor.u32 v10, v30;
	[tilespmem:v43+s25+$0x0] =	vst.idx.msk $0xffff, v37;
	v43 =	vor.u32 v9, v20  }
0x10d: {  	v38 =	vor.u32 v6, v29;
	v39 =	vld.idx.msk [tilespmem:v48+s3+$0x0], $0xffff;
	[tilespmem:v46+s25+$0x0] =	vst.idx.msk $0xffff, v44;
	v44 =	vor.u32 v5, v19  }
0x10e: {  	v25 =	vor.u32 v7, v42;
	v37 =	vor.u32 v6, v28;
	[tilespmem:v47+s25+$0x0] =	vst.idx.msk $0xffff, v45;
	v42 =	vld.idx.msk [tilespmem:v49+s3+$0x0], $0xffff  }
0x10f: {  	_ =	sdelay $0x3  }
0x110: {  	v40 =	vld.idx.msk [tilespmem:v40+s3+$0x0], $0xffff  }
0x111: {  	[tilespmem:v18+s25+$0x0] =	vst.idx.msk $0xffff, v23  }
0x112: {  	[tilespmem:v43+s25+$0x0] =	vst.idx.msk $0xffff, v41  }
0x113: {  	v23 =	vor.u32 v10, v20;
	v18 =	vld.idx.msk [tilespmem:v44+s3+$0x0], $0xffff;
	[tilespmem:v35+s25+$0x0] =	vst.idx.msk $0xffff, v39  }
0x114: {  	v19 =	vor.u32 v7, v19;
	v35 =	vld.idx.msk [tilespmem:v36+s3+$0x0], $0xffff;
	[tilespmem:v34+s25+$0x0] =	vst.idx.msk $0xffff, v42  }
0x115: {  	[tilespmem:v32+s25+$0x0] =	vst.idx.msk $0xffff, v40;
	v60 =	vld.idx.msk [tilespmem:v33+s3+$0x0], $0xffff  }
0x116: {  	v22 =	vor.u32 v7, v22;
	[tilespmem:v17+s25+$0x0] =	vst.idx.msk $0xffff, v26;
	v17 =	vld.idx.msk [tilespmem:v31+s3+$0x0], $0xffff  }
0x117: {  	v21 =	vor.u32 v7, v21;
	[tilespmem:v15+s25+$0x0] =	vst.idx.msk $0xffff, v27;
	v16 =	vld.idx.msk [tilespmem:v16+s3+$0x0], $0xffff  }
0x118: {  	v14 =	vld.idx.msk [tilespmem:v14+s3+$0x0], $0xffff;
	[tilespmem:v23+s25+$0x0] =	vst.idx.msk $0xffff, v18  }
0x119: {  	v18 =	vor.u32 v11, v20;
	v15 =	vld.idx.msk [tilespmem:v19+s3+$0x0], $0xffff;
	[tilespmem:v24+s25+$0x0] =	vst.idx.msk $0xffff, v35  }
0x11a: {  	v19 =	vor.u32 v11, v30;
	v20 =	vld.idx.msk [tilespmem:v25+s3+$0x0], $0xffff;
	[tilespmem:v38+s25+$0x0] =	vst.idx.msk $0xffff, v60  }
0x11b: {  	v23 =	vor.u32 v8, v29;
	[tilespmem:v37+s25+$0x0] =	vst.idx.msk $0xffff, v17;
	v17 =	vld.idx.msk [tilespmem:v22+s3+$0x0], $0xffff  }
0x11c: {  	s0 =	simm.s32 $0x0;
	[tilespmem:v13+s25+$0x0] =	vst.idx.msk $0xffff, v16;
	v22 =	vor.u32 v8, v28;
	v13 =	vld.idx.msk [tilespmem:v21+s3+$0x0], $0xffff  }
0x11d: {  	s1 =	sand.u32 $0xC, s0;
	[tilespmem:v12+s25+$0x0] =	vst.idx.msk $0xffff, v14  }
0x11e: {  	v12 =	vadd.s32 s1, v0;
	[tilespmem:v18+s25+$0x0] =	vst.idx.msk $0xffff, v15  }
0x11f: {  	s0 =	sand.u32 $0x70, s0;
	s9 =	sor.u32 $0x2, s1;
	v12 =	vand.u32 $0xF, v12;
	[tilespmem:v19+s25+$0x0] =	vst.idx.msk $0xffff, v20  }
0x120: {  	v14 =	vadd.s32 s9, v0;
	v12 =	vor.u32 s0, v12;
	[tilespmem:v23+s25+$0x0] =	vst.idx.msk $0xffff, v17  }
0x121: {  	s8 =	sor.u32 $0x1, s1;
	s1 =	sor.u32 $0x3, s1;
	v14 =	vand.u32 $0xF, v14;
	v31 =	vor.u32 v4, v12;
	[tilespmem:v22+s25+$0x0] =	vst.idx.msk $0xffff, v13  }
0x122: {  	v36 =	vor.u32 v5, v12;
	v15 =	vadd.s32 s1, v0;
	v19 =	vor.u32 s0, v14;
	s10 =	rddreg [dreg:$0x4]  }
0x123: {  	v14 =	vor.u32 v1, v12;
	v17 =	vand.u32 $0xF, v15;
	v15 =	vshll.u32 v15, $0x6;
	[hbm4b:s10+s3] =	stream.linear.scatter [tilespmem:s25], [sflag:$0x5], $0x2000, $0x38;
	[tilespmem:$0x8000] =	vst v63  }
0x124: {  	v30 =	vor.u32 v4, v19;
	v45 =	vor.u32 v5, v19;
	v13 =	vadd.s32 s8, v0;
	_ =	swait.ge [sflag:s31], $0x2000  }
0x125: {  	v20 =	vor.u32 s0, v17;
	v22 =	vor.u32 v1, v19;
	v16 =	vand.u32 $0xF, v13;
	[sflag:s31] =	ssyncset.done $0x0  }
0x126: {  	v15 =	vand.u32 $0x40, v15;
	v17 =	vor.u32 v1, v20;
	v16 =	vor.u32 s0, v16;
	s11 =	rddreg [dreg:$0x6];
	[sflag:s31] =	ssyncadd.s32 $0xFFFFE000  }
0x127: {  	v23 =	vshll.u32 v20, $0x6;
	v13 =	vshll.u32 v13, $0x6;
	v18 =	vor.u32 v1, v16;
	[tilespmem:s3], [sflag:$0x5] =	stream.strided.gather [hbm4b:s11+s21], $0x2000, s22, s21, $0x38;
	[tilespmem:$0x8000] =	vst v63  }
0x128: {  	v26 =	vor.u32 v4, v20;
	v48 =	vor.u32 v5, v20;
	v23 =	vand.u32 $0x1F80, v23;
	_ =	swait.ge [sflag:s31], $0x2000  }
0x129: {  	v13 =	vand.u32 $0x40, v13;
	v21 =	vshll.u32 v16, $0x6;
	v24 =	vor.u32 v15, v23;
	[sflag:s31] =	ssyncset.done $0x0  }
0x12a: {  	v15 =	vshll.u32 v19, $0x6;
	v29 =	vor.u32 v4, v16;
	v21 =	vand.u32 $0x1F80, v21;
	[sflag:s31] =	ssyncadd.s32 $0xFFFFE000  }
0x12b: {  	v41 =	vor.u32 v7, v16;
	v23 =	vor.u32 v0, v24;
	v13 =	vor.u32 v13, v21;
	v17 =	vld.idx.msk [tilespmem:v17+s3+$0x0], $0xffff  }
0x12c: {  	v25 =	vand.u32 $0x1F80, v15;
	v47 =	vor.u32 v9, v24;
	v15 =	vor.u32 v0, v13;
	v18 =	vld.idx.msk [tilespmem:v18+s3+$0x0], $0xffff  }
0x12d: {  	s0 =	simm.s32 $0x4;
	v21 =	vshll.u32 v12, $0x6;
	v27 =	vor.u32 v2, v25;
	v63 =	vor.u32 v3, v25  }
0x12e: {  	s8 =	sand.u32 $0xC, s0;
	v21 =	vand.u32 $0x1F80, v21;
	v61 =	vor.u32 v9, v13;
	v46 =	vor.u32 v10, v13;
	v22 =	vld.idx.msk [tilespmem:v22+s3+$0x0], $0xffff  }
0x12f: {  	s1 =	sor.u32 $0x3, s8;
	v28 =	vor.u32 v2, v21;
	v62 =	vor.u32 v3, v21;
	v49 =	vld.idx.msk [tilespmem:v14+s3+$0x0], $0xffff;
	v14 =	vor.u32 v7, v12  }
0x130: {  	v50 =	vadd.s32 s1, v0;
	v12 =	vor.u32 v8, v21;
	[tilespmem:v23+s25+$0x0] =	vst.idx.msk $0xffff, v17;
	v23 =	vor.u32 v5, v16  }
0x131: {  	[tilespmem:v15+s25+$0x0] =	vst.idx.msk $0xffff, v18;
	v18 =	vor.u32 v6, v25;
	v17 =	vor.u32 v6, v21;
	v26 =	vld.idx.msk [tilespmem:v26+s3+$0x0], $0xffff  }
0x132: {  	s10 =	sor.u32 $0x2, s8;
	v16 =	vor.u32 v7, v19;
	v15 =	vor.u32 v11, v13;
	v13 =	vor.u32 v8, v25;
	v29 =	vld.idx.msk [tilespmem:v29+s3+$0x0], $0xffff  }
0x133: {  	s9 =	sor.u32 $0x1, s8;
	s11 =	sand.u32 $0x70, s0;
	v25 =	vadd.s32 s8, v0;
	[tilespmem:v27+s25+$0x0] =	vst.idx.msk $0xffff, v22;
	v19 =	vadd.s32 s10, v0;
	v22 =	vand.u32 $0xF, v50  }
0x134: {  	v27 =	vadd.s32 s9, v0;
	[tilespmem:v28+s25+$0x0] =	vst.idx.msk $0xffff, v49;
	v51 =	vand.u32 $0xF, v19;
	v19 =	vor.u32 s11, v22  }
0x135: {  	v21 =	vand.u32 $0xF, v27;
	v22 =	vand.u32 $0xF, v25;
	v31 =	vld.idx.msk [tilespmem:v31+s3+$0x0], $0xffff;
	v28 =	vor.u32 v1, v19  }
0x136: {  	v30 =	vld.idx.msk [tilespmem:v30+s3+$0x0], $0xffff;
	v25 =	vor.u32 s11, v21;
	v21 =	vor.u32 s11, v22;
	[tilespmem:v47+s25+$0x0] =	vst.idx.msk $0xffff, v26  }
0x137: {  	v53 =	vor.u32 v1, v21;
	v26 =	vor.u32 v10, v24;
	[tilespmem:v61+s25+$0x0] =	vst.idx.msk $0xffff, v29;
	v38 =	vld.idx.msk [tilespmem:v48+s3+$0x0], $0xffff  }
0x138: {  	v20 =	vor.u32 v7, v20;
	v27 =	vshll.u32 v27, $0x6;
	v22 =	vor.u32 s11, v51;
	v54 =	vld.idx.msk [tilespmem:v23+s3+$0x0], $0xffff  }
0x139: {  	v55 =	vshll.u32 v19, $0x6;
	v60 =	vor.u32 v4, v19;
	v52 =	vor.u32 v1, v25  }
0x13a: {  	v27 =	vand.u32 $0x40, v27;
	v39 =	vor.u32 v1, v22;
	[tilespmem:v62+s25+$0x0] =	vst.idx.msk $0xffff, v31;
	v31 =	vld.idx.msk [tilespmem:v28+s3+$0x0], $0xffff;
	v28 =	vshll.u32 v21, $0x6  }
0x13b: {  	v29 =	vshll.u32 v25, $0x6;
	[tilespmem:v63+s25+$0x0] =	vst.idx.msk $0xffff, v30;
	v30 =	vshll.u32 v50, $0x6;
	v28 =	vand.u32 $0x1F80, v28  }
0x13c: {  	v48 =	vld.idx.msk [tilespmem:v53+s3+$0x0], $0xffff;
	[tilespmem:v26+s25+$0x0] =	vst.idx.msk $0xffff, v38;
	v26 =	vand.u32 $0x1F80, v29;
	v29 =	vand.u32 $0x40, v30;
	v30 =	vand.u32 $0x1F80, v55  }
0x13d: {  	[tilespmem:v46+s25+$0x0] =	vst.idx.msk $0xffff, v54;
	v46 =	vor.u32 v2, v28;
	v56 =	vld.idx.msk [tilespmem:v20+s3+$0x0], $0xffff;
	v20 =	vor.u32 v29, v30  }
0x13e: {  	v57 =	vshll.u32 v22, $0x6;
	v23 =	vld.idx.msk [tilespmem:v45+s3+$0x0], $0xffff;
	v30 =	vor.u32 v27, v26;
	v58 =	vor.u32 v0, v20  }
0x13f: {  	v44 =	vor.u32 v5, v19;
	v59 =	vld.idx.msk [tilespmem:v52+s3+$0x0], $0xffff;
	v29 =	vand.u32 $0x1F80, v57;
	v61 =	vor.u32 v0, v30  }
0x140: {  	v40 =	vor.u32 v4, v21;
	v63 =	vor.u32 v4, v25;
	v45 =	vld.idx.msk [tilespmem:v39+s3+$0x0], $0xffff;
	v62 =	vor.u32 v2, v29  }
0x141: {  	v33 =	vor.u32 v5, v22;
	v24 =	vor.u32 v11, v24;
	v47 =	vor.u32 v4, v22  }
0x142: {  	v32 =	vor.u32 v3, v28;
	v37 =	vor.u32 v6, v28;
	v26 =	vld.idx.msk [tilespmem:v36+s3+$0x0], $0xffff;
	[tilespmem:v46+s25+$0x0] =	vst.idx.msk $0xffff, v48  }
0x143: {  	v27 =	vld.idx.msk [tilespmem:v41+s3+$0x0], $0xffff;
	v36 =	vor.u32 v5, v25;
	v25 =	vor.u32 v7, v25;
	[tilespmem:v58+s25+$0x0] =	vst.idx.msk $0xffff, v31  }
0x144: {  	v35 =	vor.u32 v9, v30;
	v43 =	vor.u32 v9, v20;
	[tilespmem:v61+s25+$0x0] =	vst.idx.msk $0xffff, v59;
	v41 =	vld.idx.msk [tilespmem:v60+s3+$0x0], $0xffff  }
0x145: {  	v34 =	vor.u32 v3, v29;
	v38 =	vor.u32 v6, v29;
	[tilespmem:v62+s25+$0x0] =	vst.idx.msk $0xffff, v45;
	v39 =	vld.idx.msk [tilespmem:v63+s3+$0x0], $0xffff  }
0x146: {  	[tilespmem:v24+s25+$0x0] =	vst.idx.msk $0xffff, v56;
	v24 =	vor.u32 v10, v30;
	v31 =	vor.u32 v5, v21;
	v42 =	vld.idx.msk [tilespmem:v47+s3+$0x0], $0xffff  }
.LBB2_15:
0x147: {  	s0 =	sadd.s32 $0x4, s0;
	v40 =	vld.idx.msk [tilespmem:v40+s3+$0x0], $0xffff;
	v21 =	vor.u32 v7, v21;
	v22 =	vor.u32 v7, v22;
	[tilespmem:v18+s25+$0x0] =	vst.idx.msk $0xffff, v23  }
0x148: {  	v30 =	vor.u32 v11, v30;
	v29 =	vor.u32 v8, v29;
	s1 =	sand.u32 $0xC, s0;
	p0 =	slt.u32 s0, $0x7C;
	[tilespmem:v17+s25+$0x0] =	vst.idx.msk $0xffff, v26;
	v45 =	vld.idx.msk [tilespmem:v16+s3+$0x0], $0xffff  }
0x149: {  	v28 =	vor.u32 v8, v28;
	v23 =	vadd.s32 s1, v0;
	s8 =	sor.u32 $0x1, s1;
	s9 =	sor.u32 $0x2, s1;
	s1 =	sor.u32 $0x3, s1;
	[tilespmem:v43+s25+$0x0] =	vst.idx.msk $0xffff, v41;
	v41 =	vld.idx.msk [tilespmem:v14+s3+$0x0], $0xffff;
	v14 =	vmov v21  }
0x14a: {  	v18 =	vmovc v38;
	v16 =	vmovc v22;
	v43 =	vadd.s32 s8, v0;
	v21 =	vadd.s32 s9, v0;
	v46 =	vadd.s32 s1, v0;
	v44 =	vld.idx.msk [tilespmem:v44+s3+$0x0], $0xffff  }
0x14b: {  	v17 =	vmovc v37;
	s1 =	sand.u32 $0x70, s0;
	v22 =	vand.u32 $0xF, v43;
	v26 =	vand.u32 $0xF, v46;
	[tilespmem:v35+s25+$0x0] =	vst.idx.msk $0xffff, v39;
	v35 =	vor.u32 v10, v20  }
0x14c: {  	v37 =	vand.u32 $0xF, v21;
	v36 =	vld.idx.msk [tilespmem:v36+s3+$0x0], $0xffff;
	[tilespmem:v34+s25+$0x0] =	vst.idx.msk $0xffff, v42;
	v34 =	vor.u32 v7, v19;
	v19 =	vor.u32 s1, v26  }
0x14d: {  	v21 =	vand.u32 $0xF, v23;
	v42 =	vor.u32 s1, v22;
	v38 =	vor.u32 v1, v19;
	[tilespmem:v32+s25+$0x0] =	vst.idx.msk $0xffff, v40;
	v23 =	vld.idx.msk [tilespmem:v33+s3+$0x0], $0xffff  }
0x14e: {  	v21 =	vor.u32 s1, v21;
	v22 =	vor.u32 s1, v37;
	v32 =	vor.u32 v1, v42;
	v26 =	vld.idx.msk [tilespmem:v31+s3+$0x0], $0xffff;
	[tilespmem:v15+s25+$0x0] =	vst.idx.msk $0xffff, v27  }
0x14f: {  	v33 =	vor.u32 v1, v22;
	v27 =	vor.u32 v1, v21;
	v31 =	vshll.u32 v42, $0x6;
	[tilespmem:v13+s25+$0x0] =	vst.idx.msk $0xffff, v45  }
0x150: {  	v39 =	vshll.u32 v46, $0x6;
	v37 =	vshll.u32 v43, $0x6;
	v40 =	vshll.u32 v19, $0x6;
	v15 =	vmovc v30;
	v13 =	vmovc v29;
	[tilespmem:v35+s25+$0x0] =	vst.idx.msk $0xffff, v44  }
0x151: {  	v30 =	vand.u32 $0x40, v39;
	v29 =	vand.u32 $0x1F80, v31;
	v31 =	vand.u32 $0x1F80, v40;
	v34 =	vld.idx.msk [tilespmem:v34+s3+$0x0], $0xffff;
	[tilespmem:v12+s25+$0x0] =	vst.idx.msk $0xffff, v41;
	v12 =	vmovc v28  }
0x152: {  	v39 =	vor.u32 v11, v20;
	v20 =	vor.u32 v30, v31;
	v28 =	vshll.u32 v22, $0x6;
	v38 =	vld.idx.msk [tilespmem:v38+s3+$0x0], $0xffff  }
0x153: {  	v31 =	vshll.u32 v21, $0x6;
	v30 =	vand.u32 $0x40, v37;
	v41 =	vor.u32 v0, v20;
	v37 =	vld.idx.msk [tilespmem:v32+s3+$0x0], $0xffff;
	[tilespmem:v24+s25+$0x0] =	vst.idx.msk $0xffff, v36  }
0x154: {  	v30 =	vor.u32 v30, v29;
	v29 =	vand.u32 $0x1F80, v28;
	v24 =	vor.u32 v4, v19;
	v44 =	vld.idx.msk [tilespmem:v33+s3+$0x0], $0xffff  }
0x155: {  	v28 =	vand.u32 $0x1F80, v31;
	v43 =	vor.u32 v0, v30;
	v46 =	vor.u32 v2, v29;
	v45 =	vld.idx.msk [tilespmem:v27+s3+$0x0], $0xffff  }
0x156: {  	v48 =	vor.u32 v4, v42;
	v49 =	vor.u32 v4, v22;
	v47 =	vor.u32 v2, v28;
	v27 =	vld.idx.msk [tilespmem:v25+s3+$0x0], $0xffff  }
0x157: {  	v40 =	vor.u32 v4, v21;
	v35 =	vor.u32 v9, v30;
	[tilespmem:v39+s25+$0x0] =	vst.idx.msk $0xffff, v34  }
.Ltmp8:
0x158: {  	v32 =	vor.u32 v3, v28;
	v34 =	vor.u32 v3, v29;
	[tilespmem:v41+s25+$0x0] =	vst.idx.msk $0xffff, v38;
	(pc) =	sbr.rel @p0 .LBB2_15-.Ltmp8, $4  }
0x159: {  	v31 =	vor.u32 v5, v21;
	v36 =	vor.u32 v5, v42;
	v33 =	vor.u32 v5, v22;
	v41 =	vld.idx.msk [tilespmem:v24+s3+$0x0], $0xffff  }
0x15a: {  	v24 =	vor.u32 v10, v30;
	[tilespmem:v43+s25+$0x0] =	vst.idx.msk $0xffff, v37;
	v43 =	vor.u32 v9, v20  }
0x15b: {  	v38 =	vor.u32 v6, v29;
	v39 =	vld.idx.msk [tilespmem:v48+s3+$0x0], $0xffff;
	[tilespmem:v46+s25+$0x0] =	vst.idx.msk $0xffff, v44;
	v44 =	vor.u32 v5, v19  }
0x15c: {  	v25 =	vor.u32 v7, v42;
	v37 =	vor.u32 v6, v28;
	[tilespmem:v47+s25+$0x0] =	vst.idx.msk $0xffff, v45;
	v42 =	vld.idx.msk [tilespmem:v49+s3+$0x0], $0xffff  }
0x15d: {  	_ =	sdelay $0x3  }
0x15e: {  	v40 =	vld.idx.msk [tilespmem:v40+s3+$0x0], $0xffff  }
0x15f: {  	[tilespmem:v18+s25+$0x0] =	vst.idx.msk $0xffff, v23  }
0x160: {  	[tilespmem:v43+s25+$0x0] =	vst.idx.msk $0xffff, v41  }
0x161: {  	v23 =	vor.u32 v10, v20;
	v18 =	vld.idx.msk [tilespmem:v44+s3+$0x0], $0xffff;
	[tilespmem:v35+s25+$0x0] =	vst.idx.msk $0xffff, v39  }
0x162: {  	v19 =	vor.u32 v7, v19;
	v35 =	vld.idx.msk [tilespmem:v36+s3+$0x0], $0xffff;
	[tilespmem:v34+s25+$0x0] =	vst.idx.msk $0xffff, v42  }
0x163: {  	[tilespmem:v32+s25+$0x0] =	vst.idx.msk $0xffff, v40;
	v60 =	vld.idx.msk [tilespmem:v33+s3+$0x0], $0xffff  }
0x164: {  	v22 =	vor.u32 v7, v22;
	[tilespmem:v17+s25+$0x0] =	vst.idx.msk $0xffff, v26;
	v17 =	vld.idx.msk [tilespmem:v31+s3+$0x0], $0xffff  }
0x165: {  	v21 =	vor.u32 v7, v21;
	[tilespmem:v15+s25+$0x0] =	vst.idx.msk $0xffff, v27;
	v16 =	vld.idx.msk [tilespmem:v16+s3+$0x0], $0xffff  }
0x166: {  	v14 =	vld.idx.msk [tilespmem:v14+s3+$0x0], $0xffff;
	[tilespmem:v23+s25+$0x0] =	vst.idx.msk $0xffff, v18  }
0x167: {  	v18 =	vor.u32 v11, v20;
	v15 =	vld.idx.msk [tilespmem:v19+s3+$0x0], $0xffff;
	[tilespmem:v24+s25+$0x0] =	vst.idx.msk $0xffff, v35  }
0x168: {  	v19 =	vor.u32 v11, v30;
	v20 =	vld.idx.msk [tilespmem:v25+s3+$0x0], $0xffff;
	[tilespmem:v38+s25+$0x0] =	vst.idx.msk $0xffff, v60  }
0x169: {  	v23 =	vor.u32 v8, v29;
	[tilespmem:v37+s25+$0x0] =	vst.idx.msk $0xffff, v17;
	v17 =	vld.idx.msk [tilespmem:v22+s3+$0x0], $0xffff  }
0x16a: {  	s0 =	simm.s32 $0x0;
	[tilespmem:v13+s25+$0x0] =	vst.idx.msk $0xffff, v16;
	v22 =	vor.u32 v8, v28;
	v13 =	vld.idx.msk [tilespmem:v21+s3+$0x0], $0xffff  }
0x16b: {  	s1 =	sand.u32 $0xC, s0;
	[tilespmem:v12+s25+$0x0] =	vst.idx.msk $0xffff, v14  }
0x16c: {  	v12 =	vadd.s32 s1, v0;
	[tilespmem:v18+s25+$0x0] =	vst.idx.msk $0xffff, v15  }
0x16d: {  	s0 =	sand.u32 $0x70, s0;
	s9 =	sor.u32 $0x2, s1;
	v12 =	vand.u32 $0xF, v12;
	[tilespmem:v19+s25+$0x0] =	vst.idx.msk $0xffff, v20  }
0x16e: {  	v14 =	vadd.s32 s9, v0;
	v12 =	vor.u32 s0, v12;
	[tilespmem:v23+s25+$0x0] =	vst.idx.msk $0xffff, v17  }
0x16f: {  	s8 =	sor.u32 $0x1, s1;
	s1 =	sor.u32 $0x3, s1;
	v14 =	vand.u32 $0xF, v14;
	v31 =	vor.u32 v4, v12;
	[tilespmem:v22+s25+$0x0] =	vst.idx.msk $0xffff, v13  }
0x170: {  	v36 =	vor.u32 v5, v12;
	v15 =	vadd.s32 s1, v0;
	v19 =	vor.u32 s0, v14;
	s10 =	rddreg [dreg:$0x7]  }
0x171: {  	v14 =	vor.u32 v1, v12;
	v17 =	vand.u32 $0xF, v15;
	v15 =	vshll.u32 v15, $0x6;
	[hbm4b:s10+s3] =	stream.linear.scatter [tilespmem:s25], [sflag:$0x5], $0x2000, $0x38;
	[tilespmem:$0x8000] =	vst v63  }
0x172: {  	v30 =	vor.u32 v4, v19;
	v45 =	vor.u32 v5, v19;
	v13 =	vadd.s32 s8, v0;
	_ =	swait.ge [sflag:s31], $0x2000  }
0x173: {  	v20 =	vor.u32 s0, v17;
	v22 =	vor.u32 v1, v19;
	v16 =	vand.u32 $0xF, v13;
	[sflag:s31] =	ssyncset.done $0x0  }
0x174: {  	v15 =	vand.u32 $0x40, v15;
	v17 =	vor.u32 v1, v20;
	v16 =	vor.u32 s0, v16;
	[sflag:s31] =	ssyncadd.s32 $0xFFFFE000  }
0x175: {  	v23 =	vshll.u32 v20, $0x6;
	v13 =	vshll.u32 v13, $0x6;
	v18 =	vor.u32 v1, v16;
	[tilespmem:s3], [sflag:$0x5] =	stream.strided.gather [hbm4b:s12+s21], $0x2000, s22, s21, $0x38;
	[tilespmem:$0x8000] =	vst v63  }
0x176: {  	v26 =	vor.u32 v4, v20;
	v48 =	vor.u32 v5, v20;
	v23 =	vand.u32 $0x1F80, v23;
	_ =	swait.ge [sflag:s31], $0x2000  }
0x177: {  	v13 =	vand.u32 $0x40, v13;
	v21 =	vshll.u32 v16, $0x6;
	v24 =	vor.u32 v15, v23;
	[sflag:s31] =	ssyncset.done $0x0  }
0x178: {  	v15 =	vshll.u32 v19, $0x6;
	v29 =	vor.u32 v4, v16;
	v21 =	vand.u32 $0x1F80, v21;
	[sflag:s31] =	ssyncadd.s32 $0xFFFFE000  }
0x179: {  	v41 =	vor.u32 v7, v16;
	v23 =	vor.u32 v0, v24;
	v13 =	vor.u32 v13, v21;
	v17 =	vld.idx.msk [tilespmem:v17+s3+$0x0], $0xffff  }
0x17a: {  	v25 =	vand.u32 $0x1F80, v15;
	v47 =	vor.u32 v9, v24;
	v15 =	vor.u32 v0, v13;
	v18 =	vld.idx.msk [tilespmem:v18+s3+$0x0], $0xffff  }
0x17b: {  	s0 =	simm.s32 $0x4;
	v21 =	vshll.u32 v12, $0x6;
	v27 =	vor.u32 v2, v25;
	v63 =	vor.u32 v3, v25  }
0x17c: {  	s8 =	sand.u32 $0xC, s0;
	v21 =	vand.u32 $0x1F80, v21;
	v61 =	vor.u32 v9, v13;
	v46 =	vor.u32 v10, v13;
	v22 =	vld.idx.msk [tilespmem:v22+s3+$0x0], $0xffff  }
0x17d: {  	s1 =	sor.u32 $0x3, s8;
	v28 =	vor.u32 v2, v21;
	v62 =	vor.u32 v3, v21;
	v49 =	vld.idx.msk [tilespmem:v14+s3+$0x0], $0xffff;
	v14 =	vor.u32 v7, v12  }
0x17e: {  	v50 =	vadd.s32 s1, v0;
	v12 =	vor.u32 v8, v21;
	[tilespmem:v23+s25+$0x0] =	vst.idx.msk $0xffff, v17;
	v23 =	vor.u32 v5, v16  }
0x17f: {  	[tilespmem:v15+s25+$0x0] =	vst.idx.msk $0xffff, v18;
	v18 =	vor.u32 v6, v25;
	v17 =	vor.u32 v6, v21;
	v26 =	vld.idx.msk [tilespmem:v26+s3+$0x0], $0xffff  }
0x180: {  	s10 =	sor.u32 $0x2, s8;
	v16 =	vor.u32 v7, v19;
	v15 =	vor.u32 v11, v13;
	v13 =	vor.u32 v8, v25;
	v29 =	vld.idx.msk [tilespmem:v29+s3+$0x0], $0xffff  }
0x181: {  	s11 =	sand.u32 $0x70, s0;
	s9 =	sor.u32 $0x1, s8;
	v25 =	vadd.s32 s8, v0;
	[tilespmem:v27+s25+$0x0] =	vst.idx.msk $0xffff, v22;
	v19 =	vadd.s32 s10, v0;
	v22 =	vand.u32 $0xF, v50  }
0x182: {  	v27 =	vadd.s32 s9, v0;
	[tilespmem:v28+s25+$0x0] =	vst.idx.msk $0xffff, v49;
	v51 =	vand.u32 $0xF, v19;
	v19 =	vor.u32 s11, v22  }
0x183: {  	v21 =	vand.u32 $0xF, v27;
	v22 =	vand.u32 $0xF, v25;
	v31 =	vld.idx.msk [tilespmem:v31+s3+$0x0], $0xffff;
	v28 =	vor.u32 v1, v19  }
0x184: {  	v30 =	vld.idx.msk [tilespmem:v30+s3+$0x0], $0xffff;
	v25 =	vor.u32 s11, v21;
	v21 =	vor.u32 s11, v22;
	[tilespmem:v47+s25+$0x0] =	vst.idx.msk $0xffff, v26  }
0x185: {  	v53 =	vor.u32 v1, v21;
	v26 =	vor.u32 v10, v24;
	[tilespmem:v61+s25+$0x0] =	vst.idx.msk $0xffff, v29;
	v38 =	vld.idx.msk [tilespmem:v48+s3+$0x0], $0xffff  }
0x186: {  	v20 =	vor.u32 v7, v20;
	v27 =	vshll.u32 v27, $0x6;
	v22 =	vor.u32 s11, v51;
	v54 =	vld.idx.msk [tilespmem:v23+s3+$0x0], $0xffff  }
0x187: {  	v55 =	vshll.u32 v19, $0x6;
	v60 =	vor.u32 v4, v19;
	v52 =	vor.u32 v1, v25  }
0x188: {  	v27 =	vand.u32 $0x40, v27;
	v39 =	vor.u32 v1, v22;
	[tilespmem:v62+s25+$0x0] =	vst.idx.msk $0xffff, v31;
	v31 =	vld.idx.msk [tilespmem:v28+s3+$0x0], $0xffff;
	v28 =	vshll.u32 v21, $0x6  }
0x189: {  	v29 =	vshll.u32 v25, $0x6;
	[tilespmem:v63+s25+$0x0] =	vst.idx.msk $0xffff, v30;
	v30 =	vshll.u32 v50, $0x6;
	v28 =	vand.u32 $0x1F80, v28  }
0x18a: {  	v48 =	vld.idx.msk [tilespmem:v53+s3+$0x0], $0xffff;
	[tilespmem:v26+s25+$0x0] =	vst.idx.msk $0xffff, v38;
	v26 =	vand.u32 $0x1F80, v29;
	v29 =	vand.u32 $0x40, v30;
	v30 =	vand.u32 $0x1F80, v55  }
0x18b: {  	[tilespmem:v46+s25+$0x0] =	vst.idx.msk $0xffff, v54;
	v46 =	vor.u32 v2, v28;
	v56 =	vld.idx.msk [tilespmem:v20+s3+$0x0], $0xffff;
	v20 =	vor.u32 v29, v30  }
0x18c: {  	v57 =	vshll.u32 v22, $0x6;
	v23 =	vld.idx.msk [tilespmem:v45+s3+$0x0], $0xffff;
	v30 =	vor.u32 v27, v26;
	v58 =	vor.u32 v0, v20  }
0x18d: {  	v44 =	vor.u32 v5, v19;
	v59 =	vld.idx.msk [tilespmem:v52+s3+$0x0], $0xffff;
	v29 =	vand.u32 $0x1F80, v57;
	v61 =	vor.u32 v0, v30  }
0x18e: {  	v40 =	vor.u32 v4, v21;
	v63 =	vor.u32 v4, v25;
	v45 =	vld.idx.msk [tilespmem:v39+s3+$0x0], $0xffff;
	v62 =	vor.u32 v2, v29  }
0x18f: {  	v33 =	vor.u32 v5, v22;
	v24 =	vor.u32 v11, v24;
	v47 =	vor.u32 v4, v22  }
0x190: {  	v32 =	vor.u32 v3, v28;
	v37 =	vor.u32 v6, v28;
	v26 =	vld.idx.msk [tilespmem:v36+s3+$0x0], $0xffff;
	[tilespmem:v46+s25+$0x0] =	vst.idx.msk $0xffff, v48  }
0x191: {  	v27 =	vld.idx.msk [tilespmem:v41+s3+$0x0], $0xffff;
	v36 =	vor.u32 v5, v25;
	v25 =	vor.u32 v7, v25;
	[tilespmem:v58+s25+$0x0] =	vst.idx.msk $0xffff, v31  }
0x192: {  	v35 =	vor.u32 v9, v30;
	v43 =	vor.u32 v9, v20;
	[tilespmem:v61+s25+$0x0] =	vst.idx.msk $0xffff, v59;
	v41 =	vld.idx.msk [tilespmem:v60+s3+$0x0], $0xffff  }
0x193: {  	v34 =	vor.u32 v3, v29;
	v38 =	vor.u32 v6, v29;
	[tilespmem:v62+s25+$0x0] =	vst.idx.msk $0xffff, v45;
	v39 =	vld.idx.msk [tilespmem:v63+s3+$0x0], $0xffff  }
0x194: {  	[tilespmem:v24+s25+$0x0] =	vst.idx.msk $0xffff, v56;
	v24 =	vor.u32 v10, v30;
	v31 =	vor.u32 v5, v21;
	v42 =	vld.idx.msk [tilespmem:v47+s3+$0x0], $0xffff  }
.LBB2_17:
0x195: {  	s0 =	sadd.s32 $0x4, s0;
	v40 =	vld.idx.msk [tilespmem:v40+s3+$0x0], $0xffff;
	v21 =	vor.u32 v7, v21;
	v22 =	vor.u32 v7, v22;
	[tilespmem:v18+s25+$0x0] =	vst.idx.msk $0xffff, v23  }
0x196: {  	v30 =	vor.u32 v11, v30;
	v29 =	vor.u32 v8, v29;
	s1 =	sand.u32 $0xC, s0;
	p0 =	slt.u32 s0, $0x7C;
	[tilespmem:v17+s25+$0x0] =	vst.idx.msk $0xffff, v26;
	v45 =	vld.idx.msk [tilespmem:v16+s3+$0x0], $0xffff  }
0x197: {  	v28 =	vor.u32 v8, v28;
	v23 =	vadd.s32 s1, v0;
	s8 =	sor.u32 $0x1, s1;
	s9 =	sor.u32 $0x2, s1;
	s1 =	sor.u32 $0x3, s1;
	[tilespmem:v43+s25+$0x0] =	vst.idx.msk $0xffff, v41;
	v41 =	vld.idx.msk [tilespmem:v14+s3+$0x0], $0xffff;
	v14 =	vmov v21  }
0x198: {  	v18 =	vmovc v38;
	v16 =	vmovc v22;
	v43 =	vadd.s32 s8, v0;
	v21 =	vadd.s32 s9, v0;
	v46 =	vadd.s32 s1, v0;
	v44 =	vld.idx.msk [tilespmem:v44+s3+$0x0], $0xffff  }
0x199: {  	v17 =	vmovc v37;
	s1 =	sand.u32 $0x70, s0;
	v22 =	vand.u32 $0xF, v43;
	v26 =	vand.u32 $0xF, v46;
	[tilespmem:v35+s25+$0x0] =	vst.idx.msk $0xffff, v39;
	v35 =	vor.u32 v10, v20  }
0x19a: {  	v37 =	vand.u32 $0xF, v21;
	v36 =	vld.idx.msk [tilespmem:v36+s3+$0x0], $0xffff;
	[tilespmem:v34+s25+$0x0] =	vst.idx.msk $0xffff, v42;
	v34 =	vor.u32 v7, v19;
	v19 =	vor.u32 s1, v26  }
0x19b: {  	v21 =	vand.u32 $0xF, v23;
	v42 =	vor.u32 s1, v22;
	v38 =	vor.u32 v1, v19;
	[tilespmem:v32+s25+$0x0] =	vst.idx.msk $0xffff, v40;
	v23 =	vld.idx.msk [tilespmem:v33+s3+$0x0], $0xffff  }
0x19c: {  	v21 =	vor.u32 s1, v21;
	v22 =	vor.u32 s1, v37;
	v32 =	vor.u32 v1, v42;
	v26 =	vld.idx.msk [tilespmem:v31+s3+$0x0], $0xffff;
	[tilespmem:v15+s25+$0x0] =	vst.idx.msk $0xffff, v27  }
0x19d: {  	v33 =	vor.u32 v1, v22;
	v27 =	vor.u32 v1, v21;
	v31 =	vshll.u32 v42, $0x6;
	[tilespmem:v13+s25+$0x0] =	vst.idx.msk $0xffff, v45  }
0x19e: {  	v39 =	vshll.u32 v46, $0x6;
	v37 =	vshll.u32 v43, $0x6;
	v40 =	vshll.u32 v19, $0x6;
	v15 =	vmovc v30;
	v13 =	vmovc v29;
	[tilespmem:v35+s25+$0x0] =	vst.idx.msk $0xffff, v44  }
0x19f: {  	v30 =	vand.u32 $0x40, v39;
	v29 =	vand.u32 $0x1F80, v31;
	v31 =	vand.u32 $0x1F80, v40;
	v34 =	vld.idx.msk [tilespmem:v34+s3+$0x0], $0xffff;
	[tilespmem:v12+s25+$0x0] =	vst.idx.msk $0xffff, v41;
	v12 =	vmovc v28  }
0x1a0: {  	v39 =	vor.u32 v11, v20;
	v20 =	vor.u32 v30, v31;
	v28 =	vshll.u32 v22, $0x6;
	v38 =	vld.idx.msk [tilespmem:v38+s3+$0x0], $0xffff  }
0x1a1: {  	v31 =	vshll.u32 v21, $0x6;
	v30 =	vand.u32 $0x40, v37;
	v41 =	vor.u32 v0, v20;
	v37 =	vld.idx.msk [tilespmem:v32+s3+$0x0], $0xffff;
	[tilespmem:v24+s25+$0x0] =	vst.idx.msk $0xffff, v36  }
0x1a2: {  	v30 =	vor.u32 v30, v29;
	v29 =	vand.u32 $0x1F80, v28;
	v24 =	vor.u32 v4, v19;
	v44 =	vld.idx.msk [tilespmem:v33+s3+$0x0], $0xffff  }
0x1a3: {  	v28 =	vand.u32 $0x1F80, v31;
	v43 =	vor.u32 v0, v30;
	v46 =	vor.u32 v2, v29;
	v45 =	vld.idx.msk [tilespmem:v27+s3+$0x0], $0xffff  }
0x1a4: {  	v48 =	vor.u32 v4, v42;
	v49 =	vor.u32 v4, v22;
	v47 =	vor.u32 v2, v28;
	v27 =	vld.idx.msk [tilespmem:v25+s3+$0x0], $0xffff  }
0x1a5: {  	v40 =	vor.u32 v4, v21;
	v35 =	vor.u32 v9, v30;
	[tilespmem:v39+s25+$0x0] =	vst.idx.msk $0xffff, v34  }
.Ltmp9:
0x1a6: {  	v32 =	vor.u32 v3, v28;
	v34 =	vor.u32 v3, v29;
	[tilespmem:v41+s25+$0x0] =	vst.idx.msk $0xffff, v38;
	(pc) =	sbr.rel @p0 .LBB2_17-.Ltmp9, $4  }
0x1a7: {  	v31 =	vor.u32 v5, v21;
	v36 =	vor.u32 v5, v42;
	v33 =	vor.u32 v5, v22;
	v41 =	vld.idx.msk [tilespmem:v24+s3+$0x0], $0xffff  }
0x1a8: {  	v24 =	vor.u32 v10, v30;
	[tilespmem:v43+s25+$0x0] =	vst.idx.msk $0xffff, v37;
	v43 =	vor.u32 v9, v20  }
0x1a9: {  	v38 =	vor.u32 v6, v29;
	v39 =	vld.idx.msk [tilespmem:v48+s3+$0x0], $0xffff;
	[tilespmem:v46+s25+$0x0] =	vst.idx.msk $0xffff, v44;
	v44 =	vor.u32 v5, v19  }
0x1aa: {  	v25 =	vor.u32 v7, v42;
	v37 =	vor.u32 v6, v28;
	[tilespmem:v47+s25+$0x0] =	vst.idx.msk $0xffff, v45;
	v42 =	vld.idx.msk [tilespmem:v49+s3+$0x0], $0xffff  }
0x1ab: {  	_ =	sdelay $0x3  }
0x1ac: {  	v40 =	vld.idx.msk [tilespmem:v40+s3+$0x0], $0xffff  }
0x1ad: {  	[tilespmem:v18+s25+$0x0] =	vst.idx.msk $0xffff, v23  }
0x1ae: {  	[tilespmem:v43+s25+$0x0] =	vst.idx.msk $0xffff, v41  }
0x1af: {  	v23 =	vor.u32 v10, v20;
	v18 =	vld.idx.msk [tilespmem:v44+s3+$0x0], $0xffff;
	[tilespmem:v35+s25+$0x0] =	vst.idx.msk $0xffff, v39  }
0x1b0: {  	v19 =	vor.u32 v7, v19;
	v35 =	vld.idx.msk [tilespmem:v36+s3+$0x0], $0xffff;
	[tilespmem:v34+s25+$0x0] =	vst.idx.msk $0xffff, v42  }
0x1b1: {  	[tilespmem:v32+s25+$0x0] =	vst.idx.msk $0xffff, v40;
	v60 =	vld.idx.msk [tilespmem:v33+s3+$0x0], $0xffff  }
0x1b2: {  	v22 =	vor.u32 v7, v22;
	[tilespmem:v17+s25+$0x0] =	vst.idx.msk $0xffff, v26;
	v17 =	vld.idx.msk [tilespmem:v31+s3+$0x0], $0xffff  }
0x1b3: {  	v21 =	vor.u32 v7, v21;
	[tilespmem:v15+s25+$0x0] =	vst.idx.msk $0xffff, v27;
	v16 =	vld.idx.msk [tilespmem:v16+s3+$0x0], $0xffff  }
0x1b4: {  	v14 =	vld.idx.msk [tilespmem:v14+s3+$0x0], $0xffff;
	[tilespmem:v23+s25+$0x0] =	vst.idx.msk $0xffff, v18  }
0x1b5: {  	v18 =	vor.u32 v11, v20;
	v15 =	vld.idx.msk [tilespmem:v19+s3+$0x0], $0xffff;
	[tilespmem:v24+s25+$0x0] =	vst.idx.msk $0xffff, v35  }
0x1b6: {  	v19 =	vor.u32 v11, v30;
	v20 =	vld.idx.msk [tilespmem:v25+s3+$0x0], $0xffff;
	[tilespmem:v38+s25+$0x0] =	vst.idx.msk $0xffff, v60  }
0x1b7: {  	s0 =	simm.s32 $0x0;
	v23 =	vor.u32 v8, v29;
	[tilespmem:v37+s25+$0x0] =	vst.idx.msk $0xffff, v17;
	v17 =	vld.idx.msk [tilespmem:v22+s3+$0x0], $0xffff  }
0x1b8: {  	s1 =	sand.u32 $0xC, s0;
	[tilespmem:v13+s25+$0x0] =	vst.idx.msk $0xffff, v16;
	v22 =	vor.u32 v8, v28;
	v13 =	vld.idx.msk [tilespmem:v21+s3+$0x0], $0xffff  }
0x1b9: {  	[tilespmem:v12+s25+$0x0] =	vst.idx.msk $0xffff, v14;
	v12 =	vadd.s32 s1, v0  }
0x1ba: {  	s0 =	sand.u32 $0x70, s0;
	s9 =	sor.u32 $0x2, s1;
	v12 =	vand.u32 $0xF, v12;
	[tilespmem:v18+s25+$0x0] =	vst.idx.msk $0xffff, v15  }
0x1bb: {  	v14 =	vadd.s32 s9, v0;
	v12 =	vor.u32 s0, v12;
	[tilespmem:v19+s25+$0x0] =	vst.idx.msk $0xffff, v20  }
0x1bc: {  	s8 =	sor.u32 $0x1, s1;
	s1 =	sor.u32 $0x3, s1;
	v14 =	vand.u32 $0xF, v14;
	v31 =	vor.u32 v4, v12;
	[tilespmem:v23+s25+$0x0] =	vst.idx.msk $0xffff, v17  }
0x1bd: {  	v36 =	vor.u32 v5, v12;
	v15 =	vadd.s32 s1, v0;
	v19 =	vor.u32 s0, v14;
	[tilespmem:v22+s25+$0x0] =	vst.idx.msk $0xffff, v13  }
0x1be: {  	v14 =	vor.u32 v1, v12;
	v17 =	vand.u32 $0xF, v15;
	v15 =	vshll.u32 v15, $0x6;
	[hbm4b:s13+s3] =	stream.linear.scatter [tilespmem:s25], [sflag:$0x5], $0x2000, $0x38;
	[tilespmem:$0x8000] =	vst v63  }
0x1bf: {  	v30 =	vor.u32 v4, v19;
	v45 =	vor.u32 v5, v19;
	v13 =	vadd.s32 s8, v0;
	_ =	swait.ge [sflag:s31], $0x2000  }
0x1c0: {  	v20 =	vor.u32 s0, v17;
	v22 =	vor.u32 v1, v19;
	v16 =	vand.u32 $0xF, v13;
	[sflag:s31] =	ssyncset.done $0x0  }
0x1c1: {  	v15 =	vand.u32 $0x40, v15;
	v17 =	vor.u32 v1, v20;
	v16 =	vor.u32 s0, v16;
	[sflag:s31] =	ssyncadd.s32 $0xFFFFE000  }
0x1c2: {  	v23 =	vshll.u32 v20, $0x6;
	v13 =	vshll.u32 v13, $0x6;
	v18 =	vor.u32 v1, v16;
	[tilespmem:s3], [sflag:$0x5] =	stream.strided.gather [hbm4b:s14+s21], $0x2000, s22, s21, $0x38;
	[tilespmem:$0x8000] =	vst v63  }
0x1c3: {  	v26 =	vor.u32 v4, v20;
	v48 =	vor.u32 v5, v20;
	v23 =	vand.u32 $0x1F80, v23;
	_ =	swait.ge [sflag:s31], $0x2000  }
0x1c4: {  	v13 =	vand.u32 $0x40, v13;
	v21 =	vshll.u32 v16, $0x6;
	v24 =	vor.u32 v15, v23;
	[sflag:s31] =	ssyncset.done $0x0  }
0x1c5: {  	v15 =	vshll.u32 v19, $0x6;
	v29 =	vor.u32 v4, v16;
	v21 =	vand.u32 $0x1F80, v21;
	[sflag:s31] =	ssyncadd.s32 $0xFFFFE000  }
0x1c6: {  	v41 =	vor.u32 v7, v16;
	v23 =	vor.u32 v0, v24;
	v13 =	vor.u32 v13, v21;
	v17 =	vld.idx.msk [tilespmem:v17+s3+$0x0], $0xffff  }
0x1c7: {  	v25 =	vand.u32 $0x1F80, v15;
	v47 =	vor.u32 v9, v24;
	v15 =	vor.u32 v0, v13;
	v18 =	vld.idx.msk [tilespmem:v18+s3+$0x0], $0xffff  }
0x1c8: {  	s0 =	simm.s32 $0x4;
	v21 =	vshll.u32 v12, $0x6;
	v27 =	vor.u32 v2, v25;
	v63 =	vor.u32 v3, v25  }
0x1c9: {  	s8 =	sand.u32 $0xC, s0;
	v21 =	vand.u32 $0x1F80, v21;
	v61 =	vor.u32 v9, v13;
	v46 =	vor.u32 v10, v13;
	v22 =	vld.idx.msk [tilespmem:v22+s3+$0x0], $0xffff  }
0x1ca: {  	s1 =	sor.u32 $0x3, s8;
	v28 =	vor.u32 v2, v21;
	v62 =	vor.u32 v3, v21;
	v49 =	vld.idx.msk [tilespmem:v14+s3+$0x0], $0xffff;
	v14 =	vor.u32 v7, v12  }
0x1cb: {  	v50 =	vadd.s32 s1, v0;
	v12 =	vor.u32 v8, v21;
	[tilespmem:v23+s25+$0x0] =	vst.idx.msk $0xffff, v17;
	v23 =	vor.u32 v5, v16  }
0x1cc: {  	[tilespmem:v15+s25+$0x0] =	vst.idx.msk $0xffff, v18;
	v18 =	vor.u32 v6, v25;
	v17 =	vor.u32 v6, v21;
	v26 =	vld.idx.msk [tilespmem:v26+s3+$0x0], $0xffff  }
0x1cd: {  	s10 =	sor.u32 $0x2, s8;
	v16 =	vor.u32 v7, v19;
	v15 =	vor.u32 v11, v13;
	v13 =	vor.u32 v8, v25;
	v29 =	vld.idx.msk [tilespmem:v29+s3+$0x0], $0xffff  }
0x1ce: {  	s11 =	sand.u32 $0x70, s0;
	s9 =	sor.u32 $0x1, s8;
	v25 =	vadd.s32 s8, v0;
	[tilespmem:v27+s25+$0x0] =	vst.idx.msk $0xffff, v22;
	v19 =	vadd.s32 s10, v0;
	v22 =	vand.u32 $0xF, v50  }
0x1cf: {  	v27 =	vadd.s32 s9, v0;
	[tilespmem:v28+s25+$0x0] =	vst.idx.msk $0xffff, v49;
	v51 =	vand.u32 $0xF, v19;
	v19 =	vor.u32 s11, v22  }
0x1d0: {  	v21 =	vand.u32 $0xF, v27;
	v22 =	vand.u32 $0xF, v25;
	v31 =	vld.idx.msk [tilespmem:v31+s3+$0x0], $0xffff;
	v28 =	vor.u32 v1, v19  }
0x1d1: {  	v30 =	vld.idx.msk [tilespmem:v30+s3+$0x0], $0xffff;
	v25 =	vor.u32 s11, v21;
	v21 =	vor.u32 s11, v22;
	[tilespmem:v47+s25+$0x0] =	vst.idx.msk $0xffff, v26  }
0x1d2: {  	v53 =	vor.u32 v1, v21;
	v26 =	vor.u32 v10, v24;
	[tilespmem:v61+s25+$0x0] =	vst.idx.msk $0xffff, v29;
	v38 =	vld.idx.msk [tilespmem:v48+s3+$0x0], $0xffff  }
0x1d3: {  	v20 =	vor.u32 v7, v20;
	v27 =	vshll.u32 v27, $0x6;
	v22 =	vor.u32 s11, v51;
	v54 =	vld.idx.msk [tilespmem:v23+s3+$0x0], $0xffff  }
0x1d4: {  	v55 =	vshll.u32 v19, $0x6;
	v60 =	vor.u32 v4, v19;
	v52 =	vor.u32 v1, v25  }
0x1d5: {  	v27 =	vand.u32 $0x40, v27;
	v39 =	vor.u32 v1, v22;
	[tilespmem:v62+s25+$0x0] =	vst.idx.msk $0xffff, v31;
	v31 =	vld.idx.msk [tilespmem:v28+s3+$0x0], $0xffff;
	v28 =	vshll.u32 v21, $0x6  }
0x1d6: {  	v29 =	vshll.u32 v25, $0x6;
	[tilespmem:v63+s25+$0x0] =	vst.idx.msk $0xffff, v30;
	v30 =	vshll.u32 v50, $0x6;
	v28 =	vand.u32 $0x1F80, v28  }
0x1d7: {  	v48 =	vld.idx.msk [tilespmem:v53+s3+$0x0], $0xffff;
	[tilespmem:v26+s25+$0x0] =	vst.idx.msk $0xffff, v38;
	v26 =	vand.u32 $0x1F80, v29;
	v29 =	vand.u32 $0x40, v30;
	v30 =	vand.u32 $0x1F80, v55  }
0x1d8: {  	[tilespmem:v46+s25+$0x0] =	vst.idx.msk $0xffff, v54;
	v46 =	vor.u32 v2, v28;
	v56 =	vld.idx.msk [tilespmem:v20+s3+$0x0], $0xffff;
	v20 =	vor.u32 v29, v30  }
0x1d9: {  	v57 =	vshll.u32 v22, $0x6;
	v23 =	vld.idx.msk [tilespmem:v45+s3+$0x0], $0xffff;
	v30 =	vor.u32 v27, v26;
	v58 =	vor.u32 v0, v20  }
0x1da: {  	v44 =	vor.u32 v5, v19;
	v59 =	vld.idx.msk [tilespmem:v52+s3+$0x0], $0xffff;
	v29 =	vand.u32 $0x1F80, v57;
	v61 =	vor.u32 v0, v30  }
0x1db: {  	v40 =	vor.u32 v4, v21;
	v63 =	vor.u32 v4, v25;
	v45 =	vld.idx.msk [tilespmem:v39+s3+$0x0], $0xffff;
	v62 =	vor.u32 v2, v29  }
0x1dc: {  	v33 =	vor.u32 v5, v22;
	v24 =	vor.u32 v11, v24;
	v47 =	vor.u32 v4, v22  }
0x1dd: {  	v32 =	vor.u32 v3, v28;
	v37 =	vor.u32 v6, v28;
	v26 =	vld.idx.msk [tilespmem:v36+s3+$0x0], $0xffff;
	[tilespmem:v46+s25+$0x0] =	vst.idx.msk $0xffff, v48  }
0x1de: {  	v27 =	vld.idx.msk [tilespmem:v41+s3+$0x0], $0xffff;
	v36 =	vor.u32 v5, v25;
	v25 =	vor.u32 v7, v25;
	[tilespmem:v58+s25+$0x0] =	vst.idx.msk $0xffff, v31  }
0x1df: {  	v35 =	vor.u32 v9, v30;
	v43 =	vor.u32 v9, v20;
	[tilespmem:v61+s25+$0x0] =	vst.idx.msk $0xffff, v59;
	v41 =	vld.idx.msk [tilespmem:v60+s3+$0x0], $0xffff  }
0x1e0: {  	v34 =	vor.u32 v3, v29;
	v38 =	vor.u32 v6, v29;
	[tilespmem:v62+s25+$0x0] =	vst.idx.msk $0xffff, v45;
	v39 =	vld.idx.msk [tilespmem:v63+s3+$0x0], $0xffff  }
0x1e1: {  	[tilespmem:v24+s25+$0x0] =	vst.idx.msk $0xffff, v56;
	v24 =	vor.u32 v10, v30;
	v31 =	vor.u32 v5, v21;
	v42 =	vld.idx.msk [tilespmem:v47+s3+$0x0], $0xffff  }
.LBB2_19:
0x1e2: {  	s0 =	sadd.s32 $0x4, s0;
	v40 =	vld.idx.msk [tilespmem:v40+s3+$0x0], $0xffff;
	v21 =	vor.u32 v7, v21;
	v22 =	vor.u32 v7, v22;
	[tilespmem:v18+s25+$0x0] =	vst.idx.msk $0xffff, v23  }
0x1e3: {  	v30 =	vor.u32 v11, v30;
	v29 =	vor.u32 v8, v29;
	s1 =	sand.u32 $0xC, s0;
	p0 =	slt.u32 s0, $0x7C;
	[tilespmem:v17+s25+$0x0] =	vst.idx.msk $0xffff, v26;
	v45 =	vld.idx.msk [tilespmem:v16+s3+$0x0], $0xffff  }
0x1e4: {  	v28 =	vor.u32 v8, v28;
	v23 =	vadd.s32 s1, v0;
	s8 =	sor.u32 $0x1, s1;
	s9 =	sor.u32 $0x2, s1;
	s1 =	sor.u32 $0x3, s1;
	[tilespmem:v43+s25+$0x0] =	vst.idx.msk $0xffff, v41;
	v41 =	vld.idx.msk [tilespmem:v14+s3+$0x0], $0xffff;
	v14 =	vmov v21  }
0x1e5: {  	v18 =	vmovc v38;
	v16 =	vmovc v22;
	v43 =	vadd.s32 s8, v0;
	v21 =	vadd.s32 s9, v0;
	v46 =	vadd.s32 s1, v0;
	v44 =	vld.idx.msk [tilespmem:v44+s3+$0x0], $0xffff  }
0x1e6: {  	v17 =	vmovc v37;
	s1 =	sand.u32 $0x70, s0;
	v22 =	vand.u32 $0xF, v43;
	v26 =	vand.u32 $0xF, v46;
	[tilespmem:v35+s25+$0x0] =	vst.idx.msk $0xffff, v39;
	v35 =	vor.u32 v10, v20  }
0x1e7: {  	v37 =	vand.u32 $0xF, v21;
	v36 =	vld.idx.msk [tilespmem:v36+s3+$0x0], $0xffff;
	[tilespmem:v34+s25+$0x0] =	vst.idx.msk $0xffff, v42;
	v34 =	vor.u32 v7, v19;
	v19 =	vor.u32 s1, v26  }
0x1e8: {  	v21 =	vand.u32 $0xF, v23;
	v42 =	vor.u32 s1, v22;
	v38 =	vor.u32 v1, v19;
	[tilespmem:v32+s25+$0x0] =	vst.idx.msk $0xffff, v40;
	v23 =	vld.idx.msk [tilespmem:v33+s3+$0x0], $0xffff  }
0x1e9: {  	v21 =	vor.u32 s1, v21;
	v22 =	vor.u32 s1, v37;
	v32 =	vor.u32 v1, v42;
	v26 =	vld.idx.msk [tilespmem:v31+s3+$0x0], $0xffff;
	[tilespmem:v15+s25+$0x0] =	vst.idx.msk $0xffff, v27  }
0x1ea: {  	v33 =	vor.u32 v1, v22;
	v27 =	vor.u32 v1, v21;
	v31 =	vshll.u32 v42, $0x6;
	[tilespmem:v13+s25+$0x0] =	vst.idx.msk $0xffff, v45  }
0x1eb: {  	v39 =	vshll.u32 v46, $0x6;
	v37 =	vshll.u32 v43, $0x6;
	v40 =	vshll.u32 v19, $0x6;
	v15 =	vmovc v30;
	v13 =	vmovc v29;
	[tilespmem:v35+s25+$0x0] =	vst.idx.msk $0xffff, v44  }
0x1ec: {  	v30 =	vand.u32 $0x40, v39;
	v29 =	vand.u32 $0x1F80, v31;
	v31 =	vand.u32 $0x1F80, v40;
	v34 =	vld.idx.msk [tilespmem:v34+s3+$0x0], $0xffff;
	[tilespmem:v12+s25+$0x0] =	vst.idx.msk $0xffff, v41;
	v12 =	vmovc v28  }
0x1ed: {  	v39 =	vor.u32 v11, v20;
	v20 =	vor.u32 v30, v31;
	v28 =	vshll.u32 v22, $0x6;
	v38 =	vld.idx.msk [tilespmem:v38+s3+$0x0], $0xffff  }
0x1ee: {  	v31 =	vshll.u32 v21, $0x6;
	v30 =	vand.u32 $0x40, v37;
	v41 =	vor.u32 v0, v20;
	v37 =	vld.idx.msk [tilespmem:v32+s3+$0x0], $0xffff;
	[tilespmem:v24+s25+$0x0] =	vst.idx.msk $0xffff, v36  }
0x1ef: {  	v30 =	vor.u32 v30, v29;
	v29 =	vand.u32 $0x1F80, v28;
	v24 =	vor.u32 v4, v19;
	v44 =	vld.idx.msk [tilespmem:v33+s3+$0x0], $0xffff  }
0x1f0: {  	v28 =	vand.u32 $0x1F80, v31;
	v43 =	vor.u32 v0, v30;
	v46 =	vor.u32 v2, v29;
	v45 =	vld.idx.msk [tilespmem:v27+s3+$0x0], $0xffff  }
0x1f1: {  	v48 =	vor.u32 v4, v42;
	v49 =	vor.u32 v4, v22;
	v47 =	vor.u32 v2, v28;
	v27 =	vld.idx.msk [tilespmem:v25+s3+$0x0], $0xffff  }
0x1f2: {  	v40 =	vor.u32 v4, v21;
	v35 =	vor.u32 v9, v30;
	[tilespmem:v39+s25+$0x0] =	vst.idx.msk $0xffff, v34  }
.Ltmp10:
0x1f3: {  	v32 =	vor.u32 v3, v28;
	v34 =	vor.u32 v3, v29;
	[tilespmem:v41+s25+$0x0] =	vst.idx.msk $0xffff, v38;
	(pc) =	sbr.rel @p0 .LBB2_19-.Ltmp10, $4  }
0x1f4: {  	v31 =	vor.u32 v5, v21;
	v36 =	vor.u32 v5, v42;
	v33 =	vor.u32 v5, v22;
	v41 =	vld.idx.msk [tilespmem:v24+s3+$0x0], $0xffff  }
0x1f5: {  	v24 =	vor.u32 v10, v30;
	[tilespmem:v43+s25+$0x0] =	vst.idx.msk $0xffff, v37;
	v43 =	vor.u32 v9, v20  }
0x1f6: {  	v38 =	vor.u32 v6, v29;
	v39 =	vld.idx.msk [tilespmem:v48+s3+$0x0], $0xffff;
	[tilespmem:v46+s25+$0x0] =	vst.idx.msk $0xffff, v44;
	v44 =	vor.u32 v5, v19  }
0x1f7: {  	v25 =	vor.u32 v7, v42;
	v37 =	vor.u32 v6, v28;
	[tilespmem:v47+s25+$0x0] =	vst.idx.msk $0xffff, v45;
	v42 =	vld.idx.msk [tilespmem:v49+s3+$0x0], $0xffff  }
0x1f8: {  	_ =	sdelay $0x3  }
0x1f9: {  	v40 =	vld.idx.msk [tilespmem:v40+s3+$0x0], $0xffff  }
0x1fa: {  	[tilespmem:v18+s25+$0x0] =	vst.idx.msk $0xffff, v23  }
0x1fb: {  	[tilespmem:v43+s25+$0x0] =	vst.idx.msk $0xffff, v41  }
0x1fc: {  	v53 =	vor.u32 v10, v20;
	v52 =	vld.idx.msk [tilespmem:v44+s3+$0x0], $0xffff;
	[tilespmem:v35+s25+$0x0] =	vst.idx.msk $0xffff, v39  }
0x1fd: {  	v19 =	vor.u32 v7, v19;
	v35 =	vld.idx.msk [tilespmem:v36+s3+$0x0], $0xffff;
	[tilespmem:v34+s25+$0x0] =	vst.idx.msk $0xffff, v42  }
0x1fe: {  	[tilespmem:v32+s25+$0x0] =	vst.idx.msk $0xffff, v40;
	v54 =	vld.idx.msk [tilespmem:v33+s3+$0x0], $0xffff  }
0x1ff: {  	v22 =	vor.u32 v7, v22;
	[tilespmem:v17+s25+$0x0] =	vst.idx.msk $0xffff, v26;
	v55 =	vld.idx.msk [tilespmem:v31+s3+$0x0], $0xffff  }
0x200: {  	v21 =	vor.u32 v7, v21;
	[tilespmem:v15+s25+$0x0] =	vst.idx.msk $0xffff, v27;
	v16 =	vld.idx.msk [tilespmem:v16+s3+$0x0], $0xffff  }
0x201: {  	v14 =	vld.idx.msk [tilespmem:v14+s3+$0x0], $0xffff;
	[tilespmem:v53+s25+$0x0] =	vst.idx.msk $0xffff, v52  }
0x202: {  	v57 =	vor.u32 v11, v20;
	v56 =	vld.idx.msk [tilespmem:v19+s3+$0x0], $0xffff;
	[tilespmem:v24+s25+$0x0] =	vst.idx.msk $0xffff, v35  }
0x203: {  	v58 =	vor.u32 v11, v30;
	v59 =	vld.idx.msk [tilespmem:v25+s3+$0x0], $0xffff;
	[tilespmem:v38+s25+$0x0] =	vst.idx.msk $0xffff, v54  }
0x204: {  	v60 =	vor.u32 v8, v29;
	[tilespmem:v37+s25+$0x0] =	vst.idx.msk $0xffff, v55;
	v61 =	vld.idx.msk [tilespmem:v22+s3+$0x0], $0xffff  }
0x205: {  	v62 =	vor.u32 v8, v28;
	[tilespmem:v13+s25+$0x0] =	vst.idx.msk $0xffff, v16;
	v63 =	vld.idx.msk [tilespmem:v21+s3+$0x0], $0xffff  }
0x206: {  	[tilespmem:v12+s25+$0x0] =	vst.idx.msk $0xffff, v14  }
0x207: {  	[tilespmem:v57+s25+$0x0] =	vst.idx.msk $0xffff, v56  }
0x208: {  	[tilespmem:v58+s25+$0x0] =	vst.idx.msk $0xffff, v59  }
0x209: {  	[tilespmem:v60+s25+$0x0] =	vst.idx.msk $0xffff, v61  }
0x20a: {  	[tilespmem:v62+s25+$0x0] =	vst.idx.msk $0xffff, v63  }
0x20b: {  	[hbm4b:s15+s3] =	stream.linear.scatter [tilespmem:s25], [sflag:$0x5], $0x2000, $0x38;
	[tilespmem:$0x8000] =	vst v63  }
0x20c: {  	_ =	swait.ge [sflag:s31], $0x2000  }
0x20d: {  	[sflag:s31] =	ssyncset.done $0x0  }
0x20e: {  	[sflag:s31] =	ssyncadd.s32 $0xFFFFE000  }
0x20f: {  	s0 =	rddreg [dreg:$0x1]  }
0x210: {  	[tilespmem:s3], [sflag:$0x5] =	stream.linear.gather [hbm4b:s0+s3], $0x1000, $0x38;
	[tilespmem:$0x8000] =	vst v63  }
0x211: {  	s2 =	sadd.s32 $0x1, s2;
	_ =	swait.ge [sflag:s31], $0x1000  }
0x212: {  	p0 =	sne.s32 s2, s19;
	[sflag:s31] =	ssyncset.done $0x0  }
.Ltmp11:
0x213: {  	[sflag:s31] =	ssyncadd.s32 $0xFFFFF000;
	(pc) =	sbr.rel @p0 .LBB2_1-.Ltmp11, $4  }
0x214: {  	[hbm4b:s18+s3] =	stream.linear.scatter [tilespmem:s3], [sflag:$0x5], $0x1000, $0x38;
	[tilespmem:$0x8000] =	vst v63  }
0x215: {  	_ =	swait.ge [sflag:s31], $0x1000  }
0x216: {  	[sflag:s31] =	ssyncset.done $0x0  }
0x217: {  	[sflag:s31] =	ssyncadd.s32 $0xFFFFF000  }
0x218: {  	_ =	sfence.sel $0x180000  }
0x219: {  	[bflag:$0x0] =	sbarrier.arrive $0xFFFF  }
0x21a: {  	_ =	strace $0x90000047  }
0x21b: {  	s0 =	stileid.u32;
	[bflag:$0x2] =	sbarrier.arrive $0xFFFF  }
0x21c: {  	p0 =	sne.s32 s0, $0x0;
	s0 =	rddreg [dreg:$0x3]  }
0x21d: {  	s0 =	sadd.s32 @!p0 $0x100000, s0  }
0x21e: {  	[sflag:s0] =	ssyncadd.tile.s32 @!p0 $0x1;
	_ =	shalt  }
.Lfunc_end2:
_tile_overlayer_lowered:
.L_overlay_start_2:
0x21f: {  	(tag) =	ssettag $0x2  }
0x220: {  	s0 =	rddreg [dreg:$0x0];
	s2 =	stileid.u32  }
0x221: {  	s1 =	rddreg [dreg:$0x1];
	p0 =	sne.s32 s2, $0x0  }
0x222: {  	s3 =	rddreg [dreg:$0x2];
	[bflag:$0x3] =	sbarrier.arrive $0xFFFF;
	s2 =	simm.s32 @!p0 $0x1C05  }
0x223: {  	[timem:s3], [sflag:s2] =	dma.local @!p0 [hbm:s0], s1  }
0x224: {  	s0 =	simm.s32 @!p0 $0x5  }
0x225: {  	_ =	swait.ge @!p0 [sflag:s0], s1  }
0x226: {  	s1 =	ssub.s32 @!p0 $0x0, s1;
	[sflag:s0] =	ssyncset.done @!p0 $0x0  }
0x227: {  	[sflag:s0] =	ssyncadd.s32 @!p0 s1  }
0x228: {  	[bflag:$0x3] =	sbarrier.arrive $0xFFFF  }
0x229: {  	_ =	shalt  }

// kernel: kernel.7.cloned.1.call-start
scs
__scs_entry_jumppad:
0x0: {  	(pc) =	sbr.rel $0x88, $3  }
0x1: {  	(tag) =	ssettag $0x0;
	lr =	simm.s32 $0x1  }
0x2: {  	[smem:$0x3F9F] =	sst lr;
	_ =	strace $0xD0000000  }
0x3: {  	_ = 	snop  }
0x4: {  	_ = 	snop  }
0x5: {  	_ = 	snop  }
0x6: {  	_ = 	snop  }
0x7: {  	_ = 	snop  }
__scs_overlays_trampoline_lowered:
0x8: {  	[smem:$0x3FAE] =	sst s0  }
0x9: {  	[smem:$0x3FAF] =	sst s1  }
0xa: {  	[smem:$0x3FB0] =	sst s2  }
0xb: {  	[smem:$0x3FB1] =	sst s3  }
0xc: {  	[smem:$0x3FB2] =	sst s4  }
0xd: {  	[smem:$0x3FB3] =	sst s5  }
0xe: {  	[smem:$0x3FB4] =	sst s6  }
0xf: {  	[smem:$0x3FB5] =	sst s7  }
0x10: {  	[smem:$0x3FB6] =	sst s8  }
0x11: {  	[smem:$0x3FB7] =	sst s9;
	s0 =	simm.s32 @!p0 $0x0  }
0x12: {  	s1 =	sld [smem:$0x3F9D];
	s0 =	simm.s32 @p0 $0x1  }
0x13: {  	[smem:$0x3FB8] =	sst s0;
	s0 =	simm.s32 @!p1 $0x0  }
0x14: {  	s2 =	sld [smem:$0x3F9C];
	s0 =	simm.s32 @p1 $0x1  }
0x15: {  	[smem:$0x3FB9] =	sst s0;
	s0 =	simm.s32 @!p2 $0x0  }
0x16: {  	s3 =	sld [smem:$0x3FDB];
	s0 =	simm.s32 @p2 $0x1  }
0x17: {  	s4 =	simm.s32 $0x1BF5;
	[smem:$0x3FBB] =	sst s0  }
0x18: {  	s0 =	sld [smem:$0x3F9E];
	_ =	swait.ge [sflag:s4], $0x0  }
0x19: {  	s7 =	sld [smem:$0x3F9F]  }
0x1a: {  	s8 =	sadd.s32 $0xFFFFE003, lr  }
0x1b: {  	s9 =	sadd.s32 $0xFFFFFEF7, lr;
	s5 =	simm.s32 $0xFFFFFFFF;
	p2 =	slt.u32 s8, $0xFFFFF086  }
0x1c: {  	p1 =	slt.u32 s9, $0xF7A;
	s5 =	simm.s32 @!p2 $0x0  }
0x1d: {  	s5 =	simm.s32 @p1 $0x1;
	p0 =	seq.s32 s7, s2  }
0x1e: {  	s7 =	smul.u32 @!p0 $0xF7A, s2;
	p2 =	seq.s32 @!p0 s5, $0x0  }
0x1f: {  	s9 =	smul.u32 $0xF7A, s1;
	s8 =	simm.s32 @!p0 $0x1BF5;
	p2 =	por !p2, p0  }
0x20: {  	[sflag:s8] =	ssyncset.s32 @!p0 $0xFFFFF086;
	s6 =	sadd.s32 @!p0 s3, s7;
	s7 =	simm.s32 @!p0 $0x108  }
0x21: {  	s3 =	sadd.s32 s3, s9;
	s6 =	sadd.s32 @!p0 $0x88, s6;
	s7 =	simm.s32 @p2 $0x1082  }
0x22: {  	[simem:s7], [sflag:s8] =	dma.local @!p0 [hbm:s6], $0xF7A  }
0x23: {  	s9 =	sor.u32 $0xD0000000, s2;
	s6 =	simm.s32 $0x108;
	_ =	swait.ge @!p0 [sflag:s8], $0x0  }
0x24: {  	s3 =	sadd.s32 $0x88, s3;
	s6 =	simm.s32 @!p1 $0x1082;
	[sflag:s4] =	ssyncset.s32 $0xFFFFF086  }
0x25: {  	[simem:s6], [sflag:s4] =	dma.local [hbm:s3], $0xF7A  }
0x26: {  	[smem:$0x3F9F] =	sst s1;
	(tag) =	ssettag s2;
	_ =	strace s9  }
0x27: {  	s1 =	sld [smem:$0x3FAF]  }
0x28: {  	s2 =	sld [smem:$0x3FB0]  }
0x29: {  	s4 =	sld [smem:$0x3FB2]  }
0x2a: {  	p0 =	seq.s32 s5, $0x0;
	s5 =	sld [smem:$0x3FB3]  }
0x2b: {  	s6 =	sld [smem:$0x3FB4]  }
0x2c: {  	s7 =	sld [smem:$0x3FB5]  }
0x2d: {  	s3 =	simm.s32 $0x108;
	s8 =	sld [smem:$0x3FB6]  }
0x2e: {  	s3 =	simm.s32 @!p0 $0x1082;
	s9 =	sld [smem:$0x3FB7]  }
0x2f: {  	lr =	sadd.s32 s0, s3;
	s0 =	sld [smem:$0x3FAE]  }
0x30: {  	s3 =	sld [smem:$0x3FB1]  }
0x31: {  	[smem:$0x3FBA] =	sst s10  }
0x32: {  	s10 =	sld [smem:$0x3FB8];
	_ =	sdelay $0x3  }
0x33: {  	p0 =	seq.s32 s10, $0x1;
	s10 =	sld [smem:$0x3FBA];
	_ =	sdelay $0x3  }
0x34: {  	[smem:$0x3FBA] =	sst s10  }
0x35: {  	s10 =	sld [smem:$0x3FB9];
	_ =	sdelay $0x3  }
0x36: {  	p1 =	seq.s32 s10, $0x1;
	s10 =	sld [smem:$0x3FBA];
	_ =	sdelay $0x3  }
0x37: {  	[smem:$0x3FBA] =	sst s10  }
0x38: {  	s10 =	sld [smem:$0x3FBB]  }
0x39: {  	_ = 	snop;
	(pc) =	sbr.ind lr, $3  }
0x3a: {  	_ = 	snop  }
0x3b: {  	_ = 	snop  }
0x3c: {  	p2 =	seq.s32 s10, $0x1;
	s10 =	sld [smem:$0x3FBA]  }
0x3d: {  	_ =	shalt  }
0x3e: {  	_ =	shalt  }
0x3f: {  	_ =	shalt  }
0x40: {  	_ =	shalt  }
0x41: {  	_ =	shalt  }
0x42: {  	_ =	shalt  }
0x43: {  	_ =	shalt  }
0x44: {  	_ =	shalt  }
0x45: {  	_ =	shalt  }
0x46: {  	_ =	shalt  }
0x47: {  	_ =	shalt  }
0x48: {  	_ =	shalt  }
0x49: {  	_ =	shalt  }
0x4a: {  	_ =	shalt  }
0x4b: {  	_ =	shalt  }
0x4c: {  	_ =	shalt  }
0x4d: {  	_ =	shalt  }
0x4e: {  	_ =	shalt  }
0x4f: {  	_ =	shalt  }
0x50: {  	_ =	shalt  }
0x51: {  	_ =	shalt  }
0x52: {  	_ =	shalt  }
0x53: {  	_ =	shalt  }
0x54: {  	_ =	shalt  }
0x55: {  	_ =	shalt  }
0x56: {  	_ =	shalt  }
0x57: {  	_ =	shalt  }
0x58: {  	_ =	shalt  }
0x59: {  	_ =	shalt  }
0x5a: {  	_ =	shalt  }
0x5b: {  	_ =	shalt  }
0x5c: {  	_ =	shalt  }
0x5d: {  	_ =	shalt  }
0x5e: {  	_ =	shalt  }
0x5f: {  	_ =	shalt  }
0x60: {  	_ =	shalt  }
0x61: {  	_ =	shalt  }
0x62: {  	_ =	shalt  }
0x63: {  	_ =	shalt  }
0x64: {  	_ =	shalt  }
0x65: {  	_ =	shalt  }
0x66: {  	_ =	shalt  }
0x67: {  	_ =	shalt  }
0x68: {  	_ =	shalt  }
0x69: {  	_ =	shalt  }
0x6a: {  	_ =	shalt  }
0x6b: {  	_ =	shalt  }
0x6c: {  	_ =	shalt  }
0x6d: {  	_ =	shalt  }
0x6e: {  	_ =	shalt  }
0x6f: {  	_ =	shalt  }
0x70: {  	_ =	shalt  }
0x71: {  	_ =	shalt  }
0x72: {  	_ =	shalt  }
0x73: {  	_ =	shalt  }
0x74: {  	_ =	shalt  }
0x75: {  	_ =	shalt  }
0x76: {  	_ =	shalt  }
0x77: {  	_ =	shalt  }
0x78: {  	_ =	shalt  }
0x79: {  	_ =	shalt  }
0x7a: {  	_ =	shalt  }
0x7b: {  	_ =	shalt  }
0x7c: {  	_ =	shalt  }
0x7d: {  	_ =	shalt  }
0x7e: {  	_ =	shalt  }
0x7f: {  	_ =	shalt  }
0x80: {  	_ =	shalt  }
0x81: {  	_ =	shalt  }
0x82: {  	_ =	shalt  }
0x83: {  	_ =	shalt  }
0x84: {  	_ =	shalt  }
0x85: {  	_ =	shalt  }
0x86: {  	_ =	shalt  }
0x87: {  	_ =	shalt  }
.Lfunc_end0:
.L_simem_size_0:
called_computation.1_lowered:
.L_overlay_start_0:
0x88: {  	s2 =	sld [smem:$0x3FD9]  }
0x89: {  	s3 =	sld [smem:$0x3FFE];
	_ =	sdelay $0x1  }
0x8a: {  	s1 =	srdreg.scid  }
0x8b: {  	s0 =	sand.u32 $0x1, s1  }
0x8c: {  	s17 =	sshll.u32 s0, $0xA;
	s2 =	sadd.s32 s3, s2  }
0x8d: {  	s2 =	sadd.s32 s2, s17  }
0x8e: {  	[smem:$0x3FC6] =	sst s2  }
0x8f: {  	_ = 	snop  }
0x90: {  	s2 =	sld [smem:$0x3FC9]  }
0x91: {  	s18 =	sld [smem:$0x3FD0];
	(tm) =	ssettm $0x1  }
0x92: {  	s4 =	sld [smem:$0x3FFB];
	_ =	sdelay $0x3  }
0x93: {  	_ =	strace s4  }
0x94: {  	s4 =	sld [smem:$0x3FFC];
	_ =	sdelay $0x3  }
0x95: {  	_ =	strace s4  }
0x96: {  	s4 =	sld [smem:$0x3FFD];
	_ =	sdelay $0x3  }
0x97: {  	_ =	strace s4  }
0x98: {  	_ =	strace $0x8FFFFFFF  }
0x99: {  	s19 =	sld [smem:$0x3FDB];
	_ =	sdelay $0x1  }
0x9a: {  	s5 =	simm.s32 $_scs_section_size  }
0x9b: {  	s6 =	simm.s32 $_size__tile_overlayer_lowered;
	s7 =	simm.s32 $_tile_overlayer_lowered  }
0x9c: {  	s22 =	simm.s32 $0x1BFF;
	s21 =	sshll.u32 s7, $0x1;
	s4 =	sadd.s32 s5, s19  }
0x9d: {  	s8 =	simm.s32 $0x0;
	s20 =	sshll.u32 s6, $0x1;
	s6 =	sadd.s32 s21, s4  }
0x9e: {  	[timem:s8], [sflag:s22] =	dma.local [hbm:s6], s20  }
0x9f: {  	_ =	swait.ge [sflag:s22], s20  }
0xa0: {  	s5 =	ssub.s32 $0x0, s20;
	[sflag:s22] =	ssyncset.done $0x0  }
0xa1: {  	[sflag:s22] =	ssyncadd.s32 s5;
	_ =	sdelay $0x1  }
0xa2: {  	s23 =	simm.s32 $0x1B8B  }
0xa3: {  	_ =	swait.ge [sflag:s23], $0x1  }
0xa4: {  	[sflag:s23] =	ssyncset.done $0x0  }
0xa5: {  	s25 =	simm.s32 $0x1B8E;
	s24 =	sld [smem:$0x3FFE];
	[sflag:s23] =	ssyncadd.s32 $0xFFFFFFFF  }
0xa6: {  	s26 =	simm.s32 $execute0_lowered;
	[smem:$0x3FD2] =	sst s25  }
0xa7: {  	s6 =	sshll.u32 s26, $0x1;
	_ =	strace $0x80000049;
	[dreg:$0x1] =	wrdreg $0xFFFFFFFF  }
0xa8: {  	s28 =	simm.s32 $_size_execute0_lowered;
	s4 =	sadd.s32 s4, s6;
	[dreg:$0x0] =	wrdreg $0x0  }
0xa9: {  	s6 =	sshll.u32 s28, $0x1;
	[dreg:$0x2] =	wrdreg s4  }
0xaa: {  	[dreg:$0x3] =	wrdreg s6  }
0xab: {  	[dreg:$0x4] =	wrdreg $0xC0  }
0xac: {  	_ =	task [dreg:s8], $0x5FFFF  }
0xad: {  	[dreg:$0x1] =	wrdreg $0xFFFFFFFF  }
0xae: {  	[dreg:$0x0] =	wrdreg $0x60  }
0xaf: {  	[dreg:$0x2] =	wrdreg s2  }
0xb0: {  	[dreg:$0x3] =	wrdreg s24  }
0xb1: {  	[dreg:$0x4] =	wrdreg s18  }
0xb2: {  	[dreg:$0x5] =	wrdreg $0x9  }
0xb3: {  	_ =	task.clear_ibuf [dreg:s8], $0x6FFFF;
	_ =	strace $0x90000049  }
0xb4: {  	s29 =	simm.s32 $0x9;
	_ =	strace $0x8000004B  }
0xb5: {  	_ =	swait.ge [sflag:s29], $0x1  }
0xb6: {  	[sflag:s29] =	ssyncadd.s32 $0xFFFFFFFF  }
0xb7: {  	_ =	strace $0x9000004B  }
0xb8: {  	_ =	sfence  }
0xb9: {  	s30 =	sld [smem:$0x0];
	_ =	sdelay $0x2  }
0xba: {  	s31 =	sshll.u32 s1, $0xD;
	s1 =	sshrl.u32 s1, $0x2  }
0xbb: {  	s3 =	sand.u32 $0x4000, s31;
	s1 =	sadd.s32 s1, s30  }
0xbc: {  	s0 =	sor.u32 s3, s0;
	s1 =	sshll.u32 s1, $0x11  }
0xbd: {  	s0 =	sor.u32 s1, s0  }
0xbe: {  	s0 =	sadd.s32 $0x8F2B, s0  }
0xbf: {  	[sflag:s0] =	ssyncadd.remote.s32 $0x1  }
0xc0: {  	_ =	sfence.sel $0xFFFF  }
0xc1: {  	[dreg:$0x0] =	wrdreg $0xFFFFFFFF;
	(pc) =	sbr.abs _section_cstart, $3  }
0xc2: {  	[dreg:$0x1] =	wrdreg $0xFFFFFFFF  }
0xc3: {  	_ =	task.clear_ibuf [dreg:s8], $0x2FFFF;
	_ =	strace $0x9FFFFFFF  }
0xc4: {  	(tm) =	ssettm $0x7FFFFFFF  }
0xc5: {  	_ =	shalt  }
tec
execute0_lowered:
.L_overlay_start_1:
0x0: {  	(tag) =	ssettag $0x1  }
0x1: {  	s0 =	rddreg [dreg:$0x0]  }
0x2: {  	s2 =	rddreg [dreg:$0x1]  }
0x3: {  	s1 =	rddreg [dreg:$0x2]  }
0x4: {  	s4 =	simm.s32 $0x0;
	s3 =	srdreg.scid;
	s26 =	stileid.u32  }
0x5: {  	s8 =	simm.s32 $0x400;
	s9 =	simm.s32 $0x8000;
	s11 =	simm.s32 $0x80  }
0x6: {  	s13 =	simm.s32 $0x6400;
	s15 =	simm.s32 $0xA400;
	s17 =	simm.s32 $0xE400  }
0x7: {  	s19 =	simm.s32 $0x1A600;
	s20 =	simm.s32 $0x16400;
	s22 =	simm.s32 $0x12400  }
0x8: {  	s24 =	simm.s32 $0x18400;
	[smem:$0x7FF] =	sst s4;
	s3 =	sand.u32 $0x1, s3  }
0x9: {  	s4 =	sshll.u32 s26, $0xB;
	s6 =	ssub.s32 $0x2, s3;
	s3 =	sshll.u32 s3, $0xA  }
0xa: {  	s25 =	simm.s32 $0x5;
	s28 =	simm.s32 $0x6;
	s4 =	sor.u32 s3, s4  }
0xb: {  	v0 =	vlaneseq.u32;
	s29 =	simm.s32 $0x4;
	s7 =	sshrl.u32 s6, $0x1;
	s3 =	sshrl.u32 s4, $0x3  }
0xc: {  	s5 =	sadd.s32 $0x800, s2;
	v1 =	vmul.u32 $0x80, v0;
	s30 =	ssub.s32 s6, s7;
	s0 =	sadd.s32 s0, s3  }
0xd: {  	v2 =	vor.u32 $0x10, v0;
	v4 =	vor.u32 $0x20, v0;
	v6 =	vor.u32 $0x30, v0;
	_ =	strace $0x8000004A;
	s31 =	smax.u32 s30, $0x1;
	[dreg:$0x4] =	wrdreg s0  }
0xe: {  	s26 =	simm.s32 $0x3;
	s2 =	simm.s32 $0x0;
	v3 =	vor.u32 $0x800, v1;
	v5 =	vor.u32 $0x1000, v1;
	v7 =	vor.u32 $0x1800, v1;
	[dreg:$0x5] =	wrdreg s31  }
.LBB2_1:
0xf: {  	[dreg:$0x6] =	wrdreg s2  }
0x10: {  	s0 =	simm.s32 $0x0;
	s30 =	rddreg [dreg:$0x4];
	s31 =	simm.s32 $0x7  }
0x11: {  	[tilespmem:s0], [sflag:$0x7] =	stream.strided.gather [hbm4b:s30+s8], $0x6400, s9, s8, $0x38;
	[tilespmem:$0x1A680] =	vst v63  }
0x12: {  	_ =	swait.ge [sflag:s31], $0x6400  }
0x13: {  	[sflag:s31] =	ssyncset.done $0x0  }
0x14: {  	s0 =	simm.s32 $0x0;
	[sflag:s31] =	ssyncadd.s32 $0xFFFF9C00  }
0x15: {  	s2 =	simm.s32 $0x40;
	v8 =	vld [tilespmem:s0+$0x0]  }
.LBB2_2:
0x16: {  	p0 =	sne.s32 s2, $0x1C0  }
.Ltmp0:
0x17: {  	_ = 	snop;
	(pc) =	sbr.rel @p0 .LBB2_2-.Ltmp0, $3  }
0x18: {  	_ =	sdelay $0x1  }
0x19: {  	s3 =	sshra.s32 s2, $0x2;
	s2 =	sadd.s32 $0x40, s2;
	v9 =	vshra.s32 v8, $0x1  }
0x1a: {  	v8 =	vld [tilespmem:s3+$0x0];
	[tilespmem:s0+$0x1A400] =	vst v9;
	s0 =	smov.u32 s3  }
0x1b: {  	_ =	sdelay $0x3  }
0x1c: {  	v8 =	vshra.s32 v8, $0x1  }
0x1d: {  	s31 =	simm.s32 $0x1A400;
	[tilespmem:s0+$0x1A400] =	vst v8;
	s0 =	simm.s32 $0x0  }
0x1e: {  	[tilespmem:s13], [sflag:$0x1] =	stream.indirect.gather [hbm4b:s5+s11], $0x80, s31, s11, $0xb8;
	[tilespmem:$0x1A680] =	vst v63  }
0x1f: {  	s2 =	simm.s32 $0x40;
	v8 =	vld [tilespmem:s0+$0x80]  }
.LBB2_4:
0x20: {  	p0 =	sne.s32 s2, $0x1C0  }
.Ltmp1:
0x21: {  	_ = 	snop;
	(pc) =	sbr.rel @p0 .LBB2_4-.Ltmp1, $3  }
0x22: {  	_ =	sdelay $0x1  }
0x23: {  	s3 =	sshra.s32 s2, $0x2;
	s2 =	sadd.s32 $0x40, s2;
	v9 =	vshra.s32 v8, $0x1  }
0x24: {  	v8 =	vld [tilespmem:s3+$0x80];
	[tilespmem:s0+$0x1A480] =	vst v9;
	s0 =	smov.u32 s3  }
0x25: {  	_ =	sdelay $0x2  }
0x26: {  	s31 =	simm.s32 $0x80;
	s30 =	simm.s32 $0x1A480  }
0x27: {  	s2 =	simm.s32 $0x100;
	s3 =	simm.s32 $0x180;
	s6 =	simm.s32 $0x200;
	v8 =	vshra.s32 v8, $0x1  }
0x28: {  	s7 =	simm.s32 $0x280;
	s10 =	simm.s32 $0x0;
	[tilespmem:s0+$0x1A480] =	vst v8;
	s0 =	simm.s32 $0x0  }
0x29: {  	[tilespmem:s15], [sflag:$0x2] =	stream.indirect.gather [hbm4b:s5+s31], $0x80, s30, s31, $0xb8;
	[tilespmem:$0x1A680] =	vst v63  }
.LBB2_6:
0x2a: {  	p0 =	seq.s32 s10, $0x0;
	v9 =	vmov s2  }
0x2b: {  	s12 =	simm.s32 @!p0 $0x5  }
0x2c: {  	_ =	swait.ge @!p0 [sflag:s12], $0x2000  }
0x2d: {  	[sflag:s12] =	ssyncset.done @!p0 $0x0  }
0x2e: {  	s30 =	sshll.u32 s10, $0x2;
	s14 =	simm.s32 $0x0;
	[sflag:s12] =	ssyncadd.s32 @!p0 $0xFFFFE000  }
0x2f: {  	s16 =	simm.s32 $0x40;
	s12 =	sor.u32 $0x2, s30;
	v8 =	vld.idx.msk [tilespmem:v9+s14+$0x0 ss:$0x1], $0xffff  }
.LBB2_7:
0x30: {  	p1 =	sne.s32 s16, $0x1C0  }
.Ltmp2:
0x31: {  	_ = 	snop;
	(pc) =	sbr.rel @p1 .LBB2_7-.Ltmp2, $4  }
0x32: {  	_ = 	snop  }
0x33: {  	s21 =	sshra.s32 s16, $0x2;
	s16 =	sadd.s32 $0x40, s16  }
0x34: {  	v10 =	vshra.s32 v8, $0x1;
	v8 =	vld.idx.msk [tilespmem:v9+s21+$0x0 ss:$0x1], $0xffff  }
0x35: {  	[tilespmem:s14+$0x1A500] =	vst v10;
	s14 =	smov.u32 s21  }
0x36: {  	_ =	sdelay $0x2  }
0x37: {  	[tilespmem:$0x1FFF0] =	vst v9;
	v8 =	vshra.s32 v8, $0x1  }
0x38: {  	v10 =	vmov s0;
	s21 =	simm.s32 $0x1A500;
	s23 =	simm.s32 $0x1;
	[tilespmem:s14+$0x1A500] =	vst v8  }
0x39: {  	[tilespmem:s17], [sflag:$0x3] =	stream.indirect.gather [hbm4b:s5+s11], $0x80, s21, s11, $0xb8;
	[tilespmem:$0x1A680] =	vst v63  }
0x3a: {  	_ =	swait.ge [sflag:s23], $0x4000  }
0x3b: {  	[sflag:s23] =	ssyncset.done $0x0  }
0x3c: {  	s14 =	simm.s32 $0x0;
	[sflag:s23] =	ssyncadd.s32 $0xFFFFC000  }
0x3d: {  	s16 =	simm.s32 $0x40;
	v8 =	vld.idx.msk [tilespmem:v10+s14+$0x0 ss:$0x1], $0xffff  }
.LBB2_9:
0x3e: {  	_ = 	snop  }
0x3f: {  	p1 =	sne.s32 s16, $0x1C0  }
.Ltmp3:
0x40: {  	_ = 	snop;
	(pc) =	sbr.rel @p1 .LBB2_9-.Ltmp3, $4  }
0x41: {  	_ = 	snop  }
0x42: {  	v11 =	vshll.u32 v8, $0x6  }
0x43: {  	s21 =	sshra.s32 s16, $0x2;
	v11 =	vand.u32 $0x40, v11  }
0x44: {  	s16 =	sadd.s32 $0x40, s16;
	v8 =	vld.idx.msk [tilespmem:v10+s21+$0x0 ss:$0x1], $0xffff;
	[tilespmem:s14+$0x1A600] =	vst v11;
	s14 =	smov.u32 s21  }
0x45: {  	s16 =	simm.s32 $0x0  }
0x46: {  	s21 =	sand.u32 $0xC, s16  }
0x47: {  	s18 =	sor.u32 $0x2, s21  }
0x48: {  	v10 =	vadd.s32 s18, v0  }
0x49: {  	s16 =	sand.u32 $0x70, s16;
	v11 =	vadd.s32 s21, v0;
	s23 =	sor.u32 $0x1, s21;
	v10 =	vand.u32 $0xF, v10  }
0x4a: {  	v12 =	vadd.s32 s23, v0;
	v15 =	vor.u32 s16, v10;
	v10 =	vand.u32 $0xF, v11  }
0x4b: {  	v11 =	vand.u32 $0xF, v12;
	v17 =	vor.u32 s16, v10  }
0x4c: {  	v8 =	vshll.u32 v8, $0x6;
	v10 =	vor.u32 s16, v11  }
0x4d: {  	v8 =	vand.u32 $0x40, v8  }
0x4e: {  	[tilespmem:s14+$0x1A600] =	vst v8  }
0x4f: {  	s18 =	sor.u32 $0x3, s21;
	v11 =	vld.idx.msk [tilespmem:v15+s19+$0x0], $0xffff  }
0x50: {  	v8 =	vadd.s32 s18, v0;
	v35 =	vshll.u32 v15, $0x7;
	v44 =	vor.u32 v1, v15;
	v12 =	vld.idx.msk [tilespmem:v17+s19+$0x0], $0xffff  }
0x51: {  	v47 =	vor.u32 v3, v15;
	v13 =	vand.u32 $0xF, v8;
	v33 =	vor.u32 v3, v10;
	v14 =	vld.idx.msk [tilespmem:v10+s19+$0x0], $0xffff  }
0x52: {  	v8 =	vor.u32 v7, v10;
	v9 =	vor.u32 v5, v10;
	v16 =	vor.u32 v1, v17  }
0x53: {  	v19 =	vshll.u32 v17, $0x7;
	v20 =	vor.u32 s16, v13;
	v13 =	vor.u32 v5, v15  }
0x54: {  	v40 =	vor.u32 v1, v10;
	v18 =	vshll.u32 v20, $0x7;
	[tilespmem:$0x1FFE0] =	vst v13;
	v13 =	vshll.u32 v10, $0x7  }
0x55: {  	v21 =	vadd.s32 v0, v11;
	v22 =	vadd.s32 v2, v11;
	v25 =	vadd.s32 v4, v11  }
0x56: {  	v11 =	vadd.s32 v6, v11;
	v23 =	vadd.s32 v0, v12;
	v24 =	vadd.s32 v6, v14  }
0x57: {  	v27 =	vadd.s32 v2, v12;
	v28 =	vadd.s32 v0, v14;
	v29 =	vand.u32 $0x7F, v21  }
0x58: {  	s14 =	simm.s32 $0x4;
	v30 =	vand.u32 $0xFFFFFF80, v22;
	v34 =	vadd.s32 v4, v14;
	v21 =	vand.u32 $0xFFFFFF80, v21  }
0x59: {  	s16 =	sand.u32 $0xC, s14;
	v22 =	vand.u32 $0x7F, v22;
	v37 =	vadd.s32 v4, v12;
	v14 =	vadd.s32 v2, v14  }
0x5a: {  	s21 =	sor.u32 $0x1, s16;
	v57 =	vadd.s32 v6, v12;
	v12 =	vand.u32 $0xFFFFFF80, v11;
	v61 =	vand.u32 $0x7F, v11  }
0x5b: {  	v11 =	vadd.s32 s21, v0;
	v26 =	vand.u32 $0xFFFFFF80, v23;
	v36 =	vand.u32 $0xFFFFFF80, v28  }
0x5c: {  	v21 =	vadd.s32 v35, v21;
	v28 =	vand.u32 $0x7F, v28;
	v23 =	vand.u32 $0x7F, v23  }
0x5d: {  	v38 =	vld.idx.msk [tilespmem:v20+s19+$0x0], $0xffff;
	v30 =	vadd.s32 v35, v30;
	v39 =	vand.u32 $0x7F, v27;
	v41 =	vand.u32 $0xFFFFFF80, v37  }
0x5e: {  	v27 =	vand.u32 $0xFFFFFF80, v27;
	v43 =	vand.u32 $0x7F, v37;
	v58 =	vand.u32 $0x7F, v24  }
0x5f: {  	v59 =	vand.u32 $0xFFFFFF80, v57;
	v60 =	vadd.s32 v35, v12;
	v37 =	vor.u32 v5, v17  }
0x60: {  	v11 =	vand.u32 $0xF, v11;
	v26 =	vadd.s32 v19, v26;
	v36 =	vadd.s32 v13, v36  }
0x61: {  	v21 =	vor.u32 v29, v21;
	v22 =	vor.u32 v22, v30;
	v29 =	vand.u32 $0xFFFFFF80, v25  }
0x62: {  	v30 =	vand.u32 $0xFFFFFF80, v14;
	v25 =	vand.u32 $0x7F, v25;
	v56 =	vadd.s32 v2, v38  }
0x63: {  	v27 =	vadd.s32 v19, v27;
	v14 =	vand.u32 $0x7F, v14;
	v54 =	vor.u32 v61, v60  }
0x64: {  	v62 =	vadd.s32 v6, v38;
	v63 =	vadd.s32 v19, v59;
	v29 =	vadd.s32 v35, v29  }
0x65: {  	v10 =	vadd.s32 v13, v30;
	v30 =	vadd.s32 v0, v38;
	v45 =	vand.u32 $0xFFFFFF80, v56  }
0x66: {  	v27 =	vor.u32 v39, v27;
	v28 =	vor.u32 v28, v36;
	v36 =	vor.u32 v3, v17  }
0x67: {  	v42 =	vand.u32 $0xFFFFFF80, v30;
	v30 =	vand.u32 $0x7F, v30;
	v39 =	vor.u32 v14, v10  }
0x68: {  	v10 =	vand.u32 $0x7F, v56;
	v14 =	vor.u32 v23, v26;
	v23 =	vadd.s32 v18, v45  }
0x69: {  	v26 =	vadd.s32 v19, v41;
	v41 =	vor.u32 v1, v20;
	v42 =	vadd.s32 v18, v42  }
0x6a: {  	v46 =	vor.u32 v10, v23;
	v10 =	vand.u32 $0xFFFFFF80, v34;
	v23 =	vand.u32 $0x7F, v34  }
0x6b: {  	v43 =	vor.u32 v43, v26;
	v30 =	vor.u32 v30, v42;
	v10 =	vadd.s32 v13, v10  }
0x6c: {  	v48 =	vor.u32 v23, v10;
	v10 =	vand.u32 $0xFFFFFF80, v24;
	v23 =	vadd.s32 v4, v38  }
0x6d: {  	s23 =	sor.u32 $0x2, s16;
	v42 =	vor.u32 v25, v29;
	v21 =	vld.idx.msk [tilespmem:v21+s13+$0x0], $0xffff;
	v24 =	vadd.s32 v13, v10;
	v10 =	vand.u32 $0xFFFFFF80, v23  }
0x6e: {  	v13 =	vadd.s32 s16, v0;
	v23 =	vand.u32 $0x7F, v23;
	v12 =	vld.idx.msk [tilespmem:v14+s13+$0x0], $0xffff;
	v14 =	vadd.s32 s23, v0;
	s23 =	sand.u32 $0x70, s14  }
0x6f: {  	s16 =	sor.u32 $0x3, s16;
	v26 =	vadd.s32 v18, v10;
	v10 =	vand.u32 $0xF, v13;
	v49 =	vor.u32 s23, v11  }
0x70: {  	v50 =	vadd.s32 s16, v0;
	v38 =	vor.u32 v58, v24;
	v24 =	vand.u32 $0xFFFFFF80, v62  }
0x71: {  	v28 =	vld.idx.msk [tilespmem:v28+s13+$0x0], $0xffff;
	v14 =	vand.u32 $0xF, v14;
	v13 =	vor.u32 s23, v10;
	v50 =	vand.u32 $0xF, v50  }
0x72: {  	v19 =	vadd.s32 v18, v24;
	v11 =	vor.u32 s23, v14;
	v21 =	vmul.f32 $8.000000000e+00, v21  }
0x73: {  	v18 =	vor.u32 v7, v17;
	v24 =	vand.u32 $0x7F, v62;
	v34 =	vor.u32 v23, v26;
	v30 =	vld.idx.msk [tilespmem:v30+s13+$0x0], $0xffff  }
0x74: {  	v14 =	vor.u32 v3, v49;
	v10 =	vor.u32 v7, v49;
	[tilespmem:v44+s20+$0x0] =	vst.idx.msk $0xffff, v21;
	v35 =	vld.idx.msk [tilespmem:v49+s19+$0x0], $0xffff  }
0x75: {  	v23 =	vor.u32 v24, v19;
	v24 =	vshll.u32 v49, $0x7;
	v51 =	vmul.f32 $8.000000000e+00, v12;
	v44 =	vld.idx.msk [tilespmem:v22+s13+$0x0], $0xffff  }
0x76: {  	v17 =	vor.u32 v5, v11;
	v61 =	vshll.u32 v11, $0x7;
	v28 =	vmul.f32 $8.000000000e+00, v28;
	v55 =	vld.idx.msk [tilespmem:v13+s19+$0x0], $0xffff  }
0x77: {  	v12 =	vor.u32 s23, v50;
	v50 =	vor.u32 v3, v20;
	v21 =	vand.u32 $0x7F, v57;
	[tilespmem:v16+s20+$0x0] =	vst.idx.msk $0xffff, v51;
	v45 =	vld.idx.msk [tilespmem:v11+s19+$0x0], $0xffff  }
0x78: {  	v57 =	vor.u32 v5, v20;
	v20 =	vor.u32 v7, v20;
	v22 =	vor.u32 v1, v13;
	v27 =	vld.idx.msk [tilespmem:v27+s13+$0x0], $0xffff  }
0x79: {  	v19 =	vshll.u32 v12, $0x7;
	v56 =	vor.u32 v21, v63;
	v25 =	vmul.f32 $8.000000000e+00, v30  }
0x7a: {  	v21 =	vshll.u32 v13, $0x7;
	[tilespmem:v40+s20+$0x0] =	vst.idx.msk $0xffff, v28;
	v16 =	vor.u32 v7, v15;
	v15 =	vor.u32 v5, v49  }
0x7b: {  	[tilespmem:v41+s20+$0x0] =	vst.idx.msk $0xffff, v25;
	v32 =	vmul.f32 $8.000000000e+00, v44;
	v51 =	vadd.s32 v0, v55;
	v58 =	vadd.s32 v2, v55  }
0x7c: {  	v39 =	vld.idx.msk [tilespmem:v39+s13+$0x0], $0xffff;
	v59 =	vadd.s32 v0, v35;
	v60 =	vadd.s32 v4, v35;
	v41 =	vadd.s32 v4, v55  }
0x7d: {  	v63 =	vadd.s32 v2, v35;
	v26 =	vadd.s32 v0, v45;
	v29 =	vmul.f32 $8.000000000e+00, v27  }
0x7e: {  	v46 =	vld.idx.msk [tilespmem:v46+s13+$0x0], $0xffff;
	v30 =	vadd.s32 v2, v45;
	v52 =	vadd.s32 v4, v45;
	v53 =	vand.u32 $0xFFFFFF80, v51  }
0x7f: {  	v62 =	vand.u32 $0xFFFFFF80, v59;
	v59 =	vand.u32 $0x7F, v59;
	v44 =	vand.u32 $0xFFFFFF80, v63;
	[tilespmem:v36+s20+$0x0] =	vst.idx.msk $0xffff, v29  }
0x80: {  	v29 =	vor.u32 v1, v49;
	v49 =	vadd.s32 v24, v44;
	v44 =	vadd.s32 v6, v45;
	v45 =	vld.idx.msk [tilespmem:v43+s13+$0x0], $0xffff  }
0x81: {  	v51 =	vand.u32 $0x7F, v51;
	v39 =	vmul.f32 $8.000000000e+00, v39;
	v31 =	vand.u32 $0x7F, v58  }
0x82: {  	v27 =	vadd.s32 v6, v35;
	v40 =	vadd.s32 v21, v53;
	v28 =	vand.u32 $0x7F, v26  }
0x83: {  	v53 =	vand.u32 $0xFFFFFF80, v30;
	v26 =	vand.u32 $0xFFFFFF80, v26;
	v46 =	vmul.f32 $8.000000000e+00, v46  }
0x84: {  	v25 =	vld.idx.msk [tilespmem:v12+s19+$0x0], $0xffff;
	v30 =	vand.u32 $0x7F, v30;
	v62 =	vadd.s32 v24, v62;
	[tilespmem:v47+s20+$0x0] =	vst.idx.msk $0xffff, v32;
	v32 =	vand.u32 $0xFFFFFF80, v41  }
0x85: {  	v26 =	vadd.s32 v61, v26;
	v53 =	vadd.s32 v61, v53;
	[tilespmem:v50+s20+$0x0] =	vst.idx.msk $0xffff, v46;
	v46 =	vmul.f32 $8.000000000e+00, v45  }
0x86: {  	[tilespmem:v33+s20+$0x0] =	vst.idx.msk $0xffff, v39;
	v35 =	vor.u32 v28, v26;
	v30 =	vor.u32 v30, v53;
	v53 =	vand.u32 $0xFFFFFF80, v58  }
0x87: {  	v47 =	vand.u32 $0x7F, v41;
	v48 =	vld.idx.msk [tilespmem:v48+s13+$0x0], $0xffff;
	v33 =	vadd.s32 v21, v53;
	v53 =	vand.u32 $0x7F, v63;
	[tilespmem:v37+s20+$0x0] =	vst.idx.msk $0xffff, v46  }
0x88: {  	v43 =	vor.u32 v31, v33;
	v33 =	vor.u32 v53, v49;
	v53 =	vor.u32 v59, v62;
	v59 =	vld [tilespmem:$0x1FFE0]  }
0x89: {  	v39 =	vld.idx.msk [tilespmem:v42+s13+$0x0], $0xffff;
	v26 =	vand.u32 $0xFFFFFF80, v52;
	v28 =	vand.u32 $0x7F, v52;
	v36 =	vadd.s32 v0, v25  }
0x8a: {  	v26 =	vadd.s32 v61, v26;
	v52 =	vand.u32 $0xFFFFFF80, v36;
	v42 =	vand.u32 $0x7F, v36;
	v63 =	vld.idx.msk [tilespmem:v34+s13+$0x0], $0xffff  }
0x8b: {  	v36 =	vor.u32 v1, v11;
	v58 =	vadd.s32 v19, v52;
	v52 =	vadd.s32 v2, v25  }
0x8c: {  	v50 =	vand.u32 $0xFFFFFF80, v52;
	v31 =	vand.u32 $0x7F, v52;
	v52 =	vor.u32 v51, v40  }
0x8d: {  	v51 =	vadd.s32 v21, v32;
	v34 =	vor.u32 v3, v13;
	v62 =	vmul.f32 $8.000000000e+00, v48  }
0x8e: {  	v40 =	vadd.s32 v19, v50;
	v32 =	vmul.f32 $8.000000000e+00, v39;
	v50 =	vor.u32 v42, v58  }
0x8f: {  	v39 =	vadd.s32 v6, v55;
	v58 =	vand.u32 $0xFFFFFF80, v44;
	[tilespmem:v9+s20+$0x0] =	vst.idx.msk $0xffff, v62;
	v62 =	vmul.f32 $8.000000000e+00, v63  }
0x90: {  	v42 =	vand.u32 $0x7F, v27;
	v41 =	vadd.s32 v61, v58;
	v48 =	vld.idx.msk [tilespmem:v56+s13+$0x0], $0xffff;
	v63 =	vand.u32 $0xFFFFFF80, v60;
	[tilespmem:v59+s20+$0x0] =	vst.idx.msk $0xffff, v32  }
0x91: {  	v44 =	vand.u32 $0x7F, v44;
	v45 =	vand.u32 $0xFFFFFF80, v39;
	v37 =	vadd.s32 v24, v63;
	[tilespmem:v57+s20+$0x0] =	vst.idx.msk $0xffff, v62;
	v49 =	vld.idx.msk [tilespmem:v54+s13+$0x0], $0xffff  }
0x92: {  	v32 =	vor.u32 v31, v40;
	v31 =	vand.u32 $0x7F, v60;
	v40 =	vld.idx.msk [tilespmem:v38+s13+$0x0], $0xffff;
	v38 =	vor.u32 v3, v11  }
.LBB2_11:
0x93: {  	s14 =	sadd.s32 $0x4, s14;
	v37 =	vor.u32 v31, v37;
	v27 =	vand.u32 $0xFFFFFF80, v27;
	v54 =	vadd.s32 v4, v25;
	v23 =	vld.idx.msk [tilespmem:v23+s13+$0x0], $0xffff  }
0x94: {  	v31 =	vor.u32 v5, v13;
	s16 =	sand.u32 $0xC, s14;
	p1 =	slt.u32 s14, $0x7C;
	v24 =	vadd.s32 v24, v27;
	v27 =	vand.u32 $0xFFFFFF80, v54  }
0x95: {  	v47 =	vor.u32 v47, v51;
	v48 =	vmul.f32 $8.000000000e+00, v48;
	v46 =	vadd.s32 s16, v0;
	s18 =	sor.u32 $0x1, s16;
	s21 =	sor.u32 $0x2, s16;
	s16 =	sor.u32 $0x3, s16;
	v52 =	vld.idx.msk [tilespmem:v52+s13+$0x0], $0xffff  }
0x96: {  	v49 =	vmul.f32 $8.000000000e+00, v49;
	v51 =	vadd.s32 s18, v0;
	v55 =	vadd.s32 s21, v0;
	v53 =	vld.idx.msk [tilespmem:v53+s13+$0x0], $0xffff  }
0x97: {  	s18 =	sand.u32 $0x70, s14;
	v51 =	vand.u32 $0xF, v51;
	v55 =	vand.u32 $0xF, v55;
	v35 =	vld.idx.msk [tilespmem:v35+s13+$0x0], $0xffff;
	[tilespmem:v18+s20+$0x0] =	vst.idx.msk $0xffff, v48;
	v18 =	vmul.f32 $8.000000000e+00, v40  }
0x98: {  	v27 =	vadd.s32 v19, v27;
	v48 =	vor.u32 s18, v51;
	v51 =	vor.u32 s18, v55;
	[tilespmem:v16+s20+$0x0] =	vst.idx.msk $0xffff, v49  }
0x99: {  	v40 =	vadd.s32 s16, v0;
	v16 =	vand.u32 $0xF, v46;
	[tilespmem:v8+s20+$0x0] =	vst.idx.msk $0xffff, v18;
	v18 =	vmul.f32 $8.000000000e+00, v23;
	v8 =	vmovc v10  }
0x9a: {  	v23 =	vor.u32 s18, v16;
	v49 =	vor.u32 v3, v48;
	v16 =	vand.u32 $0xF, v40  }
0x9b: {  	v10 =	vor.u32 v7, v48;
	v55 =	vor.u32 s18, v16;
	v16 =	vmul.f32 $8.000000000e+00, v52;
	[tilespmem:v20+s20+$0x0] =	vst.idx.msk $0xffff, v18  }
0x9c: {  	v41 =	vor.u32 v44, v41;
	v25 =	vadd.s32 v6, v25;
	v20 =	vmul.f32 $8.000000000e+00, v53;
	v50 =	vld.idx.msk [tilespmem:v50+s13+$0x0], $0xffff  }
0x9d: {  	v40 =	vor.u32 v42, v24;
	v18 =	vand.u32 $0xFFFFFF80, v25;
	v52 =	vld.idx.msk [tilespmem:v48+s19+$0x0], $0xffff;
	[tilespmem:v22+s20+$0x0] =	vst.idx.msk $0xffff, v16;
	v22 =	vmul.f32 $8.000000000e+00, v35  }
0x9e: {  	v21 =	vadd.s32 v21, v45;
	v19 =	vadd.s32 v19, v18;
	v16 =	vor.u32 v7, v11;
	v35 =	vld.idx.msk [tilespmem:v43+s13+$0x0], $0xffff  }
0x9f: {  	v18 =	vor.u32 v7, v13;
	v43 =	vor.u32 v3, v12;
	v42 =	vld.idx.msk [tilespmem:v51+s19+$0x0], $0xffff;
	[tilespmem:v36+s20+$0x0] =	vst.idx.msk $0xffff, v22  }
0xa0: {  	v44 =	vor.u32 v5, v48;
	v24 =	vand.u32 $0x7F, v39;
	v11 =	vmovc v51;
	v36 =	vor.u32 v1, v12;
	v30 =	vld.idx.msk [tilespmem:v30+s13+$0x0], $0xffff  }
0xa1: {  	v45 =	vand.u32 $0x7F, v54;
	v25 =	vand.u32 $0x7F, v25;
	v13 =	vmovc v23;
	v46 =	vor.u32 v5, v11;
	v39 =	vld.idx.msk [tilespmem:v23+s19+$0x0], $0xffff  }
0xa2: {  	v45 =	vor.u32 v45, v27;
	v22 =	vor.u32 v1, v13;
	v23 =	vor.u32 v25, v19  }
0xa3: {  	v54 =	vor.u32 v24, v21;
	v51 =	vor.u32 v28, v26;
	v19 =	vshll.u32 v55, $0x7  }
0xa4: {  	v24 =	vshll.u32 v48, $0x7;
	v21 =	vshll.u32 v13, $0x7;
	v25 =	vmul.f32 $8.000000000e+00, v35  }
0xa5: {  	v56 =	vor.u32 v5, v12;
	v26 =	vmul.f32 $8.000000000e+00, v50;
	[tilespmem:v29+s20+$0x0] =	vst.idx.msk $0xffff, v20;
	v20 =	vor.u32 v7, v12  }
0xa6: {  	v28 =	vadd.s32 v0, v42;
	v29 =	vadd.s32 v2, v42;
	[tilespmem:v34+s20+$0x0] =	vst.idx.msk $0xffff, v25;
	v25 =	vmul.f32 $8.000000000e+00, v30  }
0xa7: {  	v27 =	vadd.s32 v6, v52;
	v30 =	vadd.s32 v0, v39;
	v34 =	vadd.s32 v4, v42;
	v50 =	vld.idx.msk [tilespmem:v47+s13+$0x0], $0xffff  }
0xa8: {  	v53 =	vadd.s32 v0, v52;
	v12 =	vmovc v55;
	v35 =	vand.u32 $0xFFFFFF80, v30;
	v47 =	vadd.s32 v2, v39;
	v33 =	vld.idx.msk [tilespmem:v33+s13+$0x0], $0xffff  }
0xa9: {  	v58 =	vand.u32 $0xFFFFFF80, v29;
	v57 =	vadd.s32 v21, v35;
	v35 =	vand.u32 $0x7F, v28;
	[tilespmem:v38+s20+$0x0] =	vst.idx.msk $0xffff, v25  }
0xaa: {  	v59 =	vshll.u32 v11, $0x7;
	v28 =	vand.u32 $0xFFFFFF80, v28;
	v38 =	vadd.s32 v4, v52;
	v25 =	vld.idx.msk [tilespmem:v55+s19+$0x0], $0xffff  }
0xab: {  	v29 =	vand.u32 $0x7F, v29;
	v28 =	vadd.s32 v59, v28;
	v55 =	vand.u32 $0xFFFFFF80, v53;
	[tilespmem:v36+s20+$0x0] =	vst.idx.msk $0xffff, v26  }
0xac: {  	v52 =	vadd.s32 v2, v52;
	v53 =	vand.u32 $0x7F, v53;
	v36 =	vadd.s32 v4, v39;
	v32 =	vld.idx.msk [tilespmem:v32+s13+$0x0], $0xffff  }
0xad: {  	v60 =	vand.u32 $0x7F, v30;
	v55 =	vadd.s32 v24, v55;
	v26 =	vadd.s32 v59, v58  }
0xae: {  	v35 =	vor.u32 v35, v28;
	v30 =	vor.u32 v29, v26;
	v26 =	vand.u32 $0xFFFFFF80, v34  }
0xaf: {  	v58 =	vand.u32 $0xFFFFFF80, v52;
	v26 =	vadd.s32 v59, v26;
	v33 =	vmul.f32 $8.000000000e+00, v33  }
0xb0: {  	v61 =	vand.u32 $0x7F, v47;
	v28 =	vand.u32 $0x7F, v34;
	v29 =	vor.u32 v1, v48  }
0xb1: {  	v34 =	vadd.s32 v24, v58;
	v58 =	vadd.s32 v6, v42;
	v42 =	vadd.s32 v0, v25  }
0xb2: {  	v48 =	vand.u32 $0xFFFFFF80, v36;
	v62 =	vand.u32 $0xFFFFFF80, v42;
	v32 =	vmul.f32 $8.000000000e+00, v32;
	[tilespmem:v14+s20+$0x0] =	vst.idx.msk $0xffff, v33;
	v63 =	vld.idx.msk [tilespmem:v51+s13+$0x0], $0xffff;
	v14 =	vmovc v49  }
0xb3: {  	v42 =	vand.u32 $0x7F, v42;
	v33 =	vand.u32 $0xFFFFFF80, v47;
	v49 =	vadd.s32 v19, v62;
	v37 =	vld.idx.msk [tilespmem:v37+s13+$0x0], $0xffff  }
0xb4: {  	v47 =	vand.u32 $0x7F, v36;
	v36 =	vor.u32 v1, v11;
	v51 =	vadd.s32 v2, v25;
	[tilespmem:v43+s20+$0x0] =	vst.idx.msk $0xffff, v32  }
0xb5: {  	v62 =	vand.u32 $0xFFFFFF80, v51;
	v32 =	vadd.s32 v21, v33;
	v33 =	vand.u32 $0x7F, v52;
	v9 =	vld.idx.msk [tilespmem:v45+s13+$0x0], $0xffff  }
0xb6: {  	v43 =	vor.u32 v61, v32;
	v33 =	vor.u32 v33, v34;
	v32 =	vand.u32 $0x7F, v51  }
0xb7: {  	v52 =	vor.u32 v60, v57;
	v57 =	vadd.s32 v19, v62;
	v45 =	vmul.f32 $8.000000000e+00, v50  }
0xb8: {  	v53 =	vor.u32 v53, v55;
	v51 =	vadd.s32 v21, v48;
	v55 =	vmul.f32 $8.000000000e+00, v63  }
.Ltmp4:
0xb9: {  	v34 =	vor.u32 v3, v13;
	v50 =	vor.u32 v42, v49;
	[tilespmem:v31+s20+$0x0] =	vst.idx.msk $0xffff, v45;
	v31 =	vmul.f32 $8.000000000e+00, v37;
	(pc) =	sbr.rel @p1 .LBB2_11-.Ltmp4, $4  }
0xba: {  	v39 =	vadd.s32 v6, v39;
	v42 =	vand.u32 $0x7F, v27;
	v37 =	vand.u32 $0xFFFFFF80, v58;
	v48 =	vld.idx.msk [tilespmem:v54+s13+$0x0], $0xffff;
	[tilespmem:v17+s20+$0x0] =	vst.idx.msk $0xffff, v55  }
0xbb: {  	v32 =	vor.u32 v32, v57;
	v45 =	vand.u32 $0xFFFFFF80, v39;
	v9 =	vmul.f32 $8.000000000e+00, v9;
	[tilespmem:v15+s20+$0x0] =	vst.idx.msk $0xffff, v31;
	v49 =	vld.idx.msk [tilespmem:v41+s13+$0x0], $0xffff  }
0xbc: {  	v54 =	vand.u32 $0xFFFFFF80, v38;
	v17 =	vmovc v46;
	v31 =	vand.u32 $0x7F, v38;
	v41 =	vadd.s32 v59, v37;
	v15 =	vmovc v44;
	v40 =	vld.idx.msk [tilespmem:v40+s13+$0x0], $0xffff  }
0xbd: {  	v37 =	vadd.s32 v24, v54;
	v38 =	vor.u32 v3, v11;
	v44 =	vand.u32 $0x7F, v58;
	[tilespmem:v56+s20+$0x0] =	vst.idx.msk $0xffff, v9  }
0xbe: {  	_ =	sdelay $0x3  }
0xbf: {  	v9 =	vld.idx.msk [tilespmem:v52+s13+$0x0], $0xffff  }
0xc0: {  	v35 =	vld.idx.msk [tilespmem:v35+s13+$0x0], $0xffff  }
0xc1: {  	v46 =	vld.idx.msk [tilespmem:v53+s13+$0x0], $0xffff  }
0xc2: {  	v50 =	vld.idx.msk [tilespmem:v50+s13+$0x0], $0xffff;
	_ =	sdelay $0x1  }
0xc3: {  	v56 =	vor.u32 v1, v12;
	v9 =	vmul.f32 $8.000000000e+00, v9  }
0xc4: {  	v35 =	vmul.f32 $8.000000000e+00, v35  }
0xc5: {  	v46 =	vmul.f32 $8.000000000e+00, v46;
	[tilespmem:v22+s20+$0x0] =	vst.idx.msk $0xffff, v9  }
0xc6: {  	v57 =	vmul.f32 $8.000000000e+00, v50;
	[tilespmem:v36+s20+$0x0] =	vst.idx.msk $0xffff, v35;
	v9 =	vld.idx.msk [tilespmem:v43+s13+$0x0], $0xffff  }
0xc7: {  	[tilespmem:v29+s20+$0x0] =	vst.idx.msk $0xffff, v46;
	v30 =	vld.idx.msk [tilespmem:v30+s13+$0x0], $0xffff  }
0xc8: {  	[tilespmem:v56+s20+$0x0] =	vst.idx.msk $0xffff, v57;
	v33 =	vld.idx.msk [tilespmem:v33+s13+$0x0], $0xffff  }
0xc9: {  	v58 =	vadd.s32 v4, v25;
	v60 =	vor.u32 v47, v51;
	v31 =	vor.u32 v31, v37;
	v32 =	vld.idx.msk [tilespmem:v32+s13+$0x0], $0xffff  }
0xca: {  	v26 =	vor.u32 v28, v26;
	v61 =	vor.u32 v3, v12;
	v59 =	vand.u32 $0xFFFFFF80, v58  }
0xcb: {  	v22 =	vadd.s32 v19, v59;
	v29 =	vand.u32 $0x7F, v58;
	v9 =	vmul.f32 $8.000000000e+00, v9  }
0xcc: {  	v22 =	vor.u32 v29, v22;
	v62 =	vmul.f32 $8.000000000e+00, v30  }
0xcd: {  	[tilespmem:v34+s20+$0x0] =	vst.idx.msk $0xffff, v9;
	v9 =	vmul.f32 $8.000000000e+00, v33  }
0xce: {  	v37 =	vor.u32 v5, v13;
	v36 =	vmul.f32 $8.000000000e+00, v32;
	[tilespmem:v38+s20+$0x0] =	vst.idx.msk $0xffff, v62;
	v63 =	vld.idx.msk [tilespmem:v60+s13+$0x0], $0xffff  }
0xcf: {  	v21 =	vadd.s32 v21, v45;
	v51 =	vor.u32 v44, v41;
	[tilespmem:v14+s20+$0x0] =	vst.idx.msk $0xffff, v9;
	v9 =	vld.idx.msk [tilespmem:v26+s13+$0x0], $0xffff  }
0xd0: {  	v54 =	vor.u32 v5, v12;
	v46 =	vand.u32 $0x7F, v39;
	[tilespmem:v61+s20+$0x0] =	vst.idx.msk $0xffff, v36;
	v47 =	vld.idx.msk [tilespmem:v31+s13+$0x0], $0xffff  }
0xd1: {  	v43 =	vand.u32 $0xFFFFFF80, v27;
	v21 =	vor.u32 v46, v21;
	v38 =	vadd.s32 v6, v25;
	v22 =	vld.idx.msk [tilespmem:v22+s13+$0x0], $0xffff  }
0xd2: {  	v50 =	vand.u32 $0xFFFFFF80, v38;
	v53 =	vand.u32 $0x7F, v38;
	v14 =	vadd.s32 v24, v43  }
0xd3: {  	v52 =	vadd.s32 v19, v50;
	v14 =	vor.u32 v42, v14;
	v55 =	vmul.f32 $8.000000000e+00, v63  }
0xd4: {  	v19 =	vor.u32 v53, v52;
	v9 =	vmul.f32 $8.000000000e+00, v9  }
0xd5: {  	v23 =	vld.idx.msk [tilespmem:v23+s13+$0x0], $0xffff;
	[tilespmem:v37+s20+$0x0] =	vst.idx.msk $0xffff, v55;
	v56 =	vmul.f32 $8.000000000e+00, v47  }
0xd6: {  	v21 =	vld.idx.msk [tilespmem:v21+s13+$0x0], $0xffff;
	[tilespmem:v17+s20+$0x0] =	vst.idx.msk $0xffff, v9;
	v9 =	vmul.f32 $8.000000000e+00, v22  }
0xd7: {  	v57 =	vmul.f32 $8.000000000e+00, v48;
	[tilespmem:v15+s20+$0x0] =	vst.idx.msk $0xffff, v56;
	v58 =	vld.idx.msk [tilespmem:v51+s13+$0x0], $0xffff  }
0xd8: {  	v59 =	vmul.f32 $8.000000000e+00, v49;
	v60 =	vor.u32 v7, v13;
	v14 =	vld.idx.msk [tilespmem:v14+s13+$0x0], $0xffff;
	[tilespmem:v54+s20+$0x0] =	vst.idx.msk $0xffff, v9  }
0xd9: {  	v11 =	vor.u32 v7, v11;
	[tilespmem:v18+s20+$0x0] =	vst.idx.msk $0xffff, v57;
	v9 =	vmul.f32 $8.000000000e+00, v40;
	v61 =	vld.idx.msk [tilespmem:v19+s13+$0x0], $0xffff  }
0xda: {  	[tilespmem:v16+s20+$0x0] =	vst.idx.msk $0xffff, v59;
	v62 =	vmul.f32 $8.000000000e+00, v23  }
0xdb: {  	[tilespmem:v8+s20+$0x0] =	vst.idx.msk $0xffff, v9;
	v8 =	vor.u32 v7, v12;
	v9 =	vmul.f32 $8.000000000e+00, v21  }
0xdc: {  	[tilespmem:v20+s20+$0x0] =	vst.idx.msk $0xffff, v62;
	v63 =	vmul.f32 $8.000000000e+00, v58  }
0xdd: {  	s14 =	sshll.u32 s10, $0x14;
	[tilespmem:v60+s20+$0x0] =	vst.idx.msk $0xffff, v9;
	v9 =	vmul.f32 $8.000000000e+00, v14  }
0xde: {  	s14 =	sor.u32 s4, s14;
	[tilespmem:v11+s20+$0x0] =	vst.idx.msk $0xffff, v63;
	v11 =	vmul.f32 $8.000000000e+00, v61  }
0xdf: {  	s14 =	sshrl.u32 s14, $0x3;
	[tilespmem:v10+s20+$0x0] =	vst.idx.msk $0xffff, v9  }
0xe0: {  	s14 =	sadd.s32 s1, s14;
	[tilespmem:v8+s20+$0x0] =	vst.idx.msk $0xffff, v11  }
0xe1: {  	v8 =	vmov s3;
	[hbm4b:s14+s8] =	stream.strided.scatter [tilespmem:s20], [sflag:$0x5], $0x2000, s9, s8, $0x38;
	[tilespmem:$0x1A680] =	vst v63  }
0xe2: {  	s14 =	simm.s32 @!p0 $0x6  }
0xe3: {  	_ =	swait.ge @!p0 [sflag:s14], $0x2000  }
0xe4: {  	[sflag:s14] =	ssyncset.done @!p0 $0x0  }
0xe5: {  	s16 =	simm.s32 $0x0;
	[sflag:s14] =	ssyncadd.s32 @!p0 $0xFFFFE000  }
0xe6: {  	s21 =	simm.s32 $0x40;
	s14 =	sor.u32 $0x1, s30;
	s30 =	sor.u32 $0x3, s30;
	v10 =	vld.idx.msk [tilespmem:v8+s16+$0x0 ss:$0x1], $0xffff  }
.LBB2_13:
0xe7: {  	p0 =	sne.s32 s21, $0x1C0  }
.Ltmp5:
0xe8: {  	_ = 	snop;
	(pc) =	sbr.rel @p0 .LBB2_13-.Ltmp5, $4  }
0xe9: {  	_ = 	snop  }
0xea: {  	s18 =	sshra.s32 s21, $0x2;
	s21 =	sadd.s32 $0x40, s21  }
0xeb: {  	v9 =	vshra.s32 v10, $0x1;
	v10 =	vld.idx.msk [tilespmem:v8+s18+$0x0 ss:$0x1], $0xffff  }
0xec: {  	[tilespmem:s16+$0x1A580] =	vst v9;
	s16 =	smov.u32 s18  }
0xed: {  	_ =	sdelay $0x2  }
0xee: {  	[tilespmem:$0x1FFD0] =	vst v8;
	v9 =	vshra.s32 v10, $0x1  }
0xef: {  	v11 =	vmov s31;
	s21 =	simm.s32 $0x1A580;
	s23 =	simm.s32 $0x2;
	[tilespmem:s16+$0x1A580] =	vst v9  }
0xf0: {  	[tilespmem:s22], [sflag:$0x4] =	stream.indirect.gather [hbm4b:s5+s11], $0x80, s21, s11, $0xb8;
	[tilespmem:$0x1A680] =	vst v63  }
0xf1: {  	_ =	swait.ge [sflag:s23], $0x4000  }
0xf2: {  	[sflag:s23] =	ssyncset.done $0x0  }
0xf3: {  	s16 =	simm.s32 $0x0;
	[sflag:s23] =	ssyncadd.s32 $0xFFFFC000  }
0xf4: {  	s21 =	simm.s32 $0x40;
	v10 =	vld.idx.msk [tilespmem:v11+s16+$0x0 ss:$0x1], $0xffff  }
.LBB2_15:
0xf5: {  	_ = 	snop  }
0xf6: {  	p0 =	sne.s32 s21, $0x1C0  }
.Ltmp6:
0xf7: {  	_ = 	snop;
	(pc) =	sbr.rel @p0 .LBB2_15-.Ltmp6, $4  }
0xf8: {  	_ = 	snop  }
0xf9: {  	v9 =	vshll.u32 v10, $0x6  }
0xfa: {  	s18 =	sshra.s32 s21, $0x2;
	v9 =	vand.u32 $0x40, v9  }
0xfb: {  	s21 =	sadd.s32 $0x40, s21;
	v10 =	vld.idx.msk [tilespmem:v11+s18+$0x0 ss:$0x1], $0xffff;
	[tilespmem:s16+$0x1A600] =	vst v9;
	s16 =	smov.u32 s18  }
0xfc: {  	s18 =	simm.s32 $0x0  }
0xfd: {  	s21 =	sand.u32 $0xC, s18  }
0xfe: {  	s23 =	sor.u32 $0x2, s21  }
0xff: {  	v9 =	vadd.s32 s23, v0  }
0x100: {  	s18 =	sand.u32 $0x70, s18;
	v11 =	vadd.s32 s21, v0;
	s23 =	sor.u32 $0x1, s21;
	v9 =	vand.u32 $0xF, v9  }
0x101: {  	v12 =	vadd.s32 s23, v0;
	v16 =	vor.u32 s18, v9;
	v9 =	vand.u32 $0xF, v11  }
0x102: {  	v11 =	vand.u32 $0xF, v12;
	v18 =	vor.u32 s18, v9  }
0x103: {  	v9 =	vshll.u32 v10, $0x6;
	v11 =	vor.u32 s18, v11  }
0x104: {  	s21 =	sor.u32 $0x3, s21;
	v9 =	vand.u32 $0x40, v9  }
0x105: {  	v10 =	vadd.s32 s21, v0;
	[tilespmem:s16+$0x1A600] =	vst v9  }
0x106: {  	v35 =	vshll.u32 v16, $0x7;
	v44 =	vor.u32 v1, v16;
	v13 =	vand.u32 $0xF, v10;
	v9 =	vld.idx.msk [tilespmem:v16+s19+$0x0], $0xffff  }
0x107: {  	v34 =	vor.u32 v3, v11;
	v10 =	vor.u32 v7, v11;
	v8 =	vor.u32 v5, v11;
	v12 =	vld.idx.msk [tilespmem:v18+s19+$0x0], $0xffff  }
0x108: {  	v17 =	vor.u32 v1, v18;
	v20 =	vshll.u32 v18, $0x7;
	v40 =	vor.u32 v1, v11;
	s16 =	simm.s32 $0x4;
	v14 =	vld.idx.msk [tilespmem:v11+s19+$0x0], $0xffff  }
0x109: {  	v33 =	vor.u32 v5, v18;
	v21 =	vor.u32 s18, v13;
	v13 =	vor.u32 v5, v16;
	s18 =	sand.u32 $0xC, s16  }
0x10a: {  	v19 =	vshll.u32 v21, $0x7;
	v57 =	vor.u32 v5, v21;
	s23 =	sor.u32 $0x2, s18;
	[tilespmem:$0x1FFC0] =	vst v13;
	v13 =	vshll.u32 v11, $0x7  }
0x10b: {  	v48 =	vadd.s32 s23, v0;
	v15 =	vadd.s32 v0, v9;
	v22 =	vadd.s32 v2, v9  }
0x10c: {  	v25 =	vadd.s32 v4, v9;
	v9 =	vadd.s32 v6, v9;
	v23 =	vadd.s32 v0, v12  }
0x10d: {  	v24 =	vadd.s32 v6, v14;
	v27 =	vadd.s32 v2, v12;
	v28 =	vadd.s32 v0, v14  }
0x10e: {  	v29 =	vand.u32 $0x7F, v15;
	v30 =	vand.u32 $0xFFFFFF80, v22;
	v31 =	vadd.s32 v4, v14  }
0x10f: {  	v15 =	vand.u32 $0xFFFFFF80, v15;
	v22 =	vand.u32 $0x7F, v22;
	v38 =	vadd.s32 v4, v12  }
0x110: {  	v14 =	vadd.s32 v2, v14;
	v59 =	vadd.s32 v6, v12;
	v12 =	vand.u32 $0xFFFFFF80, v9  }
0x111: {  	v9 =	vand.u32 $0x7F, v9;
	v26 =	vand.u32 $0xFFFFFF80, v23;
	v36 =	vand.u32 $0xFFFFFF80, v28  }
0x112: {  	v37 =	vld.idx.msk [tilespmem:v21+s19+$0x0], $0xffff;
	v15 =	vadd.s32 v35, v15;
	v28 =	vand.u32 $0x7F, v28;
	v23 =	vand.u32 $0x7F, v23  }
0x113: {  	v30 =	vadd.s32 v35, v30;
	v39 =	vand.u32 $0x7F, v27;
	v41 =	vand.u32 $0xFFFFFF80, v38  }
0x114: {  	v27 =	vand.u32 $0xFFFFFF80, v27;
	v43 =	vand.u32 $0x7F, v38;
	v60 =	vand.u32 $0x7F, v24  }
0x115: {  	v61 =	vand.u32 $0xFFFFFF80, v59;
	v26 =	vadd.s32 v20, v26;
	v36 =	vadd.s32 v13, v36  }
0x116: {  	v15 =	vor.u32 v29, v15;
	v22 =	vor.u32 v22, v30;
	v29 =	vand.u32 $0xFFFFFF80, v25  }
0x117: {  	v30 =	vand.u32 $0xFFFFFF80, v14;
	v25 =	vand.u32 $0x7F, v25;
	v58 =	vadd.s32 v2, v37  }
0x118: {  	v27 =	vadd.s32 v20, v27;
	v14 =	vand.u32 $0x7F, v14;
	v32 =	vadd.s32 v20, v61  }
0x119: {  	v29 =	vadd.s32 v35, v29;
	v11 =	vadd.s32 v13, v30;
	v30 =	vadd.s32 v0, v37  }
0x11a: {  	v45 =	vand.u32 $0xFFFFFF80, v58;
	v27 =	vor.u32 v39, v27;
	v28 =	vor.u32 v28, v36  }
0x11b: {  	v36 =	vor.u32 v1, v21;
	v42 =	vand.u32 $0xFFFFFF80, v30;
	v30 =	vand.u32 $0x7F, v30  }
0x11c: {  	v39 =	vor.u32 v14, v11;
	v11 =	vand.u32 $0x7F, v58;
	v14 =	vor.u32 v23, v26  }
0x11d: {  	v23 =	vadd.s32 v19, v45;
	v26 =	vadd.s32 v20, v41;
	v41 =	vor.u32 v3, v18  }
0x11e: {  	v42 =	vadd.s32 v19, v42;
	v46 =	vor.u32 v11, v23;
	v11 =	vand.u32 $0xFFFFFF80, v31  }
0x11f: {  	s21 =	sor.u32 $0x1, s18;
	v23 =	vand.u32 $0x7F, v31;
	v31 =	vadd.s32 v35, v12;
	v35 =	vor.u32 v3, v16  }
0x120: {  	v12 =	vadd.s32 s21, v0;
	v43 =	vor.u32 v43, v26;
	v26 =	vand.u32 $0xF, v48  }
0x121: {  	v48 =	vor.u32 v25, v29;
	v30 =	vor.u32 v30, v42;
	v11 =	vadd.s32 v13, v11  }
0x122: {  	v12 =	vand.u32 $0xF, v12;
	v38 =	vor.u32 v9, v31;
	v31 =	vadd.s32 v6, v37  }
0x123: {  	s23 =	sand.u32 $0x70, s16;
	v47 =	vor.u32 v23, v11;
	v11 =	vand.u32 $0xFFFFFF80, v24;
	v23 =	vadd.s32 v4, v37;
	v62 =	vld.idx.msk [tilespmem:v15+s15+$0x0], $0xffff  }
0x124: {  	v49 =	vor.u32 s23, v12;
	v12 =	vor.u32 s23, v26;
	v24 =	vadd.s32 v13, v11;
	v28 =	vld.idx.msk [tilespmem:v28+s15+$0x0], $0xffff  }
0x125: {  	v11 =	vand.u32 $0xFFFFFF80, v23;
	v15 =	vor.u32 v3, v49;
	v25 =	vshll.u32 v49, $0x7;
	v13 =	vld.idx.msk [tilespmem:v14+s15+$0x0], $0xffff  }
0x126: {  	v61 =	vshll.u32 v12, $0x7;
	v14 =	vadd.s32 s18, v0;
	s18 =	sor.u32 $0x3, s18;
	v26 =	vadd.s32 v19, v11  }
0x127: {  	v55 =	vor.u32 v60, v24;
	v11 =	vand.u32 $0xF, v14;
	v50 =	vadd.s32 s18, v0  }
0x128: {  	v14 =	vor.u32 s23, v11;
	v50 =	vand.u32 $0xF, v50;
	v11 =	vor.u32 v7, v49;
	v30 =	vld.idx.msk [tilespmem:v30+s15+$0x0], $0xffff  }
0x129: {  	v24 =	vmul.f32 $8.000000000e+00, v62;
	v45 =	vld.idx.msk [tilespmem:v12+s19+$0x0], $0xffff;
	v63 =	vmul.f32 $8.000000000e+00, v28;
	v28 =	vand.u32 $0xFFFFFF80, v31  }
0x12a: {  	v51 =	vmul.f32 $8.000000000e+00, v13;
	v13 =	vor.u32 s23, v50;
	v50 =	vld.idx.msk [tilespmem:v49+s19+$0x0], $0xffff;
	v20 =	vadd.s32 v19, v28  }
0x12b: {  	v19 =	vor.u32 v7, v18;
	[tilespmem:v44+s24+$0x0] =	vst.idx.msk $0xffff, v24;
	v28 =	vand.u32 $0x7F, v59;
	v18 =	vor.u32 v5, v12  }
0x12c: {  	v24 =	vand.u32 $0x7F, v31;
	v44 =	vld.idx.msk [tilespmem:v22+s15+$0x0], $0xffff;
	v22 =	vand.u32 $0x7F, v23;
	v23 =	vor.u32 v1, v14  }
0x12d: {  	v24 =	vor.u32 v24, v20;
	v20 =	vshll.u32 v13, $0x7;
	v42 =	vor.u32 v28, v32;
	[tilespmem:v17+s24+$0x0] =	vst.idx.msk $0xffff, v51  }
0x12e: {  	[tilespmem:v40+s24+$0x0] =	vst.idx.msk $0xffff, v63;
	v17 =	vor.u32 v7, v16;
	v51 =	vor.u32 v3, v21;
	v27 =	vld.idx.msk [tilespmem:v27+s15+$0x0], $0xffff  }
0x12f: {  	v16 =	vor.u32 v5, v49;
	v56 =	vld.idx.msk [tilespmem:v14+s19+$0x0], $0xffff;
	v52 =	vor.u32 v22, v26;
	v22 =	vshll.u32 v14, $0x7  }
0x130: {  	v26 =	vmul.f32 $8.000000000e+00, v30;
	v21 =	vor.u32 v7, v21;
	v39 =	vld.idx.msk [tilespmem:v39+s15+$0x0], $0xffff;
	v30 =	vadd.s32 v2, v45  }
0x131: {  	v53 =	vadd.s32 v4, v45;
	v28 =	vadd.s32 v6, v50;
	v59 =	vadd.s32 v0, v50  }
0x132: {  	v60 =	vadd.s32 v4, v50;
	v50 =	vadd.s32 v2, v50;
	v44 =	vmul.f32 $8.000000000e+00, v44  }
0x133: {  	[tilespmem:v36+s24+$0x0] =	vst.idx.msk $0xffff, v26;
	v62 =	vand.u32 $0xFFFFFF80, v59;
	v59 =	vand.u32 $0x7F, v59;
	v29 =	vmul.f32 $8.000000000e+00, v27  }
0x134: {  	v46 =	vld.idx.msk [tilespmem:v46+s15+$0x0], $0xffff;
	v31 =	vadd.s32 v0, v56;
	v58 =	vadd.s32 v2, v56;
	v63 =	vadd.s32 v4, v56  }
0x135: {  	v62 =	vadd.s32 v25, v62;
	v39 =	vmul.f32 $8.000000000e+00, v39;
	v27 =	vadd.s32 v0, v45;
	[tilespmem:v41+s24+$0x0] =	vst.idx.msk $0xffff, v29  }
0x136: {  	v54 =	vand.u32 $0xFFFFFF80, v31;
	v32 =	vand.u32 $0x7F, v31;
	v45 =	vadd.s32 v6, v45;
	v43 =	vld.idx.msk [tilespmem:v43+s15+$0x0], $0xffff  }
0x137: {  	[tilespmem:v35+s24+$0x0] =	vst.idx.msk $0xffff, v44;
	v35 =	vand.u32 $0xFFFFFF80, v63;
	v40 =	vadd.s32 v22, v54;
	v37 =	vand.u32 $0x7F, v27  }
0x138: {  	v26 =	vld.idx.msk [tilespmem:v13+s19+$0x0], $0xffff;
	v54 =	vand.u32 $0xFFFFFF80, v30;
	v27 =	vand.u32 $0xFFFFFF80, v27;
	v30 =	vand.u32 $0x7F, v30  }
0x139: {  	[tilespmem:v34+s24+$0x0] =	vst.idx.msk $0xffff, v39;
	v39 =	vld.idx.msk [tilespmem:v48+s15+$0x0], $0xffff;
	v34 =	vand.u32 $0xFFFFFF80, v58;
	v48 =	vand.u32 $0x7F, v63;
	v46 =	vmul.f32 $8.000000000e+00, v46  }
0x13a: {  	v27 =	vadd.s32 v61, v27;
	v31 =	vadd.s32 v61, v54;
	v54 =	vand.u32 $0xFFFFFF80, v50  }
0x13b: {  	v41 =	vand.u32 $0x7F, v58;
	v29 =	vand.u32 $0x7F, v53;
	[tilespmem:v51+s24+$0x0] =	vst.idx.msk $0xffff, v46;
	v46 =	vmul.f32 $8.000000000e+00, v43  }
0x13c: {  	v47 =	vld.idx.msk [tilespmem:v47+s15+$0x0], $0xffff;
	v34 =	vadd.s32 v22, v34;
	v36 =	vor.u32 v37, v27;
	v31 =	vor.u32 v30, v31  }
0x13d: {  	v27 =	vand.u32 $0xFFFFFF80, v53;
	v30 =	vor.u32 v1, v49;
	v49 =	vadd.s32 v25, v54;
	[tilespmem:v33+s24+$0x0] =	vst.idx.msk $0xffff, v46  }
0x13e: {  	v54 =	vadd.s32 v0, v26;
	v37 =	vor.u32 v1, v12;
	v44 =	vor.u32 v41, v34;
	v33 =	vld [tilespmem:$0x1FFC0]  }
0x13f: {  	v27 =	vadd.s32 v61, v27;
	v53 =	vand.u32 $0xFFFFFF80, v54;
	v58 =	vand.u32 $0x7F, v54  }
0x140: {  	v54 =	vand.u32 $0x7F, v50;
	v9 =	vadd.s32 v20, v53;
	v53 =	vadd.s32 v2, v26;
	v63 =	vld.idx.msk [tilespmem:v52+s15+$0x0], $0xffff  }
0x141: {  	v34 =	vor.u32 v54, v49;
	v52 =	vadd.s32 v22, v35;
	v54 =	vor.u32 v59, v62  }
0x142: {  	v35 =	vor.u32 v3, v14;
	v62 =	vand.u32 $0xFFFFFF80, v45;
	v45 =	vand.u32 $0x7F, v45  }
0x143: {  	v50 =	vand.u32 $0xFFFFFF80, v53;
	v51 =	vor.u32 v58, v9;
	v9 =	vmul.f32 $8.000000000e+00, v47  }
0x144: {  	v41 =	vand.u32 $0x7F, v53;
	v53 =	vor.u32 v32, v40;
	v39 =	vmul.f32 $8.000000000e+00, v39  }
0x145: {  	v40 =	vadd.s32 v6, v56;
	v32 =	vadd.s32 v20, v50;
	[tilespmem:v8+s24+$0x0] =	vst.idx.msk $0xffff, v9;
	v9 =	vmul.f32 $8.000000000e+00, v63  }
0x146: {  	v43 =	vand.u32 $0x7F, v28;
	v46 =	vand.u32 $0xFFFFFF80, v40;
	v49 =	vld.idx.msk [tilespmem:v42+s15+$0x0], $0xffff;
	v63 =	vand.u32 $0xFFFFFF80, v60;
	[tilespmem:v33+s24+$0x0] =	vst.idx.msk $0xffff, v39  }
0x147: {  	v42 =	vadd.s32 v61, v62;
	[tilespmem:v57+s24+$0x0] =	vst.idx.msk $0xffff, v9;
	v33 =	vor.u32 v41, v32;
	v50 =	vld.idx.msk [tilespmem:v38+s15+$0x0], $0xffff  }
0x148: {  	v32 =	vand.u32 $0x7F, v60;
	v41 =	vld.idx.msk [tilespmem:v55+s15+$0x0], $0xffff;
	v39 =	vor.u32 v3, v12;
	v38 =	vadd.s32 v25, v63  }
.LBB2_17:
0x149: {  	s16 =	sadd.s32 $0x4, s16;
	v38 =	vor.u32 v32, v38;
	v9 =	vand.u32 $0xFFFFFF80, v28;
	v28 =	vadd.s32 v4, v26;
	v24 =	vld.idx.msk [tilespmem:v24+s15+$0x0], $0xffff  }
0x14a: {  	v32 =	vor.u32 v5, v14;
	s18 =	sand.u32 $0xC, s16;
	p0 =	slt.u32 s16, $0x7C;
	v9 =	vadd.s32 v25, v9;
	v25 =	vand.u32 $0xFFFFFF80, v28  }
0x14b: {  	v48 =	vor.u32 v48, v52;
	v49 =	vmul.f32 $8.000000000e+00, v49;
	v47 =	vadd.s32 s18, v0;
	s21 =	sor.u32 $0x1, s18;
	s23 =	sor.u32 $0x2, s18;
	s18 =	sor.u32 $0x3, s18;
	v53 =	vld.idx.msk [tilespmem:v53+s15+$0x0], $0xffff  }
0x14c: {  	v50 =	vmul.f32 $8.000000000e+00, v50;
	v52 =	vadd.s32 s21, v0;
	v55 =	vadd.s32 s23, v0;
	v54 =	vld.idx.msk [tilespmem:v54+s15+$0x0], $0xffff  }
0x14d: {  	s21 =	sand.u32 $0x70, s16;
	v52 =	vand.u32 $0xF, v52;
	v55 =	vand.u32 $0xF, v55;
	v36 =	vld.idx.msk [tilespmem:v36+s15+$0x0], $0xffff;
	[tilespmem:v19+s24+$0x0] =	vst.idx.msk $0xffff, v49;
	v19 =	vmul.f32 $8.000000000e+00, v41  }
0x14e: {  	v25 =	vadd.s32 v20, v25;
	v49 =	vor.u32 s21, v52;
	v52 =	vor.u32 s21, v55;
	[tilespmem:v17+s24+$0x0] =	vst.idx.msk $0xffff, v50  }
0x14f: {  	v41 =	vadd.s32 s18, v0;
	v17 =	vand.u32 $0xF, v47;
	[tilespmem:v10+s24+$0x0] =	vst.idx.msk $0xffff, v19;
	v19 =	vmul.f32 $8.000000000e+00, v24;
	v10 =	vmovc v11  }
0x150: {  	v24 =	vor.u32 s21, v17;
	v50 =	vor.u32 v3, v49;
	v17 =	vand.u32 $0xF, v41  }
0x151: {  	v11 =	vor.u32 v7, v49;
	v55 =	vor.u32 s21, v17;
	v17 =	vmul.f32 $8.000000000e+00, v53;
	[tilespmem:v21+s24+$0x0] =	vst.idx.msk $0xffff, v19  }
0x152: {  	v42 =	vor.u32 v45, v42;
	v26 =	vadd.s32 v6, v26;
	v21 =	vmul.f32 $8.000000000e+00, v54;
	v51 =	vld.idx.msk [tilespmem:v51+s15+$0x0], $0xffff  }
0x153: {  	v41 =	vor.u32 v43, v9;
	v19 =	vand.u32 $0xFFFFFF80, v26;
	v9 =	vmul.f32 $8.000000000e+00, v36;
	v53 =	vld.idx.msk [tilespmem:v49+s19+$0x0], $0xffff;
	[tilespmem:v23+s24+$0x0] =	vst.idx.msk $0xffff, v17  }
0x154: {  	v22 =	vadd.s32 v22, v46;
	v20 =	vadd.s32 v20, v19;
	v17 =	vor.u32 v7, v12;
	v36 =	vld.idx.msk [tilespmem:v44+s15+$0x0], $0xffff  }
0x155: {  	v19 =	vor.u32 v7, v14;
	v43 =	vld.idx.msk [tilespmem:v52+s19+$0x0], $0xffff;
	[tilespmem:v37+s24+$0x0] =	vst.idx.msk $0xffff, v9;
	v9 =	vor.u32 v3, v13  }
0x156: {  	v45 =	vor.u32 v5, v49;
	v12 =	vmovc v52;
	v37 =	vand.u32 $0x7F, v40;
	v40 =	vor.u32 v1, v13;
	v31 =	vld.idx.msk [tilespmem:v31+s15+$0x0], $0xffff  }
0x157: {  	v28 =	vand.u32 $0x7F, v28;
	v26 =	vand.u32 $0x7F, v26;
	v14 =	vmovc v24;
	v47 =	vor.u32 v5, v12;
	v46 =	vld.idx.msk [tilespmem:v24+s19+$0x0], $0xffff  }
0x158: {  	v23 =	vor.u32 v1, v14;
	v44 =	vor.u32 v28, v25;
	v24 =	vor.u32 v26, v20  }
0x159: {  	v56 =	vor.u32 v37, v22;
	v37 =	vor.u32 v29, v27;
	v20 =	vshll.u32 v55, $0x7  }
0x15a: {  	v25 =	vshll.u32 v49, $0x7;
	v22 =	vshll.u32 v14, $0x7;
	v26 =	vmul.f32 $8.000000000e+00, v36  }
0x15b: {  	v57 =	vor.u32 v5, v13;
	v27 =	vmul.f32 $8.000000000e+00, v51;
	[tilespmem:v30+s24+$0x0] =	vst.idx.msk $0xffff, v21;
	v21 =	vor.u32 v7, v13  }
0x15c: {  	v29 =	vadd.s32 v0, v43;
	v30 =	vadd.s32 v2, v43;
	[tilespmem:v35+s24+$0x0] =	vst.idx.msk $0xffff, v26;
	v26 =	vmul.f32 $8.000000000e+00, v31  }
0x15d: {  	v28 =	vadd.s32 v6, v53;
	v31 =	vadd.s32 v0, v46;
	v35 =	vadd.s32 v4, v43;
	v51 =	vld.idx.msk [tilespmem:v48+s15+$0x0], $0xffff  }
0x15e: {  	v52 =	vadd.s32 v0, v53;
	v13 =	vmovc v55;
	v36 =	vand.u32 $0xFFFFFF80, v31;
	v48 =	vadd.s32 v2, v46;
	v34 =	vld.idx.msk [tilespmem:v34+s15+$0x0], $0xffff  }
0x15f: {  	v58 =	vand.u32 $0xFFFFFF80, v30;
	v54 =	vadd.s32 v22, v36;
	v36 =	vand.u32 $0x7F, v29;
	[tilespmem:v39+s24+$0x0] =	vst.idx.msk $0xffff, v26  }
0x160: {  	v59 =	vshll.u32 v12, $0x7;
	v29 =	vand.u32 $0xFFFFFF80, v29;
	v39 =	vadd.s32 v4, v53;
	v26 =	vld.idx.msk [tilespmem:v55+s19+$0x0], $0xffff  }
0x161: {  	v30 =	vand.u32 $0x7F, v30;
	v29 =	vadd.s32 v59, v29;
	v55 =	vand.u32 $0xFFFFFF80, v52;
	[tilespmem:v40+s24+$0x0] =	vst.idx.msk $0xffff, v27  }
0x162: {  	v60 =	vand.u32 $0x7F, v52;
	v52 =	vadd.s32 v2, v53;
	v40 =	vadd.s32 v4, v46;
	v33 =	vld.idx.msk [tilespmem:v33+s15+$0x0], $0xffff  }
0x163: {  	v53 =	vand.u32 $0x7F, v31;
	v55 =	vadd.s32 v25, v55;
	v27 =	vadd.s32 v59, v58  }
0x164: {  	v36 =	vor.u32 v36, v29;
	v31 =	vor.u32 v30, v27;
	v27 =	vand.u32 $0xFFFFFF80, v35  }
0x165: {  	v58 =	vand.u32 $0xFFFFFF80, v52;
	v27 =	vadd.s32 v59, v27;
	v34 =	vmul.f32 $8.000000000e+00, v34  }
0x166: {  	v61 =	vand.u32 $0x7F, v48;
	v29 =	vand.u32 $0x7F, v35;
	v30 =	vor.u32 v1, v49  }
0x167: {  	v35 =	vadd.s32 v25, v58;
	v58 =	vadd.s32 v6, v43;
	v43 =	vadd.s32 v0, v26  }
0x168: {  	v49 =	vand.u32 $0xFFFFFF80, v40;
	v62 =	vand.u32 $0xFFFFFF80, v43;
	v33 =	vmul.f32 $8.000000000e+00, v33;
	[tilespmem:v15+s24+$0x0] =	vst.idx.msk $0xffff, v34;
	v63 =	vld.idx.msk [tilespmem:v37+s15+$0x0], $0xffff;
	v15 =	vmovc v50  }
0x169: {  	v43 =	vand.u32 $0x7F, v43;
	v34 =	vand.u32 $0xFFFFFF80, v48;
	v50 =	vadd.s32 v20, v62;
	v38 =	vld.idx.msk [tilespmem:v38+s15+$0x0], $0xffff  }
0x16a: {  	v48 =	vand.u32 $0x7F, v40;
	v37 =	vor.u32 v1, v12;
	v40 =	vadd.s32 v2, v26;
	[tilespmem:v9+s24+$0x0] =	vst.idx.msk $0xffff, v33  }
0x16b: {  	v9 =	vadd.s32 v22, v34;
	v33 =	vand.u32 $0x7F, v52;
	v52 =	vand.u32 $0xFFFFFF80, v40;
	v62 =	vld.idx.msk [tilespmem:v44+s15+$0x0], $0xffff  }
0x16c: {  	v44 =	vor.u32 v61, v9;
	v34 =	vor.u32 v33, v35;
	v9 =	vand.u32 $0x7F, v40  }
0x16d: {  	v53 =	vor.u32 v53, v54;
	v33 =	vadd.s32 v20, v52;
	v40 =	vmul.f32 $8.000000000e+00, v51  }
0x16e: {  	v54 =	vor.u32 v60, v55;
	v52 =	vadd.s32 v22, v49;
	v55 =	vmul.f32 $8.000000000e+00, v63  }
.Ltmp7:
0x16f: {  	v35 =	vor.u32 v3, v14;
	v51 =	vor.u32 v43, v50;
	[tilespmem:v32+s24+$0x0] =	vst.idx.msk $0xffff, v40;
	v32 =	vmul.f32 $8.000000000e+00, v38;
	(pc) =	sbr.rel @p0 .LBB2_17-.Ltmp7, $4  }
0x170: {  	v43 =	vand.u32 $0x7F, v28;
	v40 =	vadd.s32 v6, v46;
	v38 =	vand.u32 $0xFFFFFF80, v58;
	v49 =	vld.idx.msk [tilespmem:v56+s15+$0x0], $0xffff;
	[tilespmem:v18+s24+$0x0] =	vst.idx.msk $0xffff, v55  }
0x171: {  	v33 =	vor.u32 v9, v33;
	v46 =	vand.u32 $0xFFFFFF80, v40;
	v9 =	vmul.f32 $8.000000000e+00, v62;
	[tilespmem:v16+s24+$0x0] =	vst.idx.msk $0xffff, v32;
	v50 =	vld.idx.msk [tilespmem:v42+s15+$0x0], $0xffff  }
0x172: {  	v55 =	vand.u32 $0xFFFFFF80, v39;
	v18 =	vmovc v47;
	v32 =	vand.u32 $0x7F, v39;
	v42 =	vadd.s32 v59, v38;
	v16 =	vmovc v45;
	v41 =	vld.idx.msk [tilespmem:v41+s15+$0x0], $0xffff  }
0x173: {  	v38 =	vadd.s32 v25, v55;
	v39 =	vor.u32 v3, v12;
	v45 =	vand.u32 $0x7F, v58;
	[tilespmem:v57+s24+$0x0] =	vst.idx.msk $0xffff, v9  }
0x174: {  	_ =	sdelay $0x3  }
0x175: {  	v9 =	vld.idx.msk [tilespmem:v53+s15+$0x0], $0xffff  }
0x176: {  	v36 =	vld.idx.msk [tilespmem:v36+s15+$0x0], $0xffff  }
0x177: {  	v47 =	vld.idx.msk [tilespmem:v54+s15+$0x0], $0xffff  }
0x178: {  	v51 =	vld.idx.msk [tilespmem:v51+s15+$0x0], $0xffff;
	_ =	sdelay $0x1  }
0x179: {  	v56 =	vor.u32 v1, v13;
	v9 =	vmul.f32 $8.000000000e+00, v9  }
0x17a: {  	v36 =	vmul.f32 $8.000000000e+00, v36  }
0x17b: {  	v47 =	vmul.f32 $8.000000000e+00, v47;
	[tilespmem:v23+s24+$0x0] =	vst.idx.msk $0xffff, v9  }
0x17c: {  	v57 =	vmul.f32 $8.000000000e+00, v51;
	[tilespmem:v37+s24+$0x0] =	vst.idx.msk $0xffff, v36;
	v9 =	vld.idx.msk [tilespmem:v44+s15+$0x0], $0xffff  }
0x17d: {  	[tilespmem:v30+s24+$0x0] =	vst.idx.msk $0xffff, v47;
	v31 =	vld.idx.msk [tilespmem:v31+s15+$0x0], $0xffff  }
0x17e: {  	[tilespmem:v56+s24+$0x0] =	vst.idx.msk $0xffff, v57;
	v34 =	vld.idx.msk [tilespmem:v34+s15+$0x0], $0xffff  }
0x17f: {  	v58 =	vadd.s32 v4, v26;
	v60 =	vor.u32 v48, v52;
	v32 =	vor.u32 v32, v38;
	v33 =	vld.idx.msk [tilespmem:v33+s15+$0x0], $0xffff  }
0x180: {  	v27 =	vor.u32 v29, v27;
	v61 =	vor.u32 v3, v13;
	v59 =	vand.u32 $0xFFFFFF80, v58  }
0x181: {  	v23 =	vadd.s32 v20, v59;
	v30 =	vand.u32 $0x7F, v58;
	v9 =	vmul.f32 $8.000000000e+00, v9  }
0x182: {  	v23 =	vor.u32 v30, v23;
	v62 =	vmul.f32 $8.000000000e+00, v31  }
0x183: {  	[tilespmem:v35+s24+$0x0] =	vst.idx.msk $0xffff, v9;
	v9 =	vmul.f32 $8.000000000e+00, v34  }
0x184: {  	v38 =	vadd.s32 v6, v26;
	v36 =	vmul.f32 $8.000000000e+00, v33;
	[tilespmem:v39+s24+$0x0] =	vst.idx.msk $0xffff, v62;
	v63 =	vld.idx.msk [tilespmem:v60+s15+$0x0], $0xffff  }
0x185: {  	v22 =	vadd.s32 v22, v46;
	v48 =	vor.u32 v45, v42;
	[tilespmem:v15+s24+$0x0] =	vst.idx.msk $0xffff, v9;
	v9 =	vld.idx.msk [tilespmem:v27+s15+$0x0], $0xffff  }
0x186: {  	v37 =	vor.u32 v5, v14;
	v44 =	vand.u32 $0x7F, v40;
	[tilespmem:v61+s24+$0x0] =	vst.idx.msk $0xffff, v36;
	v46 =	vld.idx.msk [tilespmem:v32+s15+$0x0], $0xffff  }
0x187: {  	v53 =	vor.u32 v5, v13;
	v22 =	vor.u32 v44, v22;
	v39 =	vand.u32 $0xFFFFFF80, v28;
	v23 =	vld.idx.msk [tilespmem:v23+s15+$0x0], $0xffff  }
0x188: {  	v52 =	vand.u32 $0x7F, v38;
	v47 =	vand.u32 $0xFFFFFF80, v38;
	v15 =	vadd.s32 v25, v39  }
0x189: {  	v51 =	vadd.s32 v20, v47;
	v15 =	vor.u32 v43, v15;
	v54 =	vmul.f32 $8.000000000e+00, v63  }
0x18a: {  	v20 =	vor.u32 v52, v51;
	v9 =	vmul.f32 $8.000000000e+00, v9  }
0x18b: {  	v24 =	vld.idx.msk [tilespmem:v24+s15+$0x0], $0xffff;
	[tilespmem:v37+s24+$0x0] =	vst.idx.msk $0xffff, v54;
	v55 =	vmul.f32 $8.000000000e+00, v46  }
0x18c: {  	v22 =	vld.idx.msk [tilespmem:v22+s15+$0x0], $0xffff;
	[tilespmem:v18+s24+$0x0] =	vst.idx.msk $0xffff, v9;
	v9 =	vmul.f32 $8.000000000e+00, v23  }
0x18d: {  	v56 =	vmul.f32 $8.000000000e+00, v49;
	[tilespmem:v16+s24+$0x0] =	vst.idx.msk $0xffff, v55;
	v57 =	vld.idx.msk [tilespmem:v48+s15+$0x0], $0xffff  }
0x18e: {  	v58 =	vmul.f32 $8.000000000e+00, v50;
	v59 =	vor.u32 v7, v14;
	v15 =	vld.idx.msk [tilespmem:v15+s15+$0x0], $0xffff;
	[tilespmem:v53+s24+$0x0] =	vst.idx.msk $0xffff, v9  }
0x18f: {  	v12 =	vor.u32 v7, v12;
	[tilespmem:v19+s24+$0x0] =	vst.idx.msk $0xffff, v56;
	v9 =	vmul.f32 $8.000000000e+00, v41;
	v60 =	vld.idx.msk [tilespmem:v20+s15+$0x0], $0xffff  }
0x190: {  	[tilespmem:v17+s24+$0x0] =	vst.idx.msk $0xffff, v58;
	v61 =	vmul.f32 $8.000000000e+00, v24  }
0x191: {  	[tilespmem:v10+s24+$0x0] =	vst.idx.msk $0xffff, v9;
	v9 =	vor.u32 v7, v13;
	v10 =	vmul.f32 $8.000000000e+00, v22  }
0x192: {  	[tilespmem:v21+s24+$0x0] =	vst.idx.msk $0xffff, v61;
	v62 =	vmul.f32 $8.000000000e+00, v57  }
0x193: {  	s14 =	sshll.u32 s14, $0x12;
	[tilespmem:v59+s24+$0x0] =	vst.idx.msk $0xffff, v10;
	v10 =	vmul.f32 $8.000000000e+00, v15  }
0x194: {  	s14 =	sor.u32 s4, s14;
	[tilespmem:v12+s24+$0x0] =	vst.idx.msk $0xffff, v62;
	v63 =	vmul.f32 $8.000000000e+00, v60  }
0x195: {  	p0 =	seq.s32 s10, $0x31;
	s14 =	sshrl.u32 s14, $0x3;
	[tilespmem:v11+s24+$0x0] =	vst.idx.msk $0xffff, v10  }
.Ltmp8:
0x196: {  	s14 =	sadd.s32 s1, s14;
	[tilespmem:v9+s24+$0x0] =	vst.idx.msk $0xffff, v63;
	(pc) =	sbr.rel @p0 .LBB2_22-.Ltmp8, $4  }
0x197: {  	[hbm4b:s14+s8] =	stream.strided.scatter [tilespmem:s24], [sflag:$0x6], $0x2000, s9, s8, $0x38;
	[tilespmem:$0x1A680] =	vst v63  }
0x198: {  	_ =	swait.ge [sflag:s25], $0x2000  }
0x199: {  	[sflag:s25] =	ssyncset.done $0x0;
	v8 =	vld [tilespmem:$0x1FFF0]  }
0x19a: {  	[sflag:s25] =	ssyncadd.s32 $0xFFFFE000  }
0x19b: {  	s18 =	sadd.s32 $0x0, s6  }
0x19c: {  	s14 =	simm.s32 $0x0;
	s16 =	simm.s32 $0x40;
	v10 =	vld [tilespmem:s18+$0x0]  }
.LBB2_20:
0x19d: {  	p1 =	sne.s32 s16, $0x1C0  }
.Ltmp9:
0x19e: {  	_ = 	snop;
	(pc) =	sbr.rel @p1 .LBB2_20-.Ltmp9, $4  }
0x19f: {  	_ = 	snop  }
0x1a0: {  	s18 =	sshra.s32 s16, $0x2;
	s16 =	sadd.s32 $0x40, s16  }
0x1a1: {  	s21 =	sadd.s32 s18, s6;
	v9 =	vshra.s32 v10, $0x1  }
0x1a2: {  	v10 =	vld [tilespmem:s21+$0x0];
	[tilespmem:s14+$0x1A400] =	vst v9;
	s14 =	smov.u32 s18  }
0x1a3: {  	_ =	sdelay $0x3  }
0x1a4: {  	v9 =	vshra.s32 v10, $0x1  }
0x1a5: {  	s23 =	simm.s32 $0x1A400;
	[tilespmem:s14+$0x1A400] =	vst v9  }
0x1a6: {  	[tilespmem:s13], [sflag:$0x1] =	stream.indirect.gather [hbm4b:s5+s11], $0x80, s23, s11, $0xb8;
	[tilespmem:$0x1A680] =	vst v63  }
.LBB2_22:
0x1a7: {  	_ =	sdelay $0x3  }
0x1a8: {  	_ =	swait.ge [sflag:s26], $0x4000  }
0x1a9: {  	[sflag:s26] =	ssyncset.done $0x0  }
0x1aa: {  	s14 =	simm.s32 $0x0;
	[sflag:s26] =	ssyncadd.s32 $0xFFFFC000  }
0x1ab: {  	s16 =	simm.s32 $0x40;
	v10 =	vld.idx.msk [tilespmem:v8+s14+$0x0 ss:$0x1], $0xffff  }
.LBB2_23:
0x1ac: {  	_ = 	snop  }
0x1ad: {  	p1 =	sne.s32 s16, $0x1C0  }
.Ltmp10:
0x1ae: {  	_ = 	snop;
	(pc) =	sbr.rel @p1 .LBB2_23-.Ltmp10, $4  }
0x1af: {  	_ = 	snop  }
0x1b0: {  	v9 =	vshll.u32 v10, $0x6  }
0x1b1: {  	s18 =	sshra.s32 s16, $0x2;
	v9 =	vand.u32 $0x40, v9  }
0x1b2: {  	s16 =	sadd.s32 $0x40, s16;
	v10 =	vld.idx.msk [tilespmem:v8+s18+$0x0 ss:$0x1], $0xffff;
	[tilespmem:s14+$0x1A600] =	vst v9;
	s14 =	smov.u32 s18  }
0x1b3: {  	s16 =	simm.s32 $0x0  }
0x1b4: {  	s18 =	sand.u32 $0xC, s16  }
0x1b5: {  	s21 =	sor.u32 $0x2, s18  }
0x1b6: {  	v9 =	vadd.s32 s21, v0  }
0x1b7: {  	s16 =	sand.u32 $0x70, s16;
	v11 =	vadd.s32 s18, v0;
	s23 =	sor.u32 $0x1, s18;
	v9 =	vand.u32 $0xF, v9  }
0x1b8: {  	v12 =	vadd.s32 s23, v0;
	v15 =	vor.u32 s16, v9;
	v9 =	vand.u32 $0xF, v11  }
0x1b9: {  	v11 =	vand.u32 $0xF, v12;
	v17 =	vor.u32 s16, v9  }
0x1ba: {  	v9 =	vshll.u32 v10, $0x6;
	v10 =	vor.u32 s16, v11  }
0x1bb: {  	v9 =	vand.u32 $0x40, v9  }
0x1bc: {  	[tilespmem:s14+$0x1A600] =	vst v9  }
0x1bd: {  	s18 =	sor.u32 $0x3, s18;
	v35 =	vshll.u32 v15, $0x7;
	v44 =	vor.u32 v1, v15;
	v11 =	vld.idx.msk [tilespmem:v15+s19+$0x0], $0xffff  }
0x1be: {  	v47 =	vor.u32 v3, v15;
	v33 =	vor.u32 v3, v10;
	v9 =	vadd.s32 s18, v0;
	v12 =	vld.idx.msk [tilespmem:v17+s19+$0x0], $0xffff  }
0x1bf: {  	v8 =	vor.u32 v5, v10;
	v16 =	vor.u32 v1, v17;
	v13 =	vand.u32 $0xF, v9;
	v14 =	vld.idx.msk [tilespmem:v10+s19+$0x0], $0xffff  }
0x1c0: {  	v19 =	vshll.u32 v17, $0x7;
	v40 =	vor.u32 v1, v10;
	v20 =	vor.u32 s16, v13  }
0x1c1: {  	v9 =	vor.u32 v7, v10;
	v13 =	vor.u32 v5, v15;
	v18 =	vshll.u32 v20, $0x7  }
0x1c2: {  	[tilespmem:$0x1FFB0] =	vst v13;
	v13 =	vshll.u32 v10, $0x7;
	v21 =	vadd.s32 v0, v11;
	v22 =	vadd.s32 v2, v11  }
0x1c3: {  	v25 =	vadd.s32 v4, v11;
	v11 =	vadd.s32 v6, v11;
	v23 =	vadd.s32 v0, v12  }
0x1c4: {  	v24 =	vadd.s32 v6, v14;
	v27 =	vadd.s32 v2, v12;
	v28 =	vadd.s32 v0, v14  }
0x1c5: {  	s14 =	simm.s32 $0x4;
	v29 =	vand.u32 $0x7F, v21;
	v30 =	vand.u32 $0xFFFFFF80, v22;
	v34 =	vadd.s32 v4, v14  }
0x1c6: {  	s16 =	sand.u32 $0xC, s14;
	v21 =	vand.u32 $0xFFFFFF80, v21;
	v22 =	vand.u32 $0x7F, v22;
	v37 =	vadd.s32 v4, v12  }
0x1c7: {  	s21 =	sor.u32 $0x1, s16;
	v14 =	vadd.s32 v2, v14;
	v57 =	vadd.s32 v6, v12;
	v12 =	vand.u32 $0xFFFFFF80, v11  }
0x1c8: {  	v61 =	vand.u32 $0x7F, v11;
	v11 =	vadd.s32 s21, v0;
	v26 =	vand.u32 $0xFFFFFF80, v23  }
0x1c9: {  	v36 =	vand.u32 $0xFFFFFF80, v28;
	v21 =	vadd.s32 v35, v21;
	v28 =	vand.u32 $0x7F, v28  }
0x1ca: {  	v23 =	vand.u32 $0x7F, v23;
	v30 =	vadd.s32 v35, v30;
	v39 =	vand.u32 $0x7F, v27  }
0x1cb: {  	v41 =	vand.u32 $0xFFFFFF80, v37;
	v27 =	vand.u32 $0xFFFFFF80, v27;
	v43 =	vand.u32 $0x7F, v37  }
0x1cc: {  	v58 =	vand.u32 $0x7F, v24;
	v59 =	vand.u32 $0xFFFFFF80, v57;
	v60 =	vadd.s32 v35, v12  }
0x1cd: {  	v37 =	vor.u32 v5, v17;
	v11 =	vand.u32 $0xF, v11;
	v26 =	vadd.s32 v19, v26  }
0x1ce: {  	v38 =	vld.idx.msk [tilespmem:v20+s19+$0x0], $0xffff;
	v36 =	vadd.s32 v13, v36;
	v21 =	vor.u32 v29, v21;
	v22 =	vor.u32 v22, v30  }
0x1cf: {  	v29 =	vand.u32 $0xFFFFFF80, v25;
	v30 =	vand.u32 $0xFFFFFF80, v14;
	v25 =	vand.u32 $0x7F, v25  }
0x1d0: {  	v27 =	vadd.s32 v19, v27;
	v14 =	vand.u32 $0x7F, v14;
	v54 =	vor.u32 v61, v60  }
0x1d1: {  	v63 =	vadd.s32 v19, v59;
	v29 =	vadd.s32 v35, v29;
	v10 =	vadd.s32 v13, v30  }
0x1d2: {  	v27 =	vor.u32 v39, v27;
	v28 =	vor.u32 v28, v36;
	v36 =	vor.u32 v3, v17  }
0x1d3: {  	v30 =	vadd.s32 v0, v38;
	v56 =	vadd.s32 v2, v38;
	v39 =	vor.u32 v14, v10  }
0x1d4: {  	v14 =	vor.u32 v23, v26;
	v26 =	vadd.s32 v19, v41;
	v62 =	vadd.s32 v6, v38  }
0x1d5: {  	v41 =	vor.u32 v1, v20;
	v42 =	vand.u32 $0xFFFFFF80, v30;
	v45 =	vand.u32 $0xFFFFFF80, v56  }
0x1d6: {  	v30 =	vand.u32 $0x7F, v30;
	v10 =	vand.u32 $0x7F, v56;
	v23 =	vadd.s32 v18, v45  }
0x1d7: {  	v43 =	vor.u32 v43, v26;
	v46 =	vor.u32 v10, v23;
	v10 =	vand.u32 $0xFFFFFF80, v34  }
0x1d8: {  	v42 =	vadd.s32 v18, v42;
	v23 =	vand.u32 $0x7F, v34;
	v10 =	vadd.s32 v13, v10  }
0x1d9: {  	s23 =	sor.u32 $0x2, s16;
	v30 =	vor.u32 v30, v42;
	v42 =	vor.u32 v25, v29;
	v48 =	vor.u32 v23, v10  }
0x1da: {  	v10 =	vand.u32 $0xFFFFFF80, v24;
	v23 =	vadd.s32 v4, v38;
	v12 =	vld.idx.msk [tilespmem:v14+s17+$0x0], $0xffff;
	v14 =	vadd.s32 s23, v0  }
0x1db: {  	v21 =	vld.idx.msk [tilespmem:v21+s17+$0x0], $0xffff;
	s23 =	sand.u32 $0x70, s14;
	v24 =	vadd.s32 v13, v10;
	v10 =	vand.u32 $0xFFFFFF80, v23;
	v13 =	vadd.s32 s16, v0  }
0x1dc: {  	v14 =	vand.u32 $0xF, v14;
	v49 =	vor.u32 s23, v11;
	v23 =	vand.u32 $0x7F, v23  }
0x1dd: {  	s16 =	sor.u32 $0x3, s16;
	v11 =	vor.u32 s23, v14;
	v26 =	vadd.s32 v18, v10;
	v10 =	vand.u32 $0xF, v13  }
0x1de: {  	v28 =	vld.idx.msk [tilespmem:v28+s17+$0x0], $0xffff;
	v50 =	vadd.s32 s16, v0;
	v14 =	vor.u32 v3, v49;
	v38 =	vor.u32 v58, v24  }
0x1df: {  	v24 =	vand.u32 $0xFFFFFF80, v62;
	v13 =	vor.u32 s23, v10;
	v50 =	vand.u32 $0xF, v50  }
0x1e0: {  	v10 =	vor.u32 v7, v49;
	v21 =	vmul.f32 $8.000000000e+00, v21;
	v19 =	vadd.s32 v18, v24  }
0x1e1: {  	v30 =	vld.idx.msk [tilespmem:v30+s17+$0x0], $0xffff;
	v18 =	vor.u32 v7, v17;
	v17 =	vor.u32 v5, v11;
	v24 =	vand.u32 $0x7F, v62  }
0x1e2: {  	v34 =	vor.u32 v23, v26;
	v61 =	vshll.u32 v11, $0x7;
	v51 =	vmul.f32 $8.000000000e+00, v12;
	[tilespmem:v44+s20+$0x0] =	vst.idx.msk $0xffff, v21;
	v35 =	vld.idx.msk [tilespmem:v49+s19+$0x0], $0xffff  }
0x1e3: {  	v28 =	vmul.f32 $8.000000000e+00, v28;
	v23 =	vor.u32 v24, v19;
	v24 =	vshll.u32 v49, $0x7;
	v44 =	vld.idx.msk [tilespmem:v22+s17+$0x0], $0xffff  }
0x1e4: {  	v12 =	vor.u32 s23, v50;
	v50 =	vor.u32 v3, v20;
	v21 =	vand.u32 $0x7F, v57;
	[tilespmem:v16+s20+$0x0] =	vst.idx.msk $0xffff, v51;
	v45 =	vld.idx.msk [tilespmem:v11+s19+$0x0], $0xffff  }
0x1e5: {  	v57 =	vor.u32 v5, v20;
	v20 =	vor.u32 v7, v20;
	v22 =	vor.u32 v1, v13;
	v27 =	vld.idx.msk [tilespmem:v27+s17+$0x0], $0xffff  }
0x1e6: {  	v19 =	vshll.u32 v12, $0x7;
	v56 =	vor.u32 v21, v63;
	v21 =	vshll.u32 v13, $0x7;
	[tilespmem:v40+s20+$0x0] =	vst.idx.msk $0xffff, v28;
	v55 =	vld.idx.msk [tilespmem:v13+s19+$0x0], $0xffff  }
0x1e7: {  	v16 =	vor.u32 v7, v15;
	v15 =	vor.u32 v5, v49;
	v39 =	vld.idx.msk [tilespmem:v39+s17+$0x0], $0xffff;
	v25 =	vmul.f32 $8.000000000e+00, v30  }
0x1e8: {  	v32 =	vmul.f32 $8.000000000e+00, v44;
	v59 =	vadd.s32 v0, v35;
	v60 =	vadd.s32 v4, v35  }
0x1e9: {  	v63 =	vadd.s32 v2, v35;
	v26 =	vadd.s32 v0, v45;
	v30 =	vadd.s32 v2, v45  }
0x1ea: {  	[tilespmem:v41+s20+$0x0] =	vst.idx.msk $0xffff, v25;
	v52 =	vadd.s32 v4, v45;
	v62 =	vand.u32 $0xFFFFFF80, v59;
	v29 =	vmul.f32 $8.000000000e+00, v27  }
0x1eb: {  	v46 =	vld.idx.msk [tilespmem:v46+s17+$0x0], $0xffff;
	v59 =	vand.u32 $0x7F, v59;
	v44 =	vand.u32 $0xFFFFFF80, v63;
	v51 =	vadd.s32 v0, v55  }
0x1ec: {  	v39 =	vmul.f32 $8.000000000e+00, v39;
	v27 =	vadd.s32 v6, v35;
	v58 =	vadd.s32 v2, v55;
	[tilespmem:v36+s20+$0x0] =	vst.idx.msk $0xffff, v29  }
0x1ed: {  	v29 =	vor.u32 v1, v49;
	v49 =	vadd.s32 v24, v44;
	v44 =	vadd.s32 v6, v45;
	v45 =	vld.idx.msk [tilespmem:v43+s17+$0x0], $0xffff  }
0x1ee: {  	v28 =	vand.u32 $0x7F, v26;
	v26 =	vand.u32 $0xFFFFFF80, v26;
	v41 =	vadd.s32 v4, v55  }
0x1ef: {  	v62 =	vadd.s32 v24, v62;
	v53 =	vand.u32 $0xFFFFFF80, v51;
	v26 =	vadd.s32 v61, v26  }
0x1f0: {  	v51 =	vand.u32 $0x7F, v51;
	v31 =	vand.u32 $0x7F, v58;
	v46 =	vmul.f32 $8.000000000e+00, v46  }
0x1f1: {  	v25 =	vld.idx.msk [tilespmem:v12+s19+$0x0], $0xffff;
	[tilespmem:v47+s20+$0x0] =	vst.idx.msk $0xffff, v32;
	v32 =	vand.u32 $0xFFFFFF80, v41;
	v40 =	vadd.s32 v21, v53;
	v53 =	vand.u32 $0xFFFFFF80, v30  }
0x1f2: {  	v30 =	vand.u32 $0x7F, v30;
	v53 =	vadd.s32 v61, v53;
	[tilespmem:v50+s20+$0x0] =	vst.idx.msk $0xffff, v46;
	v46 =	vmul.f32 $8.000000000e+00, v45  }
0x1f3: {  	[tilespmem:v33+s20+$0x0] =	vst.idx.msk $0xffff, v39;
	v35 =	vor.u32 v28, v26;
	v30 =	vor.u32 v30, v53;
	v53 =	vand.u32 $0xFFFFFF80, v58  }
0x1f4: {  	v47 =	vand.u32 $0x7F, v41;
	v48 =	vld.idx.msk [tilespmem:v48+s17+$0x0], $0xffff;
	v33 =	vadd.s32 v21, v53;
	v53 =	vand.u32 $0x7F, v63;
	[tilespmem:v37+s20+$0x0] =	vst.idx.msk $0xffff, v46  }
0x1f5: {  	v43 =	vor.u32 v31, v33;
	v33 =	vor.u32 v53, v49;
	v53 =	vor.u32 v59, v62;
	v59 =	vld [tilespmem:$0x1FFB0]  }
0x1f6: {  	v39 =	vld.idx.msk [tilespmem:v42+s17+$0x0], $0xffff;
	v26 =	vand.u32 $0xFFFFFF80, v52;
	v28 =	vand.u32 $0x7F, v52;
	v36 =	vadd.s32 v0, v25  }
0x1f7: {  	v26 =	vadd.s32 v61, v26;
	v52 =	vand.u32 $0xFFFFFF80, v36;
	v42 =	vand.u32 $0x7F, v36;
	v63 =	vld.idx.msk [tilespmem:v34+s17+$0x0], $0xffff  }
0x1f8: {  	v36 =	vor.u32 v1, v11;
	v58 =	vadd.s32 v19, v52;
	v52 =	vadd.s32 v2, v25  }
0x1f9: {  	v50 =	vand.u32 $0xFFFFFF80, v52;
	v31 =	vand.u32 $0x7F, v52;
	v52 =	vor.u32 v51, v40  }
0x1fa: {  	v40 =	vadd.s32 v19, v50;
	v51 =	vadd.s32 v21, v32;
	v62 =	vmul.f32 $8.000000000e+00, v48  }
0x1fb: {  	v32 =	vmul.f32 $8.000000000e+00, v39;
	v34 =	vor.u32 v3, v13;
	v50 =	vor.u32 v42, v58  }
0x1fc: {  	v39 =	vadd.s32 v6, v55;
	v58 =	vand.u32 $0xFFFFFF80, v44;
	[tilespmem:v8+s20+$0x0] =	vst.idx.msk $0xffff, v62;
	v62 =	vmul.f32 $8.000000000e+00, v63  }
0x1fd: {  	v42 =	vand.u32 $0x7F, v27;
	v41 =	vadd.s32 v61, v58;
	v48 =	vld.idx.msk [tilespmem:v56+s17+$0x0], $0xffff;
	v63 =	vand.u32 $0xFFFFFF80, v60;
	[tilespmem:v59+s20+$0x0] =	vst.idx.msk $0xffff, v32  }
0x1fe: {  	v44 =	vand.u32 $0x7F, v44;
	v45 =	vand.u32 $0xFFFFFF80, v39;
	v37 =	vadd.s32 v24, v63;
	[tilespmem:v57+s20+$0x0] =	vst.idx.msk $0xffff, v62;
	v49 =	vld.idx.msk [tilespmem:v54+s17+$0x0], $0xffff  }
0x1ff: {  	v32 =	vor.u32 v31, v40;
	v31 =	vand.u32 $0x7F, v60;
	v40 =	vld.idx.msk [tilespmem:v38+s17+$0x0], $0xffff;
	v38 =	vor.u32 v3, v11  }
.LBB2_25:
0x200: {  	s14 =	sadd.s32 $0x4, s14;
	v37 =	vor.u32 v31, v37;
	v27 =	vand.u32 $0xFFFFFF80, v27;
	v54 =	vadd.s32 v4, v25;
	v23 =	vld.idx.msk [tilespmem:v23+s17+$0x0], $0xffff  }
0x201: {  	v31 =	vor.u32 v5, v13;
	s16 =	sand.u32 $0xC, s14;
	p1 =	slt.u32 s14, $0x7C;
	v24 =	vadd.s32 v24, v27;
	v27 =	vand.u32 $0xFFFFFF80, v54  }
0x202: {  	v47 =	vor.u32 v47, v51;
	v48 =	vmul.f32 $8.000000000e+00, v48;
	v46 =	vadd.s32 s16, v0;
	s18 =	sor.u32 $0x1, s16;
	s21 =	sor.u32 $0x2, s16;
	s16 =	sor.u32 $0x3, s16;
	v52 =	vld.idx.msk [tilespmem:v52+s17+$0x0], $0xffff  }
0x203: {  	v49 =	vmul.f32 $8.000000000e+00, v49;
	v51 =	vadd.s32 s18, v0;
	v55 =	vadd.s32 s21, v0;
	v53 =	vld.idx.msk [tilespmem:v53+s17+$0x0], $0xffff  }
0x204: {  	s18 =	sand.u32 $0x70, s14;
	v51 =	vand.u32 $0xF, v51;
	v55 =	vand.u32 $0xF, v55;
	v35 =	vld.idx.msk [tilespmem:v35+s17+$0x0], $0xffff;
	[tilespmem:v18+s20+$0x0] =	vst.idx.msk $0xffff, v48;
	v18 =	vmul.f32 $8.000000000e+00, v40  }
0x205: {  	v27 =	vadd.s32 v19, v27;
	v48 =	vor.u32 s18, v51;
	v51 =	vor.u32 s18, v55;
	[tilespmem:v16+s20+$0x0] =	vst.idx.msk $0xffff, v49  }
0x206: {  	v40 =	vadd.s32 s16, v0;
	v16 =	vand.u32 $0xF, v46;
	[tilespmem:v9+s20+$0x0] =	vst.idx.msk $0xffff, v18;
	v18 =	vmul.f32 $8.000000000e+00, v23;
	v9 =	vmovc v10  }
0x207: {  	v23 =	vor.u32 s18, v16;
	v49 =	vor.u32 v3, v48;
	v16 =	vand.u32 $0xF, v40  }
0x208: {  	v10 =	vor.u32 v7, v48;
	v55 =	vor.u32 s18, v16;
	v16 =	vmul.f32 $8.000000000e+00, v52;
	[tilespmem:v20+s20+$0x0] =	vst.idx.msk $0xffff, v18  }
0x209: {  	v41 =	vor.u32 v44, v41;
	v25 =	vadd.s32 v6, v25;
	v20 =	vmul.f32 $8.000000000e+00, v53;
	v50 =	vld.idx.msk [tilespmem:v50+s17+$0x0], $0xffff  }
0x20a: {  	v40 =	vor.u32 v42, v24;
	v18 =	vand.u32 $0xFFFFFF80, v25;
	v52 =	vld.idx.msk [tilespmem:v48+s19+$0x0], $0xffff;
	[tilespmem:v22+s20+$0x0] =	vst.idx.msk $0xffff, v16;
	v22 =	vmul.f32 $8.000000000e+00, v35  }
0x20b: {  	v21 =	vadd.s32 v21, v45;
	v19 =	vadd.s32 v19, v18;
	v16 =	vor.u32 v7, v11;
	v35 =	vld.idx.msk [tilespmem:v43+s17+$0x0], $0xffff  }
0x20c: {  	v18 =	vor.u32 v7, v13;
	v43 =	vor.u32 v3, v12;
	v42 =	vld.idx.msk [tilespmem:v51+s19+$0x0], $0xffff;
	[tilespmem:v36+s20+$0x0] =	vst.idx.msk $0xffff, v22  }
0x20d: {  	v44 =	vor.u32 v5, v48;
	v24 =	vand.u32 $0x7F, v39;
	v11 =	vmovc v51;
	v36 =	vor.u32 v1, v12;
	v30 =	vld.idx.msk [tilespmem:v30+s17+$0x0], $0xffff  }
0x20e: {  	v45 =	vand.u32 $0x7F, v54;
	v25 =	vand.u32 $0x7F, v25;
	v13 =	vmovc v23;
	v46 =	vor.u32 v5, v11;
	v39 =	vld.idx.msk [tilespmem:v23+s19+$0x0], $0xffff  }
0x20f: {  	v45 =	vor.u32 v45, v27;
	v22 =	vor.u32 v1, v13;
	v23 =	vor.u32 v25, v19  }
0x210: {  	v54 =	vor.u32 v24, v21;
	v51 =	vor.u32 v28, v26;
	v19 =	vshll.u32 v55, $0x7  }
0x211: {  	v24 =	vshll.u32 v48, $0x7;
	v21 =	vshll.u32 v13, $0x7;
	v25 =	vmul.f32 $8.000000000e+00, v35  }
0x212: {  	v56 =	vor.u32 v5, v12;
	v26 =	vmul.f32 $8.000000000e+00, v50;
	[tilespmem:v29+s20+$0x0] =	vst.idx.msk $0xffff, v20;
	v20 =	vor.u32 v7, v12  }
0x213: {  	v28 =	vadd.s32 v0, v42;
	v29 =	vadd.s32 v2, v42;
	[tilespmem:v34+s20+$0x0] =	vst.idx.msk $0xffff, v25;
	v25 =	vmul.f32 $8.000000000e+00, v30  }
0x214: {  	v27 =	vadd.s32 v6, v52;
	v30 =	vadd.s32 v0, v39;
	v34 =	vadd.s32 v4, v42;
	v50 =	vld.idx.msk [tilespmem:v47+s17+$0x0], $0xffff  }
0x215: {  	v53 =	vadd.s32 v0, v52;
	v12 =	vmovc v55;
	v35 =	vand.u32 $0xFFFFFF80, v30;
	v47 =	vadd.s32 v2, v39;
	v33 =	vld.idx.msk [tilespmem:v33+s17+$0x0], $0xffff  }
0x216: {  	v58 =	vand.u32 $0xFFFFFF80, v29;
	v57 =	vadd.s32 v21, v35;
	v35 =	vand.u32 $0x7F, v28;
	[tilespmem:v38+s20+$0x0] =	vst.idx.msk $0xffff, v25  }
0x217: {  	v59 =	vshll.u32 v11, $0x7;
	v28 =	vand.u32 $0xFFFFFF80, v28;
	v38 =	vadd.s32 v4, v52;
	v25 =	vld.idx.msk [tilespmem:v55+s19+$0x0], $0xffff  }
0x218: {  	v29 =	vand.u32 $0x7F, v29;
	v28 =	vadd.s32 v59, v28;
	v55 =	vand.u32 $0xFFFFFF80, v53;
	[tilespmem:v36+s20+$0x0] =	vst.idx.msk $0xffff, v26  }
0x219: {  	v52 =	vadd.s32 v2, v52;
	v53 =	vand.u32 $0x7F, v53;
	v36 =	vadd.s32 v4, v39;
	v32 =	vld.idx.msk [tilespmem:v32+s17+$0x0], $0xffff  }
0x21a: {  	v60 =	vand.u32 $0x7F, v30;
	v55 =	vadd.s32 v24, v55;
	v26 =	vadd.s32 v59, v58  }
0x21b: {  	v35 =	vor.u32 v35, v28;
	v30 =	vor.u32 v29, v26;
	v26 =	vand.u32 $0xFFFFFF80, v34  }
0x21c: {  	v58 =	vand.u32 $0xFFFFFF80, v52;
	v26 =	vadd.s32 v59, v26;
	v33 =	vmul.f32 $8.000000000e+00, v33  }
0x21d: {  	v61 =	vand.u32 $0x7F, v47;
	v28 =	vand.u32 $0x7F, v34;
	v29 =	vor.u32 v1, v48  }
0x21e: {  	v34 =	vadd.s32 v24, v58;
	v58 =	vadd.s32 v6, v42;
	v42 =	vadd.s32 v0, v25  }
0x21f: {  	v48 =	vand.u32 $0xFFFFFF80, v36;
	v62 =	vand.u32 $0xFFFFFF80, v42;
	v32 =	vmul.f32 $8.000000000e+00, v32;
	[tilespmem:v14+s20+$0x0] =	vst.idx.msk $0xffff, v33;
	v63 =	vld.idx.msk [tilespmem:v51+s17+$0x0], $0xffff;
	v14 =	vmovc v49  }
0x220: {  	v42 =	vand.u32 $0x7F, v42;
	v33 =	vand.u32 $0xFFFFFF80, v47;
	v49 =	vadd.s32 v19, v62;
	v37 =	vld.idx.msk [tilespmem:v37+s17+$0x0], $0xffff  }
0x221: {  	v47 =	vand.u32 $0x7F, v36;
	v36 =	vor.u32 v1, v11;
	v51 =	vadd.s32 v2, v25;
	[tilespmem:v43+s20+$0x0] =	vst.idx.msk $0xffff, v32  }
0x222: {  	v62 =	vand.u32 $0xFFFFFF80, v51;
	v32 =	vadd.s32 v21, v33;
	v33 =	vand.u32 $0x7F, v52;
	v8 =	vld.idx.msk [tilespmem:v45+s17+$0x0], $0xffff  }
0x223: {  	v43 =	vor.u32 v61, v32;
	v33 =	vor.u32 v33, v34;
	v32 =	vand.u32 $0x7F, v51  }
0x224: {  	v52 =	vor.u32 v60, v57;
	v57 =	vadd.s32 v19, v62;
	v45 =	vmul.f32 $8.000000000e+00, v50  }
0x225: {  	v53 =	vor.u32 v53, v55;
	v51 =	vadd.s32 v21, v48;
	v55 =	vmul.f32 $8.000000000e+00, v63  }
.Ltmp11:
0x226: {  	v34 =	vor.u32 v3, v13;
	v50 =	vor.u32 v42, v49;
	[tilespmem:v31+s20+$0x0] =	vst.idx.msk $0xffff, v45;
	v31 =	vmul.f32 $8.000000000e+00, v37;
	(pc) =	sbr.rel @p1 .LBB2_25-.Ltmp11, $4  }
0x227: {  	v39 =	vadd.s32 v6, v39;
	v42 =	vand.u32 $0x7F, v27;
	v37 =	vand.u32 $0xFFFFFF80, v58;
	v48 =	vld.idx.msk [tilespmem:v54+s17+$0x0], $0xffff;
	[tilespmem:v17+s20+$0x0] =	vst.idx.msk $0xffff, v55  }
0x228: {  	v32 =	vor.u32 v32, v57;
	v45 =	vand.u32 $0xFFFFFF80, v39;
	v8 =	vmul.f32 $8.000000000e+00, v8;
	[tilespmem:v15+s20+$0x0] =	vst.idx.msk $0xffff, v31;
	v49 =	vld.idx.msk [tilespmem:v41+s17+$0x0], $0xffff  }
0x229: {  	v54 =	vand.u32 $0xFFFFFF80, v38;
	v17 =	vmovc v46;
	v31 =	vand.u32 $0x7F, v38;
	v41 =	vadd.s32 v59, v37;
	v15 =	vmovc v44;
	v40 =	vld.idx.msk [tilespmem:v40+s17+$0x0], $0xffff  }
0x22a: {  	v37 =	vadd.s32 v24, v54;
	v38 =	vor.u32 v3, v11;
	v44 =	vand.u32 $0x7F, v58;
	[tilespmem:v56+s20+$0x0] =	vst.idx.msk $0xffff, v8  }
0x22b: {  	_ =	sdelay $0x3  }
0x22c: {  	v8 =	vld.idx.msk [tilespmem:v52+s17+$0x0], $0xffff  }
0x22d: {  	v35 =	vld.idx.msk [tilespmem:v35+s17+$0x0], $0xffff  }
0x22e: {  	v46 =	vld.idx.msk [tilespmem:v53+s17+$0x0], $0xffff  }
0x22f: {  	v50 =	vld.idx.msk [tilespmem:v50+s17+$0x0], $0xffff;
	_ =	sdelay $0x1  }
0x230: {  	v56 =	vor.u32 v1, v12;
	v8 =	vmul.f32 $8.000000000e+00, v8  }
0x231: {  	v35 =	vmul.f32 $8.000000000e+00, v35  }
0x232: {  	v46 =	vmul.f32 $8.000000000e+00, v46;
	[tilespmem:v22+s20+$0x0] =	vst.idx.msk $0xffff, v8  }
0x233: {  	v57 =	vmul.f32 $8.000000000e+00, v50;
	[tilespmem:v36+s20+$0x0] =	vst.idx.msk $0xffff, v35;
	v8 =	vld.idx.msk [tilespmem:v43+s17+$0x0], $0xffff  }
0x234: {  	[tilespmem:v29+s20+$0x0] =	vst.idx.msk $0xffff, v46;
	v30 =	vld.idx.msk [tilespmem:v30+s17+$0x0], $0xffff  }
0x235: {  	[tilespmem:v56+s20+$0x0] =	vst.idx.msk $0xffff, v57;
	v33 =	vld.idx.msk [tilespmem:v33+s17+$0x0], $0xffff  }
0x236: {  	v58 =	vadd.s32 v4, v25;
	v60 =	vor.u32 v47, v51;
	v31 =	vor.u32 v31, v37;
	v32 =	vld.idx.msk [tilespmem:v32+s17+$0x0], $0xffff  }
0x237: {  	v26 =	vor.u32 v28, v26;
	v61 =	vor.u32 v3, v12;
	v59 =	vand.u32 $0xFFFFFF80, v58  }
0x238: {  	v22 =	vadd.s32 v19, v59;
	v29 =	vand.u32 $0x7F, v58;
	v8 =	vmul.f32 $8.000000000e+00, v8  }
0x239: {  	v22 =	vor.u32 v29, v22;
	v62 =	vmul.f32 $8.000000000e+00, v30  }
0x23a: {  	[tilespmem:v34+s20+$0x0] =	vst.idx.msk $0xffff, v8;
	v8 =	vmul.f32 $8.000000000e+00, v33  }
0x23b: {  	v37 =	vor.u32 v5, v13;
	v36 =	vmul.f32 $8.000000000e+00, v32;
	[tilespmem:v38+s20+$0x0] =	vst.idx.msk $0xffff, v62;
	v63 =	vld.idx.msk [tilespmem:v60+s17+$0x0], $0xffff  }
0x23c: {  	v21 =	vadd.s32 v21, v45;
	v51 =	vor.u32 v44, v41;
	[tilespmem:v14+s20+$0x0] =	vst.idx.msk $0xffff, v8;
	v8 =	vld.idx.msk [tilespmem:v26+s17+$0x0], $0xffff  }
0x23d: {  	v54 =	vor.u32 v5, v12;
	v46 =	vand.u32 $0x7F, v39;
	[tilespmem:v61+s20+$0x0] =	vst.idx.msk $0xffff, v36;
	v47 =	vld.idx.msk [tilespmem:v31+s17+$0x0], $0xffff  }
0x23e: {  	v43 =	vand.u32 $0xFFFFFF80, v27;
	v21 =	vor.u32 v46, v21;
	v38 =	vadd.s32 v6, v25;
	v22 =	vld.idx.msk [tilespmem:v22+s17+$0x0], $0xffff  }
0x23f: {  	v50 =	vand.u32 $0xFFFFFF80, v38;
	v53 =	vand.u32 $0x7F, v38;
	v14 =	vadd.s32 v24, v43  }
0x240: {  	v52 =	vadd.s32 v19, v50;
	v14 =	vor.u32 v42, v14;
	v55 =	vmul.f32 $8.000000000e+00, v63  }
0x241: {  	v19 =	vor.u32 v53, v52;
	v8 =	vmul.f32 $8.000000000e+00, v8  }
0x242: {  	v23 =	vld.idx.msk [tilespmem:v23+s17+$0x0], $0xffff;
	[tilespmem:v37+s20+$0x0] =	vst.idx.msk $0xffff, v55;
	v56 =	vmul.f32 $8.000000000e+00, v47  }
0x243: {  	v21 =	vld.idx.msk [tilespmem:v21+s17+$0x0], $0xffff;
	[tilespmem:v17+s20+$0x0] =	vst.idx.msk $0xffff, v8;
	v8 =	vmul.f32 $8.000000000e+00, v22  }
0x244: {  	v57 =	vmul.f32 $8.000000000e+00, v48;
	[tilespmem:v15+s20+$0x0] =	vst.idx.msk $0xffff, v56;
	v58 =	vld.idx.msk [tilespmem:v51+s17+$0x0], $0xffff  }
0x245: {  	v59 =	vmul.f32 $8.000000000e+00, v49;
	v60 =	vor.u32 v7, v13;
	v14 =	vld.idx.msk [tilespmem:v14+s17+$0x0], $0xffff;
	[tilespmem:v54+s20+$0x0] =	vst.idx.msk $0xffff, v8  }
0x246: {  	v11 =	vor.u32 v7, v11;
	[tilespmem:v18+s20+$0x0] =	vst.idx.msk $0xffff, v57;
	v8 =	vmul.f32 $8.000000000e+00, v40;
	v61 =	vld.idx.msk [tilespmem:v19+s17+$0x0], $0xffff  }
0x247: {  	[tilespmem:v16+s20+$0x0] =	vst.idx.msk $0xffff, v59;
	v62 =	vmul.f32 $8.000000000e+00, v23  }
0x248: {  	[tilespmem:v9+s20+$0x0] =	vst.idx.msk $0xffff, v8;
	v8 =	vor.u32 v7, v12;
	v9 =	vmul.f32 $8.000000000e+00, v21  }
0x249: {  	[tilespmem:v20+s20+$0x0] =	vst.idx.msk $0xffff, v62;
	v63 =	vmul.f32 $8.000000000e+00, v58  }
0x24a: {  	s12 =	sshll.u32 s12, $0x12;
	[tilespmem:v60+s20+$0x0] =	vst.idx.msk $0xffff, v9;
	v9 =	vmul.f32 $8.000000000e+00, v14  }
0x24b: {  	s12 =	sor.u32 s4, s12;
	[tilespmem:v11+s20+$0x0] =	vst.idx.msk $0xffff, v63;
	v11 =	vmul.f32 $8.000000000e+00, v61  }
0x24c: {  	s12 =	sshrl.u32 s12, $0x3;
	[tilespmem:v10+s20+$0x0] =	vst.idx.msk $0xffff, v9  }
.Ltmp12:
0x24d: {  	s12 =	sadd.s32 s1, s12;
	[tilespmem:v8+s20+$0x0] =	vst.idx.msk $0xffff, v11;
	(pc) =	sbr.rel @p0 .LBB2_30-.Ltmp12, $4  }
0x24e: {  	[hbm4b:s12+s8] =	stream.strided.scatter [tilespmem:s20], [sflag:$0x5], $0x2000, s9, s8, $0x38;
	[tilespmem:$0x1A680] =	vst v63  }
0x24f: {  	_ =	swait.ge [sflag:s28], $0x2000  }
0x250: {  	[sflag:s28] =	ssyncset.done $0x0;
	v10 =	vld [tilespmem:$0x1FFD0]  }
0x251: {  	[sflag:s28] =	ssyncadd.s32 $0xFFFFE000  }
0x252: {  	s16 =	sadd.s32 $0x0, s7  }
0x253: {  	s12 =	simm.s32 $0x0;
	s14 =	simm.s32 $0x40;
	v9 =	vld [tilespmem:s16+$0x0]  }
.LBB2_28:
0x254: {  	p0 =	sne.s32 s14, $0x1C0  }
.Ltmp13:
0x255: {  	_ = 	snop;
	(pc) =	sbr.rel @p0 .LBB2_28-.Ltmp13, $4  }
0x256: {  	_ = 	snop  }
0x257: {  	s16 =	sshra.s32 s14, $0x2;
	s14 =	sadd.s32 $0x40, s14  }
0x258: {  	s18 =	sadd.s32 s16, s7;
	v8 =	vshra.s32 v9, $0x1  }
0x259: {  	v9 =	vld [tilespmem:s18+$0x0];
	[tilespmem:s12+$0x1A480] =	vst v8;
	s12 =	smov.u32 s16  }
0x25a: {  	_ =	sdelay $0x3  }
0x25b: {  	v8 =	vshra.s32 v9, $0x1  }
0x25c: {  	s23 =	simm.s32 $0x1A480;
	[tilespmem:s12+$0x1A480] =	vst v8  }
0x25d: {  	[tilespmem:s15], [sflag:$0x2] =	stream.indirect.gather [hbm4b:s5+s11], $0x80, s23, s11, $0xb8;
	[tilespmem:$0x1A680] =	vst v63  }
.LBB2_30:
0x25e: {  	_ =	sdelay $0x3  }
0x25f: {  	_ =	swait.ge [sflag:s29], $0x4000  }
0x260: {  	[sflag:s29] =	ssyncset.done $0x0  }
0x261: {  	s12 =	simm.s32 $0x0;
	[sflag:s29] =	ssyncadd.s32 $0xFFFFC000  }
0x262: {  	s14 =	simm.s32 $0x40;
	v9 =	vld.idx.msk [tilespmem:v10+s12+$0x0 ss:$0x1], $0xffff  }
.LBB2_31:
0x263: {  	_ = 	snop  }
0x264: {  	p0 =	sne.s32 s14, $0x1C0  }
.Ltmp14:
0x265: {  	_ = 	snop;
	(pc) =	sbr.rel @p0 .LBB2_31-.Ltmp14, $4  }
0x266: {  	_ = 	snop  }
0x267: {  	v8 =	vshll.u32 v9, $0x6  }
0x268: {  	s16 =	sshra.s32 s14, $0x2;
	v8 =	vand.u32 $0x40, v8  }
0x269: {  	s14 =	sadd.s32 $0x40, s14;
	v9 =	vld.idx.msk [tilespmem:v10+s16+$0x0 ss:$0x1], $0xffff;
	[tilespmem:s12+$0x1A600] =	vst v8;
	s12 =	smov.u32 s16  }
0x26a: {  	s14 =	simm.s32 $0x0  }
0x26b: {  	s16 =	sand.u32 $0xC, s14  }
0x26c: {  	s18 =	sor.u32 $0x2, s16  }
0x26d: {  	v8 =	vadd.s32 s18, v0  }
0x26e: {  	s14 =	sand.u32 $0x70, s14;
	v10 =	vadd.s32 s16, v0;
	s23 =	sor.u32 $0x1, s16;
	v8 =	vand.u32 $0xF, v8  }
0x26f: {  	v11 =	vadd.s32 s23, v0;
	v14 =	vor.u32 s14, v8;
	v8 =	vand.u32 $0xF, v10  }
0x270: {  	v10 =	vand.u32 $0xF, v11;
	v16 =	vor.u32 s14, v8  }
0x271: {  	v8 =	vshll.u32 v9, $0x6;
	v9 =	vor.u32 s14, v10  }
0x272: {  	v8 =	vand.u32 $0x40, v8  }
0x273: {  	[tilespmem:s12+$0x1A600] =	vst v8  }
0x274: {  	v10 =	vld.idx.msk [tilespmem:v14+s19+$0x0], $0xffff  }
0x275: {  	s16 =	sor.u32 $0x3, s16;
	v31 =	vor.u32 v5, v14;
	v34 =	vshll.u32 v14, $0x7;
	v43 =	vor.u32 v1, v14;
	v11 =	vld.idx.msk [tilespmem:v16+s19+$0x0], $0xffff  }
0x276: {  	v46 =	vor.u32 v3, v14;
	v32 =	vor.u32 v3, v9;
	v8 =	vadd.s32 s16, v0;
	v13 =	vld.idx.msk [tilespmem:v9+s19+$0x0], $0xffff  }
0x277: {  	v15 =	vor.u32 v1, v16;
	v18 =	vshll.u32 v16, $0x7;
	v12 =	vand.u32 $0xF, v8  }
0x278: {  	v39 =	vor.u32 v1, v9;
	v19 =	vor.u32 s14, v12;
	v12 =	vor.u32 v5, v9  }
0x279: {  	v8 =	vor.u32 v7, v9;
	[tilespmem:$0x1FFA0] =	vst v12;
	v17 =	vshll.u32 v19, $0x7;
	v12 =	vshll.u32 v9, $0x7  }
0x27a: {  	v20 =	vadd.s32 v0, v10;
	v21 =	vadd.s32 v2, v10;
	v24 =	vadd.s32 v4, v10  }
0x27b: {  	v10 =	vadd.s32 v6, v10;
	v22 =	vadd.s32 v0, v11;
	v23 =	vadd.s32 v6, v13  }
0x27c: {  	v26 =	vadd.s32 v2, v11;
	v27 =	vadd.s32 v0, v13;
	v28 =	vand.u32 $0x7F, v20  }
0x27d: {  	s12 =	simm.s32 $0x4;
	v29 =	vand.u32 $0xFFFFFF80, v21;
	v33 =	vadd.s32 v4, v13;
	v20 =	vand.u32 $0xFFFFFF80, v20  }
0x27e: {  	s14 =	sand.u32 $0xC, s12;
	v21 =	vand.u32 $0x7F, v21;
	v36 =	vadd.s32 v4, v11;
	v13 =	vadd.s32 v2, v13  }
0x27f: {  	s18 =	sor.u32 $0x1, s14;
	v57 =	vadd.s32 v6, v11;
	v11 =	vand.u32 $0xFFFFFF80, v10;
	v61 =	vand.u32 $0x7F, v10  }
0x280: {  	v10 =	vadd.s32 s18, v0;
	v25 =	vand.u32 $0xFFFFFF80, v22;
	v35 =	vand.u32 $0xFFFFFF80, v27  }
0x281: {  	v20 =	vadd.s32 v34, v20;
	v27 =	vand.u32 $0x7F, v27;
	v22 =	vand.u32 $0x7F, v22  }
0x282: {  	v29 =	vadd.s32 v34, v29;
	v38 =	vand.u32 $0x7F, v26;
	v40 =	vand.u32 $0xFFFFFF80, v36  }
0x283: {  	v26 =	vand.u32 $0xFFFFFF80, v26;
	v42 =	vand.u32 $0x7F, v36;
	v58 =	vand.u32 $0x7F, v23  }
0x284: {  	v59 =	vand.u32 $0xFFFFFF80, v57;
	v60 =	vadd.s32 v34, v11;
	v36 =	vor.u32 v5, v16  }
0x285: {  	v10 =	vand.u32 $0xF, v10;
	v25 =	vadd.s32 v18, v25;
	v35 =	vadd.s32 v12, v35  }
0x286: {  	v37 =	vld.idx.msk [tilespmem:v19+s19+$0x0], $0xffff;
	v20 =	vor.u32 v28, v20;
	v21 =	vor.u32 v21, v29;
	v28 =	vand.u32 $0xFFFFFF80, v24  }
0x287: {  	s23 =	sand.u32 $0x70, s12;
	v29 =	vand.u32 $0xFFFFFF80, v13;
	v24 =	vand.u32 $0x7F, v24;
	v26 =	vadd.s32 v18, v26  }
0x288: {  	v13 =	vand.u32 $0x7F, v13;
	v48 =	vor.u32 s23, v10;
	v53 =	vor.u32 v61, v60  }
0x289: {  	v63 =	vadd.s32 v18, v59;
	v28 =	vadd.s32 v34, v28;
	v9 =	vadd.s32 v12, v29  }
0x28a: {  	v26 =	vor.u32 v38, v26;
	v27 =	vor.u32 v27, v35;
	v35 =	vor.u32 v3, v16  }
0x28b: {  	v29 =	vadd.s32 v0, v37;
	v56 =	vadd.s32 v2, v37;
	v38 =	vor.u32 v13, v9  }
0x28c: {  	v13 =	vor.u32 v22, v25;
	v25 =	vadd.s32 v18, v40;
	v62 =	vadd.s32 v6, v37  }
0x28d: {  	v40 =	vor.u32 v1, v19;
	v41 =	vand.u32 $0xFFFFFF80, v29;
	v29 =	vand.u32 $0x7F, v29  }
0x28e: {  	v44 =	vand.u32 $0xFFFFFF80, v56;
	v9 =	vand.u32 $0x7F, v56;
	v42 =	vor.u32 v42, v25  }
0x28f: {  	v56 =	vor.u32 v5, v19;
	v41 =	vadd.s32 v17, v41;
	v22 =	vadd.s32 v17, v44  }
0x290: {  	v29 =	vor.u32 v29, v41;
	v45 =	vor.u32 v9, v22;
	v9 =	vand.u32 $0xFFFFFF80, v33  }
0x291: {  	v22 =	vand.u32 $0x7F, v33;
	v41 =	vor.u32 v24, v28;
	v9 =	vadd.s32 v12, v9  }
0x292: {  	s21 =	sor.u32 $0x2, s14;
	v20 =	vld.idx.msk [tilespmem:v20+s22+$0x0], $0xffff;
	v47 =	vor.u32 v22, v9;
	v9 =	vand.u32 $0xFFFFFF80, v23;
	v22 =	vadd.s32 v4, v37  }
0x293: {  	v11 =	vld.idx.msk [tilespmem:v13+s22+$0x0], $0xffff;
	v13 =	vadd.s32 s21, v0;
	v23 =	vadd.s32 v12, v9;
	v9 =	vand.u32 $0xFFFFFF80, v22  }
0x294: {  	v27 =	vld.idx.msk [tilespmem:v27+s22+$0x0], $0xffff;
	v12 =	vadd.s32 s14, v0;
	v13 =	vand.u32 $0xF, v13;
	v22 =	vand.u32 $0x7F, v22  }
0x295: {  	v34 =	vld.idx.msk [tilespmem:v48+s19+$0x0], $0xffff;
	s14 =	sor.u32 $0x3, s14;
	v10 =	vor.u32 s23, v13;
	v25 =	vadd.s32 v17, v9;
	v9 =	vand.u32 $0xF, v12  }
0x296: {  	v49 =	vadd.s32 s14, v0;
	v13 =	vor.u32 v3, v48;
	v37 =	vor.u32 v58, v23  }
0x297: {  	v23 =	vand.u32 $0xFFFFFF80, v62;
	v12 =	vor.u32 s23, v9;
	v20 =	vmul.f32 $8.000000000e+00, v20  }
0x298: {  	v49 =	vand.u32 $0xF, v49;
	v9 =	vor.u32 v7, v48;
	v29 =	vld.idx.msk [tilespmem:v29+s22+$0x0], $0xffff;
	v18 =	vadd.s32 v17, v23  }
0x299: {  	v17 =	vor.u32 v7, v16;
	v16 =	vor.u32 v5, v10;
	v27 =	vmul.f32 $8.000000000e+00, v27;
	[tilespmem:v43+s24+$0x0] =	vst.idx.msk $0xffff, v20  }
0x29a: {  	v23 =	vand.u32 $0x7F, v62;
	v33 =	vor.u32 v22, v25;
	v58 =	vadd.s32 v0, v34;
	v43 =	vld.idx.msk [tilespmem:v21+s22+$0x0], $0xffff  }
0x29b: {  	v59 =	vadd.s32 v4, v34;
	v60 =	vshll.u32 v10, $0x7;
	v50 =	vmul.f32 $8.000000000e+00, v11;
	[tilespmem:v39+s24+$0x0] =	vst.idx.msk $0xffff, v27;
	v44 =	vld.idx.msk [tilespmem:v10+s19+$0x0], $0xffff  }
0x29c: {  	v62 =	vadd.s32 v2, v34;
	v22 =	vor.u32 v23, v18;
	v23 =	vshll.u32 v48, $0x7;
	v38 =	vld.idx.msk [tilespmem:v38+s22+$0x0], $0xffff  }
0x29d: {  	v61 =	vand.u32 $0xFFFFFF80, v58;
	v58 =	vand.u32 $0x7F, v58;
	v11 =	vor.u32 s23, v49;
	[tilespmem:v15+s24+$0x0] =	vst.idx.msk $0xffff, v50;
	v54 =	vld.idx.msk [tilespmem:v12+s19+$0x0], $0xffff  }
0x29e: {  	v49 =	vor.u32 v3, v19;
	v20 =	vand.u32 $0x7F, v57;
	v19 =	vor.u32 v7, v19;
	v26 =	vld.idx.msk [tilespmem:v26+s22+$0x0], $0xffff  }
0x29f: {  	v61 =	vadd.s32 v23, v61;
	v55 =	vor.u32 v20, v63;
	v20 =	vshll.u32 v12, $0x7  }
0x2a0: {  	v15 =	vor.u32 v7, v14;
	v14 =	vor.u32 v5, v48;
	v24 =	vmul.f32 $8.000000000e+00, v29  }
0x2a1: {  	v30 =	vmul.f32 $8.000000000e+00, v43;
	v25 =	vadd.s32 v0, v44;
	v29 =	vadd.s32 v2, v44  }
0x2a2: {  	[tilespmem:v40+s24+$0x0] =	vst.idx.msk $0xffff, v24;
	v51 =	vadd.s32 v4, v44;
	v38 =	vmul.f32 $8.000000000e+00, v38;
	v50 =	vadd.s32 v0, v54  }
0x2a3: {  	v28 =	vmul.f32 $8.000000000e+00, v26;
	v26 =	vadd.s32 v6, v34;
	v57 =	vadd.s32 v2, v54;
	[tilespmem:v46+s24+$0x0] =	vst.idx.msk $0xffff, v30  }
0x2a4: {  	v45 =	vld.idx.msk [tilespmem:v45+s22+$0x0], $0xffff;
	v27 =	vand.u32 $0x7F, v25;
	v25 =	vand.u32 $0xFFFFFF80, v25;
	v40 =	vadd.s32 v4, v54;
	[tilespmem:v32+s24+$0x0] =	vst.idx.msk $0xffff, v38  }
0x2a5: {  	v43 =	vand.u32 $0xFFFFFF80, v62;
	v52 =	vand.u32 $0xFFFFFF80, v50;
	v25 =	vadd.s32 v60, v25;
	v38 =	vld.idx.msk [tilespmem:v41+s22+$0x0], $0xffff;
	[tilespmem:v35+s24+$0x0] =	vst.idx.msk $0xffff, v28  }
0x2a6: {  	v28 =	vor.u32 v1, v48;
	v48 =	vadd.s32 v23, v43;
	v43 =	vadd.s32 v6, v44;
	v44 =	vld.idx.msk [tilespmem:v42+s22+$0x0], $0xffff  }
0x2a7: {  	v50 =	vand.u32 $0x7F, v50;
	v30 =	vand.u32 $0xFFFFFF80, v40;
	v34 =	vor.u32 v27, v25  }
0x2a8: {  	v24 =	vld.idx.msk [tilespmem:v11+s19+$0x0], $0xffff;
	v25 =	vand.u32 $0xFFFFFF80, v51;
	v27 =	vand.u32 $0x7F, v51;
	v51 =	vand.u32 $0xFFFFFF80, v57  }
0x2a9: {  	v39 =	vadd.s32 v20, v52;
	v45 =	vmul.f32 $8.000000000e+00, v45;
	v32 =	vadd.s32 v20, v51  }
0x2aa: {  	v51 =	vor.u32 v50, v39;
	v50 =	vadd.s32 v20, v30;
	v30 =	vmul.f32 $8.000000000e+00, v38  }
0x2ab: {  	v21 =	vor.u32 v1, v12;
	v18 =	vshll.u32 v11, $0x7;
	[tilespmem:v49+s24+$0x0] =	vst.idx.msk $0xffff, v45;
	v44 =	vmul.f32 $8.000000000e+00, v44  }
0x2ac: {  	v63 =	vand.u32 $0x7F, v57;
	v46 =	vand.u32 $0x7F, v40;
	v52 =	vand.u32 $0xFFFFFF80, v29;
	[tilespmem:v31+s24+$0x0] =	vst.idx.msk $0xffff, v30  }
0x2ad: {  	v29 =	vand.u32 $0x7F, v29;
	v35 =	vadd.s32 v0, v24;
	v40 =	vadd.s32 v2, v24;
	[tilespmem:v36+s24+$0x0] =	vst.idx.msk $0xffff, v44  }
0x2ae: {  	v52 =	vadd.s32 v60, v52;
	v25 =	vadd.s32 v60, v25;
	v41 =	vand.u32 $0x7F, v35;
	v30 =	vld [tilespmem:$0x1FFA0]  }
0x2af: {  	v47 =	vld.idx.msk [tilespmem:v47+s22+$0x0], $0xffff;
	v29 =	vor.u32 v29, v52;
	v52 =	vand.u32 $0xFFFFFF80, v35;
	v35 =	vor.u32 v1, v10  }
0x2b0: {  	v42 =	vor.u32 v63, v32;
	v57 =	vadd.s32 v18, v52;
	v52 =	vand.u32 $0x7F, v62;
	v62 =	vld.idx.msk [tilespmem:v33+s22+$0x0], $0xffff  }
0x2b1: {  	v49 =	vand.u32 $0xFFFFFF80, v40;
	v40 =	vand.u32 $0x7F, v40;
	v32 =	vor.u32 v52, v48  }
0x2b2: {  	v63 =	vadd.s32 v18, v49;
	v52 =	vor.u32 v58, v61;
	v33 =	vor.u32 v3, v12  }
0x2b3: {  	v49 =	vor.u32 v41, v57;
	v38 =	vadd.s32 v6, v54;
	v41 =	vand.u32 $0x7F, v26  }
0x2b4: {  	v61 =	vand.u32 $0xFFFFFF80, v43;
	v43 =	vand.u32 $0x7F, v43;
	v58 =	vmul.f32 $8.000000000e+00, v47  }
0x2b5: {  	v31 =	vor.u32 v40, v63;
	v63 =	vand.u32 $0xFFFFFF80, v59;
	v47 =	vld.idx.msk [tilespmem:v55+s22+$0x0], $0xffff;
	v62 =	vmul.f32 $8.000000000e+00, v62  }
0x2b6: {  	v40 =	vadd.s32 v60, v61;
	v48 =	vld.idx.msk [tilespmem:v53+s22+$0x0], $0xffff;
	v36 =	vadd.s32 v23, v63;
	[tilespmem:v30+s24+$0x0] =	vst.idx.msk $0xffff, v58  }
0x2b7: {  	v44 =	vand.u32 $0xFFFFFF80, v38;
	[tilespmem:v56+s24+$0x0] =	vst.idx.msk $0xffff, v62;
	v30 =	vand.u32 $0x7F, v59;
	v39 =	vld.idx.msk [tilespmem:v37+s22+$0x0], $0xffff;
	v37 =	vor.u32 v3, v10  }
.LBB2_33:
0x2b8: {  	s12 =	sadd.s32 $0x4, s12;
	v36 =	vor.u32 v30, v36;
	v26 =	vand.u32 $0xFFFFFF80, v26;
	v53 =	vadd.s32 v4, v24;
	v22 =	vld.idx.msk [tilespmem:v22+s22+$0x0], $0xffff  }
0x2b9: {  	v30 =	vor.u32 v5, v12;
	s14 =	sand.u32 $0xC, s12;
	p0 =	slt.u32 s12, $0x7C;
	v23 =	vadd.s32 v23, v26;
	v26 =	vand.u32 $0xFFFFFF80, v53  }
0x2ba: {  	v46 =	vor.u32 v46, v50;
	v47 =	vmul.f32 $8.000000000e+00, v47;
	v45 =	vadd.s32 s14, v0;
	s16 =	sor.u32 $0x1, s14;
	s18 =	sor.u32 $0x2, s14;
	s14 =	sor.u32 $0x3, s14;
	v51 =	vld.idx.msk [tilespmem:v51+s22+$0x0], $0xffff  }
0x2bb: {  	v48 =	vmul.f32 $8.000000000e+00, v48;
	v50 =	vadd.s32 s16, v0;
	v54 =	vadd.s32 s18, v0;
	v52 =	vld.idx.msk [tilespmem:v52+s22+$0x0], $0xffff  }
0x2bc: {  	s16 =	sand.u32 $0x70, s12;
	v50 =	vand.u32 $0xF, v50;
	v54 =	vand.u32 $0xF, v54;
	v34 =	vld.idx.msk [tilespmem:v34+s22+$0x0], $0xffff;
	[tilespmem:v17+s24+$0x0] =	vst.idx.msk $0xffff, v47;
	v17 =	vmul.f32 $8.000000000e+00, v39  }
0x2bd: {  	v26 =	vadd.s32 v18, v26;
	v47 =	vor.u32 s16, v50;
	v50 =	vor.u32 s16, v54;
	[tilespmem:v15+s24+$0x0] =	vst.idx.msk $0xffff, v48  }
0x2be: {  	v39 =	vadd.s32 s14, v0;
	v15 =	vand.u32 $0xF, v45;
	[tilespmem:v8+s24+$0x0] =	vst.idx.msk $0xffff, v17;
	v17 =	vmul.f32 $8.000000000e+00, v22;
	v8 =	vmovc v9  }
0x2bf: {  	v22 =	vor.u32 s16, v15;
	v48 =	vor.u32 v3, v47;
	v15 =	vand.u32 $0xF, v39  }
0x2c0: {  	v9 =	vor.u32 v7, v47;
	v54 =	vor.u32 s16, v15;
	v15 =	vmul.f32 $8.000000000e+00, v51;
	[tilespmem:v19+s24+$0x0] =	vst.idx.msk $0xffff, v17  }
0x2c1: {  	v40 =	vor.u32 v43, v40;
	v24 =	vadd.s32 v6, v24;
	v19 =	vmul.f32 $8.000000000e+00, v52;
	v49 =	vld.idx.msk [tilespmem:v49+s22+$0x0], $0xffff  }
0x2c2: {  	v39 =	vor.u32 v41, v23;
	v17 =	vand.u32 $0xFFFFFF80, v24;
	v51 =	vld.idx.msk [tilespmem:v47+s19+$0x0], $0xffff;
	[tilespmem:v21+s24+$0x0] =	vst.idx.msk $0xffff, v15;
	v21 =	vmul.f32 $8.000000000e+00, v34  }
0x2c3: {  	v20 =	vadd.s32 v20, v44;
	v18 =	vadd.s32 v18, v17;
	v15 =	vor.u32 v7, v10;
	v34 =	vld.idx.msk [tilespmem:v42+s22+$0x0], $0xffff  }
0x2c4: {  	v17 =	vor.u32 v7, v12;
	v42 =	vor.u32 v3, v11;
	v41 =	vld.idx.msk [tilespmem:v50+s19+$0x0], $0xffff;
	[tilespmem:v35+s24+$0x0] =	vst.idx.msk $0xffff, v21  }
0x2c5: {  	v43 =	vor.u32 v5, v47;
	v23 =	vand.u32 $0x7F, v38;
	v10 =	vmovc v50;
	v35 =	vor.u32 v1, v11;
	v29 =	vld.idx.msk [tilespmem:v29+s22+$0x0], $0xffff  }
0x2c6: {  	v44 =	vand.u32 $0x7F, v53;
	v24 =	vand.u32 $0x7F, v24;
	v12 =	vmovc v22;
	v45 =	vor.u32 v5, v10;
	v38 =	vld.idx.msk [tilespmem:v22+s19+$0x0], $0xffff  }
0x2c7: {  	v44 =	vor.u32 v44, v26;
	v21 =	vor.u32 v1, v12;
	v22 =	vor.u32 v24, v18  }
0x2c8: {  	v53 =	vor.u32 v23, v20;
	v50 =	vor.u32 v27, v25;
	v18 =	vshll.u32 v54, $0x7  }
0x2c9: {  	v23 =	vshll.u32 v47, $0x7;
	v20 =	vshll.u32 v12, $0x7;
	v24 =	vmul.f32 $8.000000000e+00, v34  }
0x2ca: {  	v55 =	vor.u32 v5, v11;
	v25 =	vmul.f32 $8.000000000e+00, v49;
	[tilespmem:v28+s24+$0x0] =	vst.idx.msk $0xffff, v19;
	v19 =	vor.u32 v7, v11  }
0x2cb: {  	v27 =	vadd.s32 v0, v41;
	v28 =	vadd.s32 v2, v41;
	[tilespmem:v33+s24+$0x0] =	vst.idx.msk $0xffff, v24;
	v24 =	vmul.f32 $8.000000000e+00, v29  }
0x2cc: {  	v26 =	vadd.s32 v6, v51;
	v29 =	vadd.s32 v0, v38;
	v33 =	vadd.s32 v4, v41;
	v49 =	vld.idx.msk [tilespmem:v46+s22+$0x0], $0xffff  }
0x2cd: {  	v52 =	vadd.s32 v0, v51;
	v11 =	vmovc v54;
	v34 =	vand.u32 $0xFFFFFF80, v29;
	v46 =	vadd.s32 v2, v38;
	v32 =	vld.idx.msk [tilespmem:v32+s22+$0x0], $0xffff  }
0x2ce: {  	v57 =	vand.u32 $0xFFFFFF80, v28;
	v56 =	vadd.s32 v20, v34;
	v34 =	vand.u32 $0x7F, v27;
	[tilespmem:v37+s24+$0x0] =	vst.idx.msk $0xffff, v24  }
0x2cf: {  	v58 =	vshll.u32 v10, $0x7;
	v27 =	vand.u32 $0xFFFFFF80, v27;
	v37 =	vadd.s32 v4, v51;
	v24 =	vld.idx.msk [tilespmem:v54+s19+$0x0], $0xffff  }
0x2d0: {  	v28 =	vand.u32 $0x7F, v28;
	v27 =	vadd.s32 v58, v27;
	v54 =	vand.u32 $0xFFFFFF80, v52;
	[tilespmem:v35+s24+$0x0] =	vst.idx.msk $0xffff, v25  }
0x2d1: {  	v51 =	vadd.s32 v2, v51;
	v52 =	vand.u32 $0x7F, v52;
	v35 =	vadd.s32 v4, v38;
	v31 =	vld.idx.msk [tilespmem:v31+s22+$0x0], $0xffff  }
0x2d2: {  	v59 =	vand.u32 $0x7F, v29;
	v54 =	vadd.s32 v23, v54;
	v25 =	vadd.s32 v58, v57  }
0x2d3: {  	v34 =	vor.u32 v34, v27;
	v29 =	vor.u32 v28, v25;
	v25 =	vand.u32 $0xFFFFFF80, v33  }
0x2d4: {  	v57 =	vand.u32 $0xFFFFFF80, v51;
	v25 =	vadd.s32 v58, v25;
	v32 =	vmul.f32 $8.000000000e+00, v32  }
0x2d5: {  	v60 =	vand.u32 $0x7F, v46;
	v27 =	vand.u32 $0x7F, v33;
	v28 =	vor.u32 v1, v47  }
0x2d6: {  	v33 =	vadd.s32 v23, v57;
	v57 =	vadd.s32 v6, v41;
	v41 =	vadd.s32 v0, v24  }
0x2d7: {  	v47 =	vand.u32 $0xFFFFFF80, v35;
	v61 =	vand.u32 $0xFFFFFF80, v41;
	v31 =	vmul.f32 $8.000000000e+00, v31;
	[tilespmem:v13+s24+$0x0] =	vst.idx.msk $0xffff, v32;
	v62 =	vld.idx.msk [tilespmem:v50+s22+$0x0], $0xffff;
	v13 =	vmovc v48  }
0x2d8: {  	v41 =	vand.u32 $0x7F, v41;
	v32 =	vand.u32 $0xFFFFFF80, v46;
	v48 =	vadd.s32 v18, v61;
	v36 =	vld.idx.msk [tilespmem:v36+s22+$0x0], $0xffff  }
0x2d9: {  	v46 =	vand.u32 $0x7F, v35;
	v35 =	vor.u32 v1, v10;
	v50 =	vadd.s32 v2, v24;
	[tilespmem:v42+s24+$0x0] =	vst.idx.msk $0xffff, v31  }
0x2da: {  	v61 =	vand.u32 $0xFFFFFF80, v50;
	v31 =	vadd.s32 v20, v32;
	v32 =	vand.u32 $0x7F, v51;
	v63 =	vld.idx.msk [tilespmem:v44+s22+$0x0], $0xffff  }
0x2db: {  	v42 =	vor.u32 v60, v31;
	v32 =	vor.u32 v32, v33;
	v31 =	vand.u32 $0x7F, v50  }
0x2dc: {  	v51 =	vor.u32 v59, v56;
	v56 =	vadd.s32 v18, v61;
	v44 =	vmul.f32 $8.000000000e+00, v49  }
0x2dd: {  	v52 =	vor.u32 v52, v54;
	v50 =	vadd.s32 v20, v47;
	v54 =	vmul.f32 $8.000000000e+00, v62  }
.Ltmp15:
0x2de: {  	v33 =	vor.u32 v3, v12;
	v49 =	vor.u32 v41, v48;
	[tilespmem:v30+s24+$0x0] =	vst.idx.msk $0xffff, v44;
	v30 =	vmul.f32 $8.000000000e+00, v36;
	(pc) =	sbr.rel @p0 .LBB2_33-.Ltmp15, $4  }
0x2df: {  	v38 =	vadd.s32 v6, v38;
	v41 =	vand.u32 $0x7F, v26;
	v36 =	vand.u32 $0xFFFFFF80, v57;
	v47 =	vld.idx.msk [tilespmem:v53+s22+$0x0], $0xffff;
	[tilespmem:v16+s24+$0x0] =	vst.idx.msk $0xffff, v54  }
0x2e0: {  	v31 =	vor.u32 v31, v56;
	v44 =	vand.u32 $0xFFFFFF80, v38;
	v53 =	vmul.f32 $8.000000000e+00, v63;
	[tilespmem:v14+s24+$0x0] =	vst.idx.msk $0xffff, v30;
	v48 =	vld.idx.msk [tilespmem:v40+s22+$0x0], $0xffff  }
0x2e1: {  	v54 =	vand.u32 $0xFFFFFF80, v37;
	v16 =	vmovc v45;
	v30 =	vand.u32 $0x7F, v37;
	v40 =	vadd.s32 v58, v36;
	v14 =	vmovc v43;
	v39 =	vld.idx.msk [tilespmem:v39+s22+$0x0], $0xffff  }
0x2e2: {  	v36 =	vadd.s32 v23, v54;
	v37 =	vor.u32 v3, v10;
	v43 =	vand.u32 $0x7F, v57;
	[tilespmem:v55+s24+$0x0] =	vst.idx.msk $0xffff, v53  }
0x2e3: {  	_ =	sdelay $0x3  }
0x2e4: {  	v45 =	vld.idx.msk [tilespmem:v51+s22+$0x0], $0xffff  }
0x2e5: {  	v34 =	vld.idx.msk [tilespmem:v34+s22+$0x0], $0xffff  }
0x2e6: {  	v62 =	vld.idx.msk [tilespmem:v52+s22+$0x0], $0xffff  }
0x2e7: {  	v49 =	vld.idx.msk [tilespmem:v49+s22+$0x0], $0xffff;
	_ =	sdelay $0x1  }
0x2e8: {  	v63 =	vor.u32 v1, v11;
	v45 =	vmul.f32 $8.000000000e+00, v45  }
0x2e9: {  	v34 =	vmul.f32 $8.000000000e+00, v34  }
0x2ea: {  	v51 =	vmul.f32 $8.000000000e+00, v62;
	[tilespmem:v21+s24+$0x0] =	vst.idx.msk $0xffff, v45  }
0x2eb: {  	v55 =	vmul.f32 $8.000000000e+00, v49;
	[tilespmem:v35+s24+$0x0] =	vst.idx.msk $0xffff, v34;
	v21 =	vld.idx.msk [tilespmem:v42+s22+$0x0], $0xffff  }
0x2ec: {  	[tilespmem:v28+s24+$0x0] =	vst.idx.msk $0xffff, v51;
	v29 =	vld.idx.msk [tilespmem:v29+s22+$0x0], $0xffff  }
0x2ed: {  	[tilespmem:v63+s24+$0x0] =	vst.idx.msk $0xffff, v55;
	v32 =	vld.idx.msk [tilespmem:v32+s22+$0x0], $0xffff  }
0x2ee: {  	v56 =	vadd.s32 v4, v24;
	v58 =	vor.u32 v46, v50;
	v30 =	vor.u32 v30, v36;
	v31 =	vld.idx.msk [tilespmem:v31+s22+$0x0], $0xffff  }
0x2ef: {  	v25 =	vor.u32 v27, v25;
	v59 =	vor.u32 v3, v11;
	v57 =	vand.u32 $0xFFFFFF80, v56  }
0x2f0: {  	v34 =	vadd.s32 v18, v57;
	v28 =	vand.u32 $0x7F, v56;
	v21 =	vmul.f32 $8.000000000e+00, v21  }
0x2f1: {  	v28 =	vor.u32 v28, v34;
	v29 =	vmul.f32 $8.000000000e+00, v29  }
0x2f2: {  	v60 =	vmul.f32 $8.000000000e+00, v32;
	[tilespmem:v33+s24+$0x0] =	vst.idx.msk $0xffff, v21  }
0x2f3: {  	v62 =	vmul.f32 $8.000000000e+00, v31;
	[tilespmem:v37+s24+$0x0] =	vst.idx.msk $0xffff, v29;
	v61 =	vld.idx.msk [tilespmem:v58+s22+$0x0], $0xffff  }
0x2f4: {  	v20 =	vadd.s32 v20, v44;
	v44 =	vor.u32 v43, v40;
	[tilespmem:v13+s24+$0x0] =	vst.idx.msk $0xffff, v60;
	v34 =	vld.idx.msk [tilespmem:v25+s22+$0x0], $0xffff  }
0x2f5: {  	v36 =	vand.u32 $0x7F, v38;
	v63 =	vor.u32 v5, v12;
	v35 =	vand.u32 $0xFFFFFF80, v26;
	[tilespmem:v59+s24+$0x0] =	vst.idx.msk $0xffff, v62;
	v37 =	vld.idx.msk [tilespmem:v30+s22+$0x0], $0xffff  }
0x2f6: {  	v20 =	vor.u32 v36, v20;
	v33 =	vadd.s32 v6, v24;
	v21 =	vadd.s32 v23, v35;
	v42 =	vld.idx.msk [tilespmem:v28+s22+$0x0], $0xffff  }
0x2f7: {  	v49 =	vor.u32 v5, v11;
	v38 =	vand.u32 $0xFFFFFF80, v33;
	v21 =	vor.u32 v41, v21  }
0x2f8: {  	v46 =	vand.u32 $0x7F, v33;
	v45 =	vadd.s32 v18, v38;
	v50 =	vmul.f32 $8.000000000e+00, v61  }
0x2f9: {  	v18 =	vor.u32 v46, v45;
	v13 =	vmul.f32 $8.000000000e+00, v34  }
0x2fa: {  	v22 =	vld.idx.msk [tilespmem:v22+s22+$0x0], $0xffff;
	v51 =	vmul.f32 $8.000000000e+00, v37;
	[tilespmem:v63+s24+$0x0] =	vst.idx.msk $0xffff, v50  }
0x2fb: {  	v52 =	vmul.f32 $8.000000000e+00, v42;
	[tilespmem:v16+s24+$0x0] =	vst.idx.msk $0xffff, v13;
	v20 =	vld.idx.msk [tilespmem:v20+s22+$0x0], $0xffff  }
0x2fc: {  	v53 =	vmul.f32 $8.000000000e+00, v47;
	[tilespmem:v14+s24+$0x0] =	vst.idx.msk $0xffff, v51;
	v54 =	vld.idx.msk [tilespmem:v44+s22+$0x0], $0xffff  }
0x2fd: {  	v55 =	vmul.f32 $8.000000000e+00, v48;
	v56 =	vor.u32 v7, v12;
	[tilespmem:v49+s24+$0x0] =	vst.idx.msk $0xffff, v52;
	v21 =	vld.idx.msk [tilespmem:v21+s22+$0x0], $0xffff  }
0x2fe: {  	v10 =	vor.u32 v7, v10;
	[tilespmem:v17+s24+$0x0] =	vst.idx.msk $0xffff, v53;
	v57 =	vmul.f32 $8.000000000e+00, v39;
	v58 =	vld.idx.msk [tilespmem:v18+s22+$0x0], $0xffff  }
0x2ff: {  	[tilespmem:v15+s24+$0x0] =	vst.idx.msk $0xffff, v55;
	v59 =	vmul.f32 $8.000000000e+00, v22  }
0x300: {  	s10 =	sadd.s32 $0x1, s10;
	[tilespmem:v8+s24+$0x0] =	vst.idx.msk $0xffff, v57;
	v8 =	vor.u32 v7, v11;
	v60 =	vmul.f32 $8.000000000e+00, v20  }
0x301: {  	p0 =	sne.s32 s10, $0x32;
	[tilespmem:v19+s24+$0x0] =	vst.idx.msk $0xffff, v59;
	v61 =	vmul.f32 $8.000000000e+00, v54  }
.Ltmp16:
0x302: {  	s12 =	sshll.u32 s30, $0x12;
	v62 =	vmul.f32 $8.000000000e+00, v21;
	[tilespmem:v56+s24+$0x0] =	vst.idx.msk $0xffff, v60;
	(pc) =	sbr.rel @p0 .LBB2_6-.Ltmp16, $4  }
0x303: {  	s2 =	sadd.s32 $0x200, s2;
	s0 =	sadd.s32 $0x200, s0;
	s12 =	sor.u32 s4, s12;
	v63 =	vmul.f32 $8.000000000e+00, v58;
	[tilespmem:v10+s24+$0x0] =	vst.idx.msk $0xffff, v61  }
0x304: {  	s3 =	sadd.s32 $0x200, s3;
	s31 =	sadd.s32 $0x200, s31;
	s12 =	sshrl.u32 s12, $0x3;
	[tilespmem:v9+s24+$0x0] =	vst.idx.msk $0xffff, v62  }
0x305: {  	s6 =	sadd.s32 $0x200, s6;
	s7 =	sadd.s32 $0x200, s7;
	s12 =	sadd.s32 s1, s12;
	[tilespmem:v8+s24+$0x0] =	vst.idx.msk $0xffff, v63  }
0x306: {  	[hbm4b:s12+s8] =	stream.strided.scatter [tilespmem:s24], [sflag:$0x6], $0x2000, s9, s8, $0x38;
	[tilespmem:$0x1A680] =	vst v63  }
0x307: {  	_ =	swait.ge [sflag:s25], $0x2000  }
0x308: {  	[sflag:s25] =	ssyncset.done $0x0  }
0x309: {  	[sflag:s25] =	ssyncadd.s32 $0xFFFFE000  }
0x30a: {  	_ =	swait.ge [sflag:s28], $0x2000  }
0x30b: {  	s2 =	rddreg [dreg:$0x6]  }
0x30c: {  	s0 =	rddreg [dreg:$0x5];
	s2 =	sadd.s32 $0x1, s2  }
0x30d: {  	p0 =	sne.s32 s2, s0  }
.Ltmp17:
0x30e: {  	_ = 	snop;
	(pc) =	sbr.rel @p0 .LBB2_1-.Ltmp17, $3  }
0x30f: {  	_ =	sdelay $0x1  }
0x310: {  	[sflag:s28] =	ssyncset.done $0x0  }
0x311: {  	[sflag:s28] =	ssyncadd.s32 $0xFFFFE000  }
0x312: {  	_ =	sfence.sel $0x180000  }
0x313: {  	[bflag:$0x0] =	sbarrier.arrive $0xFFFF  }
0x314: {  	_ =	strace $0x9000004A  }
0x315: {  	s0 =	stileid.u32;
	[bflag:$0x2] =	sbarrier.arrive $0xFFFF  }
0x316: {  	p0 =	sne.s32 s0, $0x0;
	s0 =	rddreg [dreg:$0x3]  }
0x317: {  	s0 =	sadd.s32 @!p0 $0x100000, s0  }
0x318: {  	[sflag:s0] =	ssyncadd.tile.s32 @!p0 $0x1;
	_ =	shalt  }
.Lfunc_end2:
_tile_overlayer_lowered:
.L_overlay_start_2:
0x319: {  	(tag) =	ssettag $0x2  }
0x31a: {  	s0 =	rddreg [dreg:$0x0];
	s2 =	stileid.u32  }
0x31b: {  	s1 =	rddreg [dreg:$0x1];
	p0 =	sne.s32 s2, $0x0  }
0x31c: {  	s3 =	rddreg [dreg:$0x2];
	[bflag:$0x3] =	sbarrier.arrive $0xFFFF;
	s2 =	simm.s32 @!p0 $0x1C07  }
0x31d: {  	[timem:s3], [sflag:s2] =	dma.local @!p0 [hbm:s0], s1  }
0x31e: {  	s0 =	simm.s32 @!p0 $0x7  }
0x31f: {  	_ =	swait.ge @!p0 [sflag:s0], s1  }
0x320: {  	s1 =	ssub.s32 @!p0 $0x0, s1;
	[sflag:s0] =	ssyncset.done @!p0 $0x0  }
0x321: {  	[sflag:s0] =	ssyncadd.s32 @!p0 s1  }
0x322: {  	[bflag:$0x3] =	sbarrier.arrive $0xFFFF  }
0x323: {  	_ =	shalt  }

</sc_bundles>
